<compile_context>
chip_gen: v7x
topology: tpu7x:2x2x1
jax: 0.10.2.dev20260603
libtpu: 0.0.44.dev20260713+nightly
codegen_flags: <defaults>
</compile_context>

<pallas_src>
import functools

import jax
import jax.numpy as jnp
import numpy as np
from jax import lax
from jax.experimental import pallas as pl
from jax.experimental.pallas import tpu as pltpu
from jax.experimental.pallas import tpu_sc as plsc

N = 10000
E = 320000
DIM = 128
H = 8
HD = DIM // H

NC = 2
NS = 16
NW = NC * NS

C = 48
CPT = -(-E // (C * NW))
E_PAD = CPT * C * NW
NPAD = 10240
NDEN = NPAD // 8
ROWS_PER_TILE = NPAD // NS
ZCH = 40

_INV_SQRT_HD = 1.0 / np.sqrt(HD)



_ROW_BLK = 1000


def _qkv_body(x_ref, w_ref, b_ref, q_ref, k_ref, v_ref):
    y = jnp.dot(x_ref[...], w_ref[...], preferred_element_type=jnp.float32)
    y = y + b_ref[...]
    q_ref[...] = y[:, :DIM]
    k_ref[...] = y[:, DIM:2 * DIM]
    v_ref[...] = y[:, 2 * DIM:]


def _qkv_project(x, w_perm, b_perm):
    grid = (N // _ROW_BLK,)
    out = pl.pallas_call(
        _qkv_body,
        grid=grid,
        in_specs=[
            pl.BlockSpec((_ROW_BLK, DIM), lambda i: (i, 0)),
            pl.BlockSpec((DIM, 3 * DIM), lambda i: (0, 0)),
            pl.BlockSpec((1, 3 * DIM), lambda i: (0, 0)),
        ],
        out_specs=[
            pl.BlockSpec((_ROW_BLK, DIM), lambda i: (i, 0)),
            pl.BlockSpec((_ROW_BLK, DIM), lambda i: (i, 0)),
            pl.BlockSpec((_ROW_BLK, DIM), lambda i: (i, 0)),
        ],
        out_shape=[jax.ShapeDtypeStruct((N, DIM), jnp.float32)] * 3,
    )(x, w_perm, b_perm)
    return out



def _sc_body(q_hbm, k_hbm, v_hbm, src_hbm, dst_hbm,
             out_agg, out_den,
             si, di, di8, krows, qrows, vrows, contrib, cden, stmp,
             sp_agg, sp_den, gsem):
    cid = lax.axis_index("c")
    sid = lax.axis_index("s")
    wid = sid * NC + cid

    zv = jnp.zeros((16,), jnp.float32)
    lanes = lax.iota(jnp.int32, 16)

    def _zero_body(r, _):
        for b in range(H):
            contrib[r, pl.ds(16 * b, 16)] = zv
            cden[r, pl.ds(16 * b, 16)] = zv
        return 0

    lax.fori_loop(0, C, _zero_body, 0)

    for t in range(ROWS_PER_TILE // ZCH):
        pltpu.sync_copy(contrib.at[pl.ds(0, ZCH)],
                        sp_agg.at[pl.ds(sid * ROWS_PER_TILE + t * ZCH, ZCH)])
    for t in range(NDEN // NS // ZCH):
        pltpu.sync_copy(cden.at[pl.ds(0, ZCH)],
                        sp_den.at[pl.ds(sid * (NDEN // NS) + t * ZCH, ZCH)])
    plsc.subcore_barrier()

    lane_eq = [lanes == h for h in range(H)]
    bfly_idx = [jnp.bitwise_xor(lanes, s) for s in (1, 2, 4, 8)]
    _gdn = jax.lax.GatherDimensionNumbers(
        offset_dims=(), collapsed_slice_dims=(0,), start_index_map=(0,))

    def _allsum(x):
        for idx in bfly_idx:
            x = x + jax.lax.gather(
                x, idx[:, None], _gdn, (1,),
                mode=jax.lax.GatherScatterMode.PROMISE_IN_BOUNDS)
        return x

    def _edge_body(e):
        e_full = jnp.full((16,), e, jnp.int32)
        dstv = plsc.load_gather(di, [e_full])
        mvec = dstv & 7
        wbs = []
        for h in range(H):
            kb = krows[e, pl.ds(16 * h, 16)]
            qb = qrows[e, pl.ds(16 * h, 16)]
            wb = jnp.exp(_allsum(kb * qb) * _INV_SQRT_HD)
            contrib[e, pl.ds(16 * h, 16)] = wb * vrows[e, pl.ds(16 * h, 16)]
            wbs.append(wb)
        dvec = zv
        for h in range(H):
            dvec = jnp.where(lane_eq[h], wbs[h], dvec)
        for b in range(H):
            cden[e, pl.ds(16 * b, 16)] = jnp.where(mvec == b, dvec, zv)

    def _chunk_body(j, _):
        base = (wid * CPT + j) * C
        pltpu.sync_copy(src_hbm.at[pl.ds(base, C)], si)
        pltpu.sync_copy(dst_hbm.at[pl.ds(base, C)], di)
        for t in range(C // 16):
            di8[pl.ds(16 * t, 16)] = lax.shift_right_logical(
                di[pl.ds(16 * t, 16)], 3)
        ck = pltpu.async_copy(k_hbm.at[si], krows, gsem)
        cq = pltpu.async_copy(q_hbm.at[di], qrows, gsem)
        cv = pltpu.async_copy(v_hbm.at[si], vrows, gsem)
        ck.wait()
        cq.wait()
        cv.wait()
        plsc.parallel_loop(0, C, 1, unroll=8)(_edge_body)
        pltpu.sync_copy(contrib, sp_agg.at[di], add=True)
        pltpu.sync_copy(cden, sp_den.at[di8], add=True)
        return 0

    lax.fori_loop(0, CPT, _chunk_body, 0)
    plsc.subcore_barrier()

    for t in range(ROWS_PER_TILE // ZCH):
        start = sid * ROWS_PER_TILE + t * ZCH
        pltpu.sync_copy(sp_agg.at[pl.ds(start, ZCH)], contrib.at[pl.ds(0, ZCH)])
        pltpu.sync_copy(contrib.at[pl.ds(0, ZCH)], out_agg.at[cid, pl.ds(start, ZCH)])
    for t in range(NDEN // NS // ZCH):
        start = sid * (NDEN // NS) + t * ZCH
        pltpu.sync_copy(sp_den.at[pl.ds(start, ZCH)], cden.at[pl.ds(0, ZCH)])
        pltpu.sync_copy(cden.at[pl.ds(0, ZCH)], out_den.at[cid, pl.ds(start, ZCH)])


_sc_attn = pl.kernel(
    _sc_body,
    out_type=[
        jax.ShapeDtypeStruct((NC, NPAD, DIM), jnp.float32),
        jax.ShapeDtypeStruct((NC, NDEN, DIM), jnp.float32),
    ],
    mesh=plsc.VectorSubcoreMesh(core_axis_name="c", subcore_axis_name="s",
                                num_cores=NC, num_subcores=NS),
    compiler_params=pltpu.CompilerParams(needs_layout_passes=False),
    scratch_types=[
        pltpu.VMEM((C,), jnp.int32),
        pltpu.VMEM((C,), jnp.int32),
        pltpu.VMEM((C,), jnp.int32),
        pltpu.VMEM((C, DIM), jnp.float32),
        pltpu.VMEM((C, DIM), jnp.float32),
        pltpu.VMEM((C, DIM), jnp.float32),
        pltpu.VMEM((C, DIM), jnp.float32),
        pltpu.VMEM((C, DIM), jnp.float32),
        pltpu.VMEM((24, 16), jnp.float32),
        pltpu.VMEM_SHARED((NPAD, DIM), jnp.float32),
        pltpu.VMEM_SHARED((NDEN, DIM), jnp.float32),
        pltpu.SemaphoreType.DMA,
    ],
)



def _out_body(agg_ref, den_ref, sel_ref, w_ref, b_ref, y_ref):
    a = agg_ref[0] + agg_ref[1]
    d = den_ref[0] + den_ref[1]
    d8 = d[:, :H]
    d8 = jnp.where(d8 == 0.0, 1.0, d8)
    dinv = 1.0 / d8
    dexp = jnp.dot(dinv, sel_ref[...],
                   preferred_element_type=jnp.float32)
    y = jnp.dot(a * dexp, w_ref[...], preferred_element_type=jnp.float32)
    y_ref[...] = y + b_ref[...]


def _out_project(agg2, den2, sel, w_out, b_out):
    grid = (N // _ROW_BLK,)
    return pl.pallas_call(
        _out_body,
        grid=grid,
        in_specs=[
            pl.BlockSpec((NC, _ROW_BLK, DIM), lambda i: (0, i, 0)),
            pl.BlockSpec((NC, _ROW_BLK, 16), lambda i: (0, i, 0)),
            pl.BlockSpec((H, DIM), lambda i: (0, 0)),
            pl.BlockSpec((DIM, DIM), lambda i: (0, 0)),
            pl.BlockSpec((1, DIM), lambda i: (0, 0)),
        ],
        out_specs=pl.BlockSpec((_ROW_BLK, DIM), lambda i: (i, 0)),
        out_shape=jax.ShapeDtypeStruct((N, DIM), jnp.float32),
    )(agg2, den2, sel, w_out, b_out)



def kernel(x, edge_index, W_qkv, b_qkv, W_out, b_out):
    cols = np.arange(3 * DIM).reshape(H, 3, HD)
    perm = np.concatenate([cols[:, 0].ravel(),
                           cols[:, 1].ravel(),
                           cols[:, 2].ravel()])
    w_perm = W_qkv[:, perm]
    b_perm = b_qkv[perm].reshape(1, 3 * DIM)

    q, k, v = _qkv_project(x, w_perm, b_perm)

    src = edge_index[0]
    dst = edge_index[1]
    pad = E_PAD - E
    src_pad = jnp.concatenate([src, jnp.zeros((pad,), jnp.int32)])
    dst_pad = jnp.concatenate([dst, jnp.full((pad,), N, jnp.int32)])

    agg2, denp = _sc_attn(q, k, v, src_pad, dst_pad)
    den2 = denp.reshape(NC, NPAD, 16)

    sel = np.zeros((H, DIM), np.float32)
    for h in range(H):
        sel[h, h * HD:(h + 1) * HD] = 1.0
    y = _out_project(agg2, den2, jnp.asarray(sel), W_out, b_out.reshape(1, DIM))
    return jnp.concatenate([x, y], axis=-1)

# --- scband reference (transcript-rebuilt; emitter-appended) ---
"""Pipeline reference for scband-graph-attn-trf-aggregation-module-28295244546278 (READ-ONLY COPY).

The authoritative reference and input builder live on the scoring server;
editing this copy changes nothing except your own understanding.
"""

import jax, jax.numpy as jnp
import numpy as np

N = 10000
E = 320000
DIM = 128
H = 8
HD = DIM // H


def setup_inputs(seed: int = 0) -> dict:
    key = jax.random.key(seed)
    ks = jax.random.split(key, 5)
    x = jax.random.normal(ks[0], (N, DIM), dtype=jnp.float32)
    edge_index = jax.random.randint(ks[1], (2, E), 0, N, dtype=jnp.int32)
    scale = 1.0 / np.sqrt(DIM)
    W_qkv = jax.random.normal(ks[2], (DIM, 3 * DIM), dtype=jnp.float32) * scale
    b_qkv = jnp.zeros((3 * DIM,), dtype=jnp.float32)
    W_out = jax.random.normal(ks[3], (DIM, DIM), dtype=jnp.float32) * scale
    b_out = jnp.zeros((DIM,), dtype=jnp.float32)
    return {"x": x, "edge_index": edge_index, "W_qkv": W_qkv, "b_qkv": b_qkv, "W_out": W_out, "b_out": b_out}


def reference(x, edge_index, W_qkv, b_qkv, W_out, b_out):
    n = x.shape[0]
    # qkv projection: [N, 3*dim] -> [N, H, 3*head_dim], split into q,k,v (matches torch reshape+split order)
    qkv = (x @ W_qkv + b_qkv).reshape(n, H, 3 * HD)
    q = qkv[..., :HD]
    k = qkv[..., HD:2 * HD]
    v = qkv[..., 2 * HD:]
    src = edge_index[0]
    dst = edge_index[1]
    # u_dot_v: per-edge dot(key[src], query[dst]) per head, scaled by 1/sqrt(head_dim)
    scores = jnp.sum(k[src] * q[dst], axis=-1) * (1.0 / np.sqrt(HD))  # [E, H]
    # edge_softmax over incoming edges per destination node
    m = jax.ops.segment_max(scores, dst, num_segments=n)
    m = jnp.where(jnp.isfinite(m), m, 0.0)
    e = jnp.exp(scores - m[dst])
    denom = jax.ops.segment_sum(e, dst, num_segments=n)
    probs = e / denom[dst]
    # u_mul_e_sum: scatter-add values[src] * probs into dst
    agg = jax.ops.segment_sum(v[src] * probs[..., None], dst, num_segments=n)  # [N, H, HD]
    agg = agg.reshape(n, DIM) @ W_out + b_out
    # sep=True prepends the residual x; dropout p=0 is identity
    return jnp.concatenate([x, agg], axis=-1)

if __name__ == "__main__":
    import jax
    _d = setup_inputs()
    print(jax.jit(kernel)(*tuple(_d.values())))

</pallas_src>

<mosaic_0001>
#map = affine_map<(d0, d1) -> (0, 0)>
#map1 = affine_map<(d0, d1) -> (0)>
#map2 = affine_map<(d0, d1) -> (0, 0, 0)>
module attributes {stable_mosaic.version = 14 : i64} {
  func.func @_sc_body(%arg0: i32, %arg1: i32, %arg2: memref<10000x128xf32, #tpu.memory_space<hbm>>, %arg3: memref<10000x128xf32, #tpu.memory_space<hbm>>, %arg4: memref<10000x128xf32, #tpu.memory_space<hbm>>, %arg5: memref<321024xi32, #tpu.memory_space<hbm>>, %arg6: memref<321024xi32, #tpu.memory_space<hbm>>, %arg7: memref<2x10240x128xf32, #tpu.memory_space<hbm>>, %arg8: memref<2x1280x128xf32, #tpu.memory_space<hbm>>, %arg9: memref<48xi32, #tpu.memory_space<vmem>>, %arg10: memref<48xi32, #tpu.memory_space<vmem>>, %arg11: memref<48xi32, #tpu.memory_space<vmem>>, %arg12: memref<48x128xf32, #tpu.memory_space<vmem>>, %arg13: memref<48x128xf32, #tpu.memory_space<vmem>>, %arg14: memref<48x128xf32, #tpu.memory_space<vmem>>, %arg15: memref<48x128xf32, #tpu.memory_space<vmem>>, %arg16: memref<48x128xf32, #tpu.memory_space<vmem>>, %arg17: memref<24x16xf32, #tpu.memory_space<vmem>>, %arg18: memref<10240x128xf32, #tpu.memory_space<vmem_shared>>, %arg19: memref<1280x128xf32, #tpu.memory_space<vmem_shared>>, %arg20: memref<!tpu.dma_semaphore, #tpu.memory_space<semaphore_mem>>) attributes {dimension_semantics = [#tpu.dimension_semantics<core_parallel>, #tpu.dimension_semantics<subcore_parallel>], iteration_bounds = array<i64: 2, 16>, scalar_prefetch = 0 : i64, scratch_operands = 12 : i64, tpu.core_type = #tpu.core_type<sc_vector_subcore>, window_params = [{transform_indices = #map}, {transform_indices = #map}, {transform_indices = #map}, {transform_indices = #map1}, {transform_indices = #map1}, {transform_indices = #map2}, {transform_indices = #map2}]} {
    %mul3A = arith.constant 2 : i32
    %mul3A_0 = arith.muli %arg1, %mul3A : i32
    %add3A = arith.addi %mul3A_0, %arg0 : i32
    %broadcast_in_dim3A = arith.constant 0.000000e+00 : f32
    %broadcast_in_dim3A_1 = vector.broadcast %broadcast_in_dim3A : f32 to vector<16xf32>
    %iota3A = tpu.iota {dimensions = array<i32: 0>} : vector<16xi32>
    %scan3A = arith.constant 0 : i32
    %scan3A_2 = arith.constant 0 : i32
    %scan3A_3 = arith.constant 48 : i32
    %scan3A_4 = arith.addi %scan3A_2, %scan3A_3 : i32
    %scan3A_5 = arith.constant 1 : i32
    %scan3A_6 = scf.for %scan3A_194 = %scan3A_2 to %scan3A_4 step %scan3A_5 iter_args(%scan3A_195 = %scan3A) -> (i32)  : i32 {
      %swap3A = arith.index_cast %scan3A_194 : i32 to index
      %swap3A_196 = arith.constant 0 : index
      %swap3A_197 = tpu.vector_load %arg15[%swap3A, %swap3A_196] {strides = array<i32>} : memref<48x128xf32, #tpu.memory_space<vmem>>, vector<16xf32>,
      tpu.vector_store %arg15[%swap3A, %swap3A_196], %broadcast_in_dim3A_1 {strides = array<i32>} : memref<48x128xf32, #tpu.memory_space<vmem>>, vector<16xf32>,
      %swap3A_198 = arith.index_cast %scan3A_194 : i32 to index
      %swap3A_199 = arith.constant 0 : index
      %swap3A_200 = tpu.vector_load %arg16[%swap3A_198, %swap3A_199] {strides = array<i32>} : memref<48x128xf32, #tpu.memory_space<vmem>>, vector<16xf32>,
      tpu.vector_store %arg16[%swap3A_198, %swap3A_199], %broadcast_in_dim3A_1 {strides = array<i32>} : memref<48x128xf32, #tpu.memory_space<vmem>>, vector<16xf32>,
      %swap3A_201 = arith.index_cast %scan3A_194 : i32 to index
      %swap3A_202 = arith.constant 16 : index
      %swap3A_203 = tpu.vector_load %arg15[%swap3A_201, %swap3A_202] {strides = array<i32>} : memref<48x128xf32, #tpu.memory_space<vmem>>, vector<16xf32>,
      tpu.vector_store %arg15[%swap3A_201, %swap3A_202], %broadcast_in_dim3A_1 {strides = array<i32>} : memref<48x128xf32, #tpu.memory_space<vmem>>, vector<16xf32>,
      %swap3A_204 = arith.index_cast %scan3A_194 : i32 to index
      %swap3A_205 = arith.constant 16 : index
      %swap3A_206 = tpu.vector_load %arg16[%swap3A_204, %swap3A_205] {strides = array<i32>} : memref<48x128xf32, #tpu.memory_space<vmem>>, vector<16xf32>,
      tpu.vector_store %arg16[%swap3A_204, %swap3A_205], %broadcast_in_dim3A_1 {strides = array<i32>} : memref<48x128xf32, #tpu.memory_space<vmem>>, vector<16xf32>,
      %swap3A_207 = arith.index_cast %scan3A_194 : i32 to index
      %swap3A_208 = arith.constant 32 : index
      %swap3A_209 = tpu.vector_load %arg15[%swap3A_207, %swap3A_208] {strides = array<i32>} : memref<48x128xf32, #tpu.memory_space<vmem>>, vector<16xf32>,
      tpu.vector_store %arg15[%swap3A_207, %swap3A_208], %broadcast_in_dim3A_1 {strides = array<i32>} : memref<48x128xf32, #tpu.memory_space<vmem>>, vector<16xf32>,
      %swap3A_210 = arith.index_cast %scan3A_194 : i32 to index
      %swap3A_211 = arith.constant 32 : index
      %swap3A_212 = tpu.vector_load %arg16[%swap3A_210, %swap3A_211] {strides = array<i32>} : memref<48x128xf32, #tpu.memory_space<vmem>>, vector<16xf32>,
      tpu.vector_store %arg16[%swap3A_210, %swap3A_211], %broadcast_in_dim3A_1 {strides = array<i32>} : memref<48x128xf32, #tpu.memory_space<vmem>>, vector<16xf32>,
      %swap3A_213 = arith.index_cast %scan3A_194 : i32 to index
      %swap3A_214 = arith.constant 48 : index
      %swap3A_215 = tpu.vector_load %arg15[%swap3A_213, %swap3A_214] {strides = array<i32>} : memref<48x128xf32, #tpu.memory_space<vmem>>, vector<16xf32>,
      tpu.vector_store %arg15[%swap3A_213, %swap3A_214], %broadcast_in_dim3A_1 {strides = array<i32>} : memref<48x128xf32, #tpu.memory_space<vmem>>, vector<16xf32>,
      %swap3A_216 = arith.index_cast %scan3A_194 : i32 to index
      %swap3A_217 = arith.constant 48 : index
      %swap3A_218 = tpu.vector_load %arg16[%swap3A_216, %swap3A_217] {strides = array<i32>} : memref<48x128xf32, #tpu.memory_space<vmem>>, vector<16xf32>,
      tpu.vector_store %arg16[%swap3A_216, %swap3A_217], %broadcast_in_dim3A_1 {strides = array<i32>} : memref<48x128xf32, #tpu.memory_space<vmem>>, vector<16xf32>,
      %swap3A_219 = arith.index_cast %scan3A_194 : i32 to index
      %swap3A_220 = arith.constant 64 : index
      %swap3A_221 = tpu.vector_load %arg15[%swap3A_219, %swap3A_220] {strides = array<i32>} : memref<48x128xf32, #tpu.memory_space<vmem>>, vector<16xf32>,
      tpu.vector_store %arg15[%swap3A_219, %swap3A_220], %broadcast_in_dim3A_1 {strides = array<i32>} : memref<48x128xf32, #tpu.memory_space<vmem>>, vector<16xf32>,
      %swap3A_222 = arith.index_cast %scan3A_194 : i32 to index
      %swap3A_223 = arith.constant 64 : index
      %swap3A_224 = tpu.vector_load %arg16[%swap3A_222, %swap3A_223] {strides = array<i32>} : memref<48x128xf32, #tpu.memory_space<vmem>>, vector<16xf32>,
      tpu.vector_store %arg16[%swap3A_222, %swap3A_223], %broadcast_in_dim3A_1 {strides = array<i32>} : memref<48x128xf32, #tpu.memory_space<vmem>>, vector<16xf32>,
      %swap3A_225 = arith.index_cast %scan3A_194 : i32 to index
      %swap3A_226 = arith.constant 80 : index
      %swap3A_227 = tpu.vector_load %arg15[%swap3A_225, %swap3A_226] {strides = array<i32>} : memref<48x128xf32, #tpu.memory_space<vmem>>, vector<16xf32>,
      tpu.vector_store %arg15[%swap3A_225, %swap3A_226], %broadcast_in_dim3A_1 {strides = array<i32>} : memref<48x128xf32, #tpu.memory_space<vmem>>, vector<16xf32>,
      %swap3A_228 = arith.index_cast %scan3A_194 : i32 to index
      %swap3A_229 = arith.constant 80 : index
      %swap3A_230 = tpu.vector_load %arg16[%swap3A_228, %swap3A_229] {strides = array<i32>} : memref<48x128xf32, #tpu.memory_space<vmem>>, vector<16xf32>,
      tpu.vector_store %arg16[%swap3A_228, %swap3A_229], %broadcast_in_dim3A_1 {strides = array<i32>} : memref<48x128xf32, #tpu.memory_space<vmem>>, vector<16xf32>,
      %swap3A_231 = arith.index_cast %scan3A_194 : i32 to index
      %swap3A_232 = arith.constant 96 : index
      %swap3A_233 = tpu.vector_load %arg15[%swap3A_231, %swap3A_232] {strides = array<i32>} : memref<48x128xf32, #tpu.memory_space<vmem>>, vector<16xf32>,
      tpu.vector_store %arg15[%swap3A_231, %swap3A_232], %broadcast_in_dim3A_1 {strides = array<i32>} : memref<48x128xf32, #tpu.memory_space<vmem>>, vector<16xf32>,
      %swap3A_234 = arith.index_cast %scan3A_194 : i32 to index
      %swap3A_235 = arith.constant 96 : index
      %swap3A_236 = tpu.vector_load %arg16[%swap3A_234, %swap3A_235] {strides = array<i32>} : memref<48x128xf32, #tpu.memory_space<vmem>>, vector<16xf32>,
      tpu.vector_store %arg16[%swap3A_234, %swap3A_235], %broadcast_in_dim3A_1 {strides = array<i32>} : memref<48x128xf32, #tpu.memory_space<vmem>>, vector<16xf32>,
      %swap3A_237 = arith.index_cast %scan3A_194 : i32 to index
      %swap3A_238 = arith.constant 112 : index
      %swap3A_239 = tpu.vector_load %arg15[%swap3A_237, %swap3A_238] {strides = array<i32>} : memref<48x128xf32, #tpu.memory_space<vmem>>, vector<16xf32>,
      tpu.vector_store %arg15[%swap3A_237, %swap3A_238], %broadcast_in_dim3A_1 {strides = array<i32>} : memref<48x128xf32, #tpu.memory_space<vmem>>, vector<16xf32>,
      %swap3A_240 = arith.index_cast %scan3A_194 : i32 to index
      %swap3A_241 = arith.constant 112 : index
      %swap3A_242 = tpu.vector_load %arg16[%swap3A_240, %swap3A_241] {strides = array<i32>} : memref<48x128xf32, #tpu.memory_space<vmem>>, vector<16xf32>,
      tpu.vector_store %arg16[%swap3A_240, %swap3A_241], %broadcast_in_dim3A_1 {strides = array<i32>} : memref<48x128xf32, #tpu.memory_space<vmem>>, vector<16xf32>,
      %scan3A_243 = arith.constant 0 : i32
      scf.yield %scan3A_243 : i32
    }
    %scan3A_7 = arith.constant 48 : i32
    %mul3A_8 = arith.constant 640 : i32
    %mul3A_9 = arith.muli %arg1, %mul3A_8 : i32
    %add3A_10 = arith.constant 0 : i32
    %add3A_11 = arith.addi %mul3A_9, %add3A_10 : i32
    "tpu.region"() ({
      %run_scoped3A = tpu.sem_alloc : memref<!tpu.dma_semaphore, #tpu.memory_space<semaphore_mem>>
      %dma_start3A = arith.constant 0 : i32
      %dma_start3A_194 = arith.constant 0 : i32
      %dma_start3A_195 = tpu.memref_slice %arg15[%dma_start3A, %dma_start3A_194] : memref<48x128xf32, #tpu.memory_space<vmem>> -> memref<40x128xf32, #tpu.memory_space<vmem>>
      %dma_start3A_196 = arith.constant 0 : i32
      %dma_start3A_197 = tpu.memref_slice %arg18[%add3A_11, %dma_start3A_196] : memref<10240x128xf32, #tpu.memory_space<vmem_shared>> -> memref<40x128xf32, #tpu.memory_space<vmem_shared>>
      %dma_start3A_198 = arith.constant 0 : i32
      %dma_start3A_199 = tpu.memref_slice %arg18[%add3A_11, %dma_start3A_198] : memref<10240x128xf32, #tpu.memory_space<vmem_shared>> -> memref<40x128xf32, #tpu.memory_space<vmem_shared>>
      %dma_start3A_200 = arith.constant 0 : i32
      %dma_start3A_201 = arith.constant 0 : i32
      %dma_start3A_202 = tpu.memref_slice %arg15[%dma_start3A_200, %dma_start3A_201] : memref<48x128xf32, #tpu.memory_space<vmem>> -> memref<40x128xf32, #tpu.memory_space<vmem>>
      tpu.enqueue_dma source(%dma_start3A_202 : memref<40x128xf32, #tpu.memory_space<vmem>>) target(%dma_start3A_199 : memref<40x128xf32, #tpu.memory_space<vmem_shared>>) target_semaphore(%run_scoped3A : memref<!tpu.dma_semaphore, #tpu.memory_space<semaphore_mem>>)
      %dma_wait3A = arith.constant 0 : i32
      %dma_wait3A_203 = arith.constant 0 : i32
      %dma_wait3A_204 = tpu.memref_slice %arg15[%dma_wait3A, %dma_wait3A_203] : memref<48x128xf32, #tpu.memory_space<vmem>> -> memref<40x128xf32, #tpu.memory_space<vmem>>
      %dma_wait3A_205 = arith.constant 0 : i32
      %dma_wait3A_206 = tpu.memref_slice %arg18[%add3A_11, %dma_wait3A_205] : memref<10240x128xf32, #tpu.memory_space<vmem_shared>> -> memref<40x128xf32, #tpu.memory_space<vmem_shared>>
      %dma_wait3A_207 = arith.constant 0 : i32
      %dma_wait3A_208 = tpu.memref_slice %arg18[%add3A_11, %dma_wait3A_207] : memref<10240x128xf32, #tpu.memory_space<vmem_shared>> -> memref<40x128xf32, #tpu.memory_space<vmem_shared>>
      %dma_wait3A_209 = arith.constant 0 : i32
      %dma_wait3A_210 = arith.constant 0 : i32
      %dma_wait3A_211 = tpu.memref_slice %arg15[%dma_wait3A_209, %dma_wait3A_210] : memref<48x128xf32, #tpu.memory_space<vmem>> -> memref<40x128xf32, #tpu.memory_space<vmem>>
      tpu.wait_dma2 semaphore(%run_scoped3A : memref<!tpu.dma_semaphore, #tpu.memory_space<semaphore_mem>>) src(%dma_wait3A_211 : memref<40x128xf32, #tpu.memory_space<vmem>>) dst(%dma_wait3A_208 : memref<40x128xf32, #tpu.memory_space<vmem_shared>>)
      tpu.yield
    }) : () -> ()
    %mul3A_12 = arith.constant 640 : i32
    %mul3A_13 = arith.muli %arg1, %mul3A_12 : i32
    %add3A_14 = arith.constant 40 : i32
    %add3A_15 = arith.addi %mul3A_13, %add3A_14 : i32
    "tpu.region"() ({
      %run_scoped3A = tpu.sem_alloc : memref<!tpu.dma_semaphore, #tpu.memory_space<semaphore_mem>>
      %dma_start3A = arith.constant 0 : i32
      %dma_start3A_194 = arith.constant 0 : i32
      %dma_start3A_195 = tpu.memref_slice %arg15[%dma_start3A, %dma_start3A_194] : memref<48x128xf32, #tpu.memory_space<vmem>> -> memref<40x128xf32, #tpu.memory_space<vmem>>
      %dma_start3A_196 = arith.constant 0 : i32
      %dma_start3A_197 = tpu.memref_slice %arg18[%add3A_15, %dma_start3A_196] : memref<10240x128xf32, #tpu.memory_space<vmem_shared>> -> memref<40x128xf32, #tpu.memory_space<vmem_shared>>
      %dma_start3A_198 = arith.constant 0 : i32
      %dma_start3A_199 = tpu.memref_slice %arg18[%add3A_15, %dma_start3A_198] : memref<10240x128xf32, #tpu.memory_space<vmem_shared>> -> memref<40x128xf32, #tpu.memory_space<vmem_shared>>
      %dma_start3A_200 = arith.constant 0 : i32
      %dma_start3A_201 = arith.constant 0 : i32
      %dma_start3A_202 = tpu.memref_slice %arg15[%dma_start3A_200, %dma_start3A_201] : memref<48x128xf32, #tpu.memory_space<vmem>> -> memref<40x128xf32, #tpu.memory_space<vmem>>
      tpu.enqueue_dma source(%dma_start3A_202 : memref<40x128xf32, #tpu.memory_space<vmem>>) target(%dma_start3A_199 : memref<40x128xf32, #tpu.memory_space<vmem_shared>>) target_semaphore(%run_scoped3A : memref<!tpu.dma_semaphore, #tpu.memory_space<semaphore_mem>>)
      %dma_wait3A = arith.constant 0 : i32
      %dma_wait3A_203 = arith.constant 0 : i32
      %dma_wait3A_204 = tpu.memref_slice %arg15[%dma_wait3A, %dma_wait3A_203] : memref<48x128xf32, #tpu.memory_space<vmem>> -> memref<40x128xf32, #tpu.memory_space<vmem>>
      %dma_wait3A_205 = arith.constant 0 : i32
      %dma_wait3A_206 = tpu.memref_slice %arg18[%add3A_15, %dma_wait3A_205] : memref<10240x128xf32, #tpu.memory_space<vmem_shared>> -> memref<40x128xf32, #tpu.memory_space<vmem_shared>>
      %dma_wait3A_207 = arith.constant 0 : i32
      %dma_wait3A_208 = tpu.memref_slice %arg18[%add3A_15, %dma_wait3A_207] : memref<10240x128xf32, #tpu.memory_space<vmem_shared>> -> memref<40x128xf32, #tpu.memory_space<vmem_shared>>
      %dma_wait3A_209 = arith.constant 0 : i32
      %dma_wait3A_210 = arith.constant 0 : i32
      %dma_wait3A_211 = tpu.memref_slice %arg15[%dma_wait3A_209, %dma_wait3A_210] : memref<48x128xf32, #tpu.memory_space<vmem>> -> memref<40x128xf32, #tpu.memory_space<vmem>>
      tpu.wait_dma2 semaphore(%run_scoped3A : memref<!tpu.dma_semaphore, #tpu.memory_space<semaphore_mem>>) src(%dma_wait3A_211 : memref<40x128xf32, #tpu.memory_space<vmem>>) dst(%dma_wait3A_208 : memref<40x128xf32, #tpu.memory_space<vmem_shared>>)
      tpu.yield
    }) : () -> ()
    %mul3A_16 = arith.constant 640 : i32
    %mul3A_17 = arith.muli %arg1, %mul3A_16 : i32
    %add3A_18 = arith.constant 80 : i32
    %add3A_19 = arith.addi %mul3A_17, %add3A_18 : i32
    "tpu.region"() ({
      %run_scoped3A = tpu.sem_alloc : memref<!tpu.dma_semaphore, #tpu.memory_space<semaphore_mem>>
      %dma_start3A = arith.constant 0 : i32
      %dma_start3A_194 = arith.constant 0 : i32
      %dma_start3A_195 = tpu.memref_slice %arg15[%dma_start3A, %dma_start3A_194] : memref<48x128xf32, #tpu.memory_space<vmem>> -> memref<40x128xf32, #tpu.memory_space<vmem>>
      %dma_start3A_196 = arith.constant 0 : i32
      %dma_start3A_197 = tpu.memref_slice %arg18[%add3A_19, %dma_start3A_196] : memref<10240x128xf32, #tpu.memory_space<vmem_shared>> -> memref<40x128xf32, #tpu.memory_space<vmem_shared>>
      %dma_start3A_198 = arith.constant 0 : i32
      %dma_start3A_199 = tpu.memref_slice %arg18[%add3A_19, %dma_start3A_198] : memref<10240x128xf32, #tpu.memory_space<vmem_shared>> -> memref<40x128xf32, #tpu.memory_space<vmem_shared>>
      %dma_start3A_200 = arith.constant 0 : i32
      %dma_start3A_201 = arith.constant 0 : i32
      %dma_start3A_202 = tpu.memref_slice %arg15[%dma_start3A_200, %dma_start3A_201] : memref<48x128xf32, #tpu.memory_space<vmem>> -> memref<40x128xf32, #tpu.memory_space<vmem>>
      tpu.enqueue_dma source(%dma_start3A_202 : memref<40x128xf32, #tpu.memory_space<vmem>>) target(%dma_start3A_199 : memref<40x128xf32, #tpu.memory_space<vmem_shared>>) target_semaphore(%run_scoped3A : memref<!tpu.dma_semaphore, #tpu.memory_space<semaphore_mem>>)
      %dma_wait3A = arith.constant 0 : i32
      %dma_wait3A_203 = arith.constant 0 : i32
      %dma_wait3A_204 = tpu.memref_slice %arg15[%dma_wait3A, %dma_wait3A_203] : memref<48x128xf32, #tpu.memory_space<vmem>> -> memref<40x128xf32, #tpu.memory_space<vmem>>
      %dma_wait3A_205 = arith.constant 0 : i32
      %dma_wait3A_206 = tpu.memref_slice %arg18[%add3A_19, %dma_wait3A_205] : memref<10240x128xf32, #tpu.memory_space<vmem_shared>> -> memref<40x128xf32, #tpu.memory_space<vmem_shared>>
      %dma_wait3A_207 = arith.constant 0 : i32
      %dma_wait3A_208 = tpu.memref_slice %arg18[%add3A_19, %dma_wait3A_207] : memref<10240x128xf32, #tpu.memory_space<vmem_shared>> -> memref<40x128xf32, #tpu.memory_space<vmem_shared>>
      %dma_wait3A_209 = arith.constant 0 : i32
      %dma_wait3A_210 = arith.constant 0 : i32
      %dma_wait3A_211 = tpu.memref_slice %arg15[%dma_wait3A_209, %dma_wait3A_210] : memref<48x128xf32, #tpu.memory_space<vmem>> -> memref<40x128xf32, #tpu.memory_space<vmem>>
      tpu.wait_dma2 semaphore(%run_scoped3A : memref<!tpu.dma_semaphore, #tpu.memory_space<semaphore_mem>>) src(%dma_wait3A_211 : memref<40x128xf32, #tpu.memory_space<vmem>>) dst(%dma_wait3A_208 : memref<40x128xf32, #tpu.memory_space<vmem_shared>>)
      tpu.yield
    }) : () -> ()
    %mul3A_20 = arith.constant 640 : i32
    %mul3A_21 = arith.muli %arg1, %mul3A_20 : i32
    %add3A_22 = arith.constant 120 : i32
    %add3A_23 = arith.addi %mul3A_21, %add3A_22 : i32
    "tpu.region"() ({
      %run_scoped3A = tpu.sem_alloc : memref<!tpu.dma_semaphore, #tpu.memory_space<semaphore_mem>>
      %dma_start3A = arith.constant 0 : i32
      %dma_start3A_194 = arith.constant 0 : i32
      %dma_start3A_195 = tpu.memref_slice %arg15[%dma_start3A, %dma_start3A_194] : memref<48x128xf32, #tpu.memory_space<vmem>> -> memref<40x128xf32, #tpu.memory_space<vmem>>
      %dma_start3A_196 = arith.constant 0 : i32
      %dma_start3A_197 = tpu.memref_slice %arg18[%add3A_23, %dma_start3A_196] : memref<10240x128xf32, #tpu.memory_space<vmem_shared>> -> memref<40x128xf32, #tpu.memory_space<vmem_shared>>
      %dma_start3A_198 = arith.constant 0 : i32
      %dma_start3A_199 = tpu.memref_slice %arg18[%add3A_23, %dma_start3A_198] : memref<10240x128xf32, #tpu.memory_space<vmem_shared>> -> memref<40x128xf32, #tpu.memory_space<vmem_shared>>
      %dma_start3A_200 = arith.constant 0 : i32
      %dma_start3A_201 = arith.constant 0 : i32
      %dma_start3A_202 = tpu.memref_slice %arg15[%dma_start3A_200, %dma_start3A_201] : memref<48x128xf32, #tpu.memory_space<vmem>> -> memref<40x128xf32, #tpu.memory_space<vmem>>
      tpu.enqueue_dma source(%dma_start3A_202 : memref<40x128xf32, #tpu.memory_space<vmem>>) target(%dma_start3A_199 : memref<40x128xf32, #tpu.memory_space<vmem_shared>>) target_semaphore(%run_scoped3A : memref<!tpu.dma_semaphore, #tpu.memory_space<semaphore_mem>>)
      %dma_wait3A = arith.constant 0 : i32
      %dma_wait3A_203 = arith.constant 0 : i32
      %dma_wait3A_204 = tpu.memref_slice %arg15[%dma_wait3A, %dma_wait3A_203] : memref<48x128xf32, #tpu.memory_space<vmem>> -> memref<40x128xf32, #tpu.memory_space<vmem>>
      %dma_wait3A_205 = arith.constant 0 : i32
      %dma_wait3A_206 = tpu.memref_slice %arg18[%add3A_23, %dma_wait3A_205] : memref<10240x128xf32, #tpu.memory_space<vmem_shared>> -> memref<40x128xf32, #tpu.memory_space<vmem_shared>>
      %dma_wait3A_207 = arith.constant 0 : i32
      %dma_wait3A_208 = tpu.memref_slice %arg18[%add3A_23, %dma_wait3A_207] : memref<10240x128xf32, #tpu.memory_space<vmem_shared>> -> memref<40x128xf32, #tpu.memory_space<vmem_shared>>
      %dma_wait3A_209 = arith.constant 0 : i32
      %dma_wait3A_210 = arith.constant 0 : i32
      %dma_wait3A_211 = tpu.memref_slice %arg15[%dma_wait3A_209, %dma_wait3A_210] : memref<48x128xf32, #tpu.memory_space<vmem>> -> memref<40x128xf32, #tpu.memory_space<vmem>>
      tpu.wait_dma2 semaphore(%run_scoped3A : memref<!tpu.dma_semaphore, #tpu.memory_space<semaphore_mem>>) src(%dma_wait3A_211 : memref<40x128xf32, #tpu.memory_space<vmem>>) dst(%dma_wait3A_208 : memref<40x128xf32, #tpu.memory_space<vmem_shared>>)
      tpu.yield
    }) : () -> ()
    %mul3A_24 = arith.constant 640 : i32
    %mul3A_25 = arith.muli %arg1, %mul3A_24 : i32
    %add3A_26 = arith.constant 160 : i32
    %add3A_27 = arith.addi %mul3A_25, %add3A_26 : i32
    "tpu.region"() ({
      %run_scoped3A = tpu.sem_alloc : memref<!tpu.dma_semaphore, #tpu.memory_space<semaphore_mem>>
      %dma_start3A = arith.constant 0 : i32
      %dma_start3A_194 = arith.constant 0 : i32
      %dma_start3A_195 = tpu.memref_slice %arg15[%dma_start3A, %dma_start3A_194] : memref<48x128xf32, #tpu.memory_space<vmem>> -> memref<40x128xf32, #tpu.memory_space<vmem>>
      %dma_start3A_196 = arith.constant 0 : i32
      %dma_start3A_197 = tpu.memref_slice %arg18[%add3A_27, %dma_start3A_196] : memref<10240x128xf32, #tpu.memory_space<vmem_shared>> -> memref<40x128xf32, #tpu.memory_space<vmem_shared>>
      %dma_start3A_198 = arith.constant 0 : i32
      %dma_start3A_199 = tpu.memref_slice %arg18[%add3A_27, %dma_start3A_198] : memref<10240x128xf32, #tpu.memory_space<vmem_shared>> -> memref<40x128xf32, #tpu.memory_space<vmem_shared>>
      %dma_start3A_200 = arith.constant 0 : i32
      %dma_start3A_201 = arith.constant 0 : i32
      %dma_start3A_202 = tpu.memref_slice %arg15[%dma_start3A_200, %dma_start3A_201] : memref<48x128xf32, #tpu.memory_space<vmem>> -> memref<40x128xf32, #tpu.memory_space<vmem>>
      tpu.enqueue_dma source(%dma_start3A_202 : memref<40x128xf32, #tpu.memory_space<vmem>>) target(%dma_start3A_199 : memref<40x128xf32, #tpu.memory_space<vmem_shared>>) target_semaphore(%run_scoped3A : memref<!tpu.dma_semaphore, #tpu.memory_space<semaphore_mem>>)
      %dma_wait3A = arith.constant 0 : i32
      %dma_wait3A_203 = arith.constant 0 : i32
      %dma_wait3A_204 = tpu.memref_slice %arg15[%dma_wait3A, %dma_wait3A_203] : memref<48x128xf32, #tpu.memory_space<vmem>> -> memref<40x128xf32, #tpu.memory_space<vmem>>
      %dma_wait3A_205 = arith.constant 0 : i32
      %dma_wait3A_206 = tpu.memref_slice %arg18[%add3A_27, %dma_wait3A_205] : memref<10240x128xf32, #tpu.memory_space<vmem_shared>> -> memref<40x128xf32, #tpu.memory_space<vmem_shared>>
      %dma_wait3A_207 = arith.constant 0 : i32
      %dma_wait3A_208 = tpu.memref_slice %arg18[%add3A_27, %dma_wait3A_207] : memref<10240x128xf32, #tpu.memory_space<vmem_shared>> -> memref<40x128xf32, #tpu.memory_space<vmem_shared>>
      %dma_wait3A_209 = arith.constant 0 : i32
      %dma_wait3A_210 = arith.constant 0 : i32
      %dma_wait3A_211 = tpu.memref_slice %arg15[%dma_wait3A_209, %dma_wait3A_210] : memref<48x128xf32, #tpu.memory_space<vmem>> -> memref<40x128xf32, #tpu.memory_space<vmem>>
      tpu.wait_dma2 semaphore(%run_scoped3A : memref<!tpu.dma_semaphore, #tpu.memory_space<semaphore_mem>>) src(%dma_wait3A_211 : memref<40x128xf32, #tpu.memory_space<vmem>>) dst(%dma_wait3A_208 : memref<40x128xf32, #tpu.memory_space<vmem_shared>>)
      tpu.yield
    }) : () -> ()
    %mul3A_28 = arith.constant 640 : i32
    %mul3A_29 = arith.muli %arg1, %mul3A_28 : i32
    %add3A_30 = arith.constant 200 : i32
    %add3A_31 = arith.addi %mul3A_29, %add3A_30 : i32
    "tpu.region"() ({
      %run_scoped3A = tpu.sem_alloc : memref<!tpu.dma_semaphore, #tpu.memory_space<semaphore_mem>>
      %dma_start3A = arith.constant 0 : i32
      %dma_start3A_194 = arith.constant 0 : i32
      %dma_start3A_195 = tpu.memref_slice %arg15[%dma_start3A, %dma_start3A_194] : memref<48x128xf32, #tpu.memory_space<vmem>> -> memref<40x128xf32, #tpu.memory_space<vmem>>
      %dma_start3A_196 = arith.constant 0 : i32
      %dma_start3A_197 = tpu.memref_slice %arg18[%add3A_31, %dma_start3A_196] : memref<10240x128xf32, #tpu.memory_space<vmem_shared>> -> memref<40x128xf32, #tpu.memory_space<vmem_shared>>
      %dma_start3A_198 = arith.constant 0 : i32
      %dma_start3A_199 = tpu.memref_slice %arg18[%add3A_31, %dma_start3A_198] : memref<10240x128xf32, #tpu.memory_space<vmem_shared>> -> memref<40x128xf32, #tpu.memory_space<vmem_shared>>
      %dma_start3A_200 = arith.constant 0 : i32
      %dma_start3A_201 = arith.constant 0 : i32
      %dma_start3A_202 = tpu.memref_slice %arg15[%dma_start3A_200, %dma_start3A_201] : memref<48x128xf32, #tpu.memory_space<vmem>> -> memref<40x128xf32, #tpu.memory_space<vmem>>
      tpu.enqueue_dma source(%dma_start3A_202 : memref<40x128xf32, #tpu.memory_space<vmem>>) target(%dma_start3A_199 : memref<40x128xf32, #tpu.memory_space<vmem_shared>>) target_semaphore(%run_scoped3A : memref<!tpu.dma_semaphore, #tpu.memory_space<semaphore_mem>>)
      %dma_wait3A = arith.constant 0 : i32
      %dma_wait3A_203 = arith.constant 0 : i32
      %dma_wait3A_204 = tpu.memref_slice %arg15[%dma_wait3A, %dma_wait3A_203] : memref<48x128xf32, #tpu.memory_space<vmem>> -> memref<40x128xf32, #tpu.memory_space<vmem>>
      %dma_wait3A_205 = arith.constant 0 : i32
      %dma_wait3A_206 = tpu.memref_slice %arg18[%add3A_31, %dma_wait3A_205] : memref<10240x128xf32, #tpu.memory_space<vmem_shared>> -> memref<40x128xf32, #tpu.memory_space<vmem_shared>>
      %dma_wait3A_207 = arith.constant 0 : i32
      %dma_wait3A_208 = tpu.memref_slice %arg18[%add3A_31, %dma_wait3A_207] : memref<10240x128xf32, #tpu.memory_space<vmem_shared>> -> memref<40x128xf32, #tpu.memory_space<vmem_shared>>
      %dma_wait3A_209 = arith.constant 0 : i32
      %dma_wait3A_210 = arith.constant 0 : i32
      %dma_wait3A_211 = tpu.memref_slice %arg15[%dma_wait3A_209, %dma_wait3A_210] : memref<48x128xf32, #tpu.memory_space<vmem>> -> memref<40x128xf32, #tpu.memory_space<vmem>>
      tpu.wait_dma2 semaphore(%run_scoped3A : memref<!tpu.dma_semaphore, #tpu.memory_space<semaphore_mem>>) src(%dma_wait3A_211 : memref<40x128xf32, #tpu.memory_space<vmem>>) dst(%dma_wait3A_208 : memref<40x128xf32, #tpu.memory_space<vmem_shared>>)
      tpu.yield
    }) : () -> ()
    %mul3A_32 = arith.constant 640 : i32
    %mul3A_33 = arith.muli %arg1, %mul3A_32 : i32
    %add3A_34 = arith.constant 240 : i32
    %add3A_35 = arith.addi %mul3A_33, %add3A_34 : i32
    "tpu.region"() ({
      %run_scoped3A = tpu.sem_alloc : memref<!tpu.dma_semaphore, #tpu.memory_space<semaphore_mem>>
      %dma_start3A = arith.constant 0 : i32
      %dma_start3A_194 = arith.constant 0 : i32
      %dma_start3A_195 = tpu.memref_slice %arg15[%dma_start3A, %dma_start3A_194] : memref<48x128xf32, #tpu.memory_space<vmem>> -> memref<40x128xf32, #tpu.memory_space<vmem>>
      %dma_start3A_196 = arith.constant 0 : i32
      %dma_start3A_197 = tpu.memref_slice %arg18[%add3A_35, %dma_start3A_196] : memref<10240x128xf32, #tpu.memory_space<vmem_shared>> -> memref<40x128xf32, #tpu.memory_space<vmem_shared>>
      %dma_start3A_198 = arith.constant 0 : i32
      %dma_start3A_199 = tpu.memref_slice %arg18[%add3A_35, %dma_start3A_198] : memref<10240x128xf32, #tpu.memory_space<vmem_shared>> -> memref<40x128xf32, #tpu.memory_space<vmem_shared>>
      %dma_start3A_200 = arith.constant 0 : i32
      %dma_start3A_201 = arith.constant 0 : i32
      %dma_start3A_202 = tpu.memref_slice %arg15[%dma_start3A_200, %dma_start3A_201] : memref<48x128xf32, #tpu.memory_space<vmem>> -> memref<40x128xf32, #tpu.memory_space<vmem>>
      tpu.enqueue_dma source(%dma_start3A_202 : memref<40x128xf32, #tpu.memory_space<vmem>>) target(%dma_start3A_199 : memref<40x128xf32, #tpu.memory_space<vmem_shared>>) target_semaphore(%run_scoped3A : memref<!tpu.dma_semaphore, #tpu.memory_space<semaphore_mem>>)
      %dma_wait3A = arith.constant 0 : i32
      %dma_wait3A_203 = arith.constant 0 : i32
      %dma_wait3A_204 = tpu.memref_slice %arg15[%dma_wait3A, %dma_wait3A_203] : memref<48x128xf32, #tpu.memory_space<vmem>> -> memref<40x128xf32, #tpu.memory_space<vmem>>
      %dma_wait3A_205 = arith.constant 0 : i32
      %dma_wait3A_206 = tpu.memref_slice %arg18[%add3A_35, %dma_wait3A_205] : memref<10240x128xf32, #tpu.memory_space<vmem_shared>> -> memref<40x128xf32, #tpu.memory_space<vmem_shared>>
      %dma_wait3A_207 = arith.constant 0 : i32
      %dma_wait3A_208 = tpu.memref_slice %arg18[%add3A_35, %dma_wait3A_207] : memref<10240x128xf32, #tpu.memory_space<vmem_shared>> -> memref<40x128xf32, #tpu.memory_space<vmem_shared>>
      %dma_wait3A_209 = arith.constant 0 : i32
      %dma_wait3A_210 = arith.constant 0 : i32
      %dma_wait3A_211 = tpu.memref_slice %arg15[%dma_wait3A_209, %dma_wait3A_210] : memref<48x128xf32, #tpu.memory_space<vmem>> -> memref<40x128xf32, #tpu.memory_space<vmem>>
      tpu.wait_dma2 semaphore(%run_scoped3A : memref<!tpu.dma_semaphore, #tpu.memory_space<semaphore_mem>>) src(%dma_wait3A_211 : memref<40x128xf32, #tpu.memory_space<vmem>>) dst(%dma_wait3A_208 : memref<40x128xf32, #tpu.memory_space<vmem_shared>>)
      tpu.yield
    }) : () -> ()
    %mul3A_36 = arith.constant 640 : i32
    %mul3A_37 = arith.muli %arg1, %mul3A_36 : i32
    %add3A_38 = arith.constant 280 : i32
    %add3A_39 = arith.addi %mul3A_37, %add3A_38 : i32
    "tpu.region"() ({
      %run_scoped3A = tpu.sem_alloc : memref<!tpu.dma_semaphore, #tpu.memory_space<semaphore_mem>>
      %dma_start3A = arith.constant 0 : i32
      %dma_start3A_194 = arith.constant 0 : i32
      %dma_start3A_195 = tpu.memref_slice %arg15[%dma_start3A, %dma_start3A_194] : memref<48x128xf32, #tpu.memory_space<vmem>> -> memref<40x128xf32, #tpu.memory_space<vmem>>
      %dma_start3A_196 = arith.constant 0 : i32
      %dma_start3A_197 = tpu.memref_slice %arg18[%add3A_39, %dma_start3A_196] : memref<10240x128xf32, #tpu.memory_space<vmem_shared>> -> memref<40x128xf32, #tpu.memory_space<vmem_shared>>
      %dma_start3A_198 = arith.constant 0 : i32
      %dma_start3A_199 = tpu.memref_slice %arg18[%add3A_39, %dma_start3A_198] : memref<10240x128xf32, #tpu.memory_space<vmem_shared>> -> memref<40x128xf32, #tpu.memory_space<vmem_shared>>
      %dma_start3A_200 = arith.constant 0 : i32
      %dma_start3A_201 = arith.constant 0 : i32
      %dma_start3A_202 = tpu.memref_slice %arg15[%dma_start3A_200, %dma_start3A_201] : memref<48x128xf32, #tpu.memory_space<vmem>> -> memref<40x128xf32, #tpu.memory_space<vmem>>
      tpu.enqueue_dma source(%dma_start3A_202 : memref<40x128xf32, #tpu.memory_space<vmem>>) target(%dma_start3A_199 : memref<40x128xf32, #tpu.memory_space<vmem_shared>>) target_semaphore(%run_scoped3A : memref<!tpu.dma_semaphore, #tpu.memory_space<semaphore_mem>>)
      %dma_wait3A = arith.constant 0 : i32
      %dma_wait3A_203 = arith.constant 0 : i32
      %dma_wait3A_204 = tpu.memref_slice %arg15[%dma_wait3A, %dma_wait3A_203] : memref<48x128xf32, #tpu.memory_space<vmem>> -> memref<40x128xf32, #tpu.memory_space<vmem>>
      %dma_wait3A_205 = arith.constant 0 : i32
      %dma_wait3A_206 = tpu.memref_slice %arg18[%add3A_39, %dma_wait3A_205] : memref<10240x128xf32, #tpu.memory_space<vmem_shared>> -> memref<40x128xf32, #tpu.memory_space<vmem_shared>>
      %dma_wait3A_207 = arith.constant 0 : i32
      %dma_wait3A_208 = tpu.memref_slice %arg18[%add3A_39, %dma_wait3A_207] : memref<10240x128xf32, #tpu.memory_space<vmem_shared>> -> memref<40x128xf32, #tpu.memory_space<vmem_shared>>
      %dma_wait3A_209 = arith.constant 0 : i32
      %dma_wait3A_210 = arith.constant 0 : i32
      %dma_wait3A_211 = tpu.memref_slice %arg15[%dma_wait3A_209, %dma_wait3A_210] : memref<48x128xf32, #tpu.memory_space<vmem>> -> memref<40x128xf32, #tpu.memory_space<vmem>>
      tpu.wait_dma2 semaphore(%run_scoped3A : memref<!tpu.dma_semaphore, #tpu.memory_space<semaphore_mem>>) src(%dma_wait3A_211 : memref<40x128xf32, #tpu.memory_space<vmem>>) dst(%dma_wait3A_208 : memref<40x128xf32, #tpu.memory_space<vmem_shared>>)
      tpu.yield
    }) : () -> ()
    %mul3A_40 = arith.constant 640 : i32
    %mul3A_41 = arith.muli %arg1, %mul3A_40 : i32
    %add3A_42 = arith.constant 320 : i32
    %add3A_43 = arith.addi %mul3A_41, %add3A_42 : i32
    "tpu.region"() ({
      %run_scoped3A = tpu.sem_alloc : memref<!tpu.dma_semaphore, #tpu.memory_space<semaphore_mem>>
      %dma_start3A = arith.constant 0 : i32
      %dma_start3A_194 = arith.constant 0 : i32
      %dma_start3A_195 = tpu.memref_slice %arg15[%dma_start3A, %dma_start3A_194] : memref<48x128xf32, #tpu.memory_space<vmem>> -> memref<40x128xf32, #tpu.memory_space<vmem>>
      %dma_start3A_196 = arith.constant 0 : i32
      %dma_start3A_197 = tpu.memref_slice %arg18[%add3A_43, %dma_start3A_196] : memref<10240x128xf32, #tpu.memory_space<vmem_shared>> -> memref<40x128xf32, #tpu.memory_space<vmem_shared>>
      %dma_start3A_198 = arith.constant 0 : i32
      %dma_start3A_199 = tpu.memref_slice %arg18[%add3A_43, %dma_start3A_198] : memref<10240x128xf32, #tpu.memory_space<vmem_shared>> -> memref<40x128xf32, #tpu.memory_space<vmem_shared>>
      %dma_start3A_200 = arith.constant 0 : i32
      %dma_start3A_201 = arith.constant 0 : i32
      %dma_start3A_202 = tpu.memref_slice %arg15[%dma_start3A_200, %dma_start3A_201] : memref<48x128xf32, #tpu.memory_space<vmem>> -> memref<40x128xf32, #tpu.memory_space<vmem>>
      tpu.enqueue_dma source(%dma_start3A_202 : memref<40x128xf32, #tpu.memory_space<vmem>>) target(%dma_start3A_199 : memref<40x128xf32, #tpu.memory_space<vmem_shared>>) target_semaphore(%run_scoped3A : memref<!tpu.dma_semaphore, #tpu.memory_space<semaphore_mem>>)
      %dma_wait3A = arith.constant 0 : i32
      %dma_wait3A_203 = arith.constant 0 : i32
      %dma_wait3A_204 = tpu.memref_slice %arg15[%dma_wait3A, %dma_wait3A_203] : memref<48x128xf32, #tpu.memory_space<vmem>> -> memref<40x128xf32, #tpu.memory_space<vmem>>
      %dma_wait3A_205 = arith.constant 0 : i32
      %dma_wait3A_206 = tpu.memref_slice %arg18[%add3A_43, %dma_wait3A_205] : memref<10240x128xf32, #tpu.memory_space<vmem_shared>> -> memref<40x128xf32, #tpu.memory_space<vmem_shared>>
      %dma_wait3A_207 = arith.constant 0 : i32
      %dma_wait3A_208 = tpu.memref_slice %arg18[%add3A_43, %dma_wait3A_207] : memref<10240x128xf32, #tpu.memory_space<vmem_shared>> -> memref<40x128xf32, #tpu.memory_space<vmem_shared>>
      %dma_wait3A_209 = arith.constant 0 : i32
      %dma_wait3A_210 = arith.constant 0 : i32
      %dma_wait3A_211 = tpu.memref_slice %arg15[%dma_wait3A_209, %dma_wait3A_210] : memref<48x128xf32, #tpu.memory_space<vmem>> -> memref<40x128xf32, #tpu.memory_space<vmem>>
      tpu.wait_dma2 semaphore(%run_scoped3A : memref<!tpu.dma_semaphore, #tpu.memory_space<semaphore_mem>>) src(%dma_wait3A_211 : memref<40x128xf32, #tpu.memory_space<vmem>>) dst(%dma_wait3A_208 : memref<40x128xf32, #tpu.memory_space<vmem_shared>>)
      tpu.yield
    }) : () -> ()
    %mul3A_44 = arith.constant 640 : i32
    %mul3A_45 = arith.muli %arg1, %mul3A_44 : i32
    %add3A_46 = arith.constant 360 : i32
    %add3A_47 = arith.addi %mul3A_45, %add3A_46 : i32
    "tpu.region"() ({
      %run_scoped3A = tpu.sem_alloc : memref<!tpu.dma_semaphore, #tpu.memory_space<semaphore_mem>>
      %dma_start3A = arith.constant 0 : i32
      %dma_start3A_194 = arith.constant 0 : i32
      %dma_start3A_195 = tpu.memref_slice %arg15[%dma_start3A, %dma_start3A_194] : memref<48x128xf32, #tpu.memory_space<vmem>> -> memref<40x128xf32, #tpu.memory_space<vmem>>
      %dma_start3A_196 = arith.constant 0 : i32
      %dma_start3A_197 = tpu.memref_slice %arg18[%add3A_47, %dma_start3A_196] : memref<10240x128xf32, #tpu.memory_space<vmem_shared>> -> memref<40x128xf32, #tpu.memory_space<vmem_shared>>
      %dma_start3A_198 = arith.constant 0 : i32
      %dma_start3A_199 = tpu.memref_slice %arg18[%add3A_47, %dma_start3A_198] : memref<10240x128xf32, #tpu.memory_space<vmem_shared>> -> memref<40x128xf32, #tpu.memory_space<vmem_shared>>
      %dma_start3A_200 = arith.constant 0 : i32
      %dma_start3A_201 = arith.constant 0 : i32
      %dma_start3A_202 = tpu.memref_slice %arg15[%dma_start3A_200, %dma_start3A_201] : memref<48x128xf32, #tpu.memory_space<vmem>> -> memref<40x128xf32, #tpu.memory_space<vmem>>
      tpu.enqueue_dma source(%dma_start3A_202 : memref<40x128xf32, #tpu.memory_space<vmem>>) target(%dma_start3A_199 : memref<40x128xf32, #tpu.memory_space<vmem_shared>>) target_semaphore(%run_scoped3A : memref<!tpu.dma_semaphore, #tpu.memory_space<semaphore_mem>>)
      %dma_wait3A = arith.constant 0 : i32
      %dma_wait3A_203 = arith.constant 0 : i32
      %dma_wait3A_204 = tpu.memref_slice %arg15[%dma_wait3A, %dma_wait3A_203] : memref<48x128xf32, #tpu.memory_space<vmem>> -> memref<40x128xf32, #tpu.memory_space<vmem>>
      %dma_wait3A_205 = arith.constant 0 : i32
      %dma_wait3A_206 = tpu.memref_slice %arg18[%add3A_47, %dma_wait3A_205] : memref<10240x128xf32, #tpu.memory_space<vmem_shared>> -> memref<40x128xf32, #tpu.memory_space<vmem_shared>>
      %dma_wait3A_207 = arith.constant 0 : i32
      %dma_wait3A_208 = tpu.memref_slice %arg18[%add3A_47, %dma_wait3A_207] : memref<10240x128xf32, #tpu.memory_space<vmem_shared>> -> memref<40x128xf32, #tpu.memory_space<vmem_shared>>
      %dma_wait3A_209 = arith.constant 0 : i32
      %dma_wait3A_210 = arith.constant 0 : i32
      %dma_wait3A_211 = tpu.memref_slice %arg15[%dma_wait3A_209, %dma_wait3A_210] : memref<48x128xf32, #tpu.memory_space<vmem>> -> memref<40x128xf32, #tpu.memory_space<vmem>>
      tpu.wait_dma2 semaphore(%run_scoped3A : memref<!tpu.dma_semaphore, #tpu.memory_space<semaphore_mem>>) src(%dma_wait3A_211 : memref<40x128xf32, #tpu.memory_space<vmem>>) dst(%dma_wait3A_208 : memref<40x128xf32, #tpu.memory_space<vmem_shared>>)
      tpu.yield
    }) : () -> ()
    %mul3A_48 = arith.constant 640 : i32
    %mul3A_49 = arith.muli %arg1, %mul3A_48 : i32
    %add3A_50 = arith.constant 400 : i32
    %add3A_51 = arith.addi %mul3A_49, %add3A_50 : i32
    "tpu.region"() ({
      %run_scoped3A = tpu.sem_alloc : memref<!tpu.dma_semaphore, #tpu.memory_space<semaphore_mem>>
      %dma_start3A = arith.constant 0 : i32
      %dma_start3A_194 = arith.constant 0 : i32
      %dma_start3A_195 = tpu.memref_slice %arg15[%dma_start3A, %dma_start3A_194] : memref<48x128xf32, #tpu.memory_space<vmem>> -> memref<40x128xf32, #tpu.memory_space<vmem>>
      %dma_start3A_196 = arith.constant 0 : i32
      %dma_start3A_197 = tpu.memref_slice %arg18[%add3A_51, %dma_start3A_196] : memref<10240x128xf32, #tpu.memory_space<vmem_shared>> -> memref<40x128xf32, #tpu.memory_space<vmem_shared>>
      %dma_start3A_198 = arith.constant 0 : i32
      %dma_start3A_199 = tpu.memref_slice %arg18[%add3A_51, %dma_start3A_198] : memref<10240x128xf32, #tpu.memory_space<vmem_shared>> -> memref<40x128xf32, #tpu.memory_space<vmem_shared>>
      %dma_start3A_200 = arith.constant 0 : i32
      %dma_start3A_201 = arith.constant 0 : i32
      %dma_start3A_202 = tpu.memref_slice %arg15[%dma_start3A_200, %dma_start3A_201] : memref<48x128xf32, #tpu.memory_space<vmem>> -> memref<40x128xf32, #tpu.memory_space<vmem>>
      tpu.enqueue_dma source(%dma_start3A_202 : memref<40x128xf32, #tpu.memory_space<vmem>>) target(%dma_start3A_199 : memref<40x128xf32, #tpu.memory_space<vmem_shared>>) target_semaphore(%run_scoped3A : memref<!tpu.dma_semaphore, #tpu.memory_space<semaphore_mem>>)
      %dma_wait3A = arith.constant 0 : i32
      %dma_wait3A_203 = arith.constant 0 : i32
      %dma_wait3A_204 = tpu.memref_slice %arg15[%dma_wait3A, %dma_wait3A_203] : memref<48x128xf32, #tpu.memory_space<vmem>> -> memref<40x128xf32, #tpu.memory_space<vmem>>
      %dma_wait3A_205 = arith.constant 0 : i32
      %dma_wait3A_206 = tpu.memref_slice %arg18[%add3A_51, %dma_wait3A_205] : memref<10240x128xf32, #tpu.memory_space<vmem_shared>> -> memref<40x128xf32, #tpu.memory_space<vmem_shared>>
      %dma_wait3A_207 = arith.constant 0 : i32
      %dma_wait3A_208 = tpu.memref_slice %arg18[%add3A_51, %dma_wait3A_207] : memref<10240x128xf32, #tpu.memory_space<vmem_shared>> -> memref<40x128xf32, #tpu.memory_space<vmem_shared>>
      %dma_wait3A_209 = arith.constant 0 : i32
      %dma_wait3A_210 = arith.constant 0 : i32
      %dma_wait3A_211 = tpu.memref_slice %arg15[%dma_wait3A_209, %dma_wait3A_210] : memref<48x128xf32, #tpu.memory_space<vmem>> -> memref<40x128xf32, #tpu.memory_space<vmem>>
      tpu.wait_dma2 semaphore(%run_scoped3A : memref<!tpu.dma_semaphore, #tpu.memory_space<semaphore_mem>>) src(%dma_wait3A_211 : memref<40x128xf32, #tpu.memory_space<vmem>>) dst(%dma_wait3A_208 : memref<40x128xf32, #tpu.memory_space<vmem_shared>>)
      tpu.yield
    }) : () -> ()
    %mul3A_52 = arith.constant 640 : i32
    %mul3A_53 = arith.muli %arg1, %mul3A_52 : i32
    %add3A_54 = arith.constant 440 : i32
    %add3A_55 = arith.addi %mul3A_53, %add3A_54 : i32
    "tpu.region"() ({
      %run_scoped3A = tpu.sem_alloc : memref<!tpu.dma_semaphore, #tpu.memory_space<semaphore_mem>>
      %dma_start3A = arith.constant 0 : i32
      %dma_start3A_194 = arith.constant 0 : i32
      %dma_start3A_195 = tpu.memref_slice %arg15[%dma_start3A, %dma_start3A_194] : memref<48x128xf32, #tpu.memory_space<vmem>> -> memref<40x128xf32, #tpu.memory_space<vmem>>
      %dma_start3A_196 = arith.constant 0 : i32
      %dma_start3A_197 = tpu.memref_slice %arg18[%add3A_55, %dma_start3A_196] : memref<10240x128xf32, #tpu.memory_space<vmem_shared>> -> memref<40x128xf32, #tpu.memory_space<vmem_shared>>
      %dma_start3A_198 = arith.constant 0 : i32
      %dma_start3A_199 = tpu.memref_slice %arg18[%add3A_55, %dma_start3A_198] : memref<10240x128xf32, #tpu.memory_space<vmem_shared>> -> memref<40x128xf32, #tpu.memory_space<vmem_shared>>
      %dma_start3A_200 = arith.constant 0 : i32
      %dma_start3A_201 = arith.constant 0 : i32
      %dma_start3A_202 = tpu.memref_slice %arg15[%dma_start3A_200, %dma_start3A_201] : memref<48x128xf32, #tpu.memory_space<vmem>> -> memref<40x128xf32, #tpu.memory_space<vmem>>
      tpu.enqueue_dma source(%dma_start3A_202 : memref<40x128xf32, #tpu.memory_space<vmem>>) target(%dma_start3A_199 : memref<40x128xf32, #tpu.memory_space<vmem_shared>>) target_semaphore(%run_scoped3A : memref<!tpu.dma_semaphore, #tpu.memory_space<semaphore_mem>>)
      %dma_wait3A = arith.constant 0 : i32
      %dma_wait3A_203 = arith.constant 0 : i32
      %dma_wait3A_204 = tpu.memref_slice %arg15[%dma_wait3A, %dma_wait3A_203] : memref<48x128xf32, #tpu.memory_space<vmem>> -> memref<40x128xf32, #tpu.memory_space<vmem>>
      %dma_wait3A_205 = arith.constant 0 : i32
      %dma_wait3A_206 = tpu.memref_slice %arg18[%add3A_55, %dma_wait3A_205] : memref<10240x128xf32, #tpu.memory_space<vmem_shared>> -> memref<40x128xf32, #tpu.memory_space<vmem_shared>>
      %dma_wait3A_207 = arith.constant 0 : i32
      %dma_wait3A_208 = tpu.memref_slice %arg18[%add3A_55, %dma_wait3A_207] : memref<10240x128xf32, #tpu.memory_space<vmem_shared>> -> memref<40x128xf32, #tpu.memory_space<vmem_shared>>
      %dma_wait3A_209 = arith.constant 0 : i32
      %dma_wait3A_210 = arith.constant 0 : i32
      %dma_wait3A_211 = tpu.memref_slice %arg15[%dma_wait3A_209, %dma_wait3A_210] : memref<48x128xf32, #tpu.memory_space<vmem>> -> memref<40x128xf32, #tpu.memory_space<vmem>>
      tpu.wait_dma2 semaphore(%run_scoped3A : memref<!tpu.dma_semaphore, #tpu.memory_space<semaphore_mem>>) src(%dma_wait3A_211 : memref<40x128xf32, #tpu.memory_space<vmem>>) dst(%dma_wait3A_208 : memref<40x128xf32, #tpu.memory_space<vmem_shared>>)
      tpu.yield
    }) : () -> ()
    %mul3A_56 = arith.constant 640 : i32
    %mul3A_57 = arith.muli %arg1, %mul3A_56 : i32
    %add3A_58 = arith.constant 480 : i32
    %add3A_59 = arith.addi %mul3A_57, %add3A_58 : i32
    "tpu.region"() ({
      %run_scoped3A = tpu.sem_alloc : memref<!tpu.dma_semaphore, #tpu.memory_space<semaphore_mem>>
      %dma_start3A = arith.constant 0 : i32
      %dma_start3A_194 = arith.constant 0 : i32
      %dma_start3A_195 = tpu.memref_slice %arg15[%dma_start3A, %dma_start3A_194] : memref<48x128xf32, #tpu.memory_space<vmem>> -> memref<40x128xf32, #tpu.memory_space<vmem>>
      %dma_start3A_196 = arith.constant 0 : i32
      %dma_start3A_197 = tpu.memref_slice %arg18[%add3A_59, %dma_start3A_196] : memref<10240x128xf32, #tpu.memory_space<vmem_shared>> -> memref<40x128xf32, #tpu.memory_space<vmem_shared>>
      %dma_start3A_198 = arith.constant 0 : i32
      %dma_start3A_199 = tpu.memref_slice %arg18[%add3A_59, %dma_start3A_198] : memref<10240x128xf32, #tpu.memory_space<vmem_shared>> -> memref<40x128xf32, #tpu.memory_space<vmem_shared>>
      %dma_start3A_200 = arith.constant 0 : i32
      %dma_start3A_201 = arith.constant 0 : i32
      %dma_start3A_202 = tpu.memref_slice %arg15[%dma_start3A_200, %dma_start3A_201] : memref<48x128xf32, #tpu.memory_space<vmem>> -> memref<40x128xf32, #tpu.memory_space<vmem>>
      tpu.enqueue_dma source(%dma_start3A_202 : memref<40x128xf32, #tpu.memory_space<vmem>>) target(%dma_start3A_199 : memref<40x128xf32, #tpu.memory_space<vmem_shared>>) target_semaphore(%run_scoped3A : memref<!tpu.dma_semaphore, #tpu.memory_space<semaphore_mem>>)
      %dma_wait3A = arith.constant 0 : i32
      %dma_wait3A_203 = arith.constant 0 : i32
      %dma_wait3A_204 = tpu.memref_slice %arg15[%dma_wait3A, %dma_wait3A_203] : memref<48x128xf32, #tpu.memory_space<vmem>> -> memref<40x128xf32, #tpu.memory_space<vmem>>
      %dma_wait3A_205 = arith.constant 0 : i32
      %dma_wait3A_206 = tpu.memref_slice %arg18[%add3A_59, %dma_wait3A_205] : memref<10240x128xf32, #tpu.memory_space<vmem_shared>> -> memref<40x128xf32, #tpu.memory_space<vmem_shared>>
      %dma_wait3A_207 = arith.constant 0 : i32
      %dma_wait3A_208 = tpu.memref_slice %arg18[%add3A_59, %dma_wait3A_207] : memref<10240x128xf32, #tpu.memory_space<vmem_shared>> -> memref<40x128xf32, #tpu.memory_space<vmem_shared>>
      %dma_wait3A_209 = arith.constant 0 : i32
      %dma_wait3A_210 = arith.constant 0 : i32
      %dma_wait3A_211 = tpu.memref_slice %arg15[%dma_wait3A_209, %dma_wait3A_210] : memref<48x128xf32, #tpu.memory_space<vmem>> -> memref<40x128xf32, #tpu.memory_space<vmem>>
      tpu.wait_dma2 semaphore(%run_scoped3A : memref<!tpu.dma_semaphore, #tpu.memory_space<semaphore_mem>>) src(%dma_wait3A_211 : memref<40x128xf32, #tpu.memory_space<vmem>>) dst(%dma_wait3A_208 : memref<40x128xf32, #tpu.memory_space<vmem_shared>>)
      tpu.yield
    }) : () -> ()
    %mul3A_60 = arith.constant 640 : i32
    %mul3A_61 = arith.muli %arg1, %mul3A_60 : i32
    %add3A_62 = arith.constant 520 : i32
    %add3A_63 = arith.addi %mul3A_61, %add3A_62 : i32
    "tpu.region"() ({
      %run_scoped3A = tpu.sem_alloc : memref<!tpu.dma_semaphore, #tpu.memory_space<semaphore_mem>>
      %dma_start3A = arith.constant 0 : i32
      %dma_start3A_194 = arith.constant 0 : i32
      %dma_start3A_195 = tpu.memref_slice %arg15[%dma_start3A, %dma_start3A_194] : memref<48x128xf32, #tpu.memory_space<vmem>> -> memref<40x128xf32, #tpu.memory_space<vmem>>
      %dma_start3A_196 = arith.constant 0 : i32
      %dma_start3A_197 = tpu.memref_slice %arg18[%add3A_63, %dma_start3A_196] : memref<10240x128xf32, #tpu.memory_space<vmem_shared>> -> memref<40x128xf32, #tpu.memory_space<vmem_shared>>
      %dma_start3A_198 = arith.constant 0 : i32
      %dma_start3A_199 = tpu.memref_slice %arg18[%add3A_63, %dma_start3A_198] : memref<10240x128xf32, #tpu.memory_space<vmem_shared>> -> memref<40x128xf32, #tpu.memory_space<vmem_shared>>
      %dma_start3A_200 = arith.constant 0 : i32
      %dma_start3A_201 = arith.constant 0 : i32
      %dma_start3A_202 = tpu.memref_slice %arg15[%dma_start3A_200, %dma_start3A_201] : memref<48x128xf32, #tpu.memory_space<vmem>> -> memref<40x128xf32, #tpu.memory_space<vmem>>
      tpu.enqueue_dma source(%dma_start3A_202 : memref<40x128xf32, #tpu.memory_space<vmem>>) target(%dma_start3A_199 : memref<40x128xf32, #tpu.memory_space<vmem_shared>>) target_semaphore(%run_scoped3A : memref<!tpu.dma_semaphore, #tpu.memory_space<semaphore_mem>>)
      %dma_wait3A = arith.constant 0 : i32
      %dma_wait3A_203 = arith.constant 0 : i32
      %dma_wait3A_204 = tpu.memref_slice %arg15[%dma_wait3A, %dma_wait3A_203] : memref<48x128xf32, #tpu.memory_space<vmem>> -> memref<40x128xf32, #tpu.memory_space<vmem>>
      %dma_wait3A_205 = arith.constant 0 : i32
      %dma_wait3A_206 = tpu.memref_slice %arg18[%add3A_63, %dma_wait3A_205] : memref<10240x128xf32, #tpu.memory_space<vmem_shared>> -> memref<40x128xf32, #tpu.memory_space<vmem_shared>>
      %dma_wait3A_207 = arith.constant 0 : i32
      %dma_wait3A_208 = tpu.memref_slice %arg18[%add3A_63, %dma_wait3A_207] : memref<10240x128xf32, #tpu.memory_space<vmem_shared>> -> memref<40x128xf32, #tpu.memory_space<vmem_shared>>
      %dma_wait3A_209 = arith.constant 0 : i32
      %dma_wait3A_210 = arith.constant 0 : i32
      %dma_wait3A_211 = tpu.memref_slice %arg15[%dma_wait3A_209, %dma_wait3A_210] : memref<48x128xf32, #tpu.memory_space<vmem>> -> memref<40x128xf32, #tpu.memory_space<vmem>>
      tpu.wait_dma2 semaphore(%run_scoped3A : memref<!tpu.dma_semaphore, #tpu.memory_space<semaphore_mem>>) src(%dma_wait3A_211 : memref<40x128xf32, #tpu.memory_space<vmem>>) dst(%dma_wait3A_208 : memref<40x128xf32, #tpu.memory_space<vmem_shared>>)
      tpu.yield
    }) : () -> ()
    %mul3A_64 = arith.constant 640 : i32
    %mul3A_65 = arith.muli %arg1, %mul3A_64 : i32
    %add3A_66 = arith.constant 560 : i32
    %add3A_67 = arith.addi %mul3A_65, %add3A_66 : i32
    "tpu.region"() ({
      %run_scoped3A = tpu.sem_alloc : memref<!tpu.dma_semaphore, #tpu.memory_space<semaphore_mem>>
      %dma_start3A = arith.constant 0 : i32
      %dma_start3A_194 = arith.constant 0 : i32
      %dma_start3A_195 = tpu.memref_slice %arg15[%dma_start3A, %dma_start3A_194] : memref<48x128xf32, #tpu.memory_space<vmem>> -> memref<40x128xf32, #tpu.memory_space<vmem>>
      %dma_start3A_196 = arith.constant 0 : i32
      %dma_start3A_197 = tpu.memref_slice %arg18[%add3A_67, %dma_start3A_196] : memref<10240x128xf32, #tpu.memory_space<vmem_shared>> -> memref<40x128xf32, #tpu.memory_space<vmem_shared>>
      %dma_start3A_198 = arith.constant 0 : i32
      %dma_start3A_199 = tpu.memref_slice %arg18[%add3A_67, %dma_start3A_198] : memref<10240x128xf32, #tpu.memory_space<vmem_shared>> -> memref<40x128xf32, #tpu.memory_space<vmem_shared>>
      %dma_start3A_200 = arith.constant 0 : i32
      %dma_start3A_201 = arith.constant 0 : i32
      %dma_start3A_202 = tpu.memref_slice %arg15[%dma_start3A_200, %dma_start3A_201] : memref<48x128xf32, #tpu.memory_space<vmem>> -> memref<40x128xf32, #tpu.memory_space<vmem>>
      tpu.enqueue_dma source(%dma_start3A_202 : memref<40x128xf32, #tpu.memory_space<vmem>>) target(%dma_start3A_199 : memref<40x128xf32, #tpu.memory_space<vmem_shared>>) target_semaphore(%run_scoped3A : memref<!tpu.dma_semaphore, #tpu.memory_space<semaphore_mem>>)
      %dma_wait3A = arith.constant 0 : i32
      %dma_wait3A_203 = arith.constant 0 : i32
      %dma_wait3A_204 = tpu.memref_slice %arg15[%dma_wait3A, %dma_wait3A_203] : memref<48x128xf32, #tpu.memory_space<vmem>> -> memref<40x128xf32, #tpu.memory_space<vmem>>
      %dma_wait3A_205 = arith.constant 0 : i32
      %dma_wait3A_206 = tpu.memref_slice %arg18[%add3A_67, %dma_wait3A_205] : memref<10240x128xf32, #tpu.memory_space<vmem_shared>> -> memref<40x128xf32, #tpu.memory_space<vmem_shared>>
      %dma_wait3A_207 = arith.constant 0 : i32
      %dma_wait3A_208 = tpu.memref_slice %arg18[%add3A_67, %dma_wait3A_207] : memref<10240x128xf32, #tpu.memory_space<vmem_shared>> -> memref<40x128xf32, #tpu.memory_space<vmem_shared>>
      %dma_wait3A_209 = arith.constant 0 : i32
      %dma_wait3A_210 = arith.constant 0 : i32
      %dma_wait3A_211 = tpu.memref_slice %arg15[%dma_wait3A_209, %dma_wait3A_210] : memref<48x128xf32, #tpu.memory_space<vmem>> -> memref<40x128xf32, #tpu.memory_space<vmem>>
      tpu.wait_dma2 semaphore(%run_scoped3A : memref<!tpu.dma_semaphore, #tpu.memory_space<semaphore_mem>>) src(%dma_wait3A_211 : memref<40x128xf32, #tpu.memory_space<vmem>>) dst(%dma_wait3A_208 : memref<40x128xf32, #tpu.memory_space<vmem_shared>>)
      tpu.yield
    }) : () -> ()
    %mul3A_68 = arith.constant 640 : i32
    %mul3A_69 = arith.muli %arg1, %mul3A_68 : i32
    %add3A_70 = arith.constant 600 : i32
    %add3A_71 = arith.addi %mul3A_69, %add3A_70 : i32
    "tpu.region"() ({
      %run_scoped3A = tpu.sem_alloc : memref<!tpu.dma_semaphore, #tpu.memory_space<semaphore_mem>>
      %dma_start3A = arith.constant 0 : i32
      %dma_start3A_194 = arith.constant 0 : i32
      %dma_start3A_195 = tpu.memref_slice %arg15[%dma_start3A, %dma_start3A_194] : memref<48x128xf32, #tpu.memory_space<vmem>> -> memref<40x128xf32, #tpu.memory_space<vmem>>
      %dma_start3A_196 = arith.constant 0 : i32
      %dma_start3A_197 = tpu.memref_slice %arg18[%add3A_71, %dma_start3A_196] : memref<10240x128xf32, #tpu.memory_space<vmem_shared>> -> memref<40x128xf32, #tpu.memory_space<vmem_shared>>
      %dma_start3A_198 = arith.constant 0 : i32
      %dma_start3A_199 = tpu.memref_slice %arg18[%add3A_71, %dma_start3A_198] : memref<10240x128xf32, #tpu.memory_space<vmem_shared>> -> memref<40x128xf32, #tpu.memory_space<vmem_shared>>
      %dma_start3A_200 = arith.constant 0 : i32
      %dma_start3A_201 = arith.constant 0 : i32
      %dma_start3A_202 = tpu.memref_slice %arg15[%dma_start3A_200, %dma_start3A_201] : memref<48x128xf32, #tpu.memory_space<vmem>> -> memref<40x128xf32, #tpu.memory_space<vmem>>
      tpu.enqueue_dma source(%dma_start3A_202 : memref<40x128xf32, #tpu.memory_space<vmem>>) target(%dma_start3A_199 : memref<40x128xf32, #tpu.memory_space<vmem_shared>>) target_semaphore(%run_scoped3A : memref<!tpu.dma_semaphore, #tpu.memory_space<semaphore_mem>>)
      %dma_wait3A = arith.constant 0 : i32
      %dma_wait3A_203 = arith.constant 0 : i32
      %dma_wait3A_204 = tpu.memref_slice %arg15[%dma_wait3A, %dma_wait3A_203] : memref<48x128xf32, #tpu.memory_space<vmem>> -> memref<40x128xf32, #tpu.memory_space<vmem>>
      %dma_wait3A_205 = arith.constant 0 : i32
      %dma_wait3A_206 = tpu.memref_slice %arg18[%add3A_71, %dma_wait3A_205] : memref<10240x128xf32, #tpu.memory_space<vmem_shared>> -> memref<40x128xf32, #tpu.memory_space<vmem_shared>>
      %dma_wait3A_207 = arith.constant 0 : i32
      %dma_wait3A_208 = tpu.memref_slice %arg18[%add3A_71, %dma_wait3A_207] : memref<10240x128xf32, #tpu.memory_space<vmem_shared>> -> memref<40x128xf32, #tpu.memory_space<vmem_shared>>
      %dma_wait3A_209 = arith.constant 0 : i32
      %dma_wait3A_210 = arith.constant 0 : i32
      %dma_wait3A_211 = tpu.memref_slice %arg15[%dma_wait3A_209, %dma_wait3A_210] : memref<48x128xf32, #tpu.memory_space<vmem>> -> memref<40x128xf32, #tpu.memory_space<vmem>>
      tpu.wait_dma2 semaphore(%run_scoped3A : memref<!tpu.dma_semaphore, #tpu.memory_space<semaphore_mem>>) src(%dma_wait3A_211 : memref<40x128xf32, #tpu.memory_space<vmem>>) dst(%dma_wait3A_208 : memref<40x128xf32, #tpu.memory_space<vmem_shared>>)
      tpu.yield
    }) : () -> ()
    %mul3A_72 = arith.constant 80 : i32
    %mul3A_73 = arith.muli %arg1, %mul3A_72 : i32
    %add3A_74 = arith.constant 0 : i32
    %add3A_75 = arith.addi %mul3A_73, %add3A_74 : i32
    "tpu.region"() ({
      %run_scoped3A = tpu.sem_alloc : memref<!tpu.dma_semaphore, #tpu.memory_space<semaphore_mem>>
      %dma_start3A = arith.constant 0 : i32
      %dma_start3A_194 = arith.constant 0 : i32
      %dma_start3A_195 = tpu.memref_slice %arg16[%dma_start3A, %dma_start3A_194] : memref<48x128xf32, #tpu.memory_space<vmem>> -> memref<40x128xf32, #tpu.memory_space<vmem>>
      %dma_start3A_196 = arith.constant 0 : i32
      %dma_start3A_197 = tpu.memref_slice %arg19[%add3A_75, %dma_start3A_196] : memref<1280x128xf32, #tpu.memory_space<vmem_shared>> -> memref<40x128xf32, #tpu.memory_space<vmem_shared>>
      %dma_start3A_198 = arith.constant 0 : i32
      %dma_start3A_199 = tpu.memref_slice %arg19[%add3A_75, %dma_start3A_198] : memref<1280x128xf32, #tpu.memory_space<vmem_shared>> -> memref<40x128xf32, #tpu.memory_space<vmem_shared>>
      %dma_start3A_200 = arith.constant 0 : i32
      %dma_start3A_201 = arith.constant 0 : i32
      %dma_start3A_202 = tpu.memref_slice %arg16[%dma_start3A_200, %dma_start3A_201] : memref<48x128xf32, #tpu.memory_space<vmem>> -> memref<40x128xf32, #tpu.memory_space<vmem>>
      tpu.enqueue_dma source(%dma_start3A_202 : memref<40x128xf32, #tpu.memory_space<vmem>>) target(%dma_start3A_199 : memref<40x128xf32, #tpu.memory_space<vmem_shared>>) target_semaphore(%run_scoped3A : memref<!tpu.dma_semaphore, #tpu.memory_space<semaphore_mem>>)
      %dma_wait3A = arith.constant 0 : i32
      %dma_wait3A_203 = arith.constant 0 : i32
      %dma_wait3A_204 = tpu.memref_slice %arg16[%dma_wait3A, %dma_wait3A_203] : memref<48x128xf32, #tpu.memory_space<vmem>> -> memref<40x128xf32, #tpu.memory_space<vmem>>
      %dma_wait3A_205 = arith.constant 0 : i32
      %dma_wait3A_206 = tpu.memref_slice %arg19[%add3A_75, %dma_wait3A_205] : memref<1280x128xf32, #tpu.memory_space<vmem_shared>> -> memref<40x128xf32, #tpu.memory_space<vmem_shared>>
      %dma_wait3A_207 = arith.constant 0 : i32
      %dma_wait3A_208 = tpu.memref_slice %arg19[%add3A_75, %dma_wait3A_207] : memref<1280x128xf32, #tpu.memory_space<vmem_shared>> -> memref<40x128xf32, #tpu.memory_space<vmem_shared>>
      %dma_wait3A_209 = arith.constant 0 : i32
      %dma_wait3A_210 = arith.constant 0 : i32
      %dma_wait3A_211 = tpu.memref_slice %arg16[%dma_wait3A_209, %dma_wait3A_210] : memref<48x128xf32, #tpu.memory_space<vmem>> -> memref<40x128xf32, #tpu.memory_space<vmem>>
      tpu.wait_dma2 semaphore(%run_scoped3A : memref<!tpu.dma_semaphore, #tpu.memory_space<semaphore_mem>>) src(%dma_wait3A_211 : memref<40x128xf32, #tpu.memory_space<vmem>>) dst(%dma_wait3A_208 : memref<40x128xf32, #tpu.memory_space<vmem_shared>>)
      tpu.yield
    }) : () -> ()
    %mul3A_76 = arith.constant 80 : i32
    %mul3A_77 = arith.muli %arg1, %mul3A_76 : i32
    %add3A_78 = arith.constant 40 : i32
    %add3A_79 = arith.addi %mul3A_77, %add3A_78 : i32
    "tpu.region"() ({
      %run_scoped3A = tpu.sem_alloc : memref<!tpu.dma_semaphore, #tpu.memory_space<semaphore_mem>>
      %dma_start3A = arith.constant 0 : i32
      %dma_start3A_194 = arith.constant 0 : i32
      %dma_start3A_195 = tpu.memref_slice %arg16[%dma_start3A, %dma_start3A_194] : memref<48x128xf32, #tpu.memory_space<vmem>> -> memref<40x128xf32, #tpu.memory_space<vmem>>
      %dma_start3A_196 = arith.constant 0 : i32
      %dma_start3A_197 = tpu.memref_slice %arg19[%add3A_79, %dma_start3A_196] : memref<1280x128xf32, #tpu.memory_space<vmem_shared>> -> memref<40x128xf32, #tpu.memory_space<vmem_shared>>
      %dma_start3A_198 = arith.constant 0 : i32
      %dma_start3A_199 = tpu.memref_slice %arg19[%add3A_79, %dma_start3A_198] : memref<1280x128xf32, #tpu.memory_space<vmem_shared>> -> memref<40x128xf32, #tpu.memory_space<vmem_shared>>
      %dma_start3A_200 = arith.constant 0 : i32
      %dma_start3A_201 = arith.constant 0 : i32
      %dma_start3A_202 = tpu.memref_slice %arg16[%dma_start3A_200, %dma_start3A_201] : memref<48x128xf32, #tpu.memory_space<vmem>> -> memref<40x128xf32, #tpu.memory_space<vmem>>
      tpu.enqueue_dma source(%dma_start3A_202 : memref<40x128xf32, #tpu.memory_space<vmem>>) target(%dma_start3A_199 : memref<40x128xf32, #tpu.memory_space<vmem_shared>>) target_semaphore(%run_scoped3A : memref<!tpu.dma_semaphore, #tpu.memory_space<semaphore_mem>>)
      %dma_wait3A = arith.constant 0 : i32
      %dma_wait3A_203 = arith.constant 0 : i32
      %dma_wait3A_204 = tpu.memref_slice %arg16[%dma_wait3A, %dma_wait3A_203] : memref<48x128xf32, #tpu.memory_space<vmem>> -> memref<40x128xf32, #tpu.memory_space<vmem>>
      %dma_wait3A_205 = arith.constant 0 : i32
      %dma_wait3A_206 = tpu.memref_slice %arg19[%add3A_79, %dma_wait3A_205] : memref<1280x128xf32, #tpu.memory_space<vmem_shared>> -> memref<40x128xf32, #tpu.memory_space<vmem_shared>>
      %dma_wait3A_207 = arith.constant 0 : i32
      %dma_wait3A_208 = tpu.memref_slice %arg19[%add3A_79, %dma_wait3A_207] : memref<1280x128xf32, #tpu.memory_space<vmem_shared>> -> memref<40x128xf32, #tpu.memory_space<vmem_shared>>
      %dma_wait3A_209 = arith.constant 0 : i32
      %dma_wait3A_210 = arith.constant 0 : i32
      %dma_wait3A_211 = tpu.memref_slice %arg16[%dma_wait3A_209, %dma_wait3A_210] : memref<48x128xf32, #tpu.memory_space<vmem>> -> memref<40x128xf32, #tpu.memory_space<vmem>>
      tpu.wait_dma2 semaphore(%run_scoped3A : memref<!tpu.dma_semaphore, #tpu.memory_space<semaphore_mem>>) src(%dma_wait3A_211 : memref<40x128xf32, #tpu.memory_space<vmem>>) dst(%dma_wait3A_208 : memref<40x128xf32, #tpu.memory_space<vmem_shared>>)
      tpu.yield
    }) : () -> ()
    %barrier3A = arith.constant 0 : index
    tpu.barrier barrier_id(%barrier3A)
    %eq3A = arith.constant 0 : i32
    %eq3A_80 = vector.broadcast %eq3A : i32 to vector<16xi32>
    %eq3A_81 = arith.cmpi eq, %iota3A, %eq3A_80 : vector<16xi32>
    %eq3A_82 = arith.constant 1 : i32
    %eq3A_83 = vector.broadcast %eq3A_82 : i32 to vector<16xi32>
    %eq3A_84 = arith.cmpi eq, %iota3A, %eq3A_83 : vector<16xi32>
    %eq3A_85 = arith.constant 2 : i32
    %eq3A_86 = vector.broadcast %eq3A_85 : i32 to vector<16xi32>
    %eq3A_87 = arith.cmpi eq, %iota3A, %eq3A_86 : vector<16xi32>
    %eq3A_88 = arith.constant 3 : i32
    %eq3A_89 = vector.broadcast %eq3A_88 : i32 to vector<16xi32>
    %eq3A_90 = arith.cmpi eq, %iota3A, %eq3A_89 : vector<16xi32>
    %eq3A_91 = arith.constant 4 : i32
    %eq3A_92 = vector.broadcast %eq3A_91 : i32 to vector<16xi32>
    %eq3A_93 = arith.cmpi eq, %iota3A, %eq3A_92 : vector<16xi32>
    %eq3A_94 = arith.constant 5 : i32
    %eq3A_95 = vector.broadcast %eq3A_94 : i32 to vector<16xi32>
    %eq3A_96 = arith.cmpi eq, %iota3A, %eq3A_95 : vector<16xi32>
    %eq3A_97 = arith.constant 6 : i32
    %eq3A_98 = vector.broadcast %eq3A_97 : i32 to vector<16xi32>
    %eq3A_99 = arith.cmpi eq, %iota3A, %eq3A_98 : vector<16xi32>
    %eq3A_100 = arith.constant 7 : i32
    %eq3A_101 = vector.broadcast %eq3A_100 : i32 to vector<16xi32>
    %eq3A_102 = arith.cmpi eq, %iota3A, %eq3A_101 : vector<16xi32>
    %xor3A = arith.constant 1 : i32
    %xor3A_103 = vector.broadcast %xor3A : i32 to vector<16xi32>
    %xor3A_104 = arith.xori %iota3A, %xor3A_103 : vector<16xi32>
    %xor3A_105 = arith.constant 2 : i32
    %xor3A_106 = vector.broadcast %xor3A_105 : i32 to vector<16xi32>
    %xor3A_107 = arith.xori %iota3A, %xor3A_106 : vector<16xi32>
    %xor3A_108 = arith.constant 4 : i32
    %xor3A_109 = vector.broadcast %xor3A_108 : i32 to vector<16xi32>
    %xor3A_110 = arith.xori %iota3A, %xor3A_109 : vector<16xi32>
    %xor3A_111 = arith.constant 8 : i32
    %xor3A_112 = vector.broadcast %xor3A_111 : i32 to vector<16xi32>
    %xor3A_113 = arith.xori %iota3A, %xor3A_112 : vector<16xi32>
    %scan3A_114 = arith.constant 0 : i32
    %scan3A_115 = arith.constant 0 : i32
    %scan3A_116 = arith.constant 209 : i32
    %scan3A_117 = arith.addi %scan3A_115, %scan3A_116 : i32
    %scan3A_118 = arith.constant 1 : i32
    %scan3A_119 = scf.for %scan3A_194 = %scan3A_115 to %scan3A_117 step %scan3A_118 iter_args(%scan3A_195 = %scan3A_114) -> (i32)  : i32 {
      %mul3A_196 = arith.constant 209 : i32
      %mul3A_197 = arith.muli %add3A, %mul3A_196 : i32
      %add3A_198 = arith.addi %mul3A_197, %scan3A_194 : i32
      %mul3A_199 = arith.constant 48 : i32
      %mul3A_200 = arith.muli %add3A_198, %mul3A_199 : i32
      "tpu.region"() ({
        %run_scoped3A = tpu.sem_alloc : memref<!tpu.dma_semaphore, #tpu.memory_space<semaphore_mem>>
        %dma_start3A_238 = tpu.memref_slice %arg5[%mul3A_200] : memref<321024xi32, #tpu.memory_space<hbm>> -> memref<48xi32, #tpu.memory_space<hbm>>
        %dma_start3A_239 = tpu.memref_slice %arg5[%mul3A_200] : memref<321024xi32, #tpu.memory_space<hbm>> -> memref<48xi32, #tpu.memory_space<hbm>>
        tpu.enqueue_dma source(%dma_start3A_239 : memref<48xi32, #tpu.memory_space<hbm>>) target(%arg9 : memref<48xi32, #tpu.memory_space<vmem>>) target_semaphore(%run_scoped3A : memref<!tpu.dma_semaphore, #tpu.memory_space<semaphore_mem>>)
        %dma_wait3A_240 = tpu.memref_slice %arg5[%mul3A_200] : memref<321024xi32, #tpu.memory_space<hbm>> -> memref<48xi32, #tpu.memory_space<hbm>>
        %dma_wait3A_241 = tpu.memref_slice %arg5[%mul3A_200] : memref<321024xi32, #tpu.memory_space<hbm>> -> memref<48xi32, #tpu.memory_space<hbm>>
        tpu.wait_dma2 semaphore(%run_scoped3A : memref<!tpu.dma_semaphore, #tpu.memory_space<semaphore_mem>>) src(%dma_wait3A_241 : memref<48xi32, #tpu.memory_space<hbm>>) dst(%arg9 : memref<48xi32, #tpu.memory_space<vmem>>)
        tpu.yield
      }) : () -> ()
      "tpu.region"() ({
        %run_scoped3A = tpu.sem_alloc : memref<!tpu.dma_semaphore, #tpu.memory_space<semaphore_mem>>
        %dma_start3A_238 = tpu.memref_slice %arg6[%mul3A_200] : memref<321024xi32, #tpu.memory_space<hbm>> -> memref<48xi32, #tpu.memory_space<hbm>>
        %dma_start3A_239 = tpu.memref_slice %arg6[%mul3A_200] : memref<321024xi32, #tpu.memory_space<hbm>> -> memref<48xi32, #tpu.memory_space<hbm>>
        tpu.enqueue_dma source(%dma_start3A_239 : memref<48xi32, #tpu.memory_space<hbm>>) target(%arg10 : memref<48xi32, #tpu.memory_space<vmem>>) target_semaphore(%run_scoped3A : memref<!tpu.dma_semaphore, #tpu.memory_space<semaphore_mem>>)
        %dma_wait3A_240 = tpu.memref_slice %arg6[%mul3A_200] : memref<321024xi32, #tpu.memory_space<hbm>> -> memref<48xi32, #tpu.memory_space<hbm>>
        %dma_wait3A_241 = tpu.memref_slice %arg6[%mul3A_200] : memref<321024xi32, #tpu.memory_space<hbm>> -> memref<48xi32, #tpu.memory_space<hbm>>
        tpu.wait_dma2 semaphore(%run_scoped3A : memref<!tpu.dma_semaphore, #tpu.memory_space<semaphore_mem>>) src(%dma_wait3A_241 : memref<48xi32, #tpu.memory_space<hbm>>) dst(%arg10 : memref<48xi32, #tpu.memory_space<vmem>>)
        tpu.yield
      }) : () -> ()
      %get3A = arith.constant 0 : index
      %get3A_201 = tpu.vector_load %arg10[%get3A] {strides = array<i32>} : memref<48xi32, #tpu.memory_space<vmem>>, vector<16xi32>,
      %shift_right_logical3A = arith.constant 3 : i32
      %shift_right_logical3A_202 = vector.broadcast %shift_right_logical3A : i32 to vector<16xi32>
      %shift_right_logical3A_203 = arith.shrui %get3A_201, %shift_right_logical3A_202 : vector<16xi32>
      %swap3A = arith.constant 0 : index
      %swap3A_204 = tpu.vector_load %arg11[%swap3A] {strides = array<i32>} : memref<48xi32, #tpu.memory_space<vmem>>, vector<16xi32>,
      tpu.vector_store %arg11[%swap3A], %shift_right_logical3A_203 {strides = array<i32>} : memref<48xi32, #tpu.memory_space<vmem>>, vector<16xi32>,
      %get3A_205 = arith.constant 16 : index
      %get3A_206 = tpu.vector_load %arg10[%get3A_205] {strides = array<i32>} : memref<48xi32, #tpu.memory_space<vmem>>, vector<16xi32>,
      %shift_right_logical3A_207 = arith.constant 3 : i32
      %shift_right_logical3A_208 = vector.broadcast %shift_right_logical3A_207 : i32 to vector<16xi32>
      %shift_right_logical3A_209 = arith.shrui %get3A_206, %shift_right_logical3A_208 : vector<16xi32>
      %swap3A_210 = arith.constant 16 : index
      %swap3A_211 = tpu.vector_load %arg11[%swap3A_210] {strides = array<i32>} : memref<48xi32, #tpu.memory_space<vmem>>, vector<16xi32>,
      tpu.vector_store %arg11[%swap3A_210], %shift_right_logical3A_209 {strides = array<i32>} : memref<48xi32, #tpu.memory_space<vmem>>, vector<16xi32>,
      %get3A_212 = arith.constant 32 : index
      %get3A_213 = tpu.vector_load %arg10[%get3A_212] {strides = array<i32>} : memref<48xi32, #tpu.memory_space<vmem>>, vector<16xi32>,
      %shift_right_logical3A_214 = arith.constant 3 : i32
      %shift_right_logical3A_215 = vector.broadcast %shift_right_logical3A_214 : i32 to vector<16xi32>
      %shift_right_logical3A_216 = arith.shrui %get3A_213, %shift_right_logical3A_215 : vector<16xi32>
      %swap3A_217 = arith.constant 32 : index
      %swap3A_218 = tpu.vector_load %arg11[%swap3A_217] {strides = array<i32>} : memref<48xi32, #tpu.memory_space<vmem>>, vector<16xi32>,
      tpu.vector_store %arg11[%swap3A_217], %shift_right_logical3A_216 {strides = array<i32>} : memref<48xi32, #tpu.memory_space<vmem>>, vector<16xi32>,
      %dma_start3A = arith.constant 0 : i32
      %dma_start3A_219 = arith.constant 0 : i32
      %dma_start3A_220 = tpu.memref_slice %arg3[%dma_start3A, %dma_start3A_219] : memref<10000x128xf32, #tpu.memory_space<hbm>> -> memref<10000x128xf32, #tpu.memory_space<hbm>>
      tpu.enqueue_indirect_dma source(%dma_start3A_220 : memref<10000x128xf32, #tpu.memory_space<hbm>>) target(%arg12 : memref<48x128xf32, #tpu.memory_space<vmem>>) offsets(%arg9 : memref<48xi32, #tpu.memory_space<vmem>>) semaphore(%arg20 : memref<!tpu.dma_semaphore, #tpu.memory_space<semaphore_mem>>)
      %dma_start3A_221 = arith.constant 0 : i32
      %dma_start3A_222 = arith.constant 0 : i32
      %dma_start3A_223 = tpu.memref_slice %arg2[%dma_start3A_221, %dma_start3A_222] : memref<10000x128xf32, #tpu.memory_space<hbm>> -> memref<10000x128xf32, #tpu.memory_space<hbm>>
      tpu.enqueue_indirect_dma source(%dma_start3A_223 : memref<10000x128xf32, #tpu.memory_space<hbm>>) target(%arg13 : memref<48x128xf32, #tpu.memory_space<vmem>>) offsets(%arg10 : memref<48xi32, #tpu.memory_space<vmem>>) semaphore(%arg20 : memref<!tpu.dma_semaphore, #tpu.memory_space<semaphore_mem>>)
      %dma_start3A_224 = arith.constant 0 : i32
      %dma_start3A_225 = arith.constant 0 : i32
      %dma_start3A_226 = tpu.memref_slice %arg4[%dma_start3A_224, %dma_start3A_225] : memref<10000x128xf32, #tpu.memory_space<hbm>> -> memref<10000x128xf32, #tpu.memory_space<hbm>>
      tpu.enqueue_indirect_dma source(%dma_start3A_226 : memref<10000x128xf32, #tpu.memory_space<hbm>>) target(%arg14 : memref<48x128xf32, #tpu.memory_space<vmem>>) offsets(%arg9 : memref<48xi32, #tpu.memory_space<vmem>>) semaphore(%arg20 : memref<!tpu.dma_semaphore, #tpu.memory_space<semaphore_mem>>)
      %dma_wait3A = arith.constant 0 : i32
      %dma_wait3A_227 = arith.constant 0 : i32
      %dma_wait3A_228 = tpu.memref_slice %arg3[%dma_wait3A, %dma_wait3A_227] : memref<10000x128xf32, #tpu.memory_space<hbm>> -> memref<10000x128xf32, #tpu.memory_space<hbm>>
      tpu.wait_indirect_dma semaphore(%arg20 : memref<!tpu.dma_semaphore, #tpu.memory_space<semaphore_mem>>) src(%dma_wait3A_228 : memref<10000x128xf32, #tpu.memory_space<hbm>>) dst(%arg12 : memref<48x128xf32, #tpu.memory_space<vmem>>)
      %dma_wait3A_229 = arith.constant 0 : i32
      %dma_wait3A_230 = arith.constant 0 : i32
      %dma_wait3A_231 = tpu.memref_slice %arg2[%dma_wait3A_229, %dma_wait3A_230] : memref<10000x128xf32, #tpu.memory_space<hbm>> -> memref<10000x128xf32, #tpu.memory_space<hbm>>
      tpu.wait_indirect_dma semaphore(%arg20 : memref<!tpu.dma_semaphore, #tpu.memory_space<semaphore_mem>>) src(%dma_wait3A_231 : memref<10000x128xf32, #tpu.memory_space<hbm>>) dst(%arg13 : memref<48x128xf32, #tpu.memory_space<vmem>>)
      %dma_wait3A_232 = arith.constant 0 : i32
      %dma_wait3A_233 = arith.constant 0 : i32
      %dma_wait3A_234 = tpu.memref_slice %arg4[%dma_wait3A_232, %dma_wait3A_233] : memref<10000x128xf32, #tpu.memory_space<hbm>> -> memref<10000x128xf32, #tpu.memory_space<hbm>>
      tpu.wait_indirect_dma semaphore(%arg20 : memref<!tpu.dma_semaphore, #tpu.memory_space<semaphore_mem>>) src(%dma_wait3A_234 : memref<10000x128xf32, #tpu.memory_space<hbm>>) dst(%arg14 : memref<48x128xf32, #tpu.memory_space<vmem>>)
      %parallel_loop3A = arith.constant 0 : i32
      %parallel_loop3A_235 = arith.constant 48 : i32
      %parallel_loop3A_236 = arith.constant 1 : i32
      scf.for %parallel_loop3A_238 = %parallel_loop3A to %parallel_loop3A_235 step %parallel_loop3A_236  : i32 {
        %parallel_loop3A_239 = vector.broadcast %parallel_loop3A_238 : i32 to vector<16xi32>
        %parallel_loop3A_240 = tpu.vector_load_idx %arg10[%parallel_loop3A_239] : memref<48xi32, #tpu.memory_space<vmem>>[vector<16xi32>], vector<16xi32>,
        %parallel_loop3A_241 = arith.constant 7 : i32
        %parallel_loop3A_242 = vector.broadcast %parallel_loop3A_241 : i32 to vector<16xi32>
        %parallel_loop3A_243 = arith.andi %parallel_loop3A_240, %parallel_loop3A_242 : vector<16xi32>
        %parallel_loop3A_244 = arith.index_cast %parallel_loop3A_238 : i32 to index
        %parallel_loop3A_245 = arith.constant 0 : index
        %parallel_loop3A_246 = tpu.vector_load %arg12[%parallel_loop3A_244, %parallel_loop3A_245] {strides = array<i32>} : memref<48x128xf32, #tpu.memory_space<vmem>>, vector<16xf32>,
        %parallel_loop3A_247 = arith.index_cast %parallel_loop3A_238 : i32 to index
        %parallel_loop3A_248 = arith.constant 0 : index
        %parallel_loop3A_249 = tpu.vector_load %arg13[%parallel_loop3A_247, %parallel_loop3A_248] {strides = array<i32>} : memref<48x128xf32, #tpu.memory_space<vmem>>, vector<16xf32>,
        %parallel_loop3A_250 = arith.mulf %parallel_loop3A_246, %parallel_loop3A_249 : vector<16xf32>
        %parallel_loop3A_251 = vector.shape_cast %xor3A_104 : vector<16xi32> to vector<16x1xi32>
        %parallel_loop3A_252 = vector.shape_cast %parallel_loop3A_251 : vector<16x1xi32> to vector<16xi32>
        %parallel_loop3A_253 = tpu.dynamic_gather %parallel_loop3A_250[%parallel_loop3A_252] in [0] : vector<16xf32>, vector<16xi32> -> vector<16xf32>
        %parallel_loop3A_254 = arith.addf %parallel_loop3A_250, %parallel_loop3A_253 : vector<16xf32>
        %parallel_loop3A_255 = vector.shape_cast %xor3A_107 : vector<16xi32> to vector<16x1xi32>
        %parallel_loop3A_256 = vector.shape_cast %parallel_loop3A_255 : vector<16x1xi32> to vector<16xi32>
        %parallel_loop3A_257 = tpu.dynamic_gather %parallel_loop3A_254[%parallel_loop3A_256] in [0] : vector<16xf32>, vector<16xi32> -> vector<16xf32>
        %parallel_loop3A_258 = arith.addf %parallel_loop3A_254, %parallel_loop3A_257 : vector<16xf32>
        %parallel_loop3A_259 = vector.shape_cast %xor3A_110 : vector<16xi32> to vector<16x1xi32>
        %parallel_loop3A_260 = vector.shape_cast %parallel_loop3A_259 : vector<16x1xi32> to vector<16xi32>
        %parallel_loop3A_261 = tpu.dynamic_gather %parallel_loop3A_258[%parallel_loop3A_260] in [0] : vector<16xf32>, vector<16xi32> -> vector<16xf32>
        %parallel_loop3A_262 = arith.addf %parallel_loop3A_258, %parallel_loop3A_261 : vector<16xf32>
        %parallel_loop3A_263 = vector.shape_cast %xor3A_113 : vector<16xi32> to vector<16x1xi32>
        %parallel_loop3A_264 = vector.shape_cast %parallel_loop3A_263 : vector<16x1xi32> to vector<16xi32>
        %parallel_loop3A_265 = tpu.dynamic_gather %parallel_loop3A_262[%parallel_loop3A_264] in [0] : vector<16xf32>, vector<16xi32> -> vector<16xf32>
        %parallel_loop3A_266 = arith.addf %parallel_loop3A_262, %parallel_loop3A_265 : vector<16xf32>
        %parallel_loop3A_267 = arith.constant 2.500000e-01 : f32
        %parallel_loop3A_268 = vector.broadcast %parallel_loop3A_267 : f32 to vector<16xf32>
        %parallel_loop3A_269 = arith.mulf %parallel_loop3A_266, %parallel_loop3A_268 : vector<16xf32>
        %parallel_loop3A_270 = math.exp %parallel_loop3A_269 : vector<16xf32>
        %parallel_loop3A_271 = arith.index_cast %parallel_loop3A_238 : i32 to index
        %parallel_loop3A_272 = arith.constant 0 : index
        %parallel_loop3A_273 = tpu.vector_load %arg14[%parallel_loop3A_271, %parallel_loop3A_272] {strides = array<i32>} : memref<48x128xf32, #tpu.memory_space<vmem>>, vector<16xf32>,
        %parallel_loop3A_274 = arith.mulf %parallel_loop3A_270, %parallel_loop3A_273 : vector<16xf32>
        %parallel_loop3A_275 = arith.index_cast %parallel_loop3A_238 : i32 to index
        %parallel_loop3A_276 = arith.constant 0 : index
        %parallel_loop3A_277 = tpu.vector_load %arg15[%parallel_loop3A_275, %parallel_loop3A_276] {strides = array<i32>} : memref<48x128xf32, #tpu.memory_space<vmem>>, vector<16xf32>,
        tpu.vector_store %arg15[%parallel_loop3A_275, %parallel_loop3A_276], %parallel_loop3A_274 {strides = array<i32>} : memref<48x128xf32, #tpu.memory_space<vmem>>, vector<16xf32>,
        %parallel_loop3A_278 = arith.index_cast %parallel_loop3A_238 : i32 to index
        %parallel_loop3A_279 = arith.constant 16 : index
        %parallel_loop3A_280 = tpu.vector_load %arg12[%parallel_loop3A_278, %parallel_loop3A_279] {strides = array<i32>} : memref<48x128xf32, #tpu.memory_space<vmem>>, vector<16xf32>,
        %parallel_loop3A_281 = arith.index_cast %parallel_loop3A_238 : i32 to index
        %parallel_loop3A_282 = arith.constant 16 : index
        %parallel_loop3A_283 = tpu.vector_load %arg13[%parallel_loop3A_281, %parallel_loop3A_282] {strides = array<i32>} : memref<48x128xf32, #tpu.memory_space<vmem>>, vector<16xf32>,
        %parallel_loop3A_284 = arith.mulf %parallel_loop3A_280, %parallel_loop3A_283 : vector<16xf32>
        %parallel_loop3A_285 = vector.shape_cast %xor3A_104 : vector<16xi32> to vector<16x1xi32>
        %parallel_loop3A_286 = vector.shape_cast %parallel_loop3A_285 : vector<16x1xi32> to vector<16xi32>
        %parallel_loop3A_287 = tpu.dynamic_gather %parallel_loop3A_284[%parallel_loop3A_286] in [0] : vector<16xf32>, vector<16xi32> -> vector<16xf32>
        %parallel_loop3A_288 = arith.addf %parallel_loop3A_284, %parallel_loop3A_287 : vector<16xf32>
        %parallel_loop3A_289 = vector.shape_cast %xor3A_107 : vector<16xi32> to vector<16x1xi32>
        %parallel_loop3A_290 = vector.shape_cast %parallel_loop3A_289 : vector<16x1xi32> to vector<16xi32>
        %parallel_loop3A_291 = tpu.dynamic_gather %parallel_loop3A_288[%parallel_loop3A_290] in [0] : vector<16xf32>, vector<16xi32> -> vector<16xf32>
        %parallel_loop3A_292 = arith.addf %parallel_loop3A_288, %parallel_loop3A_291 : vector<16xf32>
        %parallel_loop3A_293 = vector.shape_cast %xor3A_110 : vector<16xi32> to vector<16x1xi32>
        %parallel_loop3A_294 = vector.shape_cast %parallel_loop3A_293 : vector<16x1xi32> to vector<16xi32>
        %parallel_loop3A_295 = tpu.dynamic_gather %parallel_loop3A_292[%parallel_loop3A_294] in [0] : vector<16xf32>, vector<16xi32> -> vector<16xf32>
        %parallel_loop3A_296 = arith.addf %parallel_loop3A_292, %parallel_loop3A_295 : vector<16xf32>
        %parallel_loop3A_297 = vector.shape_cast %xor3A_113 : vector<16xi32> to vector<16x1xi32>
        %parallel_loop3A_298 = vector.shape_cast %parallel_loop3A_297 : vector<16x1xi32> to vector<16xi32>
        %parallel_loop3A_299 = tpu.dynamic_gather %parallel_loop3A_296[%parallel_loop3A_298] in [0] : vector<16xf32>, vector<16xi32> -> vector<16xf32>
        %parallel_loop3A_300 = arith.addf %parallel_loop3A_296, %parallel_loop3A_299 : vector<16xf32>
        %parallel_loop3A_301 = arith.constant 2.500000e-01 : f32
        %parallel_loop3A_302 = vector.broadcast %parallel_loop3A_301 : f32 to vector<16xf32>
        %parallel_loop3A_303 = arith.mulf %parallel_loop3A_300, %parallel_loop3A_302 : vector<16xf32>
        %parallel_loop3A_304 = math.exp %parallel_loop3A_303 : vector<16xf32>
        %parallel_loop3A_305 = arith.index_cast %parallel_loop3A_238 : i32 to index
        %parallel_loop3A_306 = arith.constant 16 : index
        %parallel_loop3A_307 = tpu.vector_load %arg14[%parallel_loop3A_305, %parallel_loop3A_306] {strides = array<i32>} : memref<48x128xf32, #tpu.memory_space<vmem>>, vector<16xf32>,
        %parallel_loop3A_308 = arith.mulf %parallel_loop3A_304, %parallel_loop3A_307 : vector<16xf32>
        %parallel_loop3A_309 = arith.index_cast %parallel_loop3A_238 : i32 to index
        %parallel_loop3A_310 = arith.constant 16 : index
        %parallel_loop3A_311 = tpu.vector_load %arg15[%parallel_loop3A_309, %parallel_loop3A_310] {strides = array<i32>} : memref<48x128xf32, #tpu.memory_space<vmem>>, vector<16xf32>,
        tpu.vector_store %arg15[%parallel_loop3A_309, %parallel_loop3A_310], %parallel_loop3A_308 {strides = array<i32>} : memref<48x128xf32, #tpu.memory_space<vmem>>, vector<16xf32>,
        %parallel_loop3A_312 = arith.index_cast %parallel_loop3A_238 : i32 to index
        %parallel_loop3A_313 = arith.constant 32 : index
        %parallel_loop3A_314 = tpu.vector_load %arg12[%parallel_loop3A_312, %parallel_loop3A_313] {strides = array<i32>} : memref<48x128xf32, #tpu.memory_space<vmem>>, vector<16xf32>,
        %parallel_loop3A_315 = arith.index_cast %parallel_loop3A_238 : i32 to index
        %parallel_loop3A_316 = arith.constant 32 : index
        %parallel_loop3A_317 = tpu.vector_load %arg13[%parallel_loop3A_315, %parallel_loop3A_316] {strides = array<i32>} : memref<48x128xf32, #tpu.memory_space<vmem>>, vector<16xf32>,
        %parallel_loop3A_318 = arith.mulf %parallel_loop3A_314, %parallel_loop3A_317 : vector<16xf32>
        %parallel_loop3A_319 = vector.shape_cast %xor3A_104 : vector<16xi32> to vector<16x1xi32>
        %parallel_loop3A_320 = vector.shape_cast %parallel_loop3A_319 : vector<16x1xi32> to vector<16xi32>
        %parallel_loop3A_321 = tpu.dynamic_gather %parallel_loop3A_318[%parallel_loop3A_320] in [0] : vector<16xf32>, vector<16xi32> -> vector<16xf32>
        %parallel_loop3A_322 = arith.addf %parallel_loop3A_318, %parallel_loop3A_321 : vector<16xf32>
        %parallel_loop3A_323 = vector.shape_cast %xor3A_107 : vector<16xi32> to vector<16x1xi32>
        %parallel_loop3A_324 = vector.shape_cast %parallel_loop3A_323 : vector<16x1xi32> to vector<16xi32>
        %parallel_loop3A_325 = tpu.dynamic_gather %parallel_loop3A_322[%parallel_loop3A_324] in [0] : vector<16xf32>, vector<16xi32> -> vector<16xf32>
        %parallel_loop3A_326 = arith.addf %parallel_loop3A_322, %parallel_loop3A_325 : vector<16xf32>
        %parallel_loop3A_327 = vector.shape_cast %xor3A_110 : vector<16xi32> to vector<16x1xi32>
        %parallel_loop3A_328 = vector.shape_cast %parallel_loop3A_327 : vector<16x1xi32> to vector<16xi32>
        %parallel_loop3A_329 = tpu.dynamic_gather %parallel_loop3A_326[%parallel_loop3A_328] in [0] : vector<16xf32>, vector<16xi32> -> vector<16xf32>
        %parallel_loop3A_330 = arith.addf %parallel_loop3A_326, %parallel_loop3A_329 : vector<16xf32>
        %parallel_loop3A_331 = vector.shape_cast %xor3A_113 : vector<16xi32> to vector<16x1xi32>
        %parallel_loop3A_332 = vector.shape_cast %parallel_loop3A_331 : vector<16x1xi32> to vector<16xi32>
        %parallel_loop3A_333 = tpu.dynamic_gather %parallel_loop3A_330[%parallel_loop3A_332] in [0] : vector<16xf32>, vector<16xi32> -> vector<16xf32>
        %parallel_loop3A_334 = arith.addf %parallel_loop3A_330, %parallel_loop3A_333 : vector<16xf32>
        %parallel_loop3A_335 = arith.constant 2.500000e-01 : f32
        %parallel_loop3A_336 = vector.broadcast %parallel_loop3A_335 : f32 to vector<16xf32>
        %parallel_loop3A_337 = arith.mulf %parallel_loop3A_334, %parallel_loop3A_336 : vector<16xf32>
        %parallel_loop3A_338 = math.exp %parallel_loop3A_337 : vector<16xf32>
        %parallel_loop3A_339 = arith.index_cast %parallel_loop3A_238 : i32 to index
        %parallel_loop3A_340 = arith.constant 32 : index
        %parallel_loop3A_341 = tpu.vector_load %arg14[%parallel_loop3A_339, %parallel_loop3A_340] {strides = array<i32>} : memref<48x128xf32, #tpu.memory_space<vmem>>, vector<16xf32>,
        %parallel_loop3A_342 = arith.mulf %parallel_loop3A_338, %parallel_loop3A_341 : vector<16xf32>
        %parallel_loop3A_343 = arith.index_cast %parallel_loop3A_238 : i32 to index
        %parallel_loop3A_344 = arith.constant 32 : index
        %parallel_loop3A_345 = tpu.vector_load %arg15[%parallel_loop3A_343, %parallel_loop3A_344] {strides = array<i32>} : memref<48x128xf32, #tpu.memory_space<vmem>>, vector<16xf32>,
        tpu.vector_store %arg15[%parallel_loop3A_343, %parallel_loop3A_344], %parallel_loop3A_342 {strides = array<i32>} : memref<48x128xf32, #tpu.memory_space<vmem>>, vector<16xf32>,
        %parallel_loop3A_346 = arith.index_cast %parallel_loop3A_238 : i32 to index
        %parallel_loop3A_347 = arith.constant 48 : index
        %parallel_loop3A_348 = tpu.vector_load %arg12[%parallel_loop3A_346, %parallel_loop3A_347] {strides = array<i32>} : memref<48x128xf32, #tpu.memory_space<vmem>>, vector<16xf32>,
        %parallel_loop3A_349 = arith.index_cast %parallel_loop3A_238 : i32 to index
        %parallel_loop3A_350 = arith.constant 48 : index
        %parallel_loop3A_351 = tpu.vector_load %arg13[%parallel_loop3A_349, %parallel_loop3A_350] {strides = array<i32>} : memref<48x128xf32, #tpu.memory_space<vmem>>, vector<16xf32>,
        %parallel_loop3A_352 = arith.mulf %parallel_loop3A_348, %parallel_loop3A_351 : vector<16xf32>
        %parallel_loop3A_353 = vector.shape_cast %xor3A_104 : vector<16xi32> to vector<16x1xi32>
        %parallel_loop3A_354 = vector.shape_cast %parallel_loop3A_353 : vector<16x1xi32> to vector<16xi32>
        %parallel_loop3A_355 = tpu.dynamic_gather %parallel_loop3A_352[%parallel_loop3A_354] in [0] : vector<16xf32>, vector<16xi32> -> vector<16xf32>
        %parallel_loop3A_356 = arith.addf %parallel_loop3A_352, %parallel_loop3A_355 : vector<16xf32>
        %parallel_loop3A_357 = vector.shape_cast %xor3A_107 : vector<16xi32> to vector<16x1xi32>
        %parallel_loop3A_358 = vector.shape_cast %parallel_loop3A_357 : vector<16x1xi32> to vector<16xi32>
        %parallel_loop3A_359 = tpu.dynamic_gather %parallel_loop3A_356[%parallel_loop3A_358] in [0] : vector<16xf32>, vector<16xi32> -> vector<16xf32>
        %parallel_loop3A_360 = arith.addf %parallel_loop3A_356, %parallel_loop3A_359 : vector<16xf32>
        %parallel_loop3A_361 = vector.shape_cast %xor3A_110 : vector<16xi32> to vector<16x1xi32>
        %parallel_loop3A_362 = vector.shape_cast %parallel_loop3A_361 : vector<16x1xi32> to vector<16xi32>
        %parallel_loop3A_363 = tpu.dynamic_gather %parallel_loop3A_360[%parallel_loop3A_362] in [0] : vector<16xf32>, vector<16xi32> -> vector<16xf32>
        %parallel_loop3A_364 = arith.addf %parallel_loop3A_360, %parallel_loop3A_363 : vector<16xf32>
        %parallel_loop3A_365 = vector.shape_cast %xor3A_113 : vector<16xi32> to vector<16x1xi32>
        %parallel_loop3A_366 = vector.shape_cast %parallel_loop3A_365 : vector<16x1xi32> to vector<16xi32>
        %parallel_loop3A_367 = tpu.dynamic_gather %parallel_loop3A_364[%parallel_loop3A_366] in [0] : vector<16xf32>, vector<16xi32> -> vector<16xf32>
        %parallel_loop3A_368 = arith.addf %parallel_loop3A_364, %parallel_loop3A_367 : vector<16xf32>
        %parallel_loop3A_369 = arith.constant 2.500000e-01 : f32
        %parallel_loop3A_370 = vector.broadcast %parallel_loop3A_369 : f32 to vector<16xf32>
        %parallel_loop3A_371 = arith.mulf %parallel_loop3A_368, %parallel_loop3A_370 : vector<16xf32>
        %parallel_loop3A_372 = math.exp %parallel_loop3A_371 : vector<16xf32>
        %parallel_loop3A_373 = arith.index_cast %parallel_loop3A_238 : i32 to index
        %parallel_loop3A_374 = arith.constant 48 : index
        %parallel_loop3A_375 = tpu.vector_load %arg14[%parallel_loop3A_373, %parallel_loop3A_374] {strides = array<i32>} : memref<48x128xf32, #tpu.memory_space<vmem>>, vector<16xf32>,
        %parallel_loop3A_376 = arith.mulf %parallel_loop3A_372, %parallel_loop3A_375 : vector<16xf32>
        %parallel_loop3A_377 = arith.index_cast %parallel_loop3A_238 : i32 to index
        %parallel_loop3A_378 = arith.constant 48 : index
        %parallel_loop3A_379 = tpu.vector_load %arg15[%parallel_loop3A_377, %parallel_loop3A_378] {strides = array<i32>} : memref<48x128xf32, #tpu.memory_space<vmem>>, vector<16xf32>,
        tpu.vector_store %arg15[%parallel_loop3A_377, %parallel_loop3A_378], %parallel_loop3A_376 {strides = array<i32>} : memref<48x128xf32, #tpu.memory_space<vmem>>, vector<16xf32>,
        %parallel_loop3A_380 = arith.index_cast %parallel_loop3A_238 : i32 to index
        %parallel_loop3A_381 = arith.constant 64 : index
        %parallel_loop3A_382 = tpu.vector_load %arg12[%parallel_loop3A_380, %parallel_loop3A_381] {strides = array<i32>} : memref<48x128xf32, #tpu.memory_space<vmem>>, vector<16xf32>,
        %parallel_loop3A_383 = arith.index_cast %parallel_loop3A_238 : i32 to index
        %parallel_loop3A_384 = arith.constant 64 : index
        %parallel_loop3A_385 = tpu.vector_load %arg13[%parallel_loop3A_383, %parallel_loop3A_384] {strides = array<i32>} : memref<48x128xf32, #tpu.memory_space<vmem>>, vector<16xf32>,
        %parallel_loop3A_386 = arith.mulf %parallel_loop3A_382, %parallel_loop3A_385 : vector<16xf32>
        %parallel_loop3A_387 = vector.shape_cast %xor3A_104 : vector<16xi32> to vector<16x1xi32>
        %parallel_loop3A_388 = vector.shape_cast %parallel_loop3A_387 : vector<16x1xi32> to vector<16xi32>
        %parallel_loop3A_389 = tpu.dynamic_gather %parallel_loop3A_386[%parallel_loop3A_388] in [0] : vector<16xf32>, vector<16xi32> -> vector<16xf32>
        %parallel_loop3A_390 = arith.addf %parallel_loop3A_386, %parallel_loop3A_389 : vector<16xf32>
        %parallel_loop3A_391 = vector.shape_cast %xor3A_107 : vector<16xi32> to vector<16x1xi32>
        %parallel_loop3A_392 = vector.shape_cast %parallel_loop3A_391 : vector<16x1xi32> to vector<16xi32>
        %parallel_loop3A_393 = tpu.dynamic_gather %parallel_loop3A_390[%parallel_loop3A_392] in [0] : vector<16xf32>, vector<16xi32> -> vector<16xf32>
        %parallel_loop3A_394 = arith.addf %parallel_loop3A_390, %parallel_loop3A_393 : vector<16xf32>
        %parallel_loop3A_395 = vector.shape_cast %xor3A_110 : vector<16xi32> to vector<16x1xi32>
        %parallel_loop3A_396 = vector.shape_cast %parallel_loop3A_395 : vector<16x1xi32> to vector<16xi32>
        %parallel_loop3A_397 = tpu.dynamic_gather %parallel_loop3A_394[%parallel_loop3A_396] in [0] : vector<16xf32>, vector<16xi32> -> vector<16xf32>
        %parallel_loop3A_398 = arith.addf %parallel_loop3A_394, %parallel_loop3A_397 : vector<16xf32>
        %parallel_loop3A_399 = vector.shape_cast %xor3A_113 : vector<16xi32> to vector<16x1xi32>
        %parallel_loop3A_400 = vector.shape_cast %parallel_loop3A_399 : vector<16x1xi32> to vector<16xi32>
        %parallel_loop3A_401 = tpu.dynamic_gather %parallel_loop3A_398[%parallel_loop3A_400] in [0] : vector<16xf32>, vector<16xi32> -> vector<16xf32>
        %parallel_loop3A_402 = arith.addf %parallel_loop3A_398, %parallel_loop3A_401 : vector<16xf32>
        %parallel_loop3A_403 = arith.constant 2.500000e-01 : f32
        %parallel_loop3A_404 = vector.broadcast %parallel_loop3A_403 : f32 to vector<16xf32>
        %parallel_loop3A_405 = arith.mulf %parallel_loop3A_402, %parallel_loop3A_404 : vector<16xf32>
        %parallel_loop3A_406 = math.exp %parallel_loop3A_405 : vector<16xf32>
        %parallel_loop3A_407 = arith.index_cast %parallel_loop3A_238 : i32 to index
        %parallel_loop3A_408 = arith.constant 64 : index
        %parallel_loop3A_409 = tpu.vector_load %arg14[%parallel_loop3A_407, %parallel_loop3A_408] {strides = array<i32>} : memref<48x128xf32, #tpu.memory_space<vmem>>, vector<16xf32>,
        %parallel_loop3A_410 = arith.mulf %parallel_loop3A_406, %parallel_loop3A_409 : vector<16xf32>
        %parallel_loop3A_411 = arith.index_cast %parallel_loop3A_238 : i32 to index
        %parallel_loop3A_412 = arith.constant 64 : index
        %parallel_loop3A_413 = tpu.vector_load %arg15[%parallel_loop3A_411, %parallel_loop3A_412] {strides = array<i32>} : memref<48x128xf32, #tpu.memory_space<vmem>>, vector<16xf32>,
        tpu.vector_store %arg15[%parallel_loop3A_411, %parallel_loop3A_412], %parallel_loop3A_410 {strides = array<i32>} : memref<48x128xf32, #tpu.memory_space<vmem>>, vector<16xf32>,
        %parallel_loop3A_414 = arith.index_cast %parallel_loop3A_238 : i32 to index
        %parallel_loop3A_415 = arith.constant 80 : index
        %parallel_loop3A_416 = tpu.vector_load %arg12[%parallel_loop3A_414, %parallel_loop3A_415] {strides = array<i32>} : memref<48x128xf32, #tpu.memory_space<vmem>>, vector<16xf32>,
        %parallel_loop3A_417 = arith.index_cast %parallel_loop3A_238 : i32 to index
        %parallel_loop3A_418 = arith.constant 80 : index
        %parallel_loop3A_419 = tpu.vector_load %arg13[%parallel_loop3A_417, %parallel_loop3A_418] {strides = array<i32>} : memref<48x128xf32, #tpu.memory_space<vmem>>, vector<16xf32>,
        %parallel_loop3A_420 = arith.mulf %parallel_loop3A_416, %parallel_loop3A_419 : vector<16xf32>
        %parallel_loop3A_421 = vector.shape_cast %xor3A_104 : vector<16xi32> to vector<16x1xi32>
        %parallel_loop3A_422 = vector.shape_cast %parallel_loop3A_421 : vector<16x1xi32> to vector<16xi32>
        %parallel_loop3A_423 = tpu.dynamic_gather %parallel_loop3A_420[%parallel_loop3A_422] in [0] : vector<16xf32>, vector<16xi32> -> vector<16xf32>
        %parallel_loop3A_424 = arith.addf %parallel_loop3A_420, %parallel_loop3A_423 : vector<16xf32>
        %parallel_loop3A_425 = vector.shape_cast %xor3A_107 : vector<16xi32> to vector<16x1xi32>
        %parallel_loop3A_426 = vector.shape_cast %parallel_loop3A_425 : vector<16x1xi32> to vector<16xi32>
        %parallel_loop3A_427 = tpu.dynamic_gather %parallel_loop3A_424[%parallel_loop3A_426] in [0] : vector<16xf32>, vector<16xi32> -> vector<16xf32>
        %parallel_loop3A_428 = arith.addf %parallel_loop3A_424, %parallel_loop3A_427 : vector<16xf32>
        %parallel_loop3A_429 = vector.shape_cast %xor3A_110 : vector<16xi32> to vector<16x1xi32>
        %parallel_loop3A_430 = vector.shape_cast %parallel_loop3A_429 : vector<16x1xi32> to vector<16xi32>
        %parallel_loop3A_431 = tpu.dynamic_gather %parallel_loop3A_428[%parallel_loop3A_430] in [0] : vector<16xf32>, vector<16xi32> -> vector<16xf32>
        %parallel_loop3A_432 = arith.addf %parallel_loop3A_428, %parallel_loop3A_431 : vector<16xf32>
        %parallel_loop3A_433 = vector.shape_cast %xor3A_113 : vector<16xi32> to vector<16x1xi32>
        %parallel_loop3A_434 = vector.shape_cast %parallel_loop3A_433 : vector<16x1xi32> to vector<16xi32>
        %parallel_loop3A_435 = tpu.dynamic_gather %parallel_loop3A_432[%parallel_loop3A_434] in [0] : vector<16xf32>, vector<16xi32> -> vector<16xf32>
        %parallel_loop3A_436 = arith.addf %parallel_loop3A_432, %parallel_loop3A_435 : vector<16xf32>
        %parallel_loop3A_437 = arith.constant 2.500000e-01 : f32
        %parallel_loop3A_438 = vector.broadcast %parallel_loop3A_437 : f32 to vector<16xf32>
        %parallel_loop3A_439 = arith.mulf %parallel_loop3A_436, %parallel_loop3A_438 : vector<16xf32>
        %parallel_loop3A_440 = math.exp %parallel_loop3A_439 : vector<16xf32>
        %parallel_loop3A_441 = arith.index_cast %parallel_loop3A_238 : i32 to index
        %parallel_loop3A_442 = arith.constant 80 : index
        %parallel_loop3A_443 = tpu.vector_load %arg14[%parallel_loop3A_441, %parallel_loop3A_442] {strides = array<i32>} : memref<48x128xf32, #tpu.memory_space<vmem>>, vector<16xf32>,
        %parallel_loop3A_444 = arith.mulf %parallel_loop3A_440, %parallel_loop3A_443 : vector<16xf32>
        %parallel_loop3A_445 = arith.index_cast %parallel_loop3A_238 : i32 to index
        %parallel_loop3A_446 = arith.constant 80 : index
        %parallel_loop3A_447 = tpu.vector_load %arg15[%parallel_loop3A_445, %parallel_loop3A_446] {strides = array<i32>} : memref<48x128xf32, #tpu.memory_space<vmem>>, vector<16xf32>,
        tpu.vector_store %arg15[%parallel_loop3A_445, %parallel_loop3A_446], %parallel_loop3A_444 {strides = array<i32>} : memref<48x128xf32, #tpu.memory_space<vmem>>, vector<16xf32>,
        %parallel_loop3A_448 = arith.index_cast %parallel_loop3A_238 : i32 to index
        %parallel_loop3A_449 = arith.constant 96 : index
        %parallel_loop3A_450 = tpu.vector_load %arg12[%parallel_loop3A_448, %parallel_loop3A_449] {strides = array<i32>} : memref<48x128xf32, #tpu.memory_space<vmem>>, vector<16xf32>,
        %parallel_loop3A_451 = arith.index_cast %parallel_loop3A_238 : i32 to index
        %parallel_loop3A_452 = arith.constant 96 : index
        %parallel_loop3A_453 = tpu.vector_load %arg13[%parallel_loop3A_451, %parallel_loop3A_452] {strides = array<i32>} : memref<48x128xf32, #tpu.memory_space<vmem>>, vector<16xf32>,
        %parallel_loop3A_454 = arith.mulf %parallel_loop3A_450, %parallel_loop3A_453 : vector<16xf32>
        %parallel_loop3A_455 = vector.shape_cast %xor3A_104 : vector<16xi32> to vector<16x1xi32>
        %parallel_loop3A_456 = vector.shape_cast %parallel_loop3A_455 : vector<16x1xi32> to vector<16xi32>
        %parallel_loop3A_457 = tpu.dynamic_gather %parallel_loop3A_454[%parallel_loop3A_456] in [0] : vector<16xf32>, vector<16xi32> -> vector<16xf32>
        %parallel_loop3A_458 = arith.addf %parallel_loop3A_454, %parallel_loop3A_457 : vector<16xf32>
        %parallel_loop3A_459 = vector.shape_cast %xor3A_107 : vector<16xi32> to vector<16x1xi32>
        %parallel_loop3A_460 = vector.shape_cast %parallel_loop3A_459 : vector<16x1xi32> to vector<16xi32>
        %parallel_loop3A_461 = tpu.dynamic_gather %parallel_loop3A_458[%parallel_loop3A_460] in [0] : vector<16xf32>, vector<16xi32> -> vector<16xf32>
        %parallel_loop3A_462 = arith.addf %parallel_loop3A_458, %parallel_loop3A_461 : vector<16xf32>
        %parallel_loop3A_463 = vector.shape_cast %xor3A_110 : vector<16xi32> to vector<16x1xi32>
        %parallel_loop3A_464 = vector.shape_cast %parallel_loop3A_463 : vector<16x1xi32> to vector<16xi32>
        %parallel_loop3A_465 = tpu.dynamic_gather %parallel_loop3A_462[%parallel_loop3A_464] in [0] : vector<16xf32>, vector<16xi32> -> vector<16xf32>
        %parallel_loop3A_466 = arith.addf %parallel_loop3A_462, %parallel_loop3A_465 : vector<16xf32>
        %parallel_loop3A_467 = vector.shape_cast %xor3A_113 : vector<16xi32> to vector<16x1xi32>
        %parallel_loop3A_468 = vector.shape_cast %parallel_loop3A_467 : vector<16x1xi32> to vector<16xi32>
        %parallel_loop3A_469 = tpu.dynamic_gather %parallel_loop3A_466[%parallel_loop3A_468] in [0] : vector<16xf32>, vector<16xi32> -> vector<16xf32>
        %parallel_loop3A_470 = arith.addf %parallel_loop3A_466, %parallel_loop3A_469 : vector<16xf32>
        %parallel_loop3A_471 = arith.constant 2.500000e-01 : f32
        %parallel_loop3A_472 = vector.broadcast %parallel_loop3A_471 : f32 to vector<16xf32>
        %parallel_loop3A_473 = arith.mulf %parallel_loop3A_470, %parallel_loop3A_472 : vector<16xf32>
        %parallel_loop3A_474 = math.exp %parallel_loop3A_473 : vector<16xf32>
        %parallel_loop3A_475 = arith.index_cast %parallel_loop3A_238 : i32 to index
        %parallel_loop3A_476 = arith.constant 96 : index
        %parallel_loop3A_477 = tpu.vector_load %arg14[%parallel_loop3A_475, %parallel_loop3A_476] {strides = array<i32>} : memref<48x128xf32, #tpu.memory_space<vmem>>, vector<16xf32>,
        %parallel_loop3A_478 = arith.mulf %parallel_loop3A_474, %parallel_loop3A_477 : vector<16xf32>
        %parallel_loop3A_479 = arith.index_cast %parallel_loop3A_238 : i32 to index
        %parallel_loop3A_480 = arith.constant 96 : index
        %parallel_loop3A_481 = tpu.vector_load %arg15[%parallel_loop3A_479, %parallel_loop3A_480] {strides = array<i32>} : memref<48x128xf32, #tpu.memory_space<vmem>>, vector<16xf32>,
        tpu.vector_store %arg15[%parallel_loop3A_479, %parallel_loop3A_480], %parallel_loop3A_478 {strides = array<i32>} : memref<48x128xf32, #tpu.memory_space<vmem>>, vector<16xf32>,
        %parallel_loop3A_482 = arith.index_cast %parallel_loop3A_238 : i32 to index
        %parallel_loop3A_483 = arith.constant 112 : index
        %parallel_loop3A_484 = tpu.vector_load %arg12[%parallel_loop3A_482, %parallel_loop3A_483] {strides = array<i32>} : memref<48x128xf32, #tpu.memory_space<vmem>>, vector<16xf32>,
        %parallel_loop3A_485 = arith.index_cast %parallel_loop3A_238 : i32 to index
        %parallel_loop3A_486 = arith.constant 112 : index
        %parallel_loop3A_487 = tpu.vector_load %arg13[%parallel_loop3A_485, %parallel_loop3A_486] {strides = array<i32>} : memref<48x128xf32, #tpu.memory_space<vmem>>, vector<16xf32>,
        %parallel_loop3A_488 = arith.mulf %parallel_loop3A_484, %parallel_loop3A_487 : vector<16xf32>
        %parallel_loop3A_489 = vector.shape_cast %xor3A_104 : vector<16xi32> to vector<16x1xi32>
        %parallel_loop3A_490 = vector.shape_cast %parallel_loop3A_489 : vector<16x1xi32> to vector<16xi32>
        %parallel_loop3A_491 = tpu.dynamic_gather %parallel_loop3A_488[%parallel_loop3A_490] in [0] : vector<16xf32>, vector<16xi32> -> vector<16xf32>
        %parallel_loop3A_492 = arith.addf %parallel_loop3A_488, %parallel_loop3A_491 : vector<16xf32>
        %parallel_loop3A_493 = vector.shape_cast %xor3A_107 : vector<16xi32> to vector<16x1xi32>
        %parallel_loop3A_494 = vector.shape_cast %parallel_loop3A_493 : vector<16x1xi32> to vector<16xi32>
        %parallel_loop3A_495 = tpu.dynamic_gather %parallel_loop3A_492[%parallel_loop3A_494] in [0] : vector<16xf32>, vector<16xi32> -> vector<16xf32>
        %parallel_loop3A_496 = arith.addf %parallel_loop3A_492, %parallel_loop3A_495 : vector<16xf32>
        %parallel_loop3A_497 = vector.shape_cast %xor3A_110 : vector<16xi32> to vector<16x1xi32>
        %parallel_loop3A_498 = vector.shape_cast %parallel_loop3A_497 : vector<16x1xi32> to vector<16xi32>
        %parallel_loop3A_499 = tpu.dynamic_gather %parallel_loop3A_496[%parallel_loop3A_498] in [0] : vector<16xf32>, vector<16xi32> -> vector<16xf32>
        %parallel_loop3A_500 = arith.addf %parallel_loop3A_496, %parallel_loop3A_499 : vector<16xf32>
        %parallel_loop3A_501 = vector.shape_cast %xor3A_113 : vector<16xi32> to vector<16x1xi32>
        %parallel_loop3A_502 = vector.shape_cast %parallel_loop3A_501 : vector<16x1xi32> to vector<16xi32>
        %parallel_loop3A_503 = tpu.dynamic_gather %parallel_loop3A_500[%parallel_loop3A_502] in [0] : vector<16xf32>, vector<16xi32> -> vector<16xf32>
        %parallel_loop3A_504 = arith.addf %parallel_loop3A_500, %parallel_loop3A_503 : vector<16xf32>
        %parallel_loop3A_505 = arith.constant 2.500000e-01 : f32
        %parallel_loop3A_506 = vector.broadcast %parallel_loop3A_505 : f32 to vector<16xf32>
        %parallel_loop3A_507 = arith.mulf %parallel_loop3A_504, %parallel_loop3A_506 : vector<16xf32>
        %parallel_loop3A_508 = math.exp %parallel_loop3A_507 : vector<16xf32>
        %parallel_loop3A_509 = arith.index_cast %parallel_loop3A_238 : i32 to index
        %parallel_loop3A_510 = arith.constant 112 : index
        %parallel_loop3A_511 = tpu.vector_load %arg14[%parallel_loop3A_509, %parallel_loop3A_510] {strides = array<i32>} : memref<48x128xf32, #tpu.memory_space<vmem>>, vector<16xf32>,
        %parallel_loop3A_512 = arith.mulf %parallel_loop3A_508, %parallel_loop3A_511 : vector<16xf32>
        %parallel_loop3A_513 = arith.index_cast %parallel_loop3A_238 : i32 to index
        %parallel_loop3A_514 = arith.constant 112 : index
        %parallel_loop3A_515 = tpu.vector_load %arg15[%parallel_loop3A_513, %parallel_loop3A_514] {strides = array<i32>} : memref<48x128xf32, #tpu.memory_space<vmem>>, vector<16xf32>,
        tpu.vector_store %arg15[%parallel_loop3A_513, %parallel_loop3A_514], %parallel_loop3A_512 {strides = array<i32>} : memref<48x128xf32, #tpu.memory_space<vmem>>, vector<16xf32>,
        %parallel_loop3A_516 = arith.select %eq3A_81, %parallel_loop3A_270, %broadcast_in_dim3A_1 : vector<16xi1>, vector<16xf32>
        %parallel_loop3A_517 = arith.select %eq3A_84, %parallel_loop3A_304, %parallel_loop3A_516 : vector<16xi1>, vector<16xf32>
        %parallel_loop3A_518 = arith.select %eq3A_87, %parallel_loop3A_338, %parallel_loop3A_517 : vector<16xi1>, vector<16xf32>
        %parallel_loop3A_519 = arith.select %eq3A_90, %parallel_loop3A_372, %parallel_loop3A_518 : vector<16xi1>, vector<16xf32>
        %parallel_loop3A_520 = arith.select %eq3A_93, %parallel_loop3A_406, %parallel_loop3A_519 : vector<16xi1>, vector<16xf32>
        %parallel_loop3A_521 = arith.select %eq3A_96, %parallel_loop3A_440, %parallel_loop3A_520 : vector<16xi1>, vector<16xf32>
        %parallel_loop3A_522 = arith.select %eq3A_99, %parallel_loop3A_474, %parallel_loop3A_521 : vector<16xi1>, vector<16xf32>
        %parallel_loop3A_523 = arith.select %eq3A_102, %parallel_loop3A_508, %parallel_loop3A_522 : vector<16xi1>, vector<16xf32>
        %parallel_loop3A_524 = arith.constant 0 : i32
        %parallel_loop3A_525 = vector.broadcast %parallel_loop3A_524 : i32 to vector<16xi32>
        %parallel_loop3A_526 = arith.cmpi eq, %parallel_loop3A_243, %parallel_loop3A_525 : vector<16xi32>
        %parallel_loop3A_527 = arith.select %parallel_loop3A_526, %parallel_loop3A_523, %broadcast_in_dim3A_1 : vector<16xi1>, vector<16xf32>
        %parallel_loop3A_528 = arith.index_cast %parallel_loop3A_238 : i32 to index
        %parallel_loop3A_529 = arith.constant 0 : index
        %parallel_loop3A_530 = tpu.vector_load %arg16[%parallel_loop3A_528, %parallel_loop3A_529] {strides = array<i32>} : memref<48x128xf32, #tpu.memory_space<vmem>>, vector<16xf32>,
        tpu.vector_store %arg16[%parallel_loop3A_528, %parallel_loop3A_529], %parallel_loop3A_527 {strides = array<i32>} : memref<48x128xf32, #tpu.memory_space<vmem>>, vector<16xf32>,
        %parallel_loop3A_531 = arith.constant 1 : i32
        %parallel_loop3A_532 = vector.broadcast %parallel_loop3A_531 : i32 to vector<16xi32>
        %parallel_loop3A_533 = arith.cmpi eq, %parallel_loop3A_243, %parallel_loop3A_532 : vector<16xi32>
        %parallel_loop3A_534 = arith.select %parallel_loop3A_533, %parallel_loop3A_523, %broadcast_in_dim3A_1 : vector<16xi1>, vector<16xf32>
        %parallel_loop3A_535 = arith.index_cast %parallel_loop3A_238 : i32 to index
        %parallel_loop3A_536 = arith.constant 16 : index
        %parallel_loop3A_537 = tpu.vector_load %arg16[%parallel_loop3A_535, %parallel_loop3A_536] {strides = array<i32>} : memref<48x128xf32, #tpu.memory_space<vmem>>, vector<16xf32>,
        tpu.vector_store %arg16[%parallel_loop3A_535, %parallel_loop3A_536], %parallel_loop3A_534 {strides = array<i32>} : memref<48x128xf32, #tpu.memory_space<vmem>>, vector<16xf32>,
        %parallel_loop3A_538 = arith.constant 2 : i32
        %parallel_loop3A_539 = vector.broadcast %parallel_loop3A_538 : i32 to vector<16xi32>
        %parallel_loop3A_540 = arith.cmpi eq, %parallel_loop3A_243, %parallel_loop3A_539 : vector<16xi32>
        %parallel_loop3A_541 = arith.select %parallel_loop3A_540, %parallel_loop3A_523, %broadcast_in_dim3A_1 : vector<16xi1>, vector<16xf32>
        %parallel_loop3A_542 = arith.index_cast %parallel_loop3A_238 : i32 to index
        %parallel_loop3A_543 = arith.constant 32 : index
        %parallel_loop3A_544 = tpu.vector_load %arg16[%parallel_loop3A_542, %parallel_loop3A_543] {strides = array<i32>} : memref<48x128xf32, #tpu.memory_space<vmem>>, vector<16xf32>,
        tpu.vector_store %arg16[%parallel_loop3A_542, %parallel_loop3A_543], %parallel_loop3A_541 {strides = array<i32>} : memref<48x128xf32, #tpu.memory_space<vmem>>, vector<16xf32>,
        %parallel_loop3A_545 = arith.constant 3 : i32
        %parallel_loop3A_546 = vector.broadcast %parallel_loop3A_545 : i32 to vector<16xi32>
        %parallel_loop3A_547 = arith.cmpi eq, %parallel_loop3A_243, %parallel_loop3A_546 : vector<16xi32>
        %parallel_loop3A_548 = arith.select %parallel_loop3A_547, %parallel_loop3A_523, %broadcast_in_dim3A_1 : vector<16xi1>, vector<16xf32>
        %parallel_loop3A_549 = arith.index_cast %parallel_loop3A_238 : i32 to index
        %parallel_loop3A_550 = arith.constant 48 : index
        %parallel_loop3A_551 = tpu.vector_load %arg16[%parallel_loop3A_549, %parallel_loop3A_550] {strides = array<i32>} : memref<48x128xf32, #tpu.memory_space<vmem>>, vector<16xf32>,
        tpu.vector_store %arg16[%parallel_loop3A_549, %parallel_loop3A_550], %parallel_loop3A_548 {strides = array<i32>} : memref<48x128xf32, #tpu.memory_space<vmem>>, vector<16xf32>,
        %parallel_loop3A_552 = arith.constant 4 : i32
        %parallel_loop3A_553 = vector.broadcast %parallel_loop3A_552 : i32 to vector<16xi32>
        %parallel_loop3A_554 = arith.cmpi eq, %parallel_loop3A_243, %parallel_loop3A_553 : vector<16xi32>
        %parallel_loop3A_555 = arith.select %parallel_loop3A_554, %parallel_loop3A_523, %broadcast_in_dim3A_1 : vector<16xi1>, vector<16xf32>
        %parallel_loop3A_556 = arith.index_cast %parallel_loop3A_238 : i32 to index
        %parallel_loop3A_557 = arith.constant 64 : index
        %parallel_loop3A_558 = tpu.vector_load %arg16[%parallel_loop3A_556, %parallel_loop3A_557] {strides = array<i32>} : memref<48x128xf32, #tpu.memory_space<vmem>>, vector<16xf32>,
        tpu.vector_store %arg16[%parallel_loop3A_556, %parallel_loop3A_557], %parallel_loop3A_555 {strides = array<i32>} : memref<48x128xf32, #tpu.memory_space<vmem>>, vector<16xf32>,
        %parallel_loop3A_559 = arith.constant 5 : i32
        %parallel_loop3A_560 = vector.broadcast %parallel_loop3A_559 : i32 to vector<16xi32>
        %parallel_loop3A_561 = arith.cmpi eq, %parallel_loop3A_243, %parallel_loop3A_560 : vector<16xi32>
        %parallel_loop3A_562 = arith.select %parallel_loop3A_561, %parallel_loop3A_523, %broadcast_in_dim3A_1 : vector<16xi1>, vector<16xf32>
        %parallel_loop3A_563 = arith.index_cast %parallel_loop3A_238 : i32 to index
        %parallel_loop3A_564 = arith.constant 80 : index
        %parallel_loop3A_565 = tpu.vector_load %arg16[%parallel_loop3A_563, %parallel_loop3A_564] {strides = array<i32>} : memref<48x128xf32, #tpu.memory_space<vmem>>, vector<16xf32>,
        tpu.vector_store %arg16[%parallel_loop3A_563, %parallel_loop3A_564], %parallel_loop3A_562 {strides = array<i32>} : memref<48x128xf32, #tpu.memory_space<vmem>>, vector<16xf32>,
        %parallel_loop3A_566 = arith.constant 6 : i32
        %parallel_loop3A_567 = vector.broadcast %parallel_loop3A_566 : i32 to vector<16xi32>
        %parallel_loop3A_568 = arith.cmpi eq, %parallel_loop3A_243, %parallel_loop3A_567 : vector<16xi32>
        %parallel_loop3A_569 = arith.select %parallel_loop3A_568, %parallel_loop3A_523, %broadcast_in_dim3A_1 : vector<16xi1>, vector<16xf32>
        %parallel_loop3A_570 = arith.index_cast %parallel_loop3A_238 : i32 to index
        %parallel_loop3A_571 = arith.constant 96 : index
        %parallel_loop3A_572 = tpu.vector_load %arg16[%parallel_loop3A_570, %parallel_loop3A_571] {strides = array<i32>} : memref<48x128xf32, #tpu.memory_space<vmem>>, vector<16xf32>,
        tpu.vector_store %arg16[%parallel_loop3A_570, %parallel_loop3A_571], %parallel_loop3A_569 {strides = array<i32>} : memref<48x128xf32, #tpu.memory_space<vmem>>, vector<16xf32>,
        %parallel_loop3A_573 = arith.constant 7 : i32
        %parallel_loop3A_574 = vector.broadcast %parallel_loop3A_573 : i32 to vector<16xi32>
        %parallel_loop3A_575 = arith.cmpi eq, %parallel_loop3A_243, %parallel_loop3A_574 : vector<16xi32>
        %parallel_loop3A_576 = arith.select %parallel_loop3A_575, %parallel_loop3A_523, %broadcast_in_dim3A_1 : vector<16xi1>, vector<16xf32>
        %parallel_loop3A_577 = arith.index_cast %parallel_loop3A_238 : i32 to index
        %parallel_loop3A_578 = arith.constant 112 : index
        %parallel_loop3A_579 = tpu.vector_load %arg16[%parallel_loop3A_577, %parallel_loop3A_578] {strides = array<i32>} : memref<48x128xf32, #tpu.memory_space<vmem>>, vector<16xf32>,
        tpu.vector_store %arg16[%parallel_loop3A_577, %parallel_loop3A_578], %parallel_loop3A_576 {strides = array<i32>} : memref<48x128xf32, #tpu.memory_space<vmem>>, vector<16xf32>,
      } {sc.loop_unroll_factor = 8 : i64, sc.parallel_access}
      "tpu.region"() ({
        %run_scoped3A = tpu.sem_alloc : memref<!tpu.dma_semaphore, #tpu.memory_space<semaphore_mem>>
        %dma_start3A_238 = arith.constant 0 : i32
        %dma_start3A_239 = arith.constant 0 : i32
        %dma_start3A_240 = tpu.memref_slice %arg18[%dma_start3A_238, %dma_start3A_239] : memref<10240x128xf32, #tpu.memory_space<vmem_shared>> -> memref<10240x128xf32, #tpu.memory_space<vmem_shared>>
        tpu.enqueue_indirect_dma source(%arg15 : memref<48x128xf32, #tpu.memory_space<vmem>>) target(%dma_start3A_240 : memref<10240x128xf32, #tpu.memory_space<vmem_shared>>) offsets(%arg10 : memref<48xi32, #tpu.memory_space<vmem>>) semaphore(%run_scoped3A : memref<!tpu.dma_semaphore, #tpu.memory_space<semaphore_mem>>) {add = true}
        %dma_wait3A_241 = arith.constant 0 : i32
        %dma_wait3A_242 = arith.constant 0 : i32
        %dma_wait3A_243 = tpu.memref_slice %arg18[%dma_wait3A_241, %dma_wait3A_242] : memref<10240x128xf32, #tpu.memory_space<vmem_shared>> -> memref<10240x128xf32, #tpu.memory_space<vmem_shared>>
        tpu.wait_indirect_dma semaphore(%run_scoped3A : memref<!tpu.dma_semaphore, #tpu.memory_space<semaphore_mem>>) src(%arg15 : memref<48x128xf32, #tpu.memory_space<vmem>>) dst(%dma_wait3A_243 : memref<10240x128xf32, #tpu.memory_space<vmem_shared>>)
        tpu.yield
      }) : () -> ()
      "tpu.region"() ({
        %run_scoped3A = tpu.sem_alloc : memref<!tpu.dma_semaphore, #tpu.memory_space<semaphore_mem>>
        %dma_start3A_238 = arith.constant 0 : i32
        %dma_start3A_239 = arith.constant 0 : i32
        %dma_start3A_240 = tpu.memref_slice %arg19[%dma_start3A_238, %dma_start3A_239] : memref<1280x128xf32, #tpu.memory_space<vmem_shared>> -> memref<1280x128xf32, #tpu.memory_space<vmem_shared>>
        tpu.enqueue_indirect_dma source(%arg16 : memref<48x128xf32, #tpu.memory_space<vmem>>) target(%dma_start3A_240 : memref<1280x128xf32, #tpu.memory_space<vmem_shared>>) offsets(%arg11 : memref<48xi32, #tpu.memory_space<vmem>>) semaphore(%run_scoped3A : memref<!tpu.dma_semaphore, #tpu.memory_space<semaphore_mem>>) {add = true}
        %dma_wait3A_241 = arith.constant 0 : i32
        %dma_wait3A_242 = arith.constant 0 : i32
        %dma_wait3A_243 = tpu.memref_slice %arg19[%dma_wait3A_241, %dma_wait3A_242] : memref<1280x128xf32, #tpu.memory_space<vmem_shared>> -> memref<1280x128xf32, #tpu.memory_space<vmem_shared>>
        tpu.wait_indirect_dma semaphore(%run_scoped3A : memref<!tpu.dma_semaphore, #tpu.memory_space<semaphore_mem>>) src(%arg16 : memref<48x128xf32, #tpu.memory_space<vmem>>) dst(%dma_wait3A_243 : memref<1280x128xf32, #tpu.memory_space<vmem_shared>>)
        tpu.yield
      }) : () -> ()
      %scan3A_237 = arith.constant 0 : i32
      scf.yield %scan3A_237 : i32
    }
    %scan3A_120 = arith.constant 209 : i32
    %barrier3A_121 = arith.constant 0 : index
    tpu.barrier barrier_id(%barrier3A_121)
    %mul3A_122 = arith.constant 640 : i32
    %mul3A_123 = arith.muli %arg1, %mul3A_122 : i32
    %add3A_124 = arith.constant 0 : i32
    %add3A_125 = arith.addi %mul3A_123, %add3A_124 : i32
    "tpu.region"() ({
      %run_scoped3A = tpu.sem_alloc : memref<!tpu.dma_semaphore, #tpu.memory_space<semaphore_mem>>
      %dma_start3A = arith.constant 0 : i32
      %dma_start3A_194 = arith.constant 0 : i32
      %dma_start3A_195 = tpu.memref_slice %arg15[%dma_start3A, %dma_start3A_194] : memref<48x128xf32, #tpu.memory_space<vmem>> -> memref<40x128xf32, #tpu.memory_space<vmem>>
      %dma_start3A_196 = arith.constant 0 : i32
      %dma_start3A_197 = tpu.memref_slice %arg18[%add3A_125, %dma_start3A_196] : memref<10240x128xf32, #tpu.memory_space<vmem_shared>> -> memref<40x128xf32, #tpu.memory_space<vmem_shared>>
      %dma_start3A_198 = arith.constant 0 : i32
      %dma_start3A_199 = arith.constant 0 : i32
      %dma_start3A_200 = tpu.memref_slice %arg15[%dma_start3A_198, %dma_start3A_199] : memref<48x128xf32, #tpu.memory_space<vmem>> -> memref<40x128xf32, #tpu.memory_space<vmem>>
      %dma_start3A_201 = arith.constant 0 : i32
      %dma_start3A_202 = tpu.memref_slice %arg18[%add3A_125, %dma_start3A_201] : memref<10240x128xf32, #tpu.memory_space<vmem_shared>> -> memref<40x128xf32, #tpu.memory_space<vmem_shared>>
      tpu.enqueue_dma source(%dma_start3A_202 : memref<40x128xf32, #tpu.memory_space<vmem_shared>>) target(%dma_start3A_200 : memref<40x128xf32, #tpu.memory_space<vmem>>) target_semaphore(%run_scoped3A : memref<!tpu.dma_semaphore, #tpu.memory_space<semaphore_mem>>)
      %dma_wait3A = arith.constant 0 : i32
      %dma_wait3A_203 = arith.constant 0 : i32
      %dma_wait3A_204 = tpu.memref_slice %arg15[%dma_wait3A, %dma_wait3A_203] : memref<48x128xf32, #tpu.memory_space<vmem>> -> memref<40x128xf32, #tpu.memory_space<vmem>>
      %dma_wait3A_205 = arith.constant 0 : i32
      %dma_wait3A_206 = tpu.memref_slice %arg18[%add3A_125, %dma_wait3A_205] : memref<10240x128xf32, #tpu.memory_space<vmem_shared>> -> memref<40x128xf32, #tpu.memory_space<vmem_shared>>
      %dma_wait3A_207 = arith.constant 0 : i32
      %dma_wait3A_208 = arith.constant 0 : i32
      %dma_wait3A_209 = tpu.memref_slice %arg15[%dma_wait3A_207, %dma_wait3A_208] : memref<48x128xf32, #tpu.memory_space<vmem>> -> memref<40x128xf32, #tpu.memory_space<vmem>>
      %dma_wait3A_210 = arith.constant 0 : i32
      %dma_wait3A_211 = tpu.memref_slice %arg18[%add3A_125, %dma_wait3A_210] : memref<10240x128xf32, #tpu.memory_space<vmem_shared>> -> memref<40x128xf32, #tpu.memory_space<vmem_shared>>
      tpu.wait_dma2 semaphore(%run_scoped3A : memref<!tpu.dma_semaphore, #tpu.memory_space<semaphore_mem>>) src(%dma_wait3A_211 : memref<40x128xf32, #tpu.memory_space<vmem_shared>>) dst(%dma_wait3A_209 : memref<40x128xf32, #tpu.memory_space<vmem>>)
      tpu.yield
    }) : () -> ()
    "tpu.region"() ({
      %run_scoped3A = tpu.sem_alloc : memref<!tpu.dma_semaphore, #tpu.memory_space<semaphore_mem>>
      %dma_start3A = arith.constant 0 : i32
      %dma_start3A_194 = arith.constant 0 : i32
      %dma_start3A_195 = tpu.memref_slice %arg15[%dma_start3A, %dma_start3A_194] : memref<48x128xf32, #tpu.memory_space<vmem>> -> memref<40x128xf32, #tpu.memory_space<vmem>>
      %dma_start3A_196 = arith.constant 0 : i32
      %dma_start3A_197 = tpu.memref_slice %arg7[%arg0, %add3A_125, %dma_start3A_196] : memref<2x10240x128xf32, #tpu.memory_space<hbm>> -> memref<1x40x128xf32, #tpu.memory_space<hbm>>
      %dma_start3A_198 = tpu.memref_squeeze %dma_start3A_197 : memref<1x40x128xf32, #tpu.memory_space<hbm>> -> memref<40x128xf32, #tpu.memory_space<hbm>>
      %dma_start3A_199 = arith.constant 0 : i32
      %dma_start3A_200 = tpu.memref_slice %arg7[%arg0, %add3A_125, %dma_start3A_199] : memref<2x10240x128xf32, #tpu.memory_space<hbm>> -> memref<1x40x128xf32, #tpu.memory_space<hbm>>
      %dma_start3A_201 = tpu.memref_squeeze %dma_start3A_200 : memref<1x40x128xf32, #tpu.memory_space<hbm>> -> memref<40x128xf32, #tpu.memory_space<hbm>>
      %dma_start3A_202 = arith.constant 0 : i32
      %dma_start3A_203 = arith.constant 0 : i32
      %dma_start3A_204 = tpu.memref_slice %arg15[%dma_start3A_202, %dma_start3A_203] : memref<48x128xf32, #tpu.memory_space<vmem>> -> memref<40x128xf32, #tpu.memory_space<vmem>>
      tpu.enqueue_dma source(%dma_start3A_204 : memref<40x128xf32, #tpu.memory_space<vmem>>) target(%dma_start3A_201 : memref<40x128xf32, #tpu.memory_space<hbm>>) target_semaphore(%run_scoped3A : memref<!tpu.dma_semaphore, #tpu.memory_space<semaphore_mem>>)
      %dma_wait3A = arith.constant 0 : i32
      %dma_wait3A_205 = arith.constant 0 : i32
      %dma_wait3A_206 = tpu.memref_slice %arg15[%dma_wait3A, %dma_wait3A_205] : memref<48x128xf32, #tpu.memory_space<vmem>> -> memref<40x128xf32, #tpu.memory_space<vmem>>
      %dma_wait3A_207 = arith.constant 0 : i32
      %dma_wait3A_208 = tpu.memref_slice %arg7[%arg0, %add3A_125, %dma_wait3A_207] : memref<2x10240x128xf32, #tpu.memory_space<hbm>> -> memref<1x40x128xf32, #tpu.memory_space<hbm>>
      %dma_wait3A_209 = tpu.memref_squeeze %dma_wait3A_208 : memref<1x40x128xf32, #tpu.memory_space<hbm>> -> memref<40x128xf32, #tpu.memory_space<hbm>>
      %dma_wait3A_210 = arith.constant 0 : i32
      %dma_wait3A_211 = tpu.memref_slice %arg7[%arg0, %add3A_125, %dma_wait3A_210] : memref<2x10240x128xf32, #tpu.memory_space<hbm>> -> memref<1x40x128xf32, #tpu.memory_space<hbm>>
      %dma_wait3A_212 = tpu.memref_squeeze %dma_wait3A_211 : memref<1x40x128xf32, #tpu.memory_space<hbm>> -> memref<40x128xf32, #tpu.memory_space<hbm>>
      %dma_wait3A_213 = arith.constant 0 : i32
      %dma_wait3A_214 = arith.constant 0 : i32
      %dma_wait3A_215 = tpu.memref_slice %arg15[%dma_wait3A_213, %dma_wait3A_214] : memref<48x128xf32, #tpu.memory_space<vmem>> -> memref<40x128xf32, #tpu.memory_space<vmem>>
      tpu.wait_dma2 semaphore(%run_scoped3A : memref<!tpu.dma_semaphore, #tpu.memory_space<semaphore_mem>>) src(%dma_wait3A_215 : memref<40x128xf32, #tpu.memory_space<vmem>>) dst(%dma_wait3A_212 : memref<40x128xf32, #tpu.memory_space<hbm>>)
      tpu.yield
    }) : () -> ()
    %mul3A_126 = arith.constant 640 : i32
    %mul3A_127 = arith.muli %arg1, %mul3A_126 : i32
    %add3A_128 = arith.constant 40 : i32
    %add3A_129 = arith.addi %mul3A_127, %add3A_128 : i32
    "tpu.region"() ({
      %run_scoped3A = tpu.sem_alloc : memref<!tpu.dma_semaphore, #tpu.memory_space<semaphore_mem>>
      %dma_start3A = arith.constant 0 : i32
      %dma_start3A_194 = arith.constant 0 : i32
      %dma_start3A_195 = tpu.memref_slice %arg15[%dma_start3A, %dma_start3A_194] : memref<48x128xf32, #tpu.memory_space<vmem>> -> memref<40x128xf32, #tpu.memory_space<vmem>>
      %dma_start3A_196 = arith.constant 0 : i32
      %dma_start3A_197 = tpu.memref_slice %arg18[%add3A_129, %dma_start3A_196] : memref<10240x128xf32, #tpu.memory_space<vmem_shared>> -> memref<40x128xf32, #tpu.memory_space<vmem_shared>>
      %dma_start3A_198 = arith.constant 0 : i32
      %dma_start3A_199 = arith.constant 0 : i32
      %dma_start3A_200 = tpu.memref_slice %arg15[%dma_start3A_198, %dma_start3A_199] : memref<48x128xf32, #tpu.memory_space<vmem>> -> memref<40x128xf32, #tpu.memory_space<vmem>>
      %dma_start3A_201 = arith.constant 0 : i32
      %dma_start3A_202 = tpu.memref_slice %arg18[%add3A_129, %dma_start3A_201] : memref<10240x128xf32, #tpu.memory_space<vmem_shared>> -> memref<40x128xf32, #tpu.memory_space<vmem_shared>>
      tpu.enqueue_dma source(%dma_start3A_202 : memref<40x128xf32, #tpu.memory_space<vmem_shared>>) target(%dma_start3A_200 : memref<40x128xf32, #tpu.memory_space<vmem>>) target_semaphore(%run_scoped3A : memref<!tpu.dma_semaphore, #tpu.memory_space<semaphore_mem>>)
      %dma_wait3A = arith.constant 0 : i32
      %dma_wait3A_203 = arith.constant 0 : i32
      %dma_wait3A_204 = tpu.memref_slice %arg15[%dma_wait3A, %dma_wait3A_203] : memref<48x128xf32, #tpu.memory_space<vmem>> -> memref<40x128xf32, #tpu.memory_space<vmem>>
      %dma_wait3A_205 = arith.constant 0 : i32
      %dma_wait3A_206 = tpu.memref_slice %arg18[%add3A_129, %dma_wait3A_205] : memref<10240x128xf32, #tpu.memory_space<vmem_shared>> -> memref<40x128xf32, #tpu.memory_space<vmem_shared>>
      %dma_wait3A_207 = arith.constant 0 : i32
      %dma_wait3A_208 = arith.constant 0 : i32
      %dma_wait3A_209 = tpu.memref_slice %arg15[%dma_wait3A_207, %dma_wait3A_208] : memref<48x128xf32, #tpu.memory_space<vmem>> -> memref<40x128xf32, #tpu.memory_space<vmem>>
      %dma_wait3A_210 = arith.constant 0 : i32
      %dma_wait3A_211 = tpu.memref_slice %arg18[%add3A_129, %dma_wait3A_210] : memref<10240x128xf32, #tpu.memory_space<vmem_shared>> -> memref<40x128xf32, #tpu.memory_space<vmem_shared>>
      tpu.wait_dma2 semaphore(%run_scoped3A : memref<!tpu.dma_semaphore, #tpu.memory_space<semaphore_mem>>) src(%dma_wait3A_211 : memref<40x128xf32, #tpu.memory_space<vmem_shared>>) dst(%dma_wait3A_209 : memref<40x128xf32, #tpu.memory_space<vmem>>)
      tpu.yield
    }) : () -> ()
    "tpu.region"() ({
      %run_scoped3A = tpu.sem_alloc : memref<!tpu.dma_semaphore, #tpu.memory_space<semaphore_mem>>
      %dma_start3A = arith.constant 0 : i32
      %dma_start3A_194 = arith.constant 0 : i32
      %dma_start3A_195 = tpu.memref_slice %arg15[%dma_start3A, %dma_start3A_194] : memref<48x128xf32, #tpu.memory_space<vmem>> -> memref<40x128xf32, #tpu.memory_space<vmem>>
      %dma_start3A_196 = arith.constant 0 : i32
      %dma_start3A_197 = tpu.memref_slice %arg7[%arg0, %add3A_129, %dma_start3A_196] : memref<2x10240x128xf32, #tpu.memory_space<hbm>> -> memref<1x40x128xf32, #tpu.memory_space<hbm>>
      %dma_start3A_198 = tpu.memref_squeeze %dma_start3A_197 : memref<1x40x128xf32, #tpu.memory_space<hbm>> -> memref<40x128xf32, #tpu.memory_space<hbm>>
      %dma_start3A_199 = arith.constant 0 : i32
      %dma_start3A_200 = tpu.memref_slice %arg7[%arg0, %add3A_129, %dma_start3A_199] : memref<2x10240x128xf32, #tpu.memory_space<hbm>> -> memref<1x40x128xf32, #tpu.memory_space<hbm>>
      %dma_start3A_201 = tpu.memref_squeeze %dma_start3A_200 : memref<1x40x128xf32, #tpu.memory_space<hbm>> -> memref<40x128xf32, #tpu.memory_space<hbm>>
      %dma_start3A_202 = arith.constant 0 : i32
      %dma_start3A_203 = arith.constant 0 : i32
      %dma_start3A_204 = tpu.memref_slice %arg15[%dma_start3A_202, %dma_start3A_203] : memref<48x128xf32, #tpu.memory_space<vmem>> -> memref<40x128xf32, #tpu.memory_space<vmem>>
      tpu.enqueue_dma source(%dma_start3A_204 : memref<40x128xf32, #tpu.memory_space<vmem>>) target(%dma_start3A_201 : memref<40x128xf32, #tpu.memory_space<hbm>>) target_semaphore(%run_scoped3A : memref<!tpu.dma_semaphore, #tpu.memory_space<semaphore_mem>>)
      %dma_wait3A = arith.constant 0 : i32
      %dma_wait3A_205 = arith.constant 0 : i32
      %dma_wait3A_206 = tpu.memref_slice %arg15[%dma_wait3A, %dma_wait3A_205] : memref<48x128xf32, #tpu.memory_space<vmem>> -> memref<40x128xf32, #tpu.memory_space<vmem>>
      %dma_wait3A_207 = arith.constant 0 : i32
      %dma_wait3A_208 = tpu.memref_slice %arg7[%arg0, %add3A_129, %dma_wait3A_207] : memref<2x10240x128xf32, #tpu.memory_space<hbm>> -> memref<1x40x128xf32, #tpu.memory_space<hbm>>
      %dma_wait3A_209 = tpu.memref_squeeze %dma_wait3A_208 : memref<1x40x128xf32, #tpu.memory_space<hbm>> -> memref<40x128xf32, #tpu.memory_space<hbm>>
      %dma_wait3A_210 = arith.constant 0 : i32
      %dma_wait3A_211 = tpu.memref_slice %arg7[%arg0, %add3A_129, %dma_wait3A_210] : memref<2x10240x128xf32, #tpu.memory_space<hbm>> -> memref<1x40x128xf32, #tpu.memory_space<hbm>>
      %dma_wait3A_212 = tpu.memref_squeeze %dma_wait3A_211 : memref<1x40x128xf32, #tpu.memory_space<hbm>> -> memref<40x128xf32, #tpu.memory_space<hbm>>
      %dma_wait3A_213 = arith.constant 0 : i32
      %dma_wait3A_214 = arith.constant 0 : i32
      %dma_wait3A_215 = tpu.memref_slice %arg15[%dma_wait3A_213, %dma_wait3A_214] : memref<48x128xf32, #tpu.memory_space<vmem>> -> memref<40x128xf32, #tpu.memory_space<vmem>>
      tpu.wait_dma2 semaphore(%run_scoped3A : memref<!tpu.dma_semaphore, #tpu.memory_space<semaphore_mem>>) src(%dma_wait3A_215 : memref<40x128xf32, #tpu.memory_space<vmem>>) dst(%dma_wait3A_212 : memref<40x128xf32, #tpu.memory_space<hbm>>)
      tpu.yield
    }) : () -> ()
    %mul3A_130 = arith.constant 640 : i32
    %mul3A_131 = arith.muli %arg1, %mul3A_130 : i32
    %add3A_132 = arith.constant 80 : i32
    %add3A_133 = arith.addi %mul3A_131, %add3A_132 : i32
    "tpu.region"() ({
      %run_scoped3A = tpu.sem_alloc : memref<!tpu.dma_semaphore, #tpu.memory_space<semaphore_mem>>
      %dma_start3A = arith.constant 0 : i32
      %dma_start3A_194 = arith.constant 0 : i32
      %dma_start3A_195 = tpu.memref_slice %arg15[%dma_start3A, %dma_start3A_194] : memref<48x128xf32, #tpu.memory_space<vmem>> -> memref<40x128xf32, #tpu.memory_space<vmem>>
      %dma_start3A_196 = arith.constant 0 : i32
      %dma_start3A_197 = tpu.memref_slice %arg18[%add3A_133, %dma_start3A_196] : memref<10240x128xf32, #tpu.memory_space<vmem_shared>> -> memref<40x128xf32, #tpu.memory_space<vmem_shared>>
      %dma_start3A_198 = arith.constant 0 : i32
      %dma_start3A_199 = arith.constant 0 : i32
      %dma_start3A_200 = tpu.memref_slice %arg15[%dma_start3A_198, %dma_start3A_199] : memref<48x128xf32, #tpu.memory_space<vmem>> -> memref<40x128xf32, #tpu.memory_space<vmem>>
      %dma_start3A_201 = arith.constant 0 : i32
      %dma_start3A_202 = tpu.memref_slice %arg18[%add3A_133, %dma_start3A_201] : memref<10240x128xf32, #tpu.memory_space<vmem_shared>> -> memref<40x128xf32, #tpu.memory_space<vmem_shared>>
      tpu.enqueue_dma source(%dma_start3A_202 : memref<40x128xf32, #tpu.memory_space<vmem_shared>>) target(%dma_start3A_200 : memref<40x128xf32, #tpu.memory_space<vmem>>) target_semaphore(%run_scoped3A : memref<!tpu.dma_semaphore, #tpu.memory_space<semaphore_mem>>)
      %dma_wait3A = arith.constant 0 : i32
      %dma_wait3A_203 = arith.constant 0 : i32
      %dma_wait3A_204 = tpu.memref_slice %arg15[%dma_wait3A, %dma_wait3A_203] : memref<48x128xf32, #tpu.memory_space<vmem>> -> memref<40x128xf32, #tpu.memory_space<vmem>>
      %dma_wait3A_205 = arith.constant 0 : i32
      %dma_wait3A_206 = tpu.memref_slice %arg18[%add3A_133, %dma_wait3A_205] : memref<10240x128xf32, #tpu.memory_space<vmem_shared>> -> memref<40x128xf32, #tpu.memory_space<vmem_shared>>
      %dma_wait3A_207 = arith.constant 0 : i32
      %dma_wait3A_208 = arith.constant 0 : i32
      %dma_wait3A_209 = tpu.memref_slice %arg15[%dma_wait3A_207, %dma_wait3A_208] : memref<48x128xf32, #tpu.memory_space<vmem>> -> memref<40x128xf32, #tpu.memory_space<vmem>>
      %dma_wait3A_210 = arith.constant 0 : i32
      %dma_wait3A_211 = tpu.memref_slice %arg18[%add3A_133, %dma_wait3A_210] : memref<10240x128xf32, #tpu.memory_space<vmem_shared>> -> memref<40x128xf32, #tpu.memory_space<vmem_shared>>
      tpu.wait_dma2 semaphore(%run_scoped3A : memref<!tpu.dma_semaphore, #tpu.memory_space<semaphore_mem>>) src(%dma_wait3A_211 : memref<40x128xf32, #tpu.memory_space<vmem_shared>>) dst(%dma_wait3A_209 : memref<40x128xf32, #tpu.memory_space<vmem>>)
      tpu.yield
    }) : () -> ()
    "tpu.region"() ({
      %run_scoped3A = tpu.sem_alloc : memref<!tpu.dma_semaphore, #tpu.memory_space<semaphore_mem>>
      %dma_start3A = arith.constant 0 : i32
      %dma_start3A_194 = arith.constant 0 : i32
      %dma_start3A_195 = tpu.memref_slice %arg15[%dma_start3A, %dma_start3A_194] : memref<48x128xf32, #tpu.memory_space<vmem>> -> memref<40x128xf32, #tpu.memory_space<vmem>>
      %dma_start3A_196 = arith.constant 0 : i32
      %dma_start3A_197 = tpu.memref_slice %arg7[%arg0, %add3A_133, %dma_start3A_196] : memref<2x10240x128xf32, #tpu.memory_space<hbm>> -> memref<1x40x128xf32, #tpu.memory_space<hbm>>
      %dma_start3A_198 = tpu.memref_squeeze %dma_start3A_197 : memref<1x40x128xf32, #tpu.memory_space<hbm>> -> memref<40x128xf32, #tpu.memory_space<hbm>>
      %dma_start3A_199 = arith.constant 0 : i32
      %dma_start3A_200 = tpu.memref_slice %arg7[%arg0, %add3A_133, %dma_start3A_199] : memref<2x10240x128xf32, #tpu.memory_space<hbm>> -> memref<1x40x128xf32, #tpu.memory_space<hbm>>
      %dma_start3A_201 = tpu.memref_squeeze %dma_start3A_200 : memref<1x40x128xf32, #tpu.memory_space<hbm>> -> memref<40x128xf32, #tpu.memory_space<hbm>>
      %dma_start3A_202 = arith.constant 0 : i32
      %dma_start3A_203 = arith.constant 0 : i32
      %dma_start3A_204 = tpu.memref_slice %arg15[%dma_start3A_202, %dma_start3A_203] : memref<48x128xf32, #tpu.memory_space<vmem>> -> memref<40x128xf32, #tpu.memory_space<vmem>>
      tpu.enqueue_dma source(%dma_start3A_204 : memref<40x128xf32, #tpu.memory_space<vmem>>) target(%dma_start3A_201 : memref<40x128xf32, #tpu.memory_space<hbm>>) target_semaphore(%run_scoped3A : memref<!tpu.dma_semaphore, #tpu.memory_space<semaphore_mem>>)
      %dma_wait3A = arith.constant 0 : i32
      %dma_wait3A_205 = arith.constant 0 : i32
      %dma_wait3A_206 = tpu.memref_slice %arg15[%dma_wait3A, %dma_wait3A_205] : memref<48x128xf32, #tpu.memory_space<vmem>> -> memref<40x128xf32, #tpu.memory_space<vmem>>
      %dma_wait3A_207 = arith.constant 0 : i32
      %dma_wait3A_208 = tpu.memref_slice %arg7[%arg0, %add3A_133, %dma_wait3A_207] : memref<2x10240x128xf32, #tpu.memory_space<hbm>> -> memref<1x40x128xf32, #tpu.memory_space<hbm>>
      %dma_wait3A_209 = tpu.memref_squeeze %dma_wait3A_208 : memref<1x40x128xf32, #tpu.memory_space<hbm>> -> memref<40x128xf32, #tpu.memory_space<hbm>>
      %dma_wait3A_210 = arith.constant 0 : i32
      %dma_wait3A_211 = tpu.memref_slice %arg7[%arg0, %add3A_133, %dma_wait3A_210] : memref<2x10240x128xf32, #tpu.memory_space<hbm>> -> memref<1x40x128xf32, #tpu.memory_space<hbm>>
      %dma_wait3A_212 = tpu.memref_squeeze %dma_wait3A_211 : memref<1x40x128xf32, #tpu.memory_space<hbm>> -> memref<40x128xf32, #tpu.memory_space<hbm>>
      %dma_wait3A_213 = arith.constant 0 : i32
      %dma_wait3A_214 = arith.constant 0 : i32
      %dma_wait3A_215 = tpu.memref_slice %arg15[%dma_wait3A_213, %dma_wait3A_214] : memref<48x128xf32, #tpu.memory_space<vmem>> -> memref<40x128xf32, #tpu.memory_space<vmem>>
      tpu.wait_dma2 semaphore(%run_scoped3A : memref<!tpu.dma_semaphore, #tpu.memory_space<semaphore_mem>>) src(%dma_wait3A_215 : memref<40x128xf32, #tpu.memory_space<vmem>>) dst(%dma_wait3A_212 : memref<40x128xf32, #tpu.memory_space<hbm>>)
      tpu.yield
    }) : () -> ()
    %mul3A_134 = arith.constant 640 : i32
    %mul3A_135 = arith.muli %arg1, %mul3A_134 : i32
    %add3A_136 = arith.constant 120 : i32
    %add3A_137 = arith.addi %mul3A_135, %add3A_136 : i32
    "tpu.region"() ({
      %run_scoped3A = tpu.sem_alloc : memref<!tpu.dma_semaphore, #tpu.memory_space<semaphore_mem>>
      %dma_start3A = arith.constant 0 : i32
      %dma_start3A_194 = arith.constant 0 : i32
      %dma_start3A_195 = tpu.memref_slice %arg15[%dma_start3A, %dma_start3A_194] : memref<48x128xf32, #tpu.memory_space<vmem>> -> memref<40x128xf32, #tpu.memory_space<vmem>>
      %dma_start3A_196 = arith.constant 0 : i32
      %dma_start3A_197 = tpu.memref_slice %arg18[%add3A_137, %dma_start3A_196] : memref<10240x128xf32, #tpu.memory_space<vmem_shared>> -> memref<40x128xf32, #tpu.memory_space<vmem_shared>>
      %dma_start3A_198 = arith.constant 0 : i32
      %dma_start3A_199 = arith.constant 0 : i32
      %dma_start3A_200 = tpu.memref_slice %arg15[%dma_start3A_198, %dma_start3A_199] : memref<48x128xf32, #tpu.memory_space<vmem>> -> memref<40x128xf32, #tpu.memory_space<vmem>>
      %dma_start3A_201 = arith.constant 0 : i32
      %dma_start3A_202 = tpu.memref_slice %arg18[%add3A_137, %dma_start3A_201] : memref<10240x128xf32, #tpu.memory_space<vmem_shared>> -> memref<40x128xf32, #tpu.memory_space<vmem_shared>>
      tpu.enqueue_dma source(%dma_start3A_202 : memref<40x128xf32, #tpu.memory_space<vmem_shared>>) target(%dma_start3A_200 : memref<40x128xf32, #tpu.memory_space<vmem>>) target_semaphore(%run_scoped3A : memref<!tpu.dma_semaphore, #tpu.memory_space<semaphore_mem>>)
      %dma_wait3A = arith.constant 0 : i32
      %dma_wait3A_203 = arith.constant 0 : i32
      %dma_wait3A_204 = tpu.memref_slice %arg15[%dma_wait3A, %dma_wait3A_203] : memref<48x128xf32, #tpu.memory_space<vmem>> -> memref<40x128xf32, #tpu.memory_space<vmem>>
      %dma_wait3A_205 = arith.constant 0 : i32
      %dma_wait3A_206 = tpu.memref_slice %arg18[%add3A_137, %dma_wait3A_205] : memref<10240x128xf32, #tpu.memory_space<vmem_shared>> -> memref<40x128xf32, #tpu.memory_space<vmem_shared>>
      %dma_wait3A_207 = arith.constant 0 : i32
      %dma_wait3A_208 = arith.constant 0 : i32
      %dma_wait3A_209 = tpu.memref_slice %arg15[%dma_wait3A_207, %dma_wait3A_208] : memref<48x128xf32, #tpu.memory_space<vmem>> -> memref<40x128xf32, #tpu.memory_space<vmem>>
      %dma_wait3A_210 = arith.constant 0 : i32
      %dma_wait3A_211 = tpu.memref_slice %arg18[%add3A_137, %dma_wait3A_210] : memref<10240x128xf32, #tpu.memory_space<vmem_shared>> -> memref<40x128xf32, #tpu.memory_space<vmem_shared>>
      tpu.wait_dma2 semaphore(%run_scoped3A : memref<!tpu.dma_semaphore, #tpu.memory_space<semaphore_mem>>) src(%dma_wait3A_211 : memref<40x128xf32, #tpu.memory_space<vmem_shared>>) dst(%dma_wait3A_209 : memref<40x128xf32, #tpu.memory_space<vmem>>)
      tpu.yield
    }) : () -> ()
    "tpu.region"() ({
      %run_scoped3A = tpu.sem_alloc : memref<!tpu.dma_semaphore, #tpu.memory_space<semaphore_mem>>
      %dma_start3A = arith.constant 0 : i32
      %dma_start3A_194 = arith.constant 0 : i32
      %dma_start3A_195 = tpu.memref_slice %arg15[%dma_start3A, %dma_start3A_194] : memref<48x128xf32, #tpu.memory_space<vmem>> -> memref<40x128xf32, #tpu.memory_space<vmem>>
      %dma_start3A_196 = arith.constant 0 : i32
      %dma_start3A_197 = tpu.memref_slice %arg7[%arg0, %add3A_137, %dma_start3A_196] : memref<2x10240x128xf32, #tpu.memory_space<hbm>> -> memref<1x40x128xf32, #tpu.memory_space<hbm>>
      %dma_start3A_198 = tpu.memref_squeeze %dma_start3A_197 : memref<1x40x128xf32, #tpu.memory_space<hbm>> -> memref<40x128xf32, #tpu.memory_space<hbm>>
      %dma_start3A_199 = arith.constant 0 : i32
      %dma_start3A_200 = tpu.memref_slice %arg7[%arg0, %add3A_137, %dma_start3A_199] : memref<2x10240x128xf32, #tpu.memory_space<hbm>> -> memref<1x40x128xf32, #tpu.memory_space<hbm>>
      %dma_start3A_201 = tpu.memref_squeeze %dma_start3A_200 : memref<1x40x128xf32, #tpu.memory_space<hbm>> -> memref<40x128xf32, #tpu.memory_space<hbm>>
      %dma_start3A_202 = arith.constant 0 : i32
      %dma_start3A_203 = arith.constant 0 : i32
      %dma_start3A_204 = tpu.memref_slice %arg15[%dma_start3A_202, %dma_start3A_203] : memref<48x128xf32, #tpu.memory_space<vmem>> -> memref<40x128xf32, #tpu.memory_space<vmem>>
      tpu.enqueue_dma source(%dma_start3A_204 : memref<40x128xf32, #tpu.memory_space<vmem>>) target(%dma_start3A_201 : memref<40x128xf32, #tpu.memory_space<hbm>>) target_semaphore(%run_scoped3A : memref<!tpu.dma_semaphore, #tpu.memory_space<semaphore_mem>>)
      %dma_wait3A = arith.constant 0 : i32
      %dma_wait3A_205 = arith.constant 0 : i32
      %dma_wait3A_206 = tpu.memref_slice %arg15[%dma_wait3A, %dma_wait3A_205] : memref<48x128xf32, #tpu.memory_space<vmem>> -> memref<40x128xf32, #tpu.memory_space<vmem>>
      %dma_wait3A_207 = arith.constant 0 : i32
      %dma_wait3A_208 = tpu.memref_slice %arg7[%arg0, %add3A_137, %dma_wait3A_207] : memref<2x10240x128xf32, #tpu.memory_space<hbm>> -> memref<1x40x128xf32, #tpu.memory_space<hbm>>
      %dma_wait3A_209 = tpu.memref_squeeze %dma_wait3A_208 : memref<1x40x128xf32, #tpu.memory_space<hbm>> -> memref<40x128xf32, #tpu.memory_space<hbm>>
      %dma_wait3A_210 = arith.constant 0 : i32
      %dma_wait3A_211 = tpu.memref_slice %arg7[%arg0, %add3A_137, %dma_wait3A_210] : memref<2x10240x128xf32, #tpu.memory_space<hbm>> -> memref<1x40x128xf32, #tpu.memory_space<hbm>>
      %dma_wait3A_212 = tpu.memref_squeeze %dma_wait3A_211 : memref<1x40x128xf32, #tpu.memory_space<hbm>> -> memref<40x128xf32, #tpu.memory_space<hbm>>
      %dma_wait3A_213 = arith.constant 0 : i32
      %dma_wait3A_214 = arith.constant 0 : i32
      %dma_wait3A_215 = tpu.memref_slice %arg15[%dma_wait3A_213, %dma_wait3A_214] : memref<48x128xf32, #tpu.memory_space<vmem>> -> memref<40x128xf32, #tpu.memory_space<vmem>>
      tpu.wait_dma2 semaphore(%run_scoped3A : memref<!tpu.dma_semaphore, #tpu.memory_space<semaphore_mem>>) src(%dma_wait3A_215 : memref<40x128xf32, #tpu.memory_space<vmem>>) dst(%dma_wait3A_212 : memref<40x128xf32, #tpu.memory_space<hbm>>)
      tpu.yield
    }) : () -> ()
    %mul3A_138 = arith.constant 640 : i32
    %mul3A_139 = arith.muli %arg1, %mul3A_138 : i32
    %add3A_140 = arith.constant 160 : i32
    %add3A_141 = arith.addi %mul3A_139, %add3A_140 : i32
    "tpu.region"() ({
      %run_scoped3A = tpu.sem_alloc : memref<!tpu.dma_semaphore, #tpu.memory_space<semaphore_mem>>
      %dma_start3A = arith.constant 0 : i32
      %dma_start3A_194 = arith.constant 0 : i32
      %dma_start3A_195 = tpu.memref_slice %arg15[%dma_start3A, %dma_start3A_194] : memref<48x128xf32, #tpu.memory_space<vmem>> -> memref<40x128xf32, #tpu.memory_space<vmem>>
      %dma_start3A_196 = arith.constant 0 : i32
      %dma_start3A_197 = tpu.memref_slice %arg18[%add3A_141, %dma_start3A_196] : memref<10240x128xf32, #tpu.memory_space<vmem_shared>> -> memref<40x128xf32, #tpu.memory_space<vmem_shared>>
      %dma_start3A_198 = arith.constant 0 : i32
      %dma_start3A_199 = arith.constant 0 : i32
      %dma_start3A_200 = tpu.memref_slice %arg15[%dma_start3A_198, %dma_start3A_199] : memref<48x128xf32, #tpu.memory_space<vmem>> -> memref<40x128xf32, #tpu.memory_space<vmem>>
      %dma_start3A_201 = arith.constant 0 : i32
      %dma_start3A_202 = tpu.memref_slice %arg18[%add3A_141, %dma_start3A_201] : memref<10240x128xf32, #tpu.memory_space<vmem_shared>> -> memref<40x128xf32, #tpu.memory_space<vmem_shared>>
      tpu.enqueue_dma source(%dma_start3A_202 : memref<40x128xf32, #tpu.memory_space<vmem_shared>>) target(%dma_start3A_200 : memref<40x128xf32, #tpu.memory_space<vmem>>) target_semaphore(%run_scoped3A : memref<!tpu.dma_semaphore, #tpu.memory_space<semaphore_mem>>)
      %dma_wait3A = arith.constant 0 : i32
      %dma_wait3A_203 = arith.constant 0 : i32
      %dma_wait3A_204 = tpu.memref_slice %arg15[%dma_wait3A, %dma_wait3A_203] : memref<48x128xf32, #tpu.memory_space<vmem>> -> memref<40x128xf32, #tpu.memory_space<vmem>>
      %dma_wait3A_205 = arith.constant 0 : i32
      %dma_wait3A_206 = tpu.memref_slice %arg18[%add3A_141, %dma_wait3A_205] : memref<10240x128xf32, #tpu.memory_space<vmem_shared>> -> memref<40x128xf32, #tpu.memory_space<vmem_shared>>
      %dma_wait3A_207 = arith.constant 0 : i32
      %dma_wait3A_208 = arith.constant 0 : i32
      %dma_wait3A_209 = tpu.memref_slice %arg15[%dma_wait3A_207, %dma_wait3A_208] : memref<48x128xf32, #tpu.memory_space<vmem>> -> memref<40x128xf32, #tpu.memory_space<vmem>>
      %dma_wait3A_210 = arith.constant 0 : i32
      %dma_wait3A_211 = tpu.memref_slice %arg18[%add3A_141, %dma_wait3A_210] : memref<10240x128xf32, #tpu.memory_space<vmem_shared>> -> memref<40x128xf32, #tpu.memory_space<vmem_shared>>
      tpu.wait_dma2 semaphore(%run_scoped3A : memref<!tpu.dma_semaphore, #tpu.memory_space<semaphore_mem>>) src(%dma_wait3A_211 : memref<40x128xf32, #tpu.memory_space<vmem_shared>>) dst(%dma_wait3A_209 : memref<40x128xf32, #tpu.memory_space<vmem>>)
      tpu.yield
    }) : () -> ()
    "tpu.region"() ({
      %run_scoped3A = tpu.sem_alloc : memref<!tpu.dma_semaphore, #tpu.memory_space<semaphore_mem>>
      %dma_start3A = arith.constant 0 : i32
      %dma_start3A_194 = arith.constant 0 : i32
      %dma_start3A_195 = tpu.memref_slice %arg15[%dma_start3A, %dma_start3A_194] : memref<48x128xf32, #tpu.memory_space<vmem>> -> memref<40x128xf32, #tpu.memory_space<vmem>>
      %dma_start3A_196 = arith.constant 0 : i32
      %dma_start3A_197 = tpu.memref_slice %arg7[%arg0, %add3A_141, %dma_start3A_196] : memref<2x10240x128xf32, #tpu.memory_space<hbm>> -> memref<1x40x128xf32, #tpu.memory_space<hbm>>
      %dma_start3A_198 = tpu.memref_squeeze %dma_start3A_197 : memref<1x40x128xf32, #tpu.memory_space<hbm>> -> memref<40x128xf32, #tpu.memory_space<hbm>>
      %dma_start3A_199 = arith.constant 0 : i32
      %dma_start3A_200 = tpu.memref_slice %arg7[%arg0, %add3A_141, %dma_start3A_199] : memref<2x10240x128xf32, #tpu.memory_space<hbm>> -> memref<1x40x128xf32, #tpu.memory_space<hbm>>
      %dma_start3A_201 = tpu.memref_squeeze %dma_start3A_200 : memref<1x40x128xf32, #tpu.memory_space<hbm>> -> memref<40x128xf32, #tpu.memory_space<hbm>>
      %dma_start3A_202 = arith.constant 0 : i32
      %dma_start3A_203 = arith.constant 0 : i32
      %dma_start3A_204 = tpu.memref_slice %arg15[%dma_start3A_202, %dma_start3A_203] : memref<48x128xf32, #tpu.memory_space<vmem>> -> memref<40x128xf32, #tpu.memory_space<vmem>>
      tpu.enqueue_dma source(%dma_start3A_204 : memref<40x128xf32, #tpu.memory_space<vmem>>) target(%dma_start3A_201 : memref<40x128xf32, #tpu.memory_space<hbm>>) target_semaphore(%run_scoped3A : memref<!tpu.dma_semaphore, #tpu.memory_space<semaphore_mem>>)
      %dma_wait3A = arith.constant 0 : i32
      %dma_wait3A_205 = arith.constant 0 : i32
      %dma_wait3A_206 = tpu.memref_slice %arg15[%dma_wait3A, %dma_wait3A_205] : memref<48x128xf32, #tpu.memory_space<vmem>> -> memref<40x128xf32, #tpu.memory_space<vmem>>
      %dma_wait3A_207 = arith.constant 0 : i32
      %dma_wait3A_208 = tpu.memref_slice %arg7[%arg0, %add3A_141, %dma_wait3A_207] : memref<2x10240x128xf32, #tpu.memory_space<hbm>> -> memref<1x40x128xf32, #tpu.memory_space<hbm>>
      %dma_wait3A_209 = tpu.memref_squeeze %dma_wait3A_208 : memref<1x40x128xf32, #tpu.memory_space<hbm>> -> memref<40x128xf32, #tpu.memory_space<hbm>>
      %dma_wait3A_210 = arith.constant 0 : i32
      %dma_wait3A_211 = tpu.memref_slice %arg7[%arg0, %add3A_141, %dma_wait3A_210] : memref<2x10240x128xf32, #tpu.memory_space<hbm>> -> memref<1x40x128xf32, #tpu.memory_space<hbm>>
      %dma_wait3A_212 = tpu.memref_squeeze %dma_wait3A_211 : memref<1x40x128xf32, #tpu.memory_space<hbm>> -> memref<40x128xf32, #tpu.memory_space<hbm>>
      %dma_wait3A_213 = arith.constant 0 : i32
      %dma_wait3A_214 = arith.constant 0 : i32
      %dma_wait3A_215 = tpu.memref_slice %arg15[%dma_wait3A_213, %dma_wait3A_214] : memref<48x128xf32, #tpu.memory_space<vmem>> -> memref<40x128xf32, #tpu.memory_space<vmem>>
      tpu.wait_dma2 semaphore(%run_scoped3A : memref<!tpu.dma_semaphore, #tpu.memory_space<semaphore_mem>>) src(%dma_wait3A_215 : memref<40x128xf32, #tpu.memory_space<vmem>>) dst(%dma_wait3A_212 : memref<40x128xf32, #tpu.memory_space<hbm>>)
      tpu.yield
    }) : () -> ()
    %mul3A_142 = arith.constant 640 : i32
    %mul3A_143 = arith.muli %arg1, %mul3A_142 : i32
    %add3A_144 = arith.constant 200 : i32
    %add3A_145 = arith.addi %mul3A_143, %add3A_144 : i32
    "tpu.region"() ({
      %run_scoped3A = tpu.sem_alloc : memref<!tpu.dma_semaphore, #tpu.memory_space<semaphore_mem>>
      %dma_start3A = arith.constant 0 : i32
      %dma_start3A_194 = arith.constant 0 : i32
      %dma_start3A_195 = tpu.memref_slice %arg15[%dma_start3A, %dma_start3A_194] : memref<48x128xf32, #tpu.memory_space<vmem>> -> memref<40x128xf32, #tpu.memory_space<vmem>>
      %dma_start3A_196 = arith.constant 0 : i32
      %dma_start3A_197 = tpu.memref_slice %arg18[%add3A_145, %dma_start3A_196] : memref<10240x128xf32, #tpu.memory_space<vmem_shared>> -> memref<40x128xf32, #tpu.memory_space<vmem_shared>>
      %dma_start3A_198 = arith.constant 0 : i32
      %dma_start3A_199 = arith.constant 0 : i32
      %dma_start3A_200 = tpu.memref_slice %arg15[%dma_start3A_198, %dma_start3A_199] : memref<48x128xf32, #tpu.memory_space<vmem>> -> memref<40x128xf32, #tpu.memory_space<vmem>>
      %dma_start3A_201 = arith.constant 0 : i32
      %dma_start3A_202 = tpu.memref_slice %arg18[%add3A_145, %dma_start3A_201] : memref<10240x128xf32, #tpu.memory_space<vmem_shared>> -> memref<40x128xf32, #tpu.memory_space<vmem_shared>>
      tpu.enqueue_dma source(%dma_start3A_202 : memref<40x128xf32, #tpu.memory_space<vmem_shared>>) target(%dma_start3A_200 : memref<40x128xf32, #tpu.memory_space<vmem>>) target_semaphore(%run_scoped3A : memref<!tpu.dma_semaphore, #tpu.memory_space<semaphore_mem>>)
      %dma_wait3A = arith.constant 0 : i32
      %dma_wait3A_203 = arith.constant 0 : i32
      %dma_wait3A_204 = tpu.memref_slice %arg15[%dma_wait3A, %dma_wait3A_203] : memref<48x128xf32, #tpu.memory_space<vmem>> -> memref<40x128xf32, #tpu.memory_space<vmem>>
      %dma_wait3A_205 = arith.constant 0 : i32
      %dma_wait3A_206 = tpu.memref_slice %arg18[%add3A_145, %dma_wait3A_205] : memref<10240x128xf32, #tpu.memory_space<vmem_shared>> -> memref<40x128xf32, #tpu.memory_space<vmem_shared>>
      %dma_wait3A_207 = arith.constant 0 : i32
      %dma_wait3A_208 = arith.constant 0 : i32
      %dma_wait3A_209 = tpu.memref_slice %arg15[%dma_wait3A_207, %dma_wait3A_208] : memref<48x128xf32, #tpu.memory_space<vmem>> -> memref<40x128xf32, #tpu.memory_space<vmem>>
      %dma_wait3A_210 = arith.constant 0 : i32
      %dma_wait3A_211 = tpu.memref_slice %arg18[%add3A_145, %dma_wait3A_210] : memref<10240x128xf32, #tpu.memory_space<vmem_shared>> -> memref<40x128xf32, #tpu.memory_space<vmem_shared>>
      tpu.wait_dma2 semaphore(%run_scoped3A : memref<!tpu.dma_semaphore, #tpu.memory_space<semaphore_mem>>) src(%dma_wait3A_211 : memref<40x128xf32, #tpu.memory_space<vmem_shared>>) dst(%dma_wait3A_209 : memref<40x128xf32, #tpu.memory_space<vmem>>)
      tpu.yield
    }) : () -> ()
    "tpu.region"() ({
      %run_scoped3A = tpu.sem_alloc : memref<!tpu.dma_semaphore, #tpu.memory_space<semaphore_mem>>
      %dma_start3A = arith.constant 0 : i32
      %dma_start3A_194 = arith.constant 0 : i32
      %dma_start3A_195 = tpu.memref_slice %arg15[%dma_start3A, %dma_start3A_194] : memref<48x128xf32, #tpu.memory_space<vmem>> -> memref<40x128xf32, #tpu.memory_space<vmem>>
      %dma_start3A_196 = arith.constant 0 : i32
      %dma_start3A_197 = tpu.memref_slice %arg7[%arg0, %add3A_145, %dma_start3A_196] : memref<2x10240x128xf32, #tpu.memory_space<hbm>> -> memref<1x40x128xf32, #tpu.memory_space<hbm>>
      %dma_start3A_198 = tpu.memref_squeeze %dma_start3A_197 : memref<1x40x128xf32, #tpu.memory_space<hbm>> -> memref<40x128xf32, #tpu.memory_space<hbm>>
      %dma_start3A_199 = arith.constant 0 : i32
      %dma_start3A_200 = tpu.memref_slice %arg7[%arg0, %add3A_145, %dma_start3A_199] : memref<2x10240x128xf32, #tpu.memory_space<hbm>> -> memref<1x40x128xf32, #tpu.memory_space<hbm>>
      %dma_start3A_201 = tpu.memref_squeeze %dma_start3A_200 : memref<1x40x128xf32, #tpu.memory_space<hbm>> -> memref<40x128xf32, #tpu.memory_space<hbm>>
      %dma_start3A_202 = arith.constant 0 : i32
      %dma_start3A_203 = arith.constant 0 : i32
      %dma_start3A_204 = tpu.memref_slice %arg15[%dma_start3A_202, %dma_start3A_203] : memref<48x128xf32, #tpu.memory_space<vmem>> -> memref<40x128xf32, #tpu.memory_space<vmem>>
      tpu.enqueue_dma source(%dma_start3A_204 : memref<40x128xf32, #tpu.memory_space<vmem>>) target(%dma_start3A_201 : memref<40x128xf32, #tpu.memory_space<hbm>>) target_semaphore(%run_scoped3A : memref<!tpu.dma_semaphore, #tpu.memory_space<semaphore_mem>>)
      %dma_wait3A = arith.constant 0 : i32
      %dma_wait3A_205 = arith.constant 0 : i32
      %dma_wait3A_206 = tpu.memref_slice %arg15[%dma_wait3A, %dma_wait3A_205] : memref<48x128xf32, #tpu.memory_space<vmem>> -> memref<40x128xf32, #tpu.memory_space<vmem>>
      %dma_wait3A_207 = arith.constant 0 : i32
      %dma_wait3A_208 = tpu.memref_slice %arg7[%arg0, %add3A_145, %dma_wait3A_207] : memref<2x10240x128xf32, #tpu.memory_space<hbm>> -> memref<1x40x128xf32, #tpu.memory_space<hbm>>
      %dma_wait3A_209 = tpu.memref_squeeze %dma_wait3A_208 : memref<1x40x128xf32, #tpu.memory_space<hbm>> -> memref<40x128xf32, #tpu.memory_space<hbm>>
      %dma_wait3A_210 = arith.constant 0 : i32
      %dma_wait3A_211 = tpu.memref_slice %arg7[%arg0, %add3A_145, %dma_wait3A_210] : memref<2x10240x128xf32, #tpu.memory_space<hbm>> -> memref<1x40x128xf32, #tpu.memory_space<hbm>>
      %dma_wait3A_212 = tpu.memref_squeeze %dma_wait3A_211 : memref<1x40x128xf32, #tpu.memory_space<hbm>> -> memref<40x128xf32, #tpu.memory_space<hbm>>
      %dma_wait3A_213 = arith.constant 0 : i32
      %dma_wait3A_214 = arith.constant 0 : i32
      %dma_wait3A_215 = tpu.memref_slice %arg15[%dma_wait3A_213, %dma_wait3A_214] : memref<48x128xf32, #tpu.memory_space<vmem>> -> memref<40x128xf32, #tpu.memory_space<vmem>>
      tpu.wait_dma2 semaphore(%run_scoped3A : memref<!tpu.dma_semaphore, #tpu.memory_space<semaphore_mem>>) src(%dma_wait3A_215 : memref<40x128xf32, #tpu.memory_space<vmem>>) dst(%dma_wait3A_212 : memref<40x128xf32, #tpu.memory_space<hbm>>)
      tpu.yield
    }) : () -> ()
    %mul3A_146 = arith.constant 640 : i32
    %mul3A_147 = arith.muli %arg1, %mul3A_146 : i32
    %add3A_148 = arith.constant 240 : i32
    %add3A_149 = arith.addi %mul3A_147, %add3A_148 : i32
    "tpu.region"() ({
      %run_scoped3A = tpu.sem_alloc : memref<!tpu.dma_semaphore, #tpu.memory_space<semaphore_mem>>
      %dma_start3A = arith.constant 0 : i32
      %dma_start3A_194 = arith.constant 0 : i32
      %dma_start3A_195 = tpu.memref_slice %arg15[%dma_start3A, %dma_start3A_194] : memref<48x128xf32, #tpu.memory_space<vmem>> -> memref<40x128xf32, #tpu.memory_space<vmem>>
      %dma_start3A_196 = arith.constant 0 : i32
      %dma_start3A_197 = tpu.memref_slice %arg18[%add3A_149, %dma_start3A_196] : memref<10240x128xf32, #tpu.memory_space<vmem_shared>> -> memref<40x128xf32, #tpu.memory_space<vmem_shared>>
      %dma_start3A_198 = arith.constant 0 : i32
      %dma_start3A_199 = arith.constant 0 : i32
      %dma_start3A_200 = tpu.memref_slice %arg15[%dma_start3A_198, %dma_start3A_199] : memref<48x128xf32, #tpu.memory_space<vmem>> -> memref<40x128xf32, #tpu.memory_space<vmem>>
      %dma_start3A_201 = arith.constant 0 : i32
      %dma_start3A_202 = tpu.memref_slice %arg18[%add3A_149, %dma_start3A_201] : memref<10240x128xf32, #tpu.memory_space<vmem_shared>> -> memref<40x128xf32, #tpu.memory_space<vmem_shared>>
      tpu.enqueue_dma source(%dma_start3A_202 : memref<40x128xf32, #tpu.memory_space<vmem_shared>>) target(%dma_start3A_200 : memref<40x128xf32, #tpu.memory_space<vmem>>) target_semaphore(%run_scoped3A : memref<!tpu.dma_semaphore, #tpu.memory_space<semaphore_mem>>)
      %dma_wait3A = arith.constant 0 : i32
      %dma_wait3A_203 = arith.constant 0 : i32
      %dma_wait3A_204 = tpu.memref_slice %arg15[%dma_wait3A, %dma_wait3A_203] : memref<48x128xf32, #tpu.memory_space<vmem>> -> memref<40x128xf32, #tpu.memory_space<vmem>>
      %dma_wait3A_205 = arith.constant 0 : i32
      %dma_wait3A_206 = tpu.memref_slice %arg18[%add3A_149, %dma_wait3A_205] : memref<10240x128xf32, #tpu.memory_space<vmem_shared>> -> memref<40x128xf32, #tpu.memory_space<vmem_shared>>
      %dma_wait3A_207 = arith.constant 0 : i32
      %dma_wait3A_208 = arith.constant 0 : i32
      %dma_wait3A_209 = tpu.memref_slice %arg15[%dma_wait3A_207, %dma_wait3A_208] : memref<48x128xf32, #tpu.memory_space<vmem>> -> memref<40x128xf32, #tpu.memory_space<vmem>>
      %dma_wait3A_210 = arith.constant 0 : i32
      %dma_wait3A_211 = tpu.memref_slice %arg18[%add3A_149, %dma_wait3A_210] : memref<10240x128xf32, #tpu.memory_space<vmem_shared>> -> memref<40x128xf32, #tpu.memory_space<vmem_shared>>
      tpu.wait_dma2 semaphore(%run_scoped3A : memref<!tpu.dma_semaphore, #tpu.memory_space<semaphore_mem>>) src(%dma_wait3A_211 : memref<40x128xf32, #tpu.memory_space<vmem_shared>>) dst(%dma_wait3A_209 : memref<40x128xf32, #tpu.memory_space<vmem>>)
      tpu.yield
    }) : () -> ()
    "tpu.region"() ({
      %run_scoped3A = tpu.sem_alloc : memref<!tpu.dma_semaphore, #tpu.memory_space<semaphore_mem>>
      %dma_start3A = arith.constant 0 : i32
      %dma_start3A_194 = arith.constant 0 : i32
      %dma_start3A_195 = tpu.memref_slice %arg15[%dma_start3A, %dma_start3A_194] : memref<48x128xf32, #tpu.memory_space<vmem>> -> memref<40x128xf32, #tpu.memory_space<vmem>>
      %dma_start3A_196 = arith.constant 0 : i32
      %dma_start3A_197 = tpu.memref_slice %arg7[%arg0, %add3A_149, %dma_start3A_196] : memref<2x10240x128xf32, #tpu.memory_space<hbm>> -> memref<1x40x128xf32, #tpu.memory_space<hbm>>
      %dma_start3A_198 = tpu.memref_squeeze %dma_start3A_197 : memref<1x40x128xf32, #tpu.memory_space<hbm>> -> memref<40x128xf32, #tpu.memory_space<hbm>>
      %dma_start3A_199 = arith.constant 0 : i32
      %dma_start3A_200 = tpu.memref_slice %arg7[%arg0, %add3A_149, %dma_start3A_199] : memref<2x10240x128xf32, #tpu.memory_space<hbm>> -> memref<1x40x128xf32, #tpu.memory_space<hbm>>
      %dma_start3A_201 = tpu.memref_squeeze %dma_start3A_200 : memref<1x40x128xf32, #tpu.memory_space<hbm>> -> memref<40x128xf32, #tpu.memory_space<hbm>>
      %dma_start3A_202 = arith.constant 0 : i32
      %dma_start3A_203 = arith.constant 0 : i32
      %dma_start3A_204 = tpu.memref_slice %arg15[%dma_start3A_202, %dma_start3A_203] : memref<48x128xf32, #tpu.memory_space<vmem>> -> memref<40x128xf32, #tpu.memory_space<vmem>>
      tpu.enqueue_dma source(%dma_start3A_204 : memref<40x128xf32, #tpu.memory_space<vmem>>) target(%dma_start3A_201 : memref<40x128xf32, #tpu.memory_space<hbm>>) target_semaphore(%run_scoped3A : memref<!tpu.dma_semaphore, #tpu.memory_space<semaphore_mem>>)
      %dma_wait3A = arith.constant 0 : i32
      %dma_wait3A_205 = arith.constant 0 : i32
      %dma_wait3A_206 = tpu.memref_slice %arg15[%dma_wait3A, %dma_wait3A_205] : memref<48x128xf32, #tpu.memory_space<vmem>> -> memref<40x128xf32, #tpu.memory_space<vmem>>
      %dma_wait3A_207 = arith.constant 0 : i32
      %dma_wait3A_208 = tpu.memref_slice %arg7[%arg0, %add3A_149, %dma_wait3A_207] : memref<2x10240x128xf32, #tpu.memory_space<hbm>> -> memref<1x40x128xf32, #tpu.memory_space<hbm>>
      %dma_wait3A_209 = tpu.memref_squeeze %dma_wait3A_208 : memref<1x40x128xf32, #tpu.memory_space<hbm>> -> memref<40x128xf32, #tpu.memory_space<hbm>>
      %dma_wait3A_210 = arith.constant 0 : i32
      %dma_wait3A_211 = tpu.memref_slice %arg7[%arg0, %add3A_149, %dma_wait3A_210] : memref<2x10240x128xf32, #tpu.memory_space<hbm>> -> memref<1x40x128xf32, #tpu.memory_space<hbm>>
      %dma_wait3A_212 = tpu.memref_squeeze %dma_wait3A_211 : memref<1x40x128xf32, #tpu.memory_space<hbm>> -> memref<40x128xf32, #tpu.memory_space<hbm>>
      %dma_wait3A_213 = arith.constant 0 : i32
      %dma_wait3A_214 = arith.constant 0 : i32
      %dma_wait3A_215 = tpu.memref_slice %arg15[%dma_wait3A_213, %dma_wait3A_214] : memref<48x128xf32, #tpu.memory_space<vmem>> -> memref<40x128xf32, #tpu.memory_space<vmem>>
      tpu.wait_dma2 semaphore(%run_scoped3A : memref<!tpu.dma_semaphore, #tpu.memory_space<semaphore_mem>>) src(%dma_wait3A_215 : memref<40x128xf32, #tpu.memory_space<vmem>>) dst(%dma_wait3A_212 : memref<40x128xf32, #tpu.memory_space<hbm>>)
      tpu.yield
    }) : () -> ()
    %mul3A_150 = arith.constant 640 : i32
    %mul3A_151 = arith.muli %arg1, %mul3A_150 : i32
    %add3A_152 = arith.constant 280 : i32
    %add3A_153 = arith.addi %mul3A_151, %add3A_152 : i32
    "tpu.region"() ({
      %run_scoped3A = tpu.sem_alloc : memref<!tpu.dma_semaphore, #tpu.memory_space<semaphore_mem>>
      %dma_start3A = arith.constant 0 : i32
      %dma_start3A_194 = arith.constant 0 : i32
      %dma_start3A_195 = tpu.memref_slice %arg15[%dma_start3A, %dma_start3A_194] : memref<48x128xf32, #tpu.memory_space<vmem>> -> memref<40x128xf32, #tpu.memory_space<vmem>>
      %dma_start3A_196 = arith.constant 0 : i32
      %dma_start3A_197 = tpu.memref_slice %arg18[%add3A_153, %dma_start3A_196] : memref<10240x128xf32, #tpu.memory_space<vmem_shared>> -> memref<40x128xf32, #tpu.memory_space<vmem_shared>>
      %dma_start3A_198 = arith.constant 0 : i32
      %dma_start3A_199 = arith.constant 0 : i32
      %dma_start3A_200 = tpu.memref_slice %arg15[%dma_start3A_198, %dma_start3A_199] : memref<48x128xf32, #tpu.memory_space<vmem>> -> memref<40x128xf32, #tpu.memory_space<vmem>>
      %dma_start3A_201 = arith.constant 0 : i32
      %dma_start3A_202 = tpu.memref_slice %arg18[%add3A_153, %dma_start3A_201] : memref<10240x128xf32, #tpu.memory_space<vmem_shared>> -> memref<40x128xf32, #tpu.memory_space<vmem_shared>>
      tpu.enqueue_dma source(%dma_start3A_202 : memref<40x128xf32, #tpu.memory_space<vmem_shared>>) target(%dma_start3A_200 : memref<40x128xf32, #tpu.memory_space<vmem>>) target_semaphore(%run_scoped3A : memref<!tpu.dma_semaphore, #tpu.memory_space<semaphore_mem>>)
      %dma_wait3A = arith.constant 0 : i32
      %dma_wait3A_203 = arith.constant 0 : i32
      %dma_wait3A_204 = tpu.memref_slice %arg15[%dma_wait3A, %dma_wait3A_203] : memref<48x128xf32, #tpu.memory_space<vmem>> -> memref<40x128xf32, #tpu.memory_space<vmem>>
      %dma_wait3A_205 = arith.constant 0 : i32
      %dma_wait3A_206 = tpu.memref_slice %arg18[%add3A_153, %dma_wait3A_205] : memref<10240x128xf32, #tpu.memory_space<vmem_shared>> -> memref<40x128xf32, #tpu.memory_space<vmem_shared>>
      %dma_wait3A_207 = arith.constant 0 : i32
      %dma_wait3A_208 = arith.constant 0 : i32
      %dma_wait3A_209 = tpu.memref_slice %arg15[%dma_wait3A_207, %dma_wait3A_208] : memref<48x128xf32, #tpu.memory_space<vmem>> -> memref<40x128xf32, #tpu.memory_space<vmem>>
      %dma_wait3A_210 = arith.constant 0 : i32
      %dma_wait3A_211 = tpu.memref_slice %arg18[%add3A_153, %dma_wait3A_210] : memref<10240x128xf32, #tpu.memory_space<vmem_shared>> -> memref<40x128xf32, #tpu.memory_space<vmem_shared>>
      tpu.wait_dma2 semaphore(%run_scoped3A : memref<!tpu.dma_semaphore, #tpu.memory_space<semaphore_mem>>) src(%dma_wait3A_211 : memref<40x128xf32, #tpu.memory_space<vmem_shared>>) dst(%dma_wait3A_209 : memref<40x128xf32, #tpu.memory_space<vmem>>)
      tpu.yield
    }) : () -> ()
    "tpu.region"() ({
      %run_scoped3A = tpu.sem_alloc : memref<!tpu.dma_semaphore, #tpu.memory_space<semaphore_mem>>
      %dma_start3A = arith.constant 0 : i32
      %dma_start3A_194 = arith.constant 0 : i32
      %dma_start3A_195 = tpu.memref_slice %arg15[%dma_start3A, %dma_start3A_194] : memref<48x128xf32, #tpu.memory_space<vmem>> -> memref<40x128xf32, #tpu.memory_space<vmem>>
      %dma_start3A_196 = arith.constant 0 : i32
      %dma_start3A_197 = tpu.memref_slice %arg7[%arg0, %add3A_153, %dma_start3A_196] : memref<2x10240x128xf32, #tpu.memory_space<hbm>> -> memref<1x40x128xf32, #tpu.memory_space<hbm>>
      %dma_start3A_198 = tpu.memref_squeeze %dma_start3A_197 : memref<1x40x128xf32, #tpu.memory_space<hbm>> -> memref<40x128xf32, #tpu.memory_space<hbm>>
      %dma_start3A_199 = arith.constant 0 : i32
      %dma_start3A_200 = tpu.memref_slice %arg7[%arg0, %add3A_153, %dma_start3A_199] : memref<2x10240x128xf32, #tpu.memory_space<hbm>> -> memref<1x40x128xf32, #tpu.memory_space<hbm>>
      %dma_start3A_201 = tpu.memref_squeeze %dma_start3A_200 : memref<1x40x128xf32, #tpu.memory_space<hbm>> -> memref<40x128xf32, #tpu.memory_space<hbm>>
      %dma_start3A_202 = arith.constant 0 : i32
      %dma_start3A_203 = arith.constant 0 : i32
      %dma_start3A_204 = tpu.memref_slice %arg15[%dma_start3A_202, %dma_start3A_203] : memref<48x128xf32, #tpu.memory_space<vmem>> -> memref<40x128xf32, #tpu.memory_space<vmem>>
      tpu.enqueue_dma source(%dma_start3A_204 : memref<40x128xf32, #tpu.memory_space<vmem>>) target(%dma_start3A_201 : memref<40x128xf32, #tpu.memory_space<hbm>>) target_semaphore(%run_scoped3A : memref<!tpu.dma_semaphore, #tpu.memory_space<semaphore_mem>>)
      %dma_wait3A = arith.constant 0 : i32
      %dma_wait3A_205 = arith.constant 0 : i32
      %dma_wait3A_206 = tpu.memref_slice %arg15[%dma_wait3A, %dma_wait3A_205] : memref<48x128xf32, #tpu.memory_space<vmem>> -> memref<40x128xf32, #tpu.memory_space<vmem>>
      %dma_wait3A_207 = arith.constant 0 : i32
      %dma_wait3A_208 = tpu.memref_slice %arg7[%arg0, %add3A_153, %dma_wait3A_207] : memref<2x10240x128xf32, #tpu.memory_space<hbm>> -> memref<1x40x128xf32, #tpu.memory_space<hbm>>
      %dma_wait3A_209 = tpu.memref_squeeze %dma_wait3A_208 : memref<1x40x128xf32, #tpu.memory_space<hbm>> -> memref<40x128xf32, #tpu.memory_space<hbm>>
      %dma_wait3A_210 = arith.constant 0 : i32
      %dma_wait3A_211 = tpu.memref_slice %arg7[%arg0, %add3A_153, %dma_wait3A_210] : memref<2x10240x128xf32, #tpu.memory_space<hbm>> -> memref<1x40x128xf32, #tpu.memory_space<hbm>>
      %dma_wait3A_212 = tpu.memref_squeeze %dma_wait3A_211 : memref<1x40x128xf32, #tpu.memory_space<hbm>> -> memref<40x128xf32, #tpu.memory_space<hbm>>
      %dma_wait3A_213 = arith.constant 0 : i32
      %dma_wait3A_214 = arith.constant 0 : i32
      %dma_wait3A_215 = tpu.memref_slice %arg15[%dma_wait3A_213, %dma_wait3A_214] : memref<48x128xf32, #tpu.memory_space<vmem>> -> memref<40x128xf32, #tpu.memory_space<vmem>>
      tpu.wait_dma2 semaphore(%run_scoped3A : memref<!tpu.dma_semaphore, #tpu.memory_space<semaphore_mem>>) src(%dma_wait3A_215 : memref<40x128xf32, #tpu.memory_space<vmem>>) dst(%dma_wait3A_212 : memref<40x128xf32, #tpu.memory_space<hbm>>)
      tpu.yield
    }) : () -> ()
    %mul3A_154 = arith.constant 640 : i32
    %mul3A_155 = arith.muli %arg1, %mul3A_154 : i32
    %add3A_156 = arith.constant 320 : i32
    %add3A_157 = arith.addi %mul3A_155, %add3A_156 : i32
    "tpu.region"() ({
      %run_scoped3A = tpu.sem_alloc : memref<!tpu.dma_semaphore, #tpu.memory_space<semaphore_mem>>
      %dma_start3A = arith.constant 0 : i32
      %dma_start3A_194 = arith.constant 0 : i32
      %dma_start3A_195 = tpu.memref_slice %arg15[%dma_start3A, %dma_start3A_194] : memref<48x128xf32, #tpu.memory_space<vmem>> -> memref<40x128xf32, #tpu.memory_space<vmem>>
      %dma_start3A_196 = arith.constant 0 : i32
      %dma_start3A_197 = tpu.memref_slice %arg18[%add3A_157, %dma_start3A_196] : memref<10240x128xf32, #tpu.memory_space<vmem_shared>> -> memref<40x128xf32, #tpu.memory_space<vmem_shared>>
      %dma_start3A_198 = arith.constant 0 : i32
      %dma_start3A_199 = arith.constant 0 : i32
      %dma_start3A_200 = tpu.memref_slice %arg15[%dma_start3A_198, %dma_start3A_199] : memref<48x128xf32, #tpu.memory_space<vmem>> -> memref<40x128xf32, #tpu.memory_space<vmem>>
      %dma_start3A_201 = arith.constant 0 : i32
      %dma_start3A_202 = tpu.memref_slice %arg18[%add3A_157, %dma_start3A_201] : memref<10240x128xf32, #tpu.memory_space<vmem_shared>> -> memref<40x128xf32, #tpu.memory_space<vmem_shared>>
      tpu.enqueue_dma source(%dma_start3A_202 : memref<40x128xf32, #tpu.memory_space<vmem_shared>>) target(%dma_start3A_200 : memref<40x128xf32, #tpu.memory_space<vmem>>) target_semaphore(%run_scoped3A : memref<!tpu.dma_semaphore, #tpu.memory_space<semaphore_mem>>)
      %dma_wait3A = arith.constant 0 : i32
      %dma_wait3A_203 = arith.constant 0 : i32
      %dma_wait3A_204 = tpu.memref_slice %arg15[%dma_wait3A, %dma_wait3A_203] : memref<48x128xf32, #tpu.memory_space<vmem>> -> memref<40x128xf32, #tpu.memory_space<vmem>>
      %dma_wait3A_205 = arith.constant 0 : i32
      %dma_wait3A_206 = tpu.memref_slice %arg18[%add3A_157, %dma_wait3A_205] : memref<10240x128xf32, #tpu.memory_space<vmem_shared>> -> memref<40x128xf32, #tpu.memory_space<vmem_shared>>
      %dma_wait3A_207 = arith.constant 0 : i32
      %dma_wait3A_208 = arith.constant 0 : i32
      %dma_wait3A_209 = tpu.memref_slice %arg15[%dma_wait3A_207, %dma_wait3A_208] : memref<48x128xf32, #tpu.memory_space<vmem>> -> memref<40x128xf32, #tpu.memory_space<vmem>>
      %dma_wait3A_210 = arith.constant 0 : i32
      %dma_wait3A_211 = tpu.memref_slice %arg18[%add3A_157, %dma_wait3A_210] : memref<10240x128xf32, #tpu.memory_space<vmem_shared>> -> memref<40x128xf32, #tpu.memory_space<vmem_shared>>
      tpu.wait_dma2 semaphore(%run_scoped3A : memref<!tpu.dma_semaphore, #tpu.memory_space<semaphore_mem>>) src(%dma_wait3A_211 : memref<40x128xf32, #tpu.memory_space<vmem_shared>>) dst(%dma_wait3A_209 : memref<40x128xf32, #tpu.memory_space<vmem>>)
      tpu.yield
    }) : () -> ()
    "tpu.region"() ({
      %run_scoped3A = tpu.sem_alloc : memref<!tpu.dma_semaphore, #tpu.memory_space<semaphore_mem>>
      %dma_start3A = arith.constant 0 : i32
      %dma_start3A_194 = arith.constant 0 : i32
      %dma_start3A_195 = tpu.memref_slice %arg15[%dma_start3A, %dma_start3A_194] : memref<48x128xf32, #tpu.memory_space<vmem>> -> memref<40x128xf32, #tpu.memory_space<vmem>>
      %dma_start3A_196 = arith.constant 0 : i32
      %dma_start3A_197 = tpu.memref_slice %arg7[%arg0, %add3A_157, %dma_start3A_196] : memref<2x10240x128xf32, #tpu.memory_space<hbm>> -> memref<1x40x128xf32, #tpu.memory_space<hbm>>
      %dma_start3A_198 = tpu.memref_squeeze %dma_start3A_197 : memref<1x40x128xf32, #tpu.memory_space<hbm>> -> memref<40x128xf32, #tpu.memory_space<hbm>>
      %dma_start3A_199 = arith.constant 0 : i32
      %dma_start3A_200 = tpu.memref_slice %arg7[%arg0, %add3A_157, %dma_start3A_199] : memref<2x10240x128xf32, #tpu.memory_space<hbm>> -> memref<1x40x128xf32, #tpu.memory_space<hbm>>
      %dma_start3A_201 = tpu.memref_squeeze %dma_start3A_200 : memref<1x40x128xf32, #tpu.memory_space<hbm>> -> memref<40x128xf32, #tpu.memory_space<hbm>>
      %dma_start3A_202 = arith.constant 0 : i32
      %dma_start3A_203 = arith.constant 0 : i32
      %dma_start3A_204 = tpu.memref_slice %arg15[%dma_start3A_202, %dma_start3A_203] : memref<48x128xf32, #tpu.memory_space<vmem>> -> memref<40x128xf32, #tpu.memory_space<vmem>>
      tpu.enqueue_dma source(%dma_start3A_204 : memref<40x128xf32, #tpu.memory_space<vmem>>) target(%dma_start3A_201 : memref<40x128xf32, #tpu.memory_space<hbm>>) target_semaphore(%run_scoped3A : memref<!tpu.dma_semaphore, #tpu.memory_space<semaphore_mem>>)
      %dma_wait3A = arith.constant 0 : i32
      %dma_wait3A_205 = arith.constant 0 : i32
      %dma_wait3A_206 = tpu.memref_slice %arg15[%dma_wait3A, %dma_wait3A_205] : memref<48x128xf32, #tpu.memory_space<vmem>> -> memref<40x128xf32, #tpu.memory_space<vmem>>
      %dma_wait3A_207 = arith.constant 0 : i32
      %dma_wait3A_208 = tpu.memref_slice %arg7[%arg0, %add3A_157, %dma_wait3A_207] : memref<2x10240x128xf32, #tpu.memory_space<hbm>> -> memref<1x40x128xf32, #tpu.memory_space<hbm>>
      %dma_wait3A_209 = tpu.memref_squeeze %dma_wait3A_208 : memref<1x40x128xf32, #tpu.memory_space<hbm>> -> memref<40x128xf32, #tpu.memory_space<hbm>>
      %dma_wait3A_210 = arith.constant 0 : i32
      %dma_wait3A_211 = tpu.memref_slice %arg7[%arg0, %add3A_157, %dma_wait3A_210] : memref<2x10240x128xf32, #tpu.memory_space<hbm>> -> memref<1x40x128xf32, #tpu.memory_space<hbm>>
      %dma_wait3A_212 = tpu.memref_squeeze %dma_wait3A_211 : memref<1x40x128xf32, #tpu.memory_space<hbm>> -> memref<40x128xf32, #tpu.memory_space<hbm>>
      %dma_wait3A_213 = arith.constant 0 : i32
      %dma_wait3A_214 = arith.constant 0 : i32
      %dma_wait3A_215 = tpu.memref_slice %arg15[%dma_wait3A_213, %dma_wait3A_214] : memref<48x128xf32, #tpu.memory_space<vmem>> -> memref<40x128xf32, #tpu.memory_space<vmem>>
      tpu.wait_dma2 semaphore(%run_scoped3A : memref<!tpu.dma_semaphore, #tpu.memory_space<semaphore_mem>>) src(%dma_wait3A_215 : memref<40x128xf32, #tpu.memory_space<vmem>>) dst(%dma_wait3A_212 : memref<40x128xf32, #tpu.memory_space<hbm>>)
      tpu.yield
    }) : () -> ()
    %mul3A_158 = arith.constant 640 : i32
    %mul3A_159 = arith.muli %arg1, %mul3A_158 : i32
    %add3A_160 = arith.constant 360 : i32
    %add3A_161 = arith.addi %mul3A_159, %add3A_160 : i32
    "tpu.region"() ({
      %run_scoped3A = tpu.sem_alloc : memref<!tpu.dma_semaphore, #tpu.memory_space<semaphore_mem>>
      %dma_start3A = arith.constant 0 : i32
      %dma_start3A_194 = arith.constant 0 : i32
      %dma_start3A_195 = tpu.memref_slice %arg15[%dma_start3A, %dma_start3A_194] : memref<48x128xf32, #tpu.memory_space<vmem>> -> memref<40x128xf32, #tpu.memory_space<vmem>>
      %dma_start3A_196 = arith.constant 0 : i32
      %dma_start3A_197 = tpu.memref_slice %arg18[%add3A_161, %dma_start3A_196] : memref<10240x128xf32, #tpu.memory_space<vmem_shared>> -> memref<40x128xf32, #tpu.memory_space<vmem_shared>>
      %dma_start3A_198 = arith.constant 0 : i32
      %dma_start3A_199 = arith.constant 0 : i32
      %dma_start3A_200 = tpu.memref_slice %arg15[%dma_start3A_198, %dma_start3A_199] : memref<48x128xf32, #tpu.memory_space<vmem>> -> memref<40x128xf32, #tpu.memory_space<vmem>>
      %dma_start3A_201 = arith.constant 0 : i32
      %dma_start3A_202 = tpu.memref_slice %arg18[%add3A_161, %dma_start3A_201] : memref<10240x128xf32, #tpu.memory_space<vmem_shared>> -> memref<40x128xf32, #tpu.memory_space<vmem_shared>>
      tpu.enqueue_dma source(%dma_start3A_202 : memref<40x128xf32, #tpu.memory_space<vmem_shared>>) target(%dma_start3A_200 : memref<40x128xf32, #tpu.memory_space<vmem>>) target_semaphore(%run_scoped3A : memref<!tpu.dma_semaphore, #tpu.memory_space<semaphore_mem>>)
      %dma_wait3A = arith.constant 0 : i32
      %dma_wait3A_203 = arith.constant 0 : i32
      %dma_wait3A_204 = tpu.memref_slice %arg15[%dma_wait3A, %dma_wait3A_203] : memref<48x128xf32, #tpu.memory_space<vmem>> -> memref<40x128xf32, #tpu.memory_space<vmem>>
      %dma_wait3A_205 = arith.constant 0 : i32
      %dma_wait3A_206 = tpu.memref_slice %arg18[%add3A_161, %dma_wait3A_205] : memref<10240x128xf32, #tpu.memory_space<vmem_shared>> -> memref<40x128xf32, #tpu.memory_space<vmem_shared>>
      %dma_wait3A_207 = arith.constant 0 : i32
      %dma_wait3A_208 = arith.constant 0 : i32
      %dma_wait3A_209 = tpu.memref_slice %arg15[%dma_wait3A_207, %dma_wait3A_208] : memref<48x128xf32, #tpu.memory_space<vmem>> -> memref<40x128xf32, #tpu.memory_space<vmem>>
      %dma_wait3A_210 = arith.constant 0 : i32
      %dma_wait3A_211 = tpu.memref_slice %arg18[%add3A_161, %dma_wait3A_210] : memref<10240x128xf32, #tpu.memory_space<vmem_shared>> -> memref<40x128xf32, #tpu.memory_space<vmem_shared>>
      tpu.wait_dma2 semaphore(%run_scoped3A : memref<!tpu.dma_semaphore, #tpu.memory_space<semaphore_mem>>) src(%dma_wait3A_211 : memref<40x128xf32, #tpu.memory_space<vmem_shared>>) dst(%dma_wait3A_209 : memref<40x128xf32, #tpu.memory_space<vmem>>)
      tpu.yield
    }) : () -> ()
    "tpu.region"() ({
      %run_scoped3A = tpu.sem_alloc : memref<!tpu.dma_semaphore, #tpu.memory_space<semaphore_mem>>
      %dma_start3A = arith.constant 0 : i32
      %dma_start3A_194 = arith.constant 0 : i32
      %dma_start3A_195 = tpu.memref_slice %arg15[%dma_start3A, %dma_start3A_194] : memref<48x128xf32, #tpu.memory_space<vmem>> -> memref<40x128xf32, #tpu.memory_space<vmem>>
      %dma_start3A_196 = arith.constant 0 : i32
      %dma_start3A_197 = tpu.memref_slice %arg7[%arg0, %add3A_161, %dma_start3A_196] : memref<2x10240x128xf32, #tpu.memory_space<hbm>> -> memref<1x40x128xf32, #tpu.memory_space<hbm>>
      %dma_start3A_198 = tpu.memref_squeeze %dma_start3A_197 : memref<1x40x128xf32, #tpu.memory_space<hbm>> -> memref<40x128xf32, #tpu.memory_space<hbm>>
      %dma_start3A_199 = arith.constant 0 : i32
      %dma_start3A_200 = tpu.memref_slice %arg7[%arg0, %add3A_161, %dma_start3A_199] : memref<2x10240x128xf32, #tpu.memory_space<hbm>> -> memref<1x40x128xf32, #tpu.memory_space<hbm>>
      %dma_start3A_201 = tpu.memref_squeeze %dma_start3A_200 : memref<1x40x128xf32, #tpu.memory_space<hbm>> -> memref<40x128xf32, #tpu.memory_space<hbm>>
      %dma_start3A_202 = arith.constant 0 : i32
      %dma_start3A_203 = arith.constant 0 : i32
      %dma_start3A_204 = tpu.memref_slice %arg15[%dma_start3A_202, %dma_start3A_203] : memref<48x128xf32, #tpu.memory_space<vmem>> -> memref<40x128xf32, #tpu.memory_space<vmem>>
      tpu.enqueue_dma source(%dma_start3A_204 : memref<40x128xf32, #tpu.memory_space<vmem>>) target(%dma_start3A_201 : memref<40x128xf32, #tpu.memory_space<hbm>>) target_semaphore(%run_scoped3A : memref<!tpu.dma_semaphore, #tpu.memory_space<semaphore_mem>>)
      %dma_wait3A = arith.constant 0 : i32
      %dma_wait3A_205 = arith.constant 0 : i32
      %dma_wait3A_206 = tpu.memref_slice %arg15[%dma_wait3A, %dma_wait3A_205] : memref<48x128xf32, #tpu.memory_space<vmem>> -> memref<40x128xf32, #tpu.memory_space<vmem>>
      %dma_wait3A_207 = arith.constant 0 : i32
      %dma_wait3A_208 = tpu.memref_slice %arg7[%arg0, %add3A_161, %dma_wait3A_207] : memref<2x10240x128xf32, #tpu.memory_space<hbm>> -> memref<1x40x128xf32, #tpu.memory_space<hbm>>
      %dma_wait3A_209 = tpu.memref_squeeze %dma_wait3A_208 : memref<1x40x128xf32, #tpu.memory_space<hbm>> -> memref<40x128xf32, #tpu.memory_space<hbm>>
      %dma_wait3A_210 = arith.constant 0 : i32
      %dma_wait3A_211 = tpu.memref_slice %arg7[%arg0, %add3A_161, %dma_wait3A_210] : memref<2x10240x128xf32, #tpu.memory_space<hbm>> -> memref<1x40x128xf32, #tpu.memory_space<hbm>>
      %dma_wait3A_212 = tpu.memref_squeeze %dma_wait3A_211 : memref<1x40x128xf32, #tpu.memory_space<hbm>> -> memref<40x128xf32, #tpu.memory_space<hbm>>
      %dma_wait3A_213 = arith.constant 0 : i32
      %dma_wait3A_214 = arith.constant 0 : i32
      %dma_wait3A_215 = tpu.memref_slice %arg15[%dma_wait3A_213, %dma_wait3A_214] : memref<48x128xf32, #tpu.memory_space<vmem>> -> memref<40x128xf32, #tpu.memory_space<vmem>>
      tpu.wait_dma2 semaphore(%run_scoped3A : memref<!tpu.dma_semaphore, #tpu.memory_space<semaphore_mem>>) src(%dma_wait3A_215 : memref<40x128xf32, #tpu.memory_space<vmem>>) dst(%dma_wait3A_212 : memref<40x128xf32, #tpu.memory_space<hbm>>)
      tpu.yield
    }) : () -> ()
    %mul3A_162 = arith.constant 640 : i32
    %mul3A_163 = arith.muli %arg1, %mul3A_162 : i32
    %add3A_164 = arith.constant 400 : i32
    %add3A_165 = arith.addi %mul3A_163, %add3A_164 : i32
    "tpu.region"() ({
      %run_scoped3A = tpu.sem_alloc : memref<!tpu.dma_semaphore, #tpu.memory_space<semaphore_mem>>
      %dma_start3A = arith.constant 0 : i32
      %dma_start3A_194 = arith.constant 0 : i32
      %dma_start3A_195 = tpu.memref_slice %arg15[%dma_start3A, %dma_start3A_194] : memref<48x128xf32, #tpu.memory_space<vmem>> -> memref<40x128xf32, #tpu.memory_space<vmem>>
      %dma_start3A_196 = arith.constant 0 : i32
      %dma_start3A_197 = tpu.memref_slice %arg18[%add3A_165, %dma_start3A_196] : memref<10240x128xf32, #tpu.memory_space<vmem_shared>> -> memref<40x128xf32, #tpu.memory_space<vmem_shared>>
      %dma_start3A_198 = arith.constant 0 : i32
      %dma_start3A_199 = arith.constant 0 : i32
      %dma_start3A_200 = tpu.memref_slice %arg15[%dma_start3A_198, %dma_start3A_199] : memref<48x128xf32, #tpu.memory_space<vmem>> -> memref<40x128xf32, #tpu.memory_space<vmem>>
      %dma_start3A_201 = arith.constant 0 : i32
      %dma_start3A_202 = tpu.memref_slice %arg18[%add3A_165, %dma_start3A_201] : memref<10240x128xf32, #tpu.memory_space<vmem_shared>> -> memref<40x128xf32, #tpu.memory_space<vmem_shared>>
      tpu.enqueue_dma source(%dma_start3A_202 : memref<40x128xf32, #tpu.memory_space<vmem_shared>>) target(%dma_start3A_200 : memref<40x128xf32, #tpu.memory_space<vmem>>) target_semaphore(%run_scoped3A : memref<!tpu.dma_semaphore, #tpu.memory_space<semaphore_mem>>)
      %dma_wait3A = arith.constant 0 : i32
      %dma_wait3A_203 = arith.constant 0 : i32
      %dma_wait3A_204 = tpu.memref_slice %arg15[%dma_wait3A, %dma_wait3A_203] : memref<48x128xf32, #tpu.memory_space<vmem>> -> memref<40x128xf32, #tpu.memory_space<vmem>>
      %dma_wait3A_205 = arith.constant 0 : i32
      %dma_wait3A_206 = tpu.memref_slice %arg18[%add3A_165, %dma_wait3A_205] : memref<10240x128xf32, #tpu.memory_space<vmem_shared>> -> memref<40x128xf32, #tpu.memory_space<vmem_shared>>
      %dma_wait3A_207 = arith.constant 0 : i32
      %dma_wait3A_208 = arith.constant 0 : i32
      %dma_wait3A_209 = tpu.memref_slice %arg15[%dma_wait3A_207, %dma_wait3A_208] : memref<48x128xf32, #tpu.memory_space<vmem>> -> memref<40x128xf32, #tpu.memory_space<vmem>>
      %dma_wait3A_210 = arith.constant 0 : i32
      %dma_wait3A_211 = tpu.memref_slice %arg18[%add3A_165, %dma_wait3A_210] : memref<10240x128xf32, #tpu.memory_space<vmem_shared>> -> memref<40x128xf32, #tpu.memory_space<vmem_shared>>
      tpu.wait_dma2 semaphore(%run_scoped3A : memref<!tpu.dma_semaphore, #tpu.memory_space<semaphore_mem>>) src(%dma_wait3A_211 : memref<40x128xf32, #tpu.memory_space<vmem_shared>>) dst(%dma_wait3A_209 : memref<40x128xf32, #tpu.memory_space<vmem>>)
      tpu.yield
    }) : () -> ()
    "tpu.region"() ({
      %run_scoped3A = tpu.sem_alloc : memref<!tpu.dma_semaphore, #tpu.memory_space<semaphore_mem>>
      %dma_start3A = arith.constant 0 : i32
      %dma_start3A_194 = arith.constant 0 : i32
      %dma_start3A_195 = tpu.memref_slice %arg15[%dma_start3A, %dma_start3A_194] : memref<48x128xf32, #tpu.memory_space<vmem>> -> memref<40x128xf32, #tpu.memory_space<vmem>>
      %dma_start3A_196 = arith.constant 0 : i32
      %dma_start3A_197 = tpu.memref_slice %arg7[%arg0, %add3A_165, %dma_start3A_196] : memref<2x10240x128xf32, #tpu.memory_space<hbm>> -> memref<1x40x128xf32, #tpu.memory_space<hbm>>
      %dma_start3A_198 = tpu.memref_squeeze %dma_start3A_197 : memref<1x40x128xf32, #tpu.memory_space<hbm>> -> memref<40x128xf32, #tpu.memory_space<hbm>>
      %dma_start3A_199 = arith.constant 0 : i32
      %dma_start3A_200 = tpu.memref_slice %arg7[%arg0, %add3A_165, %dma_start3A_199] : memref<2x10240x128xf32, #tpu.memory_space<hbm>> -> memref<1x40x128xf32, #tpu.memory_space<hbm>>
      %dma_start3A_201 = tpu.memref_squeeze %dma_start3A_200 : memref<1x40x128xf32, #tpu.memory_space<hbm>> -> memref<40x128xf32, #tpu.memory_space<hbm>>
      %dma_start3A_202 = arith.constant 0 : i32
      %dma_start3A_203 = arith.constant 0 : i32
      %dma_start3A_204 = tpu.memref_slice %arg15[%dma_start3A_202, %dma_start3A_203] : memref<48x128xf32, #tpu.memory_space<vmem>> -> memref<40x128xf32, #tpu.memory_space<vmem>>
      tpu.enqueue_dma source(%dma_start3A_204 : memref<40x128xf32, #tpu.memory_space<vmem>>) target(%dma_start3A_201 : memref<40x128xf32, #tpu.memory_space<hbm>>) target_semaphore(%run_scoped3A : memref<!tpu.dma_semaphore, #tpu.memory_space<semaphore_mem>>)
      %dma_wait3A = arith.constant 0 : i32
      %dma_wait3A_205 = arith.constant 0 : i32
      %dma_wait3A_206 = tpu.memref_slice %arg15[%dma_wait3A, %dma_wait3A_205] : memref<48x128xf32, #tpu.memory_space<vmem>> -> memref<40x128xf32, #tpu.memory_space<vmem>>
      %dma_wait3A_207 = arith.constant 0 : i32
      %dma_wait3A_208 = tpu.memref_slice %arg7[%arg0, %add3A_165, %dma_wait3A_207] : memref<2x10240x128xf32, #tpu.memory_space<hbm>> -> memref<1x40x128xf32, #tpu.memory_space<hbm>>
      %dma_wait3A_209 = tpu.memref_squeeze %dma_wait3A_208 : memref<1x40x128xf32, #tpu.memory_space<hbm>> -> memref<40x128xf32, #tpu.memory_space<hbm>>
      %dma_wait3A_210 = arith.constant 0 : i32
      %dma_wait3A_211 = tpu.memref_slice %arg7[%arg0, %add3A_165, %dma_wait3A_210] : memref<2x10240x128xf32, #tpu.memory_space<hbm>> -> memref<1x40x128xf32, #tpu.memory_space<hbm>>
      %dma_wait3A_212 = tpu.memref_squeeze %dma_wait3A_211 : memref<1x40x128xf32, #tpu.memory_space<hbm>> -> memref<40x128xf32, #tpu.memory_space<hbm>>
      %dma_wait3A_213 = arith.constant 0 : i32
      %dma_wait3A_214 = arith.constant 0 : i32
      %dma_wait3A_215 = tpu.memref_slice %arg15[%dma_wait3A_213, %dma_wait3A_214] : memref<48x128xf32, #tpu.memory_space<vmem>> -> memref<40x128xf32, #tpu.memory_space<vmem>>
      tpu.wait_dma2 semaphore(%run_scoped3A : memref<!tpu.dma_semaphore, #tpu.memory_space<semaphore_mem>>) src(%dma_wait3A_215 : memref<40x128xf32, #tpu.memory_space<vmem>>) dst(%dma_wait3A_212 : memref<40x128xf32, #tpu.memory_space<hbm>>)
      tpu.yield
    }) : () -> ()
    %mul3A_166 = arith.constant 640 : i32
    %mul3A_167 = arith.muli %arg1, %mul3A_166 : i32
    %add3A_168 = arith.constant 440 : i32
    %add3A_169 = arith.addi %mul3A_167, %add3A_168 : i32
    "tpu.region"() ({
      %run_scoped3A = tpu.sem_alloc : memref<!tpu.dma_semaphore, #tpu.memory_space<semaphore_mem>>
      %dma_start3A = arith.constant 0 : i32
      %dma_start3A_194 = arith.constant 0 : i32
      %dma_start3A_195 = tpu.memref_slice %arg15[%dma_start3A, %dma_start3A_194] : memref<48x128xf32, #tpu.memory_space<vmem>> -> memref<40x128xf32, #tpu.memory_space<vmem>>
      %dma_start3A_196 = arith.constant 0 : i32
      %dma_start3A_197 = tpu.memref_slice %arg18[%add3A_169, %dma_start3A_196] : memref<10240x128xf32, #tpu.memory_space<vmem_shared>> -> memref<40x128xf32, #tpu.memory_space<vmem_shared>>
      %dma_start3A_198 = arith.constant 0 : i32
      %dma_start3A_199 = arith.constant 0 : i32
      %dma_start3A_200 = tpu.memref_slice %arg15[%dma_start3A_198, %dma_start3A_199] : memref<48x128xf32, #tpu.memory_space<vmem>> -> memref<40x128xf32, #tpu.memory_space<vmem>>
      %dma_start3A_201 = arith.constant 0 : i32
      %dma_start3A_202 = tpu.memref_slice %arg18[%add3A_169, %dma_start3A_201] : memref<10240x128xf32, #tpu.memory_space<vmem_shared>> -> memref<40x128xf32, #tpu.memory_space<vmem_shared>>
      tpu.enqueue_dma source(%dma_start3A_202 : memref<40x128xf32, #tpu.memory_space<vmem_shared>>) target(%dma_start3A_200 : memref<40x128xf32, #tpu.memory_space<vmem>>) target_semaphore(%run_scoped3A : memref<!tpu.dma_semaphore, #tpu.memory_space<semaphore_mem>>)
      %dma_wait3A = arith.constant 0 : i32
      %dma_wait3A_203 = arith.constant 0 : i32
      %dma_wait3A_204 = tpu.memref_slice %arg15[%dma_wait3A, %dma_wait3A_203] : memref<48x128xf32, #tpu.memory_space<vmem>> -> memref<40x128xf32, #tpu.memory_space<vmem>>
      %dma_wait3A_205 = arith.constant 0 : i32
      %dma_wait3A_206 = tpu.memref_slice %arg18[%add3A_169, %dma_wait3A_205] : memref<10240x128xf32, #tpu.memory_space<vmem_shared>> -> memref<40x128xf32, #tpu.memory_space<vmem_shared>>
      %dma_wait3A_207 = arith.constant 0 : i32
      %dma_wait3A_208 = arith.constant 0 : i32
      %dma_wait3A_209 = tpu.memref_slice %arg15[%dma_wait3A_207, %dma_wait3A_208] : memref<48x128xf32, #tpu.memory_space<vmem>> -> memref<40x128xf32, #tpu.memory_space<vmem>>
      %dma_wait3A_210 = arith.constant 0 : i32
      %dma_wait3A_211 = tpu.memref_slice %arg18[%add3A_169, %dma_wait3A_210] : memref<10240x128xf32, #tpu.memory_space<vmem_shared>> -> memref<40x128xf32, #tpu.memory_space<vmem_shared>>
      tpu.wait_dma2 semaphore(%run_scoped3A : memref<!tpu.dma_semaphore, #tpu.memory_space<semaphore_mem>>) src(%dma_wait3A_211 : memref<40x128xf32, #tpu.memory_space<vmem_shared>>) dst(%dma_wait3A_209 : memref<40x128xf32, #tpu.memory_space<vmem>>)
      tpu.yield
    }) : () -> ()
    "tpu.region"() ({
      %run_scoped3A = tpu.sem_alloc : memref<!tpu.dma_semaphore, #tpu.memory_space<semaphore_mem>>
      %dma_start3A = arith.constant 0 : i32
      %dma_start3A_194 = arith.constant 0 : i32
      %dma_start3A_195 = tpu.memref_slice %arg15[%dma_start3A, %dma_start3A_194] : memref<48x128xf32, #tpu.memory_space<vmem>> -> memref<40x128xf32, #tpu.memory_space<vmem>>
      %dma_start3A_196 = arith.constant 0 : i32
      %dma_start3A_197 = tpu.memref_slice %arg7[%arg0, %add3A_169, %dma_start3A_196] : memref<2x10240x128xf32, #tpu.memory_space<hbm>> -> memref<1x40x128xf32, #tpu.memory_space<hbm>>
      %dma_start3A_198 = tpu.memref_squeeze %dma_start3A_197 : memref<1x40x128xf32, #tpu.memory_space<hbm>> -> memref<40x128xf32, #tpu.memory_space<hbm>>
      %dma_start3A_199 = arith.constant 0 : i32
      %dma_start3A_200 = tpu.memref_slice %arg7[%arg0, %add3A_169, %dma_start3A_199] : memref<2x10240x128xf32, #tpu.memory_space<hbm>> -> memref<1x40x128xf32, #tpu.memory_space<hbm>>
      %dma_start3A_201 = tpu.memref_squeeze %dma_start3A_200 : memref<1x40x128xf32, #tpu.memory_space<hbm>> -> memref<40x128xf32, #tpu.memory_space<hbm>>
      %dma_start3A_202 = arith.constant 0 : i32
      %dma_start3A_203 = arith.constant 0 : i32
      %dma_start3A_204 = tpu.memref_slice %arg15[%dma_start3A_202, %dma_start3A_203] : memref<48x128xf32, #tpu.memory_space<vmem>> -> memref<40x128xf32, #tpu.memory_space<vmem>>
      tpu.enqueue_dma source(%dma_start3A_204 : memref<40x128xf32, #tpu.memory_space<vmem>>) target(%dma_start3A_201 : memref<40x128xf32, #tpu.memory_space<hbm>>) target_semaphore(%run_scoped3A : memref<!tpu.dma_semaphore, #tpu.memory_space<semaphore_mem>>)
      %dma_wait3A = arith.constant 0 : i32
      %dma_wait3A_205 = arith.constant 0 : i32
      %dma_wait3A_206 = tpu.memref_slice %arg15[%dma_wait3A, %dma_wait3A_205] : memref<48x128xf32, #tpu.memory_space<vmem>> -> memref<40x128xf32, #tpu.memory_space<vmem>>
      %dma_wait3A_207 = arith.constant 0 : i32
      %dma_wait3A_208 = tpu.memref_slice %arg7[%arg0, %add3A_169, %dma_wait3A_207] : memref<2x10240x128xf32, #tpu.memory_space<hbm>> -> memref<1x40x128xf32, #tpu.memory_space<hbm>>
      %dma_wait3A_209 = tpu.memref_squeeze %dma_wait3A_208 : memref<1x40x128xf32, #tpu.memory_space<hbm>> -> memref<40x128xf32, #tpu.memory_space<hbm>>
      %dma_wait3A_210 = arith.constant 0 : i32
      %dma_wait3A_211 = tpu.memref_slice %arg7[%arg0, %add3A_169, %dma_wait3A_210] : memref<2x10240x128xf32, #tpu.memory_space<hbm>> -> memref<1x40x128xf32, #tpu.memory_space<hbm>>
      %dma_wait3A_212 = tpu.memref_squeeze %dma_wait3A_211 : memref<1x40x128xf32, #tpu.memory_space<hbm>> -> memref<40x128xf32, #tpu.memory_space<hbm>>
      %dma_wait3A_213 = arith.constant 0 : i32
      %dma_wait3A_214 = arith.constant 0 : i32
      %dma_wait3A_215 = tpu.memref_slice %arg15[%dma_wait3A_213, %dma_wait3A_214] : memref<48x128xf32, #tpu.memory_space<vmem>> -> memref<40x128xf32, #tpu.memory_space<vmem>>
      tpu.wait_dma2 semaphore(%run_scoped3A : memref<!tpu.dma_semaphore, #tpu.memory_space<semaphore_mem>>) src(%dma_wait3A_215 : memref<40x128xf32, #tpu.memory_space<vmem>>) dst(%dma_wait3A_212 : memref<40x128xf32, #tpu.memory_space<hbm>>)
      tpu.yield
    }) : () -> ()
    %mul3A_170 = arith.constant 640 : i32
    %mul3A_171 = arith.muli %arg1, %mul3A_170 : i32
    %add3A_172 = arith.constant 480 : i32
    %add3A_173 = arith.addi %mul3A_171, %add3A_172 : i32
    "tpu.region"() ({
      %run_scoped3A = tpu.sem_alloc : memref<!tpu.dma_semaphore, #tpu.memory_space<semaphore_mem>>
      %dma_start3A = arith.constant 0 : i32
      %dma_start3A_194 = arith.constant 0 : i32
      %dma_start3A_195 = tpu.memref_slice %arg15[%dma_start3A, %dma_start3A_194] : memref<48x128xf32, #tpu.memory_space<vmem>> -> memref<40x128xf32, #tpu.memory_space<vmem>>
      %dma_start3A_196 = arith.constant 0 : i32
      %dma_start3A_197 = tpu.memref_slice %arg18[%add3A_173, %dma_start3A_196] : memref<10240x128xf32, #tpu.memory_space<vmem_shared>> -> memref<40x128xf32, #tpu.memory_space<vmem_shared>>
      %dma_start3A_198 = arith.constant 0 : i32
      %dma_start3A_199 = arith.constant 0 : i32
      %dma_start3A_200 = tpu.memref_slice %arg15[%dma_start3A_198, %dma_start3A_199] : memref<48x128xf32, #tpu.memory_space<vmem>> -> memref<40x128xf32, #tpu.memory_space<vmem>>
      %dma_start3A_201 = arith.constant 0 : i32
      %dma_start3A_202 = tpu.memref_slice %arg18[%add3A_173, %dma_start3A_201] : memref<10240x128xf32, #tpu.memory_space<vmem_shared>> -> memref<40x128xf32, #tpu.memory_space<vmem_shared>>
      tpu.enqueue_dma source(%dma_start3A_202 : memref<40x128xf32, #tpu.memory_space<vmem_shared>>) target(%dma_start3A_200 : memref<40x128xf32, #tpu.memory_space<vmem>>) target_semaphore(%run_scoped3A : memref<!tpu.dma_semaphore, #tpu.memory_space<semaphore_mem>>)
      %dma_wait3A = arith.constant 0 : i32
      %dma_wait3A_203 = arith.constant 0 : i32
      %dma_wait3A_204 = tpu.memref_slice %arg15[%dma_wait3A, %dma_wait3A_203] : memref<48x128xf32, #tpu.memory_space<vmem>> -> memref<40x128xf32, #tpu.memory_space<vmem>>
      %dma_wait3A_205 = arith.constant 0 : i32
      %dma_wait3A_206 = tpu.memref_slice %arg18[%add3A_173, %dma_wait3A_205] : memref<10240x128xf32, #tpu.memory_space<vmem_shared>> -> memref<40x128xf32, #tpu.memory_space<vmem_shared>>
      %dma_wait3A_207 = arith.constant 0 : i32
      %dma_wait3A_208 = arith.constant 0 : i32
      %dma_wait3A_209 = tpu.memref_slice %arg15[%dma_wait3A_207, %dma_wait3A_208] : memref<48x128xf32, #tpu.memory_space<vmem>> -> memref<40x128xf32, #tpu.memory_space<vmem>>
      %dma_wait3A_210 = arith.constant 0 : i32
      %dma_wait3A_211 = tpu.memref_slice %arg18[%add3A_173, %dma_wait3A_210] : memref<10240x128xf32, #tpu.memory_space<vmem_shared>> -> memref<40x128xf32, #tpu.memory_space<vmem_shared>>
      tpu.wait_dma2 semaphore(%run_scoped3A : memref<!tpu.dma_semaphore, #tpu.memory_space<semaphore_mem>>) src(%dma_wait3A_211 : memref<40x128xf32, #tpu.memory_space<vmem_shared>>) dst(%dma_wait3A_209 : memref<40x128xf32, #tpu.memory_space<vmem>>)
      tpu.yield
    }) : () -> ()
    "tpu.region"() ({
      %run_scoped3A = tpu.sem_alloc : memref<!tpu.dma_semaphore, #tpu.memory_space<semaphore_mem>>
      %dma_start3A = arith.constant 0 : i32
      %dma_start3A_194 = arith.constant 0 : i32
      %dma_start3A_195 = tpu.memref_slice %arg15[%dma_start3A, %dma_start3A_194] : memref<48x128xf32, #tpu.memory_space<vmem>> -> memref<40x128xf32, #tpu.memory_space<vmem>>
      %dma_start3A_196 = arith.constant 0 : i32
      %dma_start3A_197 = tpu.memref_slice %arg7[%arg0, %add3A_173, %dma_start3A_196] : memref<2x10240x128xf32, #tpu.memory_space<hbm>> -> memref<1x40x128xf32, #tpu.memory_space<hbm>>
      %dma_start3A_198 = tpu.memref_squeeze %dma_start3A_197 : memref<1x40x128xf32, #tpu.memory_space<hbm>> -> memref<40x128xf32, #tpu.memory_space<hbm>>
      %dma_start3A_199 = arith.constant 0 : i32
      %dma_start3A_200 = tpu.memref_slice %arg7[%arg0, %add3A_173, %dma_start3A_199] : memref<2x10240x128xf32, #tpu.memory_space<hbm>> -> memref<1x40x128xf32, #tpu.memory_space<hbm>>
      %dma_start3A_201 = tpu.memref_squeeze %dma_start3A_200 : memref<1x40x128xf32, #tpu.memory_space<hbm>> -> memref<40x128xf32, #tpu.memory_space<hbm>>
      %dma_start3A_202 = arith.constant 0 : i32
      %dma_start3A_203 = arith.constant 0 : i32
      %dma_start3A_204 = tpu.memref_slice %arg15[%dma_start3A_202, %dma_start3A_203] : memref<48x128xf32, #tpu.memory_space<vmem>> -> memref<40x128xf32, #tpu.memory_space<vmem>>
      tpu.enqueue_dma source(%dma_start3A_204 : memref<40x128xf32, #tpu.memory_space<vmem>>) target(%dma_start3A_201 : memref<40x128xf32, #tpu.memory_space<hbm>>) target_semaphore(%run_scoped3A : memref<!tpu.dma_semaphore, #tpu.memory_space<semaphore_mem>>)
      %dma_wait3A = arith.constant 0 : i32
      %dma_wait3A_205 = arith.constant 0 : i32
      %dma_wait3A_206 = tpu.memref_slice %arg15[%dma_wait3A, %dma_wait3A_205] : memref<48x128xf32, #tpu.memory_space<vmem>> -> memref<40x128xf32, #tpu.memory_space<vmem>>
      %dma_wait3A_207 = arith.constant 0 : i32
      %dma_wait3A_208 = tpu.memref_slice %arg7[%arg0, %add3A_173, %dma_wait3A_207] : memref<2x10240x128xf32, #tpu.memory_space<hbm>> -> memref<1x40x128xf32, #tpu.memory_space<hbm>>
      %dma_wait3A_209 = tpu.memref_squeeze %dma_wait3A_208 : memref<1x40x128xf32, #tpu.memory_space<hbm>> -> memref<40x128xf32, #tpu.memory_space<hbm>>
      %dma_wait3A_210 = arith.constant 0 : i32
      %dma_wait3A_211 = tpu.memref_slice %arg7[%arg0, %add3A_173, %dma_wait3A_210] : memref<2x10240x128xf32, #tpu.memory_space<hbm>> -> memref<1x40x128xf32, #tpu.memory_space<hbm>>
      %dma_wait3A_212 = tpu.memref_squeeze %dma_wait3A_211 : memref<1x40x128xf32, #tpu.memory_space<hbm>> -> memref<40x128xf32, #tpu.memory_space<hbm>>
      %dma_wait3A_213 = arith.constant 0 : i32
      %dma_wait3A_214 = arith.constant 0 : i32
      %dma_wait3A_215 = tpu.memref_slice %arg15[%dma_wait3A_213, %dma_wait3A_214] : memref<48x128xf32, #tpu.memory_space<vmem>> -> memref<40x128xf32, #tpu.memory_space<vmem>>
      tpu.wait_dma2 semaphore(%run_scoped3A : memref<!tpu.dma_semaphore, #tpu.memory_space<semaphore_mem>>) src(%dma_wait3A_215 : memref<40x128xf32, #tpu.memory_space<vmem>>) dst(%dma_wait3A_212 : memref<40x128xf32, #tpu.memory_space<hbm>>)
      tpu.yield
    }) : () -> ()
    %mul3A_174 = arith.constant 640 : i32
    %mul3A_175 = arith.muli %arg1, %mul3A_174 : i32
    %add3A_176 = arith.constant 520 : i32
    %add3A_177 = arith.addi %mul3A_175, %add3A_176 : i32
    "tpu.region"() ({
      %run_scoped3A = tpu.sem_alloc : memref<!tpu.dma_semaphore, #tpu.memory_space<semaphore_mem>>
      %dma_start3A = arith.constant 0 : i32
      %dma_start3A_194 = arith.constant 0 : i32
      %dma_start3A_195 = tpu.memref_slice %arg15[%dma_start3A, %dma_start3A_194] : memref<48x128xf32, #tpu.memory_space<vmem>> -> memref<40x128xf32, #tpu.memory_space<vmem>>
      %dma_start3A_196 = arith.constant 0 : i32
      %dma_start3A_197 = tpu.memref_slice %arg18[%add3A_177, %dma_start3A_196] : memref<10240x128xf32, #tpu.memory_space<vmem_shared>> -> memref<40x128xf32, #tpu.memory_space<vmem_shared>>
      %dma_start3A_198 = arith.constant 0 : i32
      %dma_start3A_199 = arith.constant 0 : i32
      %dma_start3A_200 = tpu.memref_slice %arg15[%dma_start3A_198, %dma_start3A_199] : memref<48x128xf32, #tpu.memory_space<vmem>> -> memref<40x128xf32, #tpu.memory_space<vmem>>
      %dma_start3A_201 = arith.constant 0 : i32
      %dma_start3A_202 = tpu.memref_slice %arg18[%add3A_177, %dma_start3A_201] : memref<10240x128xf32, #tpu.memory_space<vmem_shared>> -> memref<40x128xf32, #tpu.memory_space<vmem_shared>>
      tpu.enqueue_dma source(%dma_start3A_202 : memref<40x128xf32, #tpu.memory_space<vmem_shared>>) target(%dma_start3A_200 : memref<40x128xf32, #tpu.memory_space<vmem>>) target_semaphore(%run_scoped3A : memref<!tpu.dma_semaphore, #tpu.memory_space<semaphore_mem>>)
      %dma_wait3A = arith.constant 0 : i32
      %dma_wait3A_203 = arith.constant 0 : i32
      %dma_wait3A_204 = tpu.memref_slice %arg15[%dma_wait3A, %dma_wait3A_203] : memref<48x128xf32, #tpu.memory_space<vmem>> -> memref<40x128xf32, #tpu.memory_space<vmem>>
      %dma_wait3A_205 = arith.constant 0 : i32
      %dma_wait3A_206 = tpu.memref_slice %arg18[%add3A_177, %dma_wait3A_205] : memref<10240x128xf32, #tpu.memory_space<vmem_shared>> -> memref<40x128xf32, #tpu.memory_space<vmem_shared>>
      %dma_wait3A_207 = arith.constant 0 : i32
      %dma_wait3A_208 = arith.constant 0 : i32
      %dma_wait3A_209 = tpu.memref_slice %arg15[%dma_wait3A_207, %dma_wait3A_208] : memref<48x128xf32, #tpu.memory_space<vmem>> -> memref<40x128xf32, #tpu.memory_space<vmem>>
      %dma_wait3A_210 = arith.constant 0 : i32
      %dma_wait3A_211 = tpu.memref_slice %arg18[%add3A_177, %dma_wait3A_210] : memref<10240x128xf32, #tpu.memory_space<vmem_shared>> -> memref<40x128xf32, #tpu.memory_space<vmem_shared>>
      tpu.wait_dma2 semaphore(%run_scoped3A : memref<!tpu.dma_semaphore, #tpu.memory_space<semaphore_mem>>) src(%dma_wait3A_211 : memref<40x128xf32, #tpu.memory_space<vmem_shared>>) dst(%dma_wait3A_209 : memref<40x128xf32, #tpu.memory_space<vmem>>)
      tpu.yield
    }) : () -> ()
    "tpu.region"() ({
      %run_scoped3A = tpu.sem_alloc : memref<!tpu.dma_semaphore, #tpu.memory_space<semaphore_mem>>
      %dma_start3A = arith.constant 0 : i32
      %dma_start3A_194 = arith.constant 0 : i32
      %dma_start3A_195 = tpu.memref_slice %arg15[%dma_start3A, %dma_start3A_194] : memref<48x128xf32, #tpu.memory_space<vmem>> -> memref<40x128xf32, #tpu.memory_space<vmem>>
      %dma_start3A_196 = arith.constant 0 : i32
      %dma_start3A_197 = tpu.memref_slice %arg7[%arg0, %add3A_177, %dma_start3A_196] : memref<2x10240x128xf32, #tpu.memory_space<hbm>> -> memref<1x40x128xf32, #tpu.memory_space<hbm>>
      %dma_start3A_198 = tpu.memref_squeeze %dma_start3A_197 : memref<1x40x128xf32, #tpu.memory_space<hbm>> -> memref<40x128xf32, #tpu.memory_space<hbm>>
      %dma_start3A_199 = arith.constant 0 : i32
      %dma_start3A_200 = tpu.memref_slice %arg7[%arg0, %add3A_177, %dma_start3A_199] : memref<2x10240x128xf32, #tpu.memory_space<hbm>> -> memref<1x40x128xf32, #tpu.memory_space<hbm>>
      %dma_start3A_201 = tpu.memref_squeeze %dma_start3A_200 : memref<1x40x128xf32, #tpu.memory_space<hbm>> -> memref<40x128xf32, #tpu.memory_space<hbm>>
      %dma_start3A_202 = arith.constant 0 : i32
      %dma_start3A_203 = arith.constant 0 : i32
      %dma_start3A_204 = tpu.memref_slice %arg15[%dma_start3A_202, %dma_start3A_203] : memref<48x128xf32, #tpu.memory_space<vmem>> -> memref<40x128xf32, #tpu.memory_space<vmem>>
      tpu.enqueue_dma source(%dma_start3A_204 : memref<40x128xf32, #tpu.memory_space<vmem>>) target(%dma_start3A_201 : memref<40x128xf32, #tpu.memory_space<hbm>>) target_semaphore(%run_scoped3A : memref<!tpu.dma_semaphore, #tpu.memory_space<semaphore_mem>>)
      %dma_wait3A = arith.constant 0 : i32
      %dma_wait3A_205 = arith.constant 0 : i32
      %dma_wait3A_206 = tpu.memref_slice %arg15[%dma_wait3A, %dma_wait3A_205] : memref<48x128xf32, #tpu.memory_space<vmem>> -> memref<40x128xf32, #tpu.memory_space<vmem>>
      %dma_wait3A_207 = arith.constant 0 : i32
      %dma_wait3A_208 = tpu.memref_slice %arg7[%arg0, %add3A_177, %dma_wait3A_207] : memref<2x10240x128xf32, #tpu.memory_space<hbm>> -> memref<1x40x128xf32, #tpu.memory_space<hbm>>
      %dma_wait3A_209 = tpu.memref_squeeze %dma_wait3A_208 : memref<1x40x128xf32, #tpu.memory_space<hbm>> -> memref<40x128xf32, #tpu.memory_space<hbm>>
      %dma_wait3A_210 = arith.constant 0 : i32
      %dma_wait3A_211 = tpu.memref_slice %arg7[%arg0, %add3A_177, %dma_wait3A_210] : memref<2x10240x128xf32, #tpu.memory_space<hbm>> -> memref<1x40x128xf32, #tpu.memory_space<hbm>>
      %dma_wait3A_212 = tpu.memref_squeeze %dma_wait3A_211 : memref<1x40x128xf32, #tpu.memory_space<hbm>> -> memref<40x128xf32, #tpu.memory_space<hbm>>
      %dma_wait3A_213 = arith.constant 0 : i32
      %dma_wait3A_214 = arith.constant 0 : i32
      %dma_wait3A_215 = tpu.memref_slice %arg15[%dma_wait3A_213, %dma_wait3A_214] : memref<48x128xf32, #tpu.memory_space<vmem>> -> memref<40x128xf32, #tpu.memory_space<vmem>>
      tpu.wait_dma2 semaphore(%run_scoped3A : memref<!tpu.dma_semaphore, #tpu.memory_space<semaphore_mem>>) src(%dma_wait3A_215 : memref<40x128xf32, #tpu.memory_space<vmem>>) dst(%dma_wait3A_212 : memref<40x128xf32, #tpu.memory_space<hbm>>)
      tpu.yield
    }) : () -> ()
    %mul3A_178 = arith.constant 640 : i32
    %mul3A_179 = arith.muli %arg1, %mul3A_178 : i32
    %add3A_180 = arith.constant 560 : i32
    %add3A_181 = arith.addi %mul3A_179, %add3A_180 : i32
    "tpu.region"() ({
      %run_scoped3A = tpu.sem_alloc : memref<!tpu.dma_semaphore, #tpu.memory_space<semaphore_mem>>
      %dma_start3A = arith.constant 0 : i32
      %dma_start3A_194 = arith.constant 0 : i32
      %dma_start3A_195 = tpu.memref_slice %arg15[%dma_start3A, %dma_start3A_194] : memref<48x128xf32, #tpu.memory_space<vmem>> -> memref<40x128xf32, #tpu.memory_space<vmem>>
      %dma_start3A_196 = arith.constant 0 : i32
      %dma_start3A_197 = tpu.memref_slice %arg18[%add3A_181, %dma_start3A_196] : memref<10240x128xf32, #tpu.memory_space<vmem_shared>> -> memref<40x128xf32, #tpu.memory_space<vmem_shared>>
      %dma_start3A_198 = arith.constant 0 : i32
      %dma_start3A_199 = arith.constant 0 : i32
      %dma_start3A_200 = tpu.memref_slice %arg15[%dma_start3A_198, %dma_start3A_199] : memref<48x128xf32, #tpu.memory_space<vmem>> -> memref<40x128xf32, #tpu.memory_space<vmem>>
      %dma_start3A_201 = arith.constant 0 : i32
      %dma_start3A_202 = tpu.memref_slice %arg18[%add3A_181, %dma_start3A_201] : memref<10240x128xf32, #tpu.memory_space<vmem_shared>> -> memref<40x128xf32, #tpu.memory_space<vmem_shared>>
      tpu.enqueue_dma source(%dma_start3A_202 : memref<40x128xf32, #tpu.memory_space<vmem_shared>>) target(%dma_start3A_200 : memref<40x128xf32, #tpu.memory_space<vmem>>) target_semaphore(%run_scoped3A : memref<!tpu.dma_semaphore, #tpu.memory_space<semaphore_mem>>)
      %dma_wait3A = arith.constant 0 : i32
      %dma_wait3A_203 = arith.constant 0 : i32
      %dma_wait3A_204 = tpu.memref_slice %arg15[%dma_wait3A, %dma_wait3A_203] : memref<48x128xf32, #tpu.memory_space<vmem>> -> memref<40x128xf32, #tpu.memory_space<vmem>>
      %dma_wait3A_205 = arith.constant 0 : i32
      %dma_wait3A_206 = tpu.memref_slice %arg18[%add3A_181, %dma_wait3A_205] : memref<10240x128xf32, #tpu.memory_space<vmem_shared>> -> memref<40x128xf32, #tpu.memory_space<vmem_shared>>
      %dma_wait3A_207 = arith.constant 0 : i32
      %dma_wait3A_208 = arith.constant 0 : i32
      %dma_wait3A_209 = tpu.memref_slice %arg15[%dma_wait3A_207, %dma_wait3A_208] : memref<48x128xf32, #tpu.memory_space<vmem>> -> memref<40x128xf32, #tpu.memory_space<vmem>>
      %dma_wait3A_210 = arith.constant 0 : i32
      %dma_wait3A_211 = tpu.memref_slice %arg18[%add3A_181, %dma_wait3A_210] : memref<10240x128xf32, #tpu.memory_space<vmem_shared>> -> memref<40x128xf32, #tpu.memory_space<vmem_shared>>
      tpu.wait_dma2 semaphore(%run_scoped3A : memref<!tpu.dma_semaphore, #tpu.memory_space<semaphore_mem>>) src(%dma_wait3A_211 : memref<40x128xf32, #tpu.memory_space<vmem_shared>>) dst(%dma_wait3A_209 : memref<40x128xf32, #tpu.memory_space<vmem>>)
      tpu.yield
    }) : () -> ()
    "tpu.region"() ({
      %run_scoped3A = tpu.sem_alloc : memref<!tpu.dma_semaphore, #tpu.memory_space<semaphore_mem>>
      %dma_start3A = arith.constant 0 : i32
      %dma_start3A_194 = arith.constant 0 : i32
      %dma_start3A_195 = tpu.memref_slice %arg15[%dma_start3A, %dma_start3A_194] : memref<48x128xf32, #tpu.memory_space<vmem>> -> memref<40x128xf32, #tpu.memory_space<vmem>>
      %dma_start3A_196 = arith.constant 0 : i32
      %dma_start3A_197 = tpu.memref_slice %arg7[%arg0, %add3A_181, %dma_start3A_196] : memref<2x10240x128xf32, #tpu.memory_space<hbm>> -> memref<1x40x128xf32, #tpu.memory_space<hbm>>
      %dma_start3A_198 = tpu.memref_squeeze %dma_start3A_197 : memref<1x40x128xf32, #tpu.memory_space<hbm>> -> memref<40x128xf32, #tpu.memory_space<hbm>>
      %dma_start3A_199 = arith.constant 0 : i32
      %dma_start3A_200 = tpu.memref_slice %arg7[%arg0, %add3A_181, %dma_start3A_199] : memref<2x10240x128xf32, #tpu.memory_space<hbm>> -> memref<1x40x128xf32, #tpu.memory_space<hbm>>
      %dma_start3A_201 = tpu.memref_squeeze %dma_start3A_200 : memref<1x40x128xf32, #tpu.memory_space<hbm>> -> memref<40x128xf32, #tpu.memory_space<hbm>>
      %dma_start3A_202 = arith.constant 0 : i32
      %dma_start3A_203 = arith.constant 0 : i32
      %dma_start3A_204 = tpu.memref_slice %arg15[%dma_start3A_202, %dma_start3A_203] : memref<48x128xf32, #tpu.memory_space<vmem>> -> memref<40x128xf32, #tpu.memory_space<vmem>>
      tpu.enqueue_dma source(%dma_start3A_204 : memref<40x128xf32, #tpu.memory_space<vmem>>) target(%dma_start3A_201 : memref<40x128xf32, #tpu.memory_space<hbm>>) target_semaphore(%run_scoped3A : memref<!tpu.dma_semaphore, #tpu.memory_space<semaphore_mem>>)
      %dma_wait3A = arith.constant 0 : i32
      %dma_wait3A_205 = arith.constant 0 : i32
      %dma_wait3A_206 = tpu.memref_slice %arg15[%dma_wait3A, %dma_wait3A_205] : memref<48x128xf32, #tpu.memory_space<vmem>> -> memref<40x128xf32, #tpu.memory_space<vmem>>
      %dma_wait3A_207 = arith.constant 0 : i32
      %dma_wait3A_208 = tpu.memref_slice %arg7[%arg0, %add3A_181, %dma_wait3A_207] : memref<2x10240x128xf32, #tpu.memory_space<hbm>> -> memref<1x40x128xf32, #tpu.memory_space<hbm>>
      %dma_wait3A_209 = tpu.memref_squeeze %dma_wait3A_208 : memref<1x40x128xf32, #tpu.memory_space<hbm>> -> memref<40x128xf32, #tpu.memory_space<hbm>>
      %dma_wait3A_210 = arith.constant 0 : i32
      %dma_wait3A_211 = tpu.memref_slice %arg7[%arg0, %add3A_181, %dma_wait3A_210] : memref<2x10240x128xf32, #tpu.memory_space<hbm>> -> memref<1x40x128xf32, #tpu.memory_space<hbm>>
      %dma_wait3A_212 = tpu.memref_squeeze %dma_wait3A_211 : memref<1x40x128xf32, #tpu.memory_space<hbm>> -> memref<40x128xf32, #tpu.memory_space<hbm>>
      %dma_wait3A_213 = arith.constant 0 : i32
      %dma_wait3A_214 = arith.constant 0 : i32
      %dma_wait3A_215 = tpu.memref_slice %arg15[%dma_wait3A_213, %dma_wait3A_214] : memref<48x128xf32, #tpu.memory_space<vmem>> -> memref<40x128xf32, #tpu.memory_space<vmem>>
      tpu.wait_dma2 semaphore(%run_scoped3A : memref<!tpu.dma_semaphore, #tpu.memory_space<semaphore_mem>>) src(%dma_wait3A_215 : memref<40x128xf32, #tpu.memory_space<vmem>>) dst(%dma_wait3A_212 : memref<40x128xf32, #tpu.memory_space<hbm>>)
      tpu.yield
    }) : () -> ()
    %mul3A_182 = arith.constant 640 : i32
    %mul3A_183 = arith.muli %arg1, %mul3A_182 : i32
    %add3A_184 = arith.constant 600 : i32
    %add3A_185 = arith.addi %mul3A_183, %add3A_184 : i32
    "tpu.region"() ({
      %run_scoped3A = tpu.sem_alloc : memref<!tpu.dma_semaphore, #tpu.memory_space<semaphore_mem>>
      %dma_start3A = arith.constant 0 : i32
      %dma_start3A_194 = arith.constant 0 : i32
      %dma_start3A_195 = tpu.memref_slice %arg15[%dma_start3A, %dma_start3A_194] : memref<48x128xf32, #tpu.memory_space<vmem>> -> memref<40x128xf32, #tpu.memory_space<vmem>>
      %dma_start3A_196 = arith.constant 0 : i32
      %dma_start3A_197 = tpu.memref_slice %arg18[%add3A_185, %dma_start3A_196] : memref<10240x128xf32, #tpu.memory_space<vmem_shared>> -> memref<40x128xf32, #tpu.memory_space<vmem_shared>>
      %dma_start3A_198 = arith.constant 0 : i32
      %dma_start3A_199 = arith.constant 0 : i32
      %dma_start3A_200 = tpu.memref_slice %arg15[%dma_start3A_198, %dma_start3A_199] : memref<48x128xf32, #tpu.memory_space<vmem>> -> memref<40x128xf32, #tpu.memory_space<vmem>>
      %dma_start3A_201 = arith.constant 0 : i32
      %dma_start3A_202 = tpu.memref_slice %arg18[%add3A_185, %dma_start3A_201] : memref<10240x128xf32, #tpu.memory_space<vmem_shared>> -> memref<40x128xf32, #tpu.memory_space<vmem_shared>>
      tpu.enqueue_dma source(%dma_start3A_202 : memref<40x128xf32, #tpu.memory_space<vmem_shared>>) target(%dma_start3A_200 : memref<40x128xf32, #tpu.memory_space<vmem>>) target_semaphore(%run_scoped3A : memref<!tpu.dma_semaphore, #tpu.memory_space<semaphore_mem>>)
      %dma_wait3A = arith.constant 0 : i32
      %dma_wait3A_203 = arith.constant 0 : i32
      %dma_wait3A_204 = tpu.memref_slice %arg15[%dma_wait3A, %dma_wait3A_203] : memref<48x128xf32, #tpu.memory_space<vmem>> -> memref<40x128xf32, #tpu.memory_space<vmem>>
      %dma_wait3A_205 = arith.constant 0 : i32
      %dma_wait3A_206 = tpu.memref_slice %arg18[%add3A_185, %dma_wait3A_205] : memref<10240x128xf32, #tpu.memory_space<vmem_shared>> -> memref<40x128xf32, #tpu.memory_space<vmem_shared>>
      %dma_wait3A_207 = arith.constant 0 : i32
      %dma_wait3A_208 = arith.constant 0 : i32
      %dma_wait3A_209 = tpu.memref_slice %arg15[%dma_wait3A_207, %dma_wait3A_208] : memref<48x128xf32, #tpu.memory_space<vmem>> -> memref<40x128xf32, #tpu.memory_space<vmem>>
      %dma_wait3A_210 = arith.constant 0 : i32
      %dma_wait3A_211 = tpu.memref_slice %arg18[%add3A_185, %dma_wait3A_210] : memref<10240x128xf32, #tpu.memory_space<vmem_shared>> -> memref<40x128xf32, #tpu.memory_space<vmem_shared>>
      tpu.wait_dma2 semaphore(%run_scoped3A : memref<!tpu.dma_semaphore, #tpu.memory_space<semaphore_mem>>) src(%dma_wait3A_211 : memref<40x128xf32, #tpu.memory_space<vmem_shared>>) dst(%dma_wait3A_209 : memref<40x128xf32, #tpu.memory_space<vmem>>)
      tpu.yield
    }) : () -> ()
    "tpu.region"() ({
      %run_scoped3A = tpu.sem_alloc : memref<!tpu.dma_semaphore, #tpu.memory_space<semaphore_mem>>
      %dma_start3A = arith.constant 0 : i32
      %dma_start3A_194 = arith.constant 0 : i32
      %dma_start3A_195 = tpu.memref_slice %arg15[%dma_start3A, %dma_start3A_194] : memref<48x128xf32, #tpu.memory_space<vmem>> -> memref<40x128xf32, #tpu.memory_space<vmem>>
      %dma_start3A_196 = arith.constant 0 : i32
      %dma_start3A_197 = tpu.memref_slice %arg7[%arg0, %add3A_185, %dma_start3A_196] : memref<2x10240x128xf32, #tpu.memory_space<hbm>> -> memref<1x40x128xf32, #tpu.memory_space<hbm>>
      %dma_start3A_198 = tpu.memref_squeeze %dma_start3A_197 : memref<1x40x128xf32, #tpu.memory_space<hbm>> -> memref<40x128xf32, #tpu.memory_space<hbm>>
      %dma_start3A_199 = arith.constant 0 : i32
      %dma_start3A_200 = tpu.memref_slice %arg7[%arg0, %add3A_185, %dma_start3A_199] : memref<2x10240x128xf32, #tpu.memory_space<hbm>> -> memref<1x40x128xf32, #tpu.memory_space<hbm>>
      %dma_start3A_201 = tpu.memref_squeeze %dma_start3A_200 : memref<1x40x128xf32, #tpu.memory_space<hbm>> -> memref<40x128xf32, #tpu.memory_space<hbm>>
      %dma_start3A_202 = arith.constant 0 : i32
      %dma_start3A_203 = arith.constant 0 : i32
      %dma_start3A_204 = tpu.memref_slice %arg15[%dma_start3A_202, %dma_start3A_203] : memref<48x128xf32, #tpu.memory_space<vmem>> -> memref<40x128xf32, #tpu.memory_space<vmem>>
      tpu.enqueue_dma source(%dma_start3A_204 : memref<40x128xf32, #tpu.memory_space<vmem>>) target(%dma_start3A_201 : memref<40x128xf32, #tpu.memory_space<hbm>>) target_semaphore(%run_scoped3A : memref<!tpu.dma_semaphore, #tpu.memory_space<semaphore_mem>>)
      %dma_wait3A = arith.constant 0 : i32
      %dma_wait3A_205 = arith.constant 0 : i32
      %dma_wait3A_206 = tpu.memref_slice %arg15[%dma_wait3A, %dma_wait3A_205] : memref<48x128xf32, #tpu.memory_space<vmem>> -> memref<40x128xf32, #tpu.memory_space<vmem>>
      %dma_wait3A_207 = arith.constant 0 : i32
      %dma_wait3A_208 = tpu.memref_slice %arg7[%arg0, %add3A_185, %dma_wait3A_207] : memref<2x10240x128xf32, #tpu.memory_space<hbm>> -> memref<1x40x128xf32, #tpu.memory_space<hbm>>
      %dma_wait3A_209 = tpu.memref_squeeze %dma_wait3A_208 : memref<1x40x128xf32, #tpu.memory_space<hbm>> -> memref<40x128xf32, #tpu.memory_space<hbm>>
      %dma_wait3A_210 = arith.constant 0 : i32
      %dma_wait3A_211 = tpu.memref_slice %arg7[%arg0, %add3A_185, %dma_wait3A_210] : memref<2x10240x128xf32, #tpu.memory_space<hbm>> -> memref<1x40x128xf32, #tpu.memory_space<hbm>>
      %dma_wait3A_212 = tpu.memref_squeeze %dma_wait3A_211 : memref<1x40x128xf32, #tpu.memory_space<hbm>> -> memref<40x128xf32, #tpu.memory_space<hbm>>
      %dma_wait3A_213 = arith.constant 0 : i32
      %dma_wait3A_214 = arith.constant 0 : i32
      %dma_wait3A_215 = tpu.memref_slice %arg15[%dma_wait3A_213, %dma_wait3A_214] : memref<48x128xf32, #tpu.memory_space<vmem>> -> memref<40x128xf32, #tpu.memory_space<vmem>>
      tpu.wait_dma2 semaphore(%run_scoped3A : memref<!tpu.dma_semaphore, #tpu.memory_space<semaphore_mem>>) src(%dma_wait3A_215 : memref<40x128xf32, #tpu.memory_space<vmem>>) dst(%dma_wait3A_212 : memref<40x128xf32, #tpu.memory_space<hbm>>)
      tpu.yield
    }) : () -> ()
    %mul3A_186 = arith.constant 80 : i32
    %mul3A_187 = arith.muli %arg1, %mul3A_186 : i32
    %add3A_188 = arith.constant 0 : i32
    %add3A_189 = arith.addi %mul3A_187, %add3A_188 : i32
    "tpu.region"() ({
      %run_scoped3A = tpu.sem_alloc : memref<!tpu.dma_semaphore, #tpu.memory_space<semaphore_mem>>
      %dma_start3A = arith.constant 0 : i32
      %dma_start3A_194 = arith.constant 0 : i32
      %dma_start3A_195 = tpu.memref_slice %arg16[%dma_start3A, %dma_start3A_194] : memref<48x128xf32, #tpu.memory_space<vmem>> -> memref<40x128xf32, #tpu.memory_space<vmem>>
      %dma_start3A_196 = arith.constant 0 : i32
      %dma_start3A_197 = tpu.memref_slice %arg19[%add3A_189, %dma_start3A_196] : memref<1280x128xf32, #tpu.memory_space<vmem_shared>> -> memref<40x128xf32, #tpu.memory_space<vmem_shared>>
      %dma_start3A_198 = arith.constant 0 : i32
      %dma_start3A_199 = arith.constant 0 : i32
      %dma_start3A_200 = tpu.memref_slice %arg16[%dma_start3A_198, %dma_start3A_199] : memref<48x128xf32, #tpu.memory_space<vmem>> -> memref<40x128xf32, #tpu.memory_space<vmem>>
      %dma_start3A_201 = arith.constant 0 : i32
      %dma_start3A_202 = tpu.memref_slice %arg19[%add3A_189, %dma_start3A_201] : memref<1280x128xf32, #tpu.memory_space<vmem_shared>> -> memref<40x128xf32, #tpu.memory_space<vmem_shared>>
      tpu.enqueue_dma source(%dma_start3A_202 : memref<40x128xf32, #tpu.memory_space<vmem_shared>>) target(%dma_start3A_200 : memref<40x128xf32, #tpu.memory_space<vmem>>) target_semaphore(%run_scoped3A : memref<!tpu.dma_semaphore, #tpu.memory_space<semaphore_mem>>)
      %dma_wait3A = arith.constant 0 : i32
      %dma_wait3A_203 = arith.constant 0 : i32
      %dma_wait3A_204 = tpu.memref_slice %arg16[%dma_wait3A, %dma_wait3A_203] : memref<48x128xf32, #tpu.memory_space<vmem>> -> memref<40x128xf32, #tpu.memory_space<vmem>>
      %dma_wait3A_205 = arith.constant 0 : i32
      %dma_wait3A_206 = tpu.memref_slice %arg19[%add3A_189, %dma_wait3A_205] : memref<1280x128xf32, #tpu.memory_space<vmem_shared>> -> memref<40x128xf32, #tpu.memory_space<vmem_shared>>
      %dma_wait3A_207 = arith.constant 0 : i32
      %dma_wait3A_208 = arith.constant 0 : i32
      %dma_wait3A_209 = tpu.memref_slice %arg16[%dma_wait3A_207, %dma_wait3A_208] : memref<48x128xf32, #tpu.memory_space<vmem>> -> memref<40x128xf32, #tpu.memory_space<vmem>>
      %dma_wait3A_210 = arith.constant 0 : i32
      %dma_wait3A_211 = tpu.memref_slice %arg19[%add3A_189, %dma_wait3A_210] : memref<1280x128xf32, #tpu.memory_space<vmem_shared>> -> memref<40x128xf32, #tpu.memory_space<vmem_shared>>
      tpu.wait_dma2 semaphore(%run_scoped3A : memref<!tpu.dma_semaphore, #tpu.memory_space<semaphore_mem>>) src(%dma_wait3A_211 : memref<40x128xf32, #tpu.memory_space<vmem_shared>>) dst(%dma_wait3A_209 : memref<40x128xf32, #tpu.memory_space<vmem>>)
      tpu.yield
    }) : () -> ()
    "tpu.region"() ({
      %run_scoped3A = tpu.sem_alloc : memref<!tpu.dma_semaphore, #tpu.memory_space<semaphore_mem>>
      %dma_start3A = arith.constant 0 : i32
      %dma_start3A_194 = arith.constant 0 : i32
      %dma_start3A_195 = tpu.memref_slice %arg16[%dma_start3A, %dma_start3A_194] : memref<48x128xf32, #tpu.memory_space<vmem>> -> memref<40x128xf32, #tpu.memory_space<vmem>>
      %dma_start3A_196 = arith.constant 0 : i32
      %dma_start3A_197 = tpu.memref_slice %arg8[%arg0, %add3A_189, %dma_start3A_196] : memref<2x1280x128xf32, #tpu.memory_space<hbm>> -> memref<1x40x128xf32, #tpu.memory_space<hbm>>
      %dma_start3A_198 = tpu.memref_squeeze %dma_start3A_197 : memref<1x40x128xf32, #tpu.memory_space<hbm>> -> memref<40x128xf32, #tpu.memory_space<hbm>>
      %dma_start3A_199 = arith.constant 0 : i32
      %dma_start3A_200 = tpu.memref_slice %arg8[%arg0, %add3A_189, %dma_start3A_199] : memref<2x1280x128xf32, #tpu.memory_space<hbm>> -> memref<1x40x128xf32, #tpu.memory_space<hbm>>
      %dma_start3A_201 = tpu.memref_squeeze %dma_start3A_200 : memref<1x40x128xf32, #tpu.memory_space<hbm>> -> memref<40x128xf32, #tpu.memory_space<hbm>>
      %dma_start3A_202 = arith.constant 0 : i32
      %dma_start3A_203 = arith.constant 0 : i32
      %dma_start3A_204 = tpu.memref_slice %arg16[%dma_start3A_202, %dma_start3A_203] : memref<48x128xf32, #tpu.memory_space<vmem>> -> memref<40x128xf32, #tpu.memory_space<vmem>>
      tpu.enqueue_dma source(%dma_start3A_204 : memref<40x128xf32, #tpu.memory_space<vmem>>) target(%dma_start3A_201 : memref<40x128xf32, #tpu.memory_space<hbm>>) target_semaphore(%run_scoped3A : memref<!tpu.dma_semaphore, #tpu.memory_space<semaphore_mem>>)
      %dma_wait3A = arith.constant 0 : i32
      %dma_wait3A_205 = arith.constant 0 : i32
      %dma_wait3A_206 = tpu.memref_slice %arg16[%dma_wait3A, %dma_wait3A_205] : memref<48x128xf32, #tpu.memory_space<vmem>> -> memref<40x128xf32, #tpu.memory_space<vmem>>
      %dma_wait3A_207 = arith.constant 0 : i32
      %dma_wait3A_208 = tpu.memref_slice %arg8[%arg0, %add3A_189, %dma_wait3A_207] : memref<2x1280x128xf32, #tpu.memory_space<hbm>> -> memref<1x40x128xf32, #tpu.memory_space<hbm>>
      %dma_wait3A_209 = tpu.memref_squeeze %dma_wait3A_208 : memref<1x40x128xf32, #tpu.memory_space<hbm>> -> memref<40x128xf32, #tpu.memory_space<hbm>>
      %dma_wait3A_210 = arith.constant 0 : i32
      %dma_wait3A_211 = tpu.memref_slice %arg8[%arg0, %add3A_189, %dma_wait3A_210] : memref<2x1280x128xf32, #tpu.memory_space<hbm>> -> memref<1x40x128xf32, #tpu.memory_space<hbm>>
      %dma_wait3A_212 = tpu.memref_squeeze %dma_wait3A_211 : memref<1x40x128xf32, #tpu.memory_space<hbm>> -> memref<40x128xf32, #tpu.memory_space<hbm>>
      %dma_wait3A_213 = arith.constant 0 : i32
      %dma_wait3A_214 = arith.constant 0 : i32
      %dma_wait3A_215 = tpu.memref_slice %arg16[%dma_wait3A_213, %dma_wait3A_214] : memref<48x128xf32, #tpu.memory_space<vmem>> -> memref<40x128xf32, #tpu.memory_space<vmem>>
      tpu.wait_dma2 semaphore(%run_scoped3A : memref<!tpu.dma_semaphore, #tpu.memory_space<semaphore_mem>>) src(%dma_wait3A_215 : memref<40x128xf32, #tpu.memory_space<vmem>>) dst(%dma_wait3A_212 : memref<40x128xf32, #tpu.memory_space<hbm>>)
      tpu.yield
    }) : () -> ()
    %mul3A_190 = arith.constant 80 : i32
    %mul3A_191 = arith.muli %arg1, %mul3A_190 : i32
    %add3A_192 = arith.constant 40 : i32
    %add3A_193 = arith.addi %mul3A_191, %add3A_192 : i32
    "tpu.region"() ({
      %run_scoped3A = tpu.sem_alloc : memref<!tpu.dma_semaphore, #tpu.memory_space<semaphore_mem>>
      %dma_start3A = arith.constant 0 : i32
      %dma_start3A_194 = arith.constant 0 : i32
      %dma_start3A_195 = tpu.memref_slice %arg16[%dma_start3A, %dma_start3A_194] : memref<48x128xf32, #tpu.memory_space<vmem>> -> memref<40x128xf32, #tpu.memory_space<vmem>>
      %dma_start3A_196 = arith.constant 0 : i32
      %dma_start3A_197 = tpu.memref_slice %arg19[%add3A_193, %dma_start3A_196] : memref<1280x128xf32, #tpu.memory_space<vmem_shared>> -> memref<40x128xf32, #tpu.memory_space<vmem_shared>>
      %dma_start3A_198 = arith.constant 0 : i32
      %dma_start3A_199 = arith.constant 0 : i32
      %dma_start3A_200 = tpu.memref_slice %arg16[%dma_start3A_198, %dma_start3A_199] : memref<48x128xf32, #tpu.memory_space<vmem>> -> memref<40x128xf32, #tpu.memory_space<vmem>>
      %dma_start3A_201 = arith.constant 0 : i32
      %dma_start3A_202 = tpu.memref_slice %arg19[%add3A_193, %dma_start3A_201] : memref<1280x128xf32, #tpu.memory_space<vmem_shared>> -> memref<40x128xf32, #tpu.memory_space<vmem_shared>>
      tpu.enqueue_dma source(%dma_start3A_202 : memref<40x128xf32, #tpu.memory_space<vmem_shared>>) target(%dma_start3A_200 : memref<40x128xf32, #tpu.memory_space<vmem>>) target_semaphore(%run_scoped3A : memref<!tpu.dma_semaphore, #tpu.memory_space<semaphore_mem>>)
      %dma_wait3A = arith.constant 0 : i32
      %dma_wait3A_203 = arith.constant 0 : i32
      %dma_wait3A_204 = tpu.memref_slice %arg16[%dma_wait3A, %dma_wait3A_203] : memref<48x128xf32, #tpu.memory_space<vmem>> -> memref<40x128xf32, #tpu.memory_space<vmem>>
      %dma_wait3A_205 = arith.constant 0 : i32
      %dma_wait3A_206 = tpu.memref_slice %arg19[%add3A_193, %dma_wait3A_205] : memref<1280x128xf32, #tpu.memory_space<vmem_shared>> -> memref<40x128xf32, #tpu.memory_space<vmem_shared>>
      %dma_wait3A_207 = arith.constant 0 : i32
      %dma_wait3A_208 = arith.constant 0 : i32
      %dma_wait3A_209 = tpu.memref_slice %arg16[%dma_wait3A_207, %dma_wait3A_208] : memref<48x128xf32, #tpu.memory_space<vmem>> -> memref<40x128xf32, #tpu.memory_space<vmem>>
      %dma_wait3A_210 = arith.constant 0 : i32
      %dma_wait3A_211 = tpu.memref_slice %arg19[%add3A_193, %dma_wait3A_210] : memref<1280x128xf32, #tpu.memory_space<vmem_shared>> -> memref<40x128xf32, #tpu.memory_space<vmem_shared>>
      tpu.wait_dma2 semaphore(%run_scoped3A : memref<!tpu.dma_semaphore, #tpu.memory_space<semaphore_mem>>) src(%dma_wait3A_211 : memref<40x128xf32, #tpu.memory_space<vmem_shared>>) dst(%dma_wait3A_209 : memref<40x128xf32, #tpu.memory_space<vmem>>)
      tpu.yield
    }) : () -> ()
    "tpu.region"() ({
      %run_scoped3A = tpu.sem_alloc : memref<!tpu.dma_semaphore, #tpu.memory_space<semaphore_mem>>
      %dma_start3A = arith.constant 0 : i32
      %dma_start3A_194 = arith.constant 0 : i32
      %dma_start3A_195 = tpu.memref_slice %arg16[%dma_start3A, %dma_start3A_194] : memref<48x128xf32, #tpu.memory_space<vmem>> -> memref<40x128xf32, #tpu.memory_space<vmem>>
      %dma_start3A_196 = arith.constant 0 : i32
      %dma_start3A_197 = tpu.memref_slice %arg8[%arg0, %add3A_193, %dma_start3A_196] : memref<2x1280x128xf32, #tpu.memory_space<hbm>> -> memref<1x40x128xf32, #tpu.memory_space<hbm>>
      %dma_start3A_198 = tpu.memref_squeeze %dma_start3A_197 : memref<1x40x128xf32, #tpu.memory_space<hbm>> -> memref<40x128xf32, #tpu.memory_space<hbm>>
      %dma_start3A_199 = arith.constant 0 : i32
      %dma_start3A_200 = tpu.memref_slice %arg8[%arg0, %add3A_193, %dma_start3A_199] : memref<2x1280x128xf32, #tpu.memory_space<hbm>> -> memref<1x40x128xf32, #tpu.memory_space<hbm>>
      %dma_start3A_201 = tpu.memref_squeeze %dma_start3A_200 : memref<1x40x128xf32, #tpu.memory_space<hbm>> -> memref<40x128xf32, #tpu.memory_space<hbm>>
      %dma_start3A_202 = arith.constant 0 : i32
      %dma_start3A_203 = arith.constant 0 : i32
      %dma_start3A_204 = tpu.memref_slice %arg16[%dma_start3A_202, %dma_start3A_203] : memref<48x128xf32, #tpu.memory_space<vmem>> -> memref<40x128xf32, #tpu.memory_space<vmem>>
      tpu.enqueue_dma source(%dma_start3A_204 : memref<40x128xf32, #tpu.memory_space<vmem>>) target(%dma_start3A_201 : memref<40x128xf32, #tpu.memory_space<hbm>>) target_semaphore(%run_scoped3A : memref<!tpu.dma_semaphore, #tpu.memory_space<semaphore_mem>>)
      %dma_wait3A = arith.constant 0 : i32
      %dma_wait3A_205 = arith.constant 0 : i32
      %dma_wait3A_206 = tpu.memref_slice %arg16[%dma_wait3A, %dma_wait3A_205] : memref<48x128xf32, #tpu.memory_space<vmem>> -> memref<40x128xf32, #tpu.memory_space<vmem>>
      %dma_wait3A_207 = arith.constant 0 : i32
      %dma_wait3A_208 = tpu.memref_slice %arg8[%arg0, %add3A_193, %dma_wait3A_207] : memref<2x1280x128xf32, #tpu.memory_space<hbm>> -> memref<1x40x128xf32, #tpu.memory_space<hbm>>
      %dma_wait3A_209 = tpu.memref_squeeze %dma_wait3A_208 : memref<1x40x128xf32, #tpu.memory_space<hbm>> -> memref<40x128xf32, #tpu.memory_space<hbm>>
      %dma_wait3A_210 = arith.constant 0 : i32
      %dma_wait3A_211 = tpu.memref_slice %arg8[%arg0, %add3A_193, %dma_wait3A_210] : memref<2x1280x128xf32, #tpu.memory_space<hbm>> -> memref<1x40x128xf32, #tpu.memory_space<hbm>>
      %dma_wait3A_212 = tpu.memref_squeeze %dma_wait3A_211 : memref<1x40x128xf32, #tpu.memory_space<hbm>> -> memref<40x128xf32, #tpu.memory_space<hbm>>
      %dma_wait3A_213 = arith.constant 0 : i32
      %dma_wait3A_214 = arith.constant 0 : i32
      %dma_wait3A_215 = tpu.memref_slice %arg16[%dma_wait3A_213, %dma_wait3A_214] : memref<48x128xf32, #tpu.memory_space<vmem>> -> memref<40x128xf32, #tpu.memory_space<vmem>>
      tpu.wait_dma2 semaphore(%run_scoped3A : memref<!tpu.dma_semaphore, #tpu.memory_space<semaphore_mem>>) src(%dma_wait3A_215 : memref<40x128xf32, #tpu.memory_space<vmem>>) dst(%dma_wait3A_212 : memref<40x128xf32, #tpu.memory_space<hbm>>)
      tpu.yield
    }) : () -> ()
    return
  }
}

module attributes {stable_mosaic.version = 14 : i64} {
  func.func @_qkv_body(%arg0: i32, %arg1: memref<1000x128xf32, #tpu.memory_space<vmem>>, %arg2: memref<128x384xf32, #tpu.memory_space<vmem>>, %arg3: memref<1x384xf32, #tpu.memory_space<vmem>>, %arg4: memref<1000x128xf32, #tpu.memory_space<vmem>>, %arg5: memref<1000x128xf32, #tpu.memory_space<vmem>>, %arg6: memref<1000x128xf32, #tpu.memory_space<vmem>>) attributes {dimension_semantics = [#tpu.dimension_semantics<arbitrary>], iteration_bounds = array<i64: 10>, scalar_prefetch = 0 : i64, scratch_operands = 0 : i64, tpu.core_type = #tpu.core_type<tc>, window_params = [{transform_indices = @transform_0, window_bounds = array<i64: 1000, 128>}, {pipeline_mode = #tpu.pipeline_mode<synchronous>, transform_indices = @transform_1, window_bounds = array<i64: 128, 384>}, {pipeline_mode = #tpu.pipeline_mode<synchronous>, transform_indices = @transform_2, window_bounds = array<i64: 1, 384>}, {transform_indices = @transform_3, window_bounds = array<i64: 1000, 128>}, {transform_indices = @transform_4, window_bounds = array<i64: 1000, 128>}, {transform_indices = @transform_5, window_bounds = array<i64: 1000, 128>}]} {
    %get3A = arith.constant 0 : index
    %get3A_0 = arith.constant 0 : index
    %get3A_1 = vector.load %arg1[%get3A, %get3A_0] : memref<1000x128xf32, #tpu.memory_space<vmem>>, vector<1000x128xf32>
    %get3A_2 = arith.constant 0 : index
    %get3A_3 = arith.constant 0 : index
    %get3A_4 = vector.load %arg2[%get3A_2, %get3A_3] : memref<128x384xf32, #tpu.memory_space<vmem>>, vector<128x384xf32>
    %dot_general3A = arith.constant dense<0.000000e+00> : vector<1000x384xf32>
    %dot_general3A_5 = tpu.matmul %get3A_1, %get3A_4, %dot_general3A {dimension_numbers = #tpu.dot_dimension_numbers<[1], [0], [0], [1], [0, 0, 1, 1], [], []>, transpose_lhs_hint = false} : vector<1000x128xf32>, vector<128x384xf32>, vector<1000x384xf32> -> vector<1000x384xf32>
    %get3A_6 = arith.constant 0 : index
    %get3A_7 = arith.constant 0 : index
    %get3A_8 = vector.load %arg3[%get3A_6, %get3A_7] : memref<1x384xf32, #tpu.memory_space<vmem>>, vector<1x384xf32>
    %add3A = vector.broadcast %get3A_8 : vector<1x384xf32> to vector<1000x384xf32>
    %add3A_9 = arith.addf %dot_general3A_5, %add3A : vector<1000x384xf32>
    %slice3A = vector.extract_strided_slice %add3A_9 {offsets = [0, 0], sizes = [1000, 128], strides = [1, 1]} : vector<1000x384xf32> to vector<1000x128xf32>
    %swap3A = arith.constant 0 : index
    %swap3A_10 = arith.constant 0 : index
    %swap3A_11 = vector.load %arg4[%swap3A, %swap3A_10] : memref<1000x128xf32, #tpu.memory_space<vmem>>, vector<1000x128xf32>
    tpu.vector_store %arg4[%swap3A, %swap3A_10], %slice3A {strides = array<i32>} : memref<1000x128xf32, #tpu.memory_space<vmem>>, vector<1000x128xf32>,
    %slice3A_12 = vector.extract_strided_slice %add3A_9 {offsets = [0, 128], sizes = [1000, 128], strides = [1, 1]} : vector<1000x384xf32> to vector<1000x128xf32>
    %swap3A_13 = arith.constant 0 : index
    %swap3A_14 = arith.constant 0 : index
    %swap3A_15 = vector.load %arg5[%swap3A_13, %swap3A_14] : memref<1000x128xf32, #tpu.memory_space<vmem>>, vector<1000x128xf32>
    tpu.vector_store %arg5[%swap3A_13, %swap3A_14], %slice3A_12 {strides = array<i32>} : memref<1000x128xf32, #tpu.memory_space<vmem>>, vector<1000x128xf32>,
    %slice3A_16 = vector.extract_strided_slice %add3A_9 {offsets = [0, 256], sizes = [1000, 128], strides = [1, 1]} : vector<1000x384xf32> to vector<1000x128xf32>
    %swap3A_17 = arith.constant 0 : index
    %swap3A_18 = arith.constant 0 : index
    %swap3A_19 = vector.load %arg6[%swap3A_17, %swap3A_18] : memref<1000x128xf32, #tpu.memory_space<vmem>>, vector<1000x128xf32>
    tpu.vector_store %arg6[%swap3A_17, %swap3A_18], %slice3A_16 {strides = array<i32>} : memref<1000x128xf32, #tpu.memory_space<vmem>>, vector<1000x128xf32>,
    return
  }
  func.func @transform_0(%arg0: i32) -> (i32, i32) {
    %c0_i32 = arith.constant 0 : i32
    %c0_i32_0 = arith.constant 0 : i32
    return %arg0, %c0_i32 : i32, i32
  }
  func.func @transform_1(%arg0: i32) -> (i32, i32) {
    %c0_i32 = arith.constant 0 : i32
    %c0_i32_0 = arith.constant 0 : i32
    %c0_i32_1 = arith.constant 0 : i32
    return %c0_i32, %c0_i32_0 : i32, i32
  }
  func.func @transform_2(%arg0: i32) -> (i32, i32) {
    %c0_i32 = arith.constant 0 : i32
    %c0_i32_0 = arith.constant 0 : i32
    %c0_i32_1 = arith.constant 0 : i32
    return %c0_i32, %c0_i32_0 : i32, i32
  }
  func.func @transform_3(%arg0: i32) -> (i32, i32) {
    %c0_i32 = arith.constant 0 : i32
    %c0_i32_0 = arith.constant 0 : i32
    return %arg0, %c0_i32 : i32, i32
  }
  func.func @transform_4(%arg0: i32) -> (i32, i32) {
    %c0_i32 = arith.constant 0 : i32
    %c0_i32_0 = arith.constant 0 : i32
    return %arg0, %c0_i32 : i32, i32
  }
  func.func @transform_5(%arg0: i32) -> (i32, i32) {
    %c0_i32 = arith.constant 0 : i32
    %c0_i32_0 = arith.constant 0 : i32
    return %arg0, %c0_i32 : i32, i32
  }
}

module attributes {stable_mosaic.version = 14 : i64} {
  func.func @_out_body(%arg0: i32, %arg1: memref<2x1000x128xf32, #tpu.memory_space<vmem>>, %arg2: memref<2x1000x16xf32, #tpu.memory_space<vmem>>, %arg3: memref<8x128xf32, #tpu.memory_space<vmem>>, %arg4: memref<128x128xf32, #tpu.memory_space<vmem>>, %arg5: memref<1x128xf32, #tpu.memory_space<vmem>>, %arg6: memref<1000x128xf32, #tpu.memory_space<vmem>>) attributes {dimension_semantics = [#tpu.dimension_semantics<arbitrary>], iteration_bounds = array<i64: 10>, scalar_prefetch = 0 : i64, scratch_operands = 0 : i64, tpu.core_type = #tpu.core_type<tc>, window_params = [{transform_indices = @transform_0, window_bounds = array<i64: 2, 1000, 128>}, {transform_indices = @transform_1, window_bounds = array<i64: 2, 1000, 16>}, {pipeline_mode = #tpu.pipeline_mode<synchronous>, transform_indices = @transform_2, window_bounds = array<i64: 8, 128>}, {pipeline_mode = #tpu.pipeline_mode<synchronous>, transform_indices = @transform_3, window_bounds = array<i64: 128, 128>}, {pipeline_mode = #tpu.pipeline_mode<synchronous>, transform_indices = @transform_4, window_bounds = array<i64: 1, 128>}, {transform_indices = @transform_5, window_bounds = array<i64: 1000, 128>}]} {
    %get3A = arith.constant 0 : index
    %get3A_0 = arith.constant 0 : index
    %get3A_1 = arith.constant 0 : index
    %get3A_2 = vector.load %arg1[%get3A, %get3A_0, %get3A_1] : memref<2x1000x128xf32, #tpu.memory_space<vmem>>, vector<1x1000x128xf32>
    %get3A_3 = vector.shape_cast %get3A_2 : vector<1x1000x128xf32> to vector<1000x128xf32>
    %get3A_4 = arith.constant 1 : index
    %get3A_5 = arith.constant 0 : index
    %get3A_6 = arith.constant 0 : index
    %get3A_7 = vector.load %arg1[%get3A_4, %get3A_5, %get3A_6] : memref<2x1000x128xf32, #tpu.memory_space<vmem>>, vector<1x1000x128xf32>
    %get3A_8 = vector.shape_cast %get3A_7 : vector<1x1000x128xf32> to vector<1000x128xf32>
    %add3A = arith.addf %get3A_3, %get3A_8 : vector<1000x128xf32>
    %get3A_9 = arith.constant 0 : index
    %get3A_10 = arith.constant 0 : index
    %get3A_11 = arith.constant 0 : index
    %get3A_12 = vector.load %arg2[%get3A_9, %get3A_10, %get3A_11] : memref<2x1000x16xf32, #tpu.memory_space<vmem>>, vector<1x1000x16xf32>
    %get3A_13 = vector.shape_cast %get3A_12 : vector<1x1000x16xf32> to vector<1000x16xf32>
    %get3A_14 = arith.constant 1 : index
    %get3A_15 = arith.constant 0 : index
    %get3A_16 = arith.constant 0 : index
    %get3A_17 = vector.load %arg2[%get3A_14, %get3A_15, %get3A_16] : memref<2x1000x16xf32, #tpu.memory_space<vmem>>, vector<1x1000x16xf32>
    %get3A_18 = vector.shape_cast %get3A_17 : vector<1x1000x16xf32> to vector<1000x16xf32>
    %add3A_19 = arith.addf %get3A_13, %get3A_18 : vector<1000x16xf32>
    %slice3A = vector.extract_strided_slice %add3A_19 {offsets = [0, 0], sizes = [1000, 8], strides = [1, 1]} : vector<1000x16xf32> to vector<1000x8xf32>
    %eq3A = arith.constant 0.000000e+00 : f32
    %eq3A_20 = vector.broadcast %eq3A : f32 to vector<1000x8xf32>
    %eq3A_21 = arith.cmpf oeq, %slice3A, %eq3A_20 : vector<1000x8xf32>
    %jit3A = arith.constant 1.000000e+00 : f32
    %broadcast_in_dim3A = vector.broadcast %jit3A : f32 to vector<1000x8xf32>
    %select_n3A = arith.select %eq3A_21, %broadcast_in_dim3A, %slice3A : vector<1000x8xi1>, vector<1000x8xf32>
    %div3A = arith.constant 1.000000e+00 : f32
    %div3A_22 = vector.broadcast %div3A : f32 to vector<1000x8xf32>
    %div3A_23 = arith.divf %div3A_22, %select_n3A : vector<1000x8xf32>
    %get3A_24 = arith.constant 0 : index
    %get3A_25 = arith.constant 0 : index
    %get3A_26 = vector.load %arg3[%get3A_24, %get3A_25] : memref<8x128xf32, #tpu.memory_space<vmem>>, vector<8x128xf32>
    %dot_general3A = arith.constant dense<0.000000e+00> : vector<1000x128xf32>
    %dot_general3A_27 = tpu.matmul %div3A_23, %get3A_26, %dot_general3A {dimension_numbers = #tpu.dot_dimension_numbers<[1], [0], [0], [1], [0, 0, 1, 1], [], []>, transpose_lhs_hint = false} : vector<1000x8xf32>, vector<8x128xf32>, vector<1000x128xf32> -> vector<1000x128xf32>
    %mul3A = arith.mulf %add3A, %dot_general3A_27 : vector<1000x128xf32>
    %get3A_28 = arith.constant 0 : index
    %get3A_29 = arith.constant 0 : index
    %get3A_30 = vector.load %arg4[%get3A_28, %get3A_29] : memref<128x128xf32, #tpu.memory_space<vmem>>, vector<128x128xf32>
    %dot_general3A_31 = arith.constant dense<0.000000e+00> : vector<1000x128xf32>
    %dot_general3A_32 = tpu.matmul %mul3A, %get3A_30, %dot_general3A_31 {dimension_numbers = #tpu.dot_dimension_numbers<[1], [0], [0], [1], [0, 0, 1, 1], [], []>, transpose_lhs_hint = false} : vector<1000x128xf32>, vector<128x128xf32>, vector<1000x128xf32> -> vector<1000x128xf32>
    %get3A_33 = arith.constant 0 : index
    %get3A_34 = arith.constant 0 : index
    %get3A_35 = vector.load %arg5[%get3A_33, %get3A_34] : memref<1x128xf32, #tpu.memory_space<vmem>>, vector<1x128xf32>
    %add3A_36 = vector.broadcast %get3A_35 : vector<1x128xf32> to vector<1000x128xf32>
    %add3A_37 = arith.addf %dot_general3A_32, %add3A_36 : vector<1000x128xf32>
    %swap3A = arith.constant 0 : index
    %swap3A_38 = arith.constant 0 : index
    %swap3A_39 = vector.load %arg6[%swap3A, %swap3A_38] : memref<1000x128xf32, #tpu.memory_space<vmem>>, vector<1000x128xf32>
    tpu.vector_store %arg6[%swap3A, %swap3A_38], %add3A_37 {strides = array<i32>} : memref<1000x128xf32, #tpu.memory_space<vmem>>, vector<1000x128xf32>,
    return
  }
  func.func @transform_0(%arg0: i32) -> (i32, i32, i32) {
    %c0_i32 = arith.constant 0 : i32
    %c0_i32_0 = arith.constant 0 : i32
    %c0_i32_1 = arith.constant 0 : i32
    return %c0_i32, %arg0, %c0_i32_0 : i32, i32, i32
  }
  func.func @transform_1(%arg0: i32) -> (i32, i32, i32) {
    %c0_i32 = arith.constant 0 : i32
    %c0_i32_0 = arith.constant 0 : i32
    %c0_i32_1 = arith.constant 0 : i32
    return %c0_i32, %arg0, %c0_i32_0 : i32, i32, i32
  }
  func.func @transform_2(%arg0: i32) -> (i32, i32) {
    %c0_i32 = arith.constant 0 : i32
    %c0_i32_0 = arith.constant 0 : i32
    %c0_i32_1 = arith.constant 0 : i32
    return %c0_i32, %c0_i32_0 : i32, i32
  }
  func.func @transform_3(%arg0: i32) -> (i32, i32) {
    %c0_i32 = arith.constant 0 : i32
    %c0_i32_0 = arith.constant 0 : i32
    %c0_i32_1 = arith.constant 0 : i32
    return %c0_i32, %c0_i32_0 : i32, i32
  }
  func.func @transform_4(%arg0: i32) -> (i32, i32) {
    %c0_i32 = arith.constant 0 : i32
    %c0_i32_0 = arith.constant 0 : i32
    %c0_i32_1 = arith.constant 0 : i32
    return %c0_i32, %c0_i32_0 : i32, i32
  }
  func.func @transform_5(%arg0: i32) -> (i32, i32) {
    %c0_i32 = arith.constant 0 : i32
    %c0_i32_0 = arith.constant 0 : i32
    return %arg0, %c0_i32 : i32, i32
  }
}

</mosaic_0001>

<sc_bundles>
// kernel: kernel.5.cloned.1.call-start
scs
__scs_entry_jumppad:
0x0: {  	(pc) =	sbr.rel $0x88, $3  }
0x1: {  	(tag) =	ssettag $0x0;
	lr =	simm.s32 $0x1  }
0x2: {  	[smem:$0x3F9B] =	sst lr;
	_ =	strace $0xD0000000  }
0x3: {  	_ = 	snop  }
0x4: {  	_ = 	snop  }
0x5: {  	_ = 	snop  }
0x6: {  	_ = 	snop  }
0x7: {  	_ = 	snop  }
__scs_overlays_trampoline_lowered:
0x8: {  	[smem:$0x3FAA] =	sst s0  }
0x9: {  	[smem:$0x3FAB] =	sst s1  }
0xa: {  	[smem:$0x3FAC] =	sst s2  }
0xb: {  	[smem:$0x3FAD] =	sst s3  }
0xc: {  	[smem:$0x3FAE] =	sst s4  }
0xd: {  	[smem:$0x3FAF] =	sst s5  }
0xe: {  	[smem:$0x3FB0] =	sst s6  }
0xf: {  	[smem:$0x3FB1] =	sst s7  }
0x10: {  	[smem:$0x3FB2] =	sst s8  }
0x11: {  	[smem:$0x3FB3] =	sst s9;
	s0 =	simm.s32 @!p0 $0x0  }
0x12: {  	s1 =	sld [smem:$0x3F99];
	s0 =	simm.s32 @p0 $0x1  }
0x13: {  	[smem:$0x3FB4] =	sst s0;
	s0 =	simm.s32 @!p1 $0x0  }
0x14: {  	s2 =	sld [smem:$0x3F98];
	s0 =	simm.s32 @p1 $0x1  }
0x15: {  	[smem:$0x3FB5] =	sst s0;
	s0 =	simm.s32 @!p2 $0x0  }
0x16: {  	s3 =	sld [smem:$0x3FDB];
	s0 =	simm.s32 @p2 $0x1  }
0x17: {  	s4 =	simm.s32 $0x1BF5;
	[smem:$0x3FB7] =	sst s0  }
0x18: {  	s0 =	sld [smem:$0x3F9A];
	_ =	swait.ge [sflag:s4], $0x0  }
0x19: {  	s7 =	sld [smem:$0x3F9B]  }
0x1a: {  	s8 =	sadd.s32 $0xFFFFE003, lr  }
0x1b: {  	s9 =	sadd.s32 $0xFFFFFEF7, lr;
	s5 =	simm.s32 $0xFFFFFFFF;
	p2 =	slt.u32 s8, $0xFFFFF086  }
0x1c: {  	p1 =	slt.u32 s9, $0xF7A;
	s5 =	simm.s32 @!p2 $0x0  }
0x1d: {  	s5 =	simm.s32 @p1 $0x1;
	p0 =	seq.s32 s7, s2  }
0x1e: {  	s7 =	smul.u32 @!p0 $0xF7A, s2;
	p2 =	seq.s32 @!p0 s5, $0x0  }
0x1f: {  	s9 =	smul.u32 $0xF7A, s1;
	s8 =	simm.s32 @!p0 $0x1BF5;
	p2 =	por !p2, p0  }
0x20: {  	[sflag:s8] =	ssyncset.s32 @!p0 $0xFFFFF086;
	s6 =	sadd.s32 @!p0 s3, s7;
	s7 =	simm.s32 @!p0 $0x108  }
0x21: {  	s3 =	sadd.s32 s3, s9;
	s6 =	sadd.s32 @!p0 $0x88, s6;
	s7 =	simm.s32 @p2 $0x1082  }
0x22: {  	[simem:s7], [sflag:s8] =	dma.local @!p0 [hbm:s6], $0xF7A  }
0x23: {  	s9 =	sor.u32 $0xD0000000, s2;
	s6 =	simm.s32 $0x108;
	_ =	swait.ge @!p0 [sflag:s8], $0x0  }
0x24: {  	s3 =	sadd.s32 $0x88, s3;
	s6 =	simm.s32 @!p1 $0x1082;
	[sflag:s4] =	ssyncset.s32 $0xFFFFF086  }
0x25: {  	[simem:s6], [sflag:s4] =	dma.local [hbm:s3], $0xF7A  }
0x26: {  	[smem:$0x3F9B] =	sst s1;
	(tag) =	ssettag s2;
	_ =	strace s9  }
0x27: {  	s1 =	sld [smem:$0x3FAB]  }
0x28: {  	s2 =	sld [smem:$0x3FAC]  }
0x29: {  	s4 =	sld [smem:$0x3FAE]  }
0x2a: {  	p0 =	seq.s32 s5, $0x0;
	s5 =	sld [smem:$0x3FAF]  }
0x2b: {  	s6 =	sld [smem:$0x3FB0]  }
0x2c: {  	s7 =	sld [smem:$0x3FB1]  }
0x2d: {  	s3 =	simm.s32 $0x108;
	s8 =	sld [smem:$0x3FB2]  }
0x2e: {  	s3 =	simm.s32 @!p0 $0x1082;
	s9 =	sld [smem:$0x3FB3]  }
0x2f: {  	lr =	sadd.s32 s0, s3;
	s0 =	sld [smem:$0x3FAA]  }
0x30: {  	s3 =	sld [smem:$0x3FAD]  }
0x31: {  	[smem:$0x3FB6] =	sst s10  }
0x32: {  	s10 =	sld [smem:$0x3FB4];
	_ =	sdelay $0x3  }
0x33: {  	p0 =	seq.s32 s10, $0x1;
	s10 =	sld [smem:$0x3FB6];
	_ =	sdelay $0x3  }
0x34: {  	[smem:$0x3FB6] =	sst s10  }
0x35: {  	s10 =	sld [smem:$0x3FB5];
	_ =	sdelay $0x3  }
0x36: {  	p1 =	seq.s32 s10, $0x1;
	s10 =	sld [smem:$0x3FB6];
	_ =	sdelay $0x3  }
0x37: {  	[smem:$0x3FB6] =	sst s10  }
0x38: {  	s10 =	sld [smem:$0x3FB7]  }
0x39: {  	_ = 	snop;
	(pc) =	sbr.ind lr, $3  }
0x3a: {  	_ = 	snop  }
0x3b: {  	_ = 	snop  }
0x3c: {  	p2 =	seq.s32 s10, $0x1;
	s10 =	sld [smem:$0x3FB6]  }
0x3d: {  	_ =	shalt  }
0x3e: {  	_ =	shalt  }
0x3f: {  	_ =	shalt  }
0x40: {  	_ =	shalt  }
0x41: {  	_ =	shalt  }
0x42: {  	_ =	shalt  }
0x43: {  	_ =	shalt  }
0x44: {  	_ =	shalt  }
0x45: {  	_ =	shalt  }
0x46: {  	_ =	shalt  }
0x47: {  	_ =	shalt  }
0x48: {  	_ =	shalt  }
0x49: {  	_ =	shalt  }
0x4a: {  	_ =	shalt  }
0x4b: {  	_ =	shalt  }
0x4c: {  	_ =	shalt  }
0x4d: {  	_ =	shalt  }
0x4e: {  	_ =	shalt  }
0x4f: {  	_ =	shalt  }
0x50: {  	_ =	shalt  }
0x51: {  	_ =	shalt  }
0x52: {  	_ =	shalt  }
0x53: {  	_ =	shalt  }
0x54: {  	_ =	shalt  }
0x55: {  	_ =	shalt  }
0x56: {  	_ =	shalt  }
0x57: {  	_ =	shalt  }
0x58: {  	_ =	shalt  }
0x59: {  	_ =	shalt  }
0x5a: {  	_ =	shalt  }
0x5b: {  	_ =	shalt  }
0x5c: {  	_ =	shalt  }
0x5d: {  	_ =	shalt  }
0x5e: {  	_ =	shalt  }
0x5f: {  	_ =	shalt  }
0x60: {  	_ =	shalt  }
0x61: {  	_ =	shalt  }
0x62: {  	_ =	shalt  }
0x63: {  	_ =	shalt  }
0x64: {  	_ =	shalt  }
0x65: {  	_ =	shalt  }
0x66: {  	_ =	shalt  }
0x67: {  	_ =	shalt  }
0x68: {  	_ =	shalt  }
0x69: {  	_ =	shalt  }
0x6a: {  	_ =	shalt  }
0x6b: {  	_ =	shalt  }
0x6c: {  	_ =	shalt  }
0x6d: {  	_ =	shalt  }
0x6e: {  	_ =	shalt  }
0x6f: {  	_ =	shalt  }
0x70: {  	_ =	shalt  }
0x71: {  	_ =	shalt  }
0x72: {  	_ =	shalt  }
0x73: {  	_ =	shalt  }
0x74: {  	_ =	shalt  }
0x75: {  	_ =	shalt  }
0x76: {  	_ =	shalt  }
0x77: {  	_ =	shalt  }
0x78: {  	_ =	shalt  }
0x79: {  	_ =	shalt  }
0x7a: {  	_ =	shalt  }
0x7b: {  	_ =	shalt  }
0x7c: {  	_ =	shalt  }
0x7d: {  	_ =	shalt  }
0x7e: {  	_ =	shalt  }
0x7f: {  	_ =	shalt  }
0x80: {  	_ =	shalt  }
0x81: {  	_ =	shalt  }
0x82: {  	_ =	shalt  }
0x83: {  	_ =	shalt  }
0x84: {  	_ =	shalt  }
0x85: {  	_ =	shalt  }
0x86: {  	_ =	shalt  }
0x87: {  	_ =	shalt  }
.Lfunc_end0:
.L_simem_size_0:
called_computation_lowered:
.L_overlay_start_0:
0x88: {  	s2 =	sld [smem:$0x3FD9]  }
0x89: {  	s3 =	sld [smem:$0x3FFE];
	_ =	sdelay $0x1  }
0x8a: {  	s1 =	srdreg.scid  }
0x8b: {  	s0 =	sand.u32 $0x1, s1  }
0x8c: {  	s17 =	sshll.u32 s0, $0xA;
	s2 =	sadd.s32 s3, s2  }
0x8d: {  	s2 =	sadd.s32 s2, s17  }
0x8e: {  	[smem:$0x3FC2] =	sst s2  }
0x8f: {  	_ = 	snop  }
0x90: {  	s2 =	sld [smem:$0x3FD0];
	(tm) =	ssettm $0x1  }
0x91: {  	s18 =	sld [smem:$0x3FFB];
	_ =	sdelay $0x3  }
0x92: {  	_ =	strace s18  }
0x93: {  	s3 =	sld [smem:$0x3FFC];
	_ =	sdelay $0x3  }
0x94: {  	_ =	strace s3  }
0x95: {  	s3 =	sld [smem:$0x3FFD];
	_ =	sdelay $0x3  }
0x96: {  	_ =	strace s3  }
0x97: {  	_ =	strace $0x8FFFFFFF  }
0x98: {  	s19 =	sld [smem:$0x3FDB];
	_ =	sdelay $0x1  }
0x99: {  	s4 =	simm.s32 $_scs_section_size  }
0x9a: {  	s5 =	simm.s32 $_size__tile_overlayer_lowered;
	s6 =	simm.s32 $_tile_overlayer_lowered  }
0x9b: {  	s22 =	simm.s32 $0x1BFF;
	s21 =	sshll.u32 s6, $0x1;
	s3 =	sadd.s32 s4, s19  }
0x9c: {  	s7 =	simm.s32 $0x0;
	s20 =	sshll.u32 s5, $0x1;
	s5 =	sadd.s32 s21, s3  }
0x9d: {  	[timem:s7], [sflag:s22] =	dma.local [hbm:s5], s20  }
0x9e: {  	_ =	swait.ge [sflag:s22], s20  }
0x9f: {  	s4 =	ssub.s32 $0x0, s20;
	[sflag:s22] =	ssyncset.done $0x0  }
0xa0: {  	[sflag:s22] =	ssyncadd.s32 s4;
	_ =	sdelay $0x1  }
0xa1: {  	s23 =	simm.s32 $0x1B8B  }
0xa2: {  	_ =	swait.ge [sflag:s23], $0x1  }
0xa3: {  	[sflag:s23] =	ssyncset.done $0x0  }
0xa4: {  	s25 =	simm.s32 $0x1B8E;
	s24 =	sld [smem:$0x3FFE];
	[sflag:s23] =	ssyncadd.s32 $0xFFFFFFFF  }
0xa5: {  	s26 =	simm.s32 $execute0_lowered;
	[smem:$0x3FD2] =	sst s25  }
0xa6: {  	s5 =	sshll.u32 s26, $0x1;
	_ =	strace $0x80000046;
	[dreg:$0x1] =	wrdreg $0xFFFFFFFF  }
0xa7: {  	s28 =	simm.s32 $_size_execute0_lowered;
	s3 =	sadd.s32 s3, s5;
	[dreg:$0x0] =	wrdreg $0x0  }
0xa8: {  	s5 =	sshll.u32 s28, $0x1;
	[dreg:$0x2] =	wrdreg s3  }
0xa9: {  	[dreg:$0x3] =	wrdreg s5  }
0xaa: {  	[dreg:$0x4] =	wrdreg $0xC0  }
0xab: {  	_ =	task [dreg:s7], $0x5FFFF  }
0xac: {  	[dreg:$0x1] =	wrdreg $0xFFFFFFFF  }
0xad: {  	[dreg:$0x0] =	wrdreg $0x60  }
0xae: {  	[dreg:$0x2] =	wrdreg s2  }
0xaf: {  	[dreg:$0x3] =	wrdreg s24  }
0xb0: {  	[dreg:$0x4] =	wrdreg $0x79800  }
0xb1: {  	[dreg:$0x5] =	wrdreg $0x1B9800  }
0xb2: {  	[dreg:$0x6] =	wrdreg $0x9  }
0xb3: {  	_ =	task.clear_ibuf [dreg:s7], $0x7FFFF;
	_ =	strace $0x90000046  }
0xb4: {  	s29 =	simm.s32 $0x9;
	_ =	strace $0x80000048  }
0xb5: {  	_ =	swait.ge [sflag:s29], $0x1  }
0xb6: {  	[sflag:s29] =	ssyncadd.s32 $0xFFFFFFFF  }
0xb7: {  	_ =	strace $0x90000048  }
0xb8: {  	_ =	sfence  }
0xb9: {  	s30 =	sld [smem:$0x0];
	_ =	sdelay $0x2  }
0xba: {  	s31 =	sshll.u32 s1, $0xD;
	s1 =	sshrl.u32 s1, $0x2  }
0xbb: {  	s3 =	sand.u32 $0x4000, s31;
	s1 =	sadd.s32 s1, s30  }
0xbc: {  	s0 =	sor.u32 s3, s0;
	s1 =	sshll.u32 s1, $0x11  }
0xbd: {  	s0 =	sor.u32 s1, s0  }
0xbe: {  	s0 =	sadd.s32 $0x8F2B, s0  }
0xbf: {  	[sflag:s0] =	ssyncadd.remote.s32 $0x1  }
0xc0: {  	_ =	sfence.sel $0xFFFF  }
0xc1: {  	[dreg:$0x0] =	wrdreg $0xFFFFFFFF;
	(pc) =	sbr.abs _section_cstart, $3  }
0xc2: {  	[dreg:$0x1] =	wrdreg $0xFFFFFFFF  }
0xc3: {  	_ =	task.clear_ibuf [dreg:s7], $0x2FFFF;
	_ =	strace $0x9FFFFFFF  }
0xc4: {  	(tm) =	ssettm $0x7FFFFFFF  }
0xc5: {  	_ =	shalt  }
tec
execute0_lowered:
.L_overlay_start_1:
0x0: {  	(tag) =	ssettag $0x1  }
0x1: {  	s0 =	srdreg.scid  }
0x2: {  	s12 =	rddreg [dreg:$0x1];
	s29 =	stileid.u32;
	s16 =	sand.u32 $0x1, s0  }
0x3: {  	s2 =	sshll.u32 s29, $0x1;
	s6 =	smul.u32 $0x14000, s29;
	s0 =	ssub.s32 $0x2, s16  }
0x4: {  	s18 =	sadd.s32 $0x6DC00, s12;
	s19 =	smul.u32 $0x140000, s16;
	s1 =	sshrl.u32 s0, $0x1  }
0x5: {  	s17 =	sor.u32 $0x1400, s6;
	s20 =	sor.u32 $0x2800, s6;
	s13 =	sor.u32 $0x3C00, s6  }
0x6: {  	s14 =	sadd.s32 $0x5000, s6;
	s15 =	sadd.s32 $0x6400, s6;
	s9 =	sadd.s32 $0x7800, s6  }
0x7: {  	s10 =	sadd.s32 $0x8C00, s6;
	s11 =	sadd.s32 $0xA000, s6;
	s7 =	sadd.s32 $0xB400, s6  }
0x8: {  	s8 =	sadd.s32 $0xC800, s6;
	s3 =	sadd.s32 $0xDC00, s6;
	s4 =	sadd.s32 $0xF000, s6  }
0x9: {  	s5 =	sadd.s32 $0x10400, s6;
	s0 =	ssub.s32 s0, s1;
	s1 =	sor.u32 s16, s2  }
0xa: {  	s21 =	sadd.s32 s6, s19;
	s2 =	sadd.s32 $0x11800, s6;
	s22 =	sadd.s32 s19, s17  }
0xb: {  	s25 =	sadd.s32 s19, s20;
	s26 =	sadd.s32 s19, s13;
	s21 =	sshrl.u32 s21, $0x3  }
0xc: {  	s24 =	sshrl.u32 s22, $0x3;
	s22 =	sshrl.u32 s26, $0x3;
	s21 =	sadd.s32 s18, s21  }
0xd: {  	s23 =	sadd.s32 s19, s14;
	s22 =	sadd.s32 s18, s22;
	[dreg:$0x5] =	wrdreg s21  }
0xe: {  	s23 =	sshrl.u32 s23, $0x3;
	s21 =	sadd.s32 s18, s24;
	[dreg:$0x8] =	wrdreg s22  }
0xf: {  	s26 =	sadd.s32 s19, s10;
	[dreg:$0x6] =	wrdreg s21;
	s21 =	sshrl.u32 s25, $0x3  }
0x10: {  	s24 =	sadd.s32 s19, s15;
	s25 =	sadd.s32 s19, s9;
	s21 =	sadd.s32 s18, s21  }
0x11: {  	s22 =	sshrl.u32 s25, $0x3;
	s25 =	sadd.s32 s19, s7;
	[dreg:$0x7] =	wrdreg s21  }
0x12: {  	s21 =	sadd.s32 s18, s23;
	s22 =	sadd.s32 s18, s22;
	s23 =	sshrl.u32 s26, $0x3  }
0x13: {  	s26 =	sadd.s32 s19, s8;
	[dreg:$0x9] =	wrdreg s21;
	s21 =	sshrl.u32 s24, $0x3  }
0x14: {  	[dreg:$0xb] =	wrdreg s22;
	s22 =	sshrl.u32 s25, $0x3;
	s21 =	sadd.s32 s18, s21  }
0x15: {  	s24 =	sadd.s32 s19, s11;
	s22 =	sadd.s32 s18, s22;
	[dreg:$0xa] =	wrdreg s21  }
0x16: {  	s25 =	sadd.s32 s19, s4;
	s21 =	sadd.s32 s18, s23;
	[dreg:$0xe] =	wrdreg s22  }
0x17: {  	s23 =	sshrl.u32 s26, $0x3;
	s22 =	sshrl.u32 s25, $0x3;
	s26 =	sadd.s32 s19, s5  }
0x18: {  	[dreg:$0xc] =	wrdreg s21;
	s21 =	sshrl.u32 s24, $0x3;
	s24 =	sadd.s32 s19, s3  }
0x19: {  	s25 =	sshrl.u32 s26, $0x3;
	s26 =	smul.u32 $0x28000, s16;
	s21 =	sadd.s32 s18, s21  }
0x1a: {  	[dreg:$0xd] =	wrdreg s21;
	s21 =	sadd.s32 s18, s23;
	s23 =	smul.u32 $0x2800, s29  }
0x1b: {  	[dreg:$0xf] =	wrdreg s21;
	s21 =	sshrl.u32 s24, $0x3;
	s24 =	sadd.s32 s18, s22  }
0x1c: {  	s6 =	sadd.s32 $0x12C00, s6;
	s21 =	sadd.s32 s18, s21;
	[dreg:$0x11] =	wrdreg s24  }
0x1d: {  	s24 =	sadd.s32 s23, s26;
	[dreg:$0x10] =	wrdreg s21;
	s21 =	sadd.s32 s18, s25  }
0x1e: {  	s25 =	sshrl.u32 s24, $0x3;
	[dreg:$0x12] =	wrdreg s21;
	s21 =	sadd.s32 s19, s2  }
0x1f: {  	s24 =	sadd.s32 $0x63C00, s12;
	s19 =	sadd.s32 s19, s6;
	s16 =	sshrl.u32 s21, $0x3  }
0x20: {  	s19 =	sshrl.u32 s19, $0x3;
	s21 =	sadd.s32 $0x1400, s23;
	s23 =	sadd.s32 s24, s25  }
0x21: {  	s16 =	sadd.s32 s18, s16;
	s18 =	sadd.s32 s18, s19;
	s19 =	rddreg [dreg:$0x2]  }
0x22: {  	[dreg:$0x15] =	wrdreg s23  }
0x23: {  	[dreg:$0x13] =	wrdreg s16  }
0x24: {  	[dreg:$0x14] =	wrdreg s18  }
0x25: {  	s22 =	sadd.s32 s26, s21;
	s18 =	rddreg [dreg:$0x0]  }
0x26: {  	s16 =	simm.s32 $0x0;
	s26 =	sshrl.u32 s22, $0x3;
	s22 =	rddreg [dreg:$0x3]  }
0x27: {  	[smem:$0x7FF] =	sst s16;
	s23 =	sadd.s32 s24, s26  }
0x28: {  	s30 =	simm.s32 $0x180;
	s17 =	sadd.s32 s17, s19;
	[dreg:$0x16] =	wrdreg s23  }
0x29: {  	s14 =	sadd.s32 s14, s19;
	_ =	strace $0x80000047;
	[dreg:$0x18] =	wrdreg s17  }
0x2a: {  	s31 =	simm.s32 $0x1980;
	s15 =	sadd.s32 s15, s19;
	[dreg:$0x1b] =	wrdreg s14  }
0x2b: {  	s28 =	sadd.s32 $0x1C00, s12;
	s7 =	sadd.s32 s7, s19;
	[dreg:$0x1c] =	wrdreg s15  }
0x2c: {  	s0 =	smax.u32 s0, $0x1;
	s3 =	sadd.s32 s3, s19;
	[smem:$0x7F4] =	sst s7  }
0x2d: {  	v0 =	vimm.s32 $0xEFCDAB89;
	s25 =	sadd.s32 $0x3CA00, s12;
	s2 =	sadd.s32 s2, s19;
	[smem:$0x7F5] =	sst s3  }
0x2e: {  	v1 =	vimm.s32 $0x67452301;
	v2 =	vimm.s32 $0xDCFE98BA;
	s13 =	sadd.s32 s13, s19;
	s9 =	sadd.s32 s9, s19;
	[smem:$0x7F6] =	sst s2  }
0x2f: {  	v3 =	vimm.s32 $0x54761032;
	v4 =	vimm.s32 $0xBA98FEDC;
	s10 =	sadd.s32 s10, s19;
	s11 =	sadd.s32 s11, s19;
	[smem:$0x7F8] =	sst s0  }
0x30: {  	v5 =	vimm.s32 $0x32107654;
	v6 =	vimm.s32 $0xFEDCBA98;
	v7 =	vimm.s32 $0x76543210;
	s8 =	sadd.s32 s8, s19;
	s4 =	sadd.s32 s4, s19;
	[dreg:$0x1a] =	wrdreg s13  }
0x31: {  	vm0 =	vmmov $0x1;
	vm1 =	vcmask $0x320;
	vm2 =	vcmask $0x720;
	s5 =	sadd.s32 s5, s19;
	s6 =	sadd.s32 s6, s19;
	[dreg:$0x1d] =	wrdreg s9  }
0x32: {  	vm3 =	vcmask $0xB20;
	vm4 =	vcmask $0xF20;
	v0 =	vunpack.c.l.s4.s8 v0;
	s24 =	sadd.s32 $0x15800, s12;
	s23 =	smul.u32 $0x50000, s29;
	[dreg:$0x1e] =	wrdreg s10  }
0x33: {  	v1 =	vunpack.c.l.s4.s8 v1;
	v2 =	vunpack.c.l.s4.s8 v2;
	v3 =	vunpack.c.l.s4.s8 v3;
	s26 =	sadd.s32 $0xBA00, s12;
	s17 =	smul.u32 $0xA000, s29;
	[dreg:$0x1f] =	wrdreg s11  }
0x34: {  	v4 =	vunpack.c.l.s4.s8 v4;
	v5 =	vunpack.c.l.s4.s8 v5;
	v6 =	vunpack.c.l.s4.s8 v6;
	s14 =	smul.u32 $0xD1, s1;
	s15 =	simm.s32 $0x80;
	[smem:$0x7F9] =	sst s8  }
0x35: {  	v0 =	vunpack.c.0.s8.s32 v0;
	v1 =	vunpack.c.0.s8.s32 v1;
	v2 =	vunpack.c.0.s8.s32 v2;
	s29 =	simm.s32 $0x30;
	s0 =	simm.s32 $0x1;
	[smem:$0x7FA] =	sst s4  }
0x36: {  	v3 =	vunpack.c.0.s8.s32 v3;
	v4 =	vunpack.c.0.s8.s32 v4;
	v5 =	vunpack.c.0.s8.s32 v5;
	s1 =	simm.s32 $0x100;
	[smem:$0x7FB] =	sst s5;
	s23 =	sshrl.u32 s23, $0x2  }
0x37: {  	vm5 =	vcmask $0x1320;
	v7 =	vunpack.c.l.s4.s8 v7;
	v0 =	vcombine.low v1, v0;
	[smem:$0x7FC] =	sst s6;
	s12 =	sadd.s32 s23, s19;
	s23 =	sadd.s32 s20, s19  }
0x38: {  	v2 =	vcombine.low v3, v2;
	v3 =	vcombine.low v5, v4;
	v4 =	vunpack.c.0.s8.s32 v6;
	s3 =	simm.s32 $0x0;
	s20 =	sshrl.u32 s17, $0x2;
	[dreg:$0x19] =	wrdreg s23  }
0x39: {  	vm6 =	vcmask $0x1720;
	v56 =	vand.u32 $0xF, v0;
	v0 =	vunpack.c.0.s8.s32 v7;
	s17 =	simm.s32 $0x4980;
	s23 =	sadd.s32 s21, s22;
	[dreg:$0x17] =	wrdreg s12  }
0x3a: {  	vm7 =	vcmask $0x1B20;
	v1 =	vimm.f32 $0.0e+00;
	v4 =	vand.u32 $0xF, v4;
	s7 =	sadd.s32 s20, s22;
	s21 =	simm.s32 $0x2;
	[smem:$0x7F7] =	sst s23  }
0x3b: {  	v2 =	vand.u32 $0xF, v2;
	v3 =	vand.u32 $0xF, v3;
	v4 =	vcombine.low v4, v0;
	s20 =	simm.s32 $0x3180;
	s23 =	simm.s32 $0x6180;
	[smem:$0x7FD] =	sst s7  }
.LBB2_1:
0x3c: {  	[smem:$0x7F3] =	sst s3;
	s2 =	simm.s32 $0x0;
	s3 =	simm.s32 $0x200  }
.LBB2_2:
0x3d: {  	p0 =	sne.s32 s3, $0x5E00;
	[tilespmem:s2+$0x61F0] =	vst v1  }
0x3e: {  	[tilespmem:s2+$0x4980] =	vst v1  }
0x3f: {  	[tilespmem:s2+$0x6180] =	vst v1  }
0x40: {  	[tilespmem:s2+$0x4990] =	vst v1  }
0x41: {  	[tilespmem:s2+$0x6190] =	vst v1  }
0x42: {  	[tilespmem:s2+$0x49A0] =	vst v1  }
0x43: {  	[tilespmem:s2+$0x61A0] =	vst v1  }
0x44: {  	[tilespmem:s2+$0x49B0] =	vst v1  }
0x45: {  	[tilespmem:s2+$0x61B0] =	vst v1  }
0x46: {  	[tilespmem:s2+$0x49C0] =	vst v1  }
0x47: {  	[tilespmem:s2+$0x61C0] =	vst v1  }
.Ltmp0:
0x48: {  	[tilespmem:s2+$0x49D0] =	vst v1;
	(pc) =	sbr.rel @p0 .LBB2_2-.Ltmp0, $4  }
0x49: {  	[tilespmem:s2+$0x61D0] =	vst v1  }
0x4a: {  	[tilespmem:s2+$0x49E0] =	vst v1  }
0x4b: {  	[tilespmem:s2+$0x61E0] =	vst v1  }
0x4c: {  	[tilespmem:s2+$0x49F0] =	vst v1;
	s2 =	sshra.s32 s3, $0x2;
	s3 =	sadd.s32 $0x200, s3  }
0x4d: {  	[tilespmem:s2+$0x61F0] =	vst v1  }
0x4e: {  	[tilespmem:s2+$0x4980] =	vst v1  }
0x4f: {  	[tilespmem:s2+$0x6180] =	vst v1  }
0x50: {  	[tilespmem:s2+$0x4990] =	vst v1  }
0x51: {  	[tilespmem:s2+$0x6190] =	vst v1  }
0x52: {  	[tilespmem:s2+$0x49A0] =	vst v1  }
0x53: {  	[tilespmem:s2+$0x61A0] =	vst v1  }
0x54: {  	[tilespmem:s2+$0x49B0] =	vst v1  }
0x55: {  	[tilespmem:s2+$0x61B0] =	vst v1  }
0x56: {  	[tilespmem:s2+$0x49C0] =	vst v1  }
0x57: {  	[tilespmem:s2+$0x61C0] =	vst v1  }
0x58: {  	[tilespmem:s2+$0x49D0] =	vst v1  }
0x59: {  	[tilespmem:s2+$0x61D0] =	vst v1  }
0x5a: {  	[tilespmem:s2+$0x49E0] =	vst v1  }
0x5b: {  	[tilespmem:s2+$0x61E0] =	vst v1  }
0x5c: {  	[tilespmem:s2+$0x49F0] =	vst v1  }
0x5d: {  	[spmem:s12] =	stream.linear.scatter [tilespmem:s17], [sflag:$0x2], $0x1400, $0x38;
	[tilespmem:$0x1E180] =	vst v63  }
0x5e: {  	_ =	swait.ge [sflag:s21], $0x1400  }
0x5f: {  	[sflag:s21] =	ssyncset.done $0x0  }
0x60: {  	s3 =	rddreg [dreg:$0x18];
	[sflag:s21] =	ssyncadd.s32 $0xFFFFEC00  }
0x61: {  	[spmem:s3] =	stream.linear.scatter [tilespmem:s17], [sflag:$0x2], $0x1400, $0x38;
	[tilespmem:$0x1E180] =	vst v63  }
0x62: {  	_ =	swait.ge [sflag:s21], $0x1400  }
0x63: {  	[sflag:s21] =	ssyncset.done $0x0  }
0x64: {  	s12 =	rddreg [dreg:$0x19];
	[sflag:s21] =	ssyncadd.s32 $0xFFFFEC00  }
0x65: {  	[spmem:s12] =	stream.linear.scatter [tilespmem:s17], [sflag:$0x2], $0x1400, $0x38;
	[tilespmem:$0x1E180] =	vst v63  }
0x66: {  	_ =	swait.ge [sflag:s21], $0x1400  }
0x67: {  	[sflag:s21] =	ssyncset.done $0x0  }
0x68: {  	[sflag:s21] =	ssyncadd.s32 $0xFFFFEC00  }
0x69: {  	[spmem:s13] =	stream.linear.scatter [tilespmem:s17], [sflag:$0x2], $0x1400, $0x38;
	[tilespmem:$0x1E180] =	vst v63  }
0x6a: {  	_ =	swait.ge [sflag:s21], $0x1400  }
0x6b: {  	[sflag:s21] =	ssyncset.done $0x0  }
0x6c: {  	s13 =	rddreg [dreg:$0x1b];
	[sflag:s21] =	ssyncadd.s32 $0xFFFFEC00  }
0x6d: {  	[spmem:s13] =	stream.linear.scatter [tilespmem:s17], [sflag:$0x2], $0x1400, $0x38;
	[tilespmem:$0x1E180] =	vst v63  }
0x6e: {  	_ =	swait.ge [sflag:s21], $0x1400  }
0x6f: {  	[sflag:s21] =	ssyncset.done $0x0  }
0x70: {  	s3 =	rddreg [dreg:$0x1c];
	[sflag:s21] =	ssyncadd.s32 $0xFFFFEC00  }
0x71: {  	[spmem:s3] =	stream.linear.scatter [tilespmem:s17], [sflag:$0x2], $0x1400, $0x38;
	[tilespmem:$0x1E180] =	vst v63  }
0x72: {  	_ =	swait.ge [sflag:s21], $0x1400  }
0x73: {  	[sflag:s21] =	ssyncset.done $0x0  }
0x74: {  	[sflag:s21] =	ssyncadd.s32 $0xFFFFEC00  }
0x75: {  	[spmem:s9] =	stream.linear.scatter [tilespmem:s17], [sflag:$0x2], $0x1400, $0x38;
	[tilespmem:$0x1E180] =	vst v63  }
0x76: {  	_ =	swait.ge [sflag:s21], $0x1400  }
0x77: {  	[sflag:s21] =	ssyncset.done $0x0  }
0x78: {  	[sflag:s21] =	ssyncadd.s32 $0xFFFFEC00  }
0x79: {  	[spmem:s10] =	stream.linear.scatter [tilespmem:s17], [sflag:$0x2], $0x1400, $0x38;
	[tilespmem:$0x1E180] =	vst v63  }
0x7a: {  	_ =	swait.ge [sflag:s21], $0x1400  }
0x7b: {  	[sflag:s21] =	ssyncset.done $0x0  }
0x7c: {  	[sflag:s21] =	ssyncadd.s32 $0xFFFFEC00  }
0x7d: {  	[spmem:s11] =	stream.linear.scatter [tilespmem:s17], [sflag:$0x2], $0x1400, $0x38;
	[tilespmem:$0x1E180] =	vst v63  }
0x7e: {  	_ =	swait.ge [sflag:s21], $0x1400  }
0x7f: {  	s10 =	sld [smem:$0x7F4]  }
0x80: {  	[sflag:s21] =	ssyncset.done $0x0  }
0x81: {  	[sflag:s21] =	ssyncadd.s32 $0xFFFFEC00  }
0x82: {  	[spmem:s10] =	stream.linear.scatter [tilespmem:s17], [sflag:$0x2], $0x1400, $0x38;
	[tilespmem:$0x1E180] =	vst v63  }
0x83: {  	_ =	swait.ge [sflag:s21], $0x1400  }
0x84: {  	[sflag:s21] =	ssyncset.done $0x0  }
0x85: {  	[sflag:s21] =	ssyncadd.s32 $0xFFFFEC00  }
0x86: {  	[spmem:s8] =	stream.linear.scatter [tilespmem:s17], [sflag:$0x2], $0x1400, $0x38;
	[tilespmem:$0x1E180] =	vst v63  }
0x87: {  	_ =	swait.ge [sflag:s21], $0x1400  }
0x88: {  	s11 =	sld [smem:$0x7F5]  }
0x89: {  	[sflag:s21] =	ssyncset.done $0x0  }
0x8a: {  	[sflag:s21] =	ssyncadd.s32 $0xFFFFEC00  }
0x8b: {  	[spmem:s11] =	stream.linear.scatter [tilespmem:s17], [sflag:$0x2], $0x1400, $0x38;
	[tilespmem:$0x1E180] =	vst v63  }
0x8c: {  	_ =	swait.ge [sflag:s21], $0x1400  }
0x8d: {  	[sflag:s21] =	ssyncset.done $0x0  }
0x8e: {  	[sflag:s21] =	ssyncadd.s32 $0xFFFFEC00  }
0x8f: {  	[spmem:s4] =	stream.linear.scatter [tilespmem:s17], [sflag:$0x2], $0x1400, $0x38;
	[tilespmem:$0x1E180] =	vst v63  }
0x90: {  	_ =	swait.ge [sflag:s21], $0x1400  }
0x91: {  	[sflag:s21] =	ssyncset.done $0x0  }
0x92: {  	[sflag:s21] =	ssyncadd.s32 $0xFFFFEC00  }
0x93: {  	[spmem:s5] =	stream.linear.scatter [tilespmem:s17], [sflag:$0x2], $0x1400, $0x38;
	[tilespmem:$0x1E180] =	vst v63  }
0x94: {  	_ =	swait.ge [sflag:s21], $0x1400  }
0x95: {  	s12 =	sld [smem:$0x7F6]  }
0x96: {  	[sflag:s21] =	ssyncset.done $0x0  }
0x97: {  	[sflag:s21] =	ssyncadd.s32 $0xFFFFEC00  }
0x98: {  	[spmem:s12] =	stream.linear.scatter [tilespmem:s17], [sflag:$0x2], $0x1400, $0x38;
	[tilespmem:$0x1E180] =	vst v63  }
0x99: {  	_ =	swait.ge [sflag:s21], $0x1400  }
0x9a: {  	[sflag:s21] =	ssyncset.done $0x0  }
0x9b: {  	[sflag:s21] =	ssyncadd.s32 $0xFFFFEC00  }
0x9c: {  	[spmem:s6] =	stream.linear.scatter [tilespmem:s17], [sflag:$0x2], $0x1400, $0x38;
	[tilespmem:$0x1E180] =	vst v63  }
0x9d: {  	_ =	swait.ge [sflag:s21], $0x1400  }
0x9e: {  	[sflag:s21] =	ssyncset.done $0x0  }
0x9f: {  	[sflag:s21] =	ssyncadd.s32 $0xFFFFEC00  }
0xa0: {  	[spmem:s7] =	stream.linear.scatter [tilespmem:s23], [sflag:$0x2], $0x1400, $0x38;
	[tilespmem:$0x1E180] =	vst v63  }
0xa1: {  	_ =	swait.ge [sflag:s21], $0x1400  }
0xa2: {  	s13 =	sld [smem:$0x7F7]  }
0xa3: {  	[sflag:s21] =	ssyncset.done $0x0  }
0xa4: {  	[sflag:s21] =	ssyncadd.s32 $0xFFFFEC00  }
0xa5: {  	[spmem:s13] =	stream.linear.scatter [tilespmem:s23], [sflag:$0x2], $0x1400, $0x38;
	[tilespmem:$0x1E180] =	vst v63  }
0xa6: {  	_ =	swait.ge [sflag:s21], $0x1400  }
0xa7: {  	[sflag:s21] =	ssyncset.done $0x0  }
0xa8: {  	[sflag:s21] =	ssyncadd.s32 $0xFFFFEC00  }
0xa9: {  	s3 =	simm.s32 $0x0;
	s4 =	simm.s32 $0x0;
	[bflag:$0x0] =	sbarrier.arrive $0xFFFF  }
.LBB2_4:
0xaa: {  	s2 =	sadd.s32 s14, s4  }
0xab: {  	s2 =	smul.u32 $0x6, s2;
	_ =	sdelay $0x1  }
0xac: {  	s5 =	sadd.s32 s26, s2  }
0xad: {  	[tilespmem:s3], [sflag:$0x2] =	stream.linear.gather [hbm4b:s5+s3], $0x30, $0x38;
	[tilespmem:$0x1E180] =	vst v63  }
0xae: {  	_ =	swait.ge [sflag:s21], $0x30  }
0xaf: {  	[sflag:s21] =	ssyncset.done $0x0  }
0xb0: {  	s2 =	sadd.s32 s28, s2;
	[sflag:s21] =	ssyncadd.s32 $0xFFFFFFD0  }
0xb1: {  	[tilespmem:s15], [sflag:$0x2] =	stream.linear.gather [hbm4b:s2+s3], $0x30, $0x38;
	[tilespmem:$0x1E180] =	vst v63  }
0xb2: {  	_ =	swait.ge [sflag:s21], $0x30  }
0xb3: {  	[sflag:s21] =	ssyncset.done $0x0  }
0xb4: {  	[sflag:s21] =	ssyncadd.s32 $0xFFFFFFD0  }
0xb5: {  	v0 =	vld [tilespmem:$0x80]  }
0xb6: {  	v5 =	vld [tilespmem:$0x90]  }
0xb7: {  	v6 =	vld [tilespmem:$0xA0];
	_ =	sdelay $0x2  }
0xb8: {  	v0 =	vshrl.u32 v0, $0x3  }
0xb9: {  	[tilespmem:$0x100] =	vst v0;
	v0 =	vshrl.u32 v5, $0x3  }
0xba: {  	[tilespmem:$0x110] =	vst v0;
	v0 =	vshrl.u32 v6, $0x3  }
0xbb: {  	[tilespmem:$0x120] =	vst v0  }
0xbc: {  	[tilespmem:s30], [sflag:$0x1] =	stream.indirect.gather [hbm4b:s24+s29], $0x80, s3, s29, $0xb8;
	[tilespmem:$0x1E180] =	vst v63  }
0xbd: {  	_ = 	snop  }
0xbe: {  	[tilespmem:s31], [sflag:$0x1] =	stream.indirect.gather [hbm4b:s18+s29], $0x80, s15, s29, $0xb8;
	[tilespmem:$0x1E180] =	vst v63  }
0xbf: {  	_ = 	snop  }
0xc0: {  	[tilespmem:s20], [sflag:$0x1] =	stream.indirect.gather [hbm4b:s25+s29], $0x80, s3, s29, $0xb8;
	[tilespmem:$0x1E180] =	vst v63  }
0xc1: {  	_ =	swait.ge [sflag:s0], $0x1800  }
0xc2: {  	[sflag:s0] =	ssyncset.done $0x0  }
0xc3: {  	[sflag:s0] =	ssyncadd.s32 $0xFFFFE800  }
0xc4: {  	_ =	swait.ge [sflag:s0], $0x1800  }
0xc5: {  	[sflag:s0] =	ssyncset.done $0x0  }
0xc6: {  	[sflag:s0] =	ssyncadd.s32 $0xFFFFE800  }
0xc7: {  	_ =	swait.ge [sflag:s0], $0x1800  }
0xc8: {  	[sflag:s0] =	ssyncset.done $0x0  }
0xc9: {  	s5 =	simm.s32 $0x0;
	[sflag:s0] =	ssyncadd.s32 $0xFFFFE800  }
.LBB2_5:
0xca: {  	s6 =	sshll.u32 s5, $0x7  }
0xcb: {  	v0 =	vld [tilespmem:s6+$0x180]  }
0xcc: {  	v5 =	vld [tilespmem:s6+$0x1980];
	_ =	sdelay $0x3  }
0xcd: {  	v6 =	vld [tilespmem:s6+$0x190]  }
0xce: {  	v0 =	vmul.f32 v5, v0;
	v5 =	vld [tilespmem:s6+$0x1990];
	_ =	sdelay $0x2  }
0xcf: {  	v7 =	vperm.xlane v0, v56;
	_ =	sdelay $0x1  }
0xd0: {  	v0 =	vadd.f32 v7, v0;
	v5 =	vmul.f32 v5, v6;
	_ =	sdelay $0x1  }
0xd1: {  	v6 =	vperm.xlane v0, v2;
	v7 =	vperm.xlane v5, v56;
	_ =	sdelay $0x1  }
0xd2: {  	v0 =	vadd.f32 v6, v0;
	v5 =	vadd.f32 v7, v5  }
0xd3: {  	v8 =	vld [tilespmem:s6+$0x19A0]  }
0xd4: {  	v51 =	vld [tilespmem:s6+$0x1C0];
	v6 =	vperm.xlane v0, v3;
	v7 =	vperm.xlane v5, v2  }
0xd5: {  	v11 =	vld [tilespmem:s6+$0x19C0]  }
0xd6: {  	v0 =	vadd.f32 v6, v0;
	v6 =	vld [tilespmem:s6+$0x1A0];
	v5 =	vadd.f32 v7, v5  }
0xd7: {  	v52 =	vld [tilespmem:s6+$0x1D0]  }
0xd8: {  	v14 =	vld [tilespmem:s6+$0x19D0];
	v7 =	vperm.xlane v0, v4;
	v9 =	vperm.xlane v5, v3  }
0xd9: {  	v12 =	vmov s5;
	v10 =	vld [tilespmem:s6+$0x1B0]  }
0xda: {  	v12 =	vand.u32 $0xFFFFFFF8, v12;
	v0 =	vadd.f32 v7, v0;
	v7 =	vld [tilespmem:s6+$0x19B0];
	v5 =	vadd.f32 v9, v5  }
0xdb: {  	v12 =	vbroadcast v12, $0x0;
	v6 =	vmul.f32 v8, v6  }
0xdc: {  	v0 =	vmul.f32 $2.500000000e-01, v0;
	v13 =	vperm.xlane v5, v4  }
0xdd: {  	v9 =	vmul.f32 v11, v51;
	v8 =	vmul.f32 v14, v52  }
0xde: {  	v15 =	vld [tilespmem:s6+$0x1E0];
	v53 =	vperm.xlane v6, v56;
	v0 =	vmul.f32 $1.442695020e+00, v0;
	v5 =	vadd.f32 v13, v5  }
0xdf: {  	v54 =	vld [tilespmem:s6+$0x19E0];
	v58 =	vperm.xlane v9, v56;
	v7 =	vmul.f32 v7, v10  }
0xe0: {  	v57 =	vld [tilespmem:s6+$0x19F0];
	(erf) = vpow2.f32 v0;
	v0 =	vmul.f32 $2.500000000e-01, v5;
	v5 =	vadd.f32 v53, v6  }
0xe1: {  	s2 =	sor.u32 $0x1, s5;
	v60 =	vperm.xlane v8, v56;
	v9 =	vadd.f32 v58, v9;
	v6 =	vld [tilespmem:s6+$0x1F0];
	v55 =	vperm.xlane v7, v56  }
0xe2: {  	s7 =	sshll.u32 s2, $0x7;
	v0 =	vmul.f32 $1.442695020e+00, v0;
	v16 =	vperm.xlane v5, v2  }
0xe3: {  	v48 =	vld [tilespmem:s7+$0x1B0];
	v8 =	vadd.f32 v60, v8;
	v63 =	vperm.xlane v9, v2;
	v7 =	vadd.f32 v55, v7  }
0xe4: {  	v49 =	vld [tilespmem:s7+$0x19B0];
	(erf) = vpow2.f32 v0;
	v0 =	vadd.f32 v16, v5;
	v5 =	vmul.f32 v54, v15  }
0xe5: {  	v19 =	vperm.xlane v8, v2;
	v9 =	vadd.f32 v63, v9;
	v59 =	vperm.xlane v7, v2  }
0xe6: {  	v6 =	vmul.f32 v57, v6;
	v61 =	vperm.xlane v5, v56  }
0xe7: {  	v8 =	vadd.f32 v19, v8;
	v15 =	vperm.xlane v9, v3;
	v62 =	vperm.xlane v0, v3  }
0xe8: {  	v7 =	vadd.f32 v59, v7;
	v18 =	vperm.xlane v6, v56;
	v5 =	vadd.f32 v61, v5  }
0xe9: {  	v23 =	vperm.xlane v8, v3;
	v16 =	vmul.f32 v49, v48;
	v0 =	vadd.f32 v62, v0  }
0xea: {  	v31 =	vld [tilespmem:s6+$0x3180];
	v20 =	vperm.xlane v7, v3;
	v6 =	vadd.f32 v18, v6;
	v14 =	vperm.xlane v5, v2  }
0xeb: {  	v9 =	vadd.f32 v15, v9;
	v8 =	vadd.f32 v23, v8;
	v21 =	vperm.xlane v0, v4  }
0xec: {  	v7 =	vadd.f32 v20, v7;
	v22 =	vperm.xlane v6, v2;
	v5 =	vadd.f32 v14, v5  }
0xed: {  	v24 =	vperm.xlane v9, v4;
	v26 =	vperm.xlane v8, v4;
	v0 =	vadd.f32 v21, v0  }
0xee: {  	v36 =	vpop (erf);
	v13 =	vperm.xlane v7, v4;
	v6 =	vadd.f32 v22, v6;
	v14 =	vperm.xlane v5, v3  }
0xef: {  	v32 =	vld [tilespmem:s6+$0x3190];
	v59 =	vmul.f32 v36, v31;
	v9 =	vadd.f32 v24, v9;
	v0 =	vmul.f32 $2.500000000e-01, v0  }
0xf0: {  	v33 =	vld [tilespmem:s6+$0x31A0];
	v7 =	vadd.f32 v13, v7;
	v25 =	vperm.xlane v6, v3;
	v5 =	vadd.f32 v14, v5  }
0xf1: {  	v35 =	vld [tilespmem:s6+$0x31B0];
	v8 =	vadd.f32 v26, v8;
	v26 =	vperm.xlane v16, v56;
	v0 =	vmul.f32 $1.442695020e+00, v0  }
0xf2: {  	v28 =	vld [tilespmem:s7+$0x180];
	v7 =	vmul.f32 $2.500000000e-01, v7;
	v6 =	vadd.f32 v25, v6;
	v27 =	vperm.xlane v5, v4  }
0xf3: {  	v29 =	vld [tilespmem:s7+$0x1980];
	(erf) = vpow2.f32 v0;
	v0 =	vmul.f32 $2.500000000e-01, v9  }
0xf4: {  	v30 =	vld [tilespmem:s7+$0x190];
	v7 =	vmul.f32 $1.442695020e+00, v7;
	v10 =	vperm.xlane v6, v4;
	v5 =	vadd.f32 v27, v5  }
0xf5: {  	v34 =	vld [tilespmem:s7+$0x19A0];
	v8 =	vmul.f32 $2.500000000e-01, v8;
	v0 =	vmul.f32 $1.442695020e+00, v0  }
0xf6: {  	(erf) = vpow2.f32 v7;
	v7 =	vld [tilespmem:s7+$0x1990];
	v6 =	vadd.f32 v10, v6;
	v5 =	vmul.f32 $2.500000000e-01, v5  }
0xf7: {  	v12 =	vld.idx.msk [tilespmem:v12+s15+$0x0], $0xffff;
	(erf) = vpow2.f32 v0;
	v0 =	vmul.f32 $1.442695020e+00, v8  }
0xf8: {  	v55 =	vld [tilespmem:s7+$0x1C0];
	v6 =	vmul.f32 $2.500000000e-01, v6;
	v5 =	vmul.f32 $1.442695020e+00, v5  }
0xf9: {  	v57 =	vmov s2;
	v61 =	vld [tilespmem:s7+$0x19C0];
	(erf) = vpow2.f32 v0;
	v0 =	vmul.f32 v29, v28  }
0xfa: {  	v11 =	vand.u32 $0xFFFFFFF9, v57;
	v31 =	vld [tilespmem:s7+$0x19E0];
	(erf) = vpow2.f32 v5;
	v5 =	vmul.f32 $1.442695020e+00, v6  }
0xfb: {  	v15 =	vnsel vm0, $0x0, v36;
	v38 =	vpop (erf);
	v7 =	vmul.f32 v7, v30;
	v30 =	vld [tilespmem:s7+$0x1E0];
	v9 =	vperm.xlane v0, v56  }
0xfc: {  	v58 =	vmul.f32 v38, v32;
	v14 =	vadd.f32 v26, v16;
	v6 =	vld [tilespmem:s7+$0x1A0];
	(erf) = vpow2.f32 v5  }
0xfd: {  	v40 =	vpop (erf);
	v0 =	vadd.f32 v9, v0;
	v5 =	vperm.xlane v7, v56;
	v9 =	vsel vm1, v15, v38  }
0xfe: {  	v37 =	vld [tilespmem:s6+$0x31C0];
	v27 =	vbroadcast v11, $0x0;
	v25 =	vmul.f32 v40, v33;
	v8 =	vsel vm2, v9, v40  }
0xff: {  	v41 =	vpop (erf);
	v9 =	vmul.f32 v61, v55;
	v18 =	vperm.xlane v0, v2;
	v19 =	vadd.f32 v5, v7  }
0x100: {  	v39 =	vld [tilespmem:s6+$0x31D0];
	v7 =	vmul.f32 v41, v35;
	v5 =	vand.u32 $0x7, v12;
	v12 =	vmul.f32 v31, v30  }
0x101: {  	v33 =	vld [tilespmem:s7+$0x1F0];
	v8 =	vsel vm3, v8, v41;
	v6 =	vmul.f32 v34, v6;
	v34 =	vperm.xlane v14, v2  }
0x102: {  	v35 =	vld [tilespmem:s7+$0x19F0];
	v42 =	vpop (erf);
	v36 =	vperm.xlane v9, v56;
	v0 =	vadd.f32 v18, v0;
	v44 =	vperm.xlane v19, v2  }
0x103: {  	v17 =	vld [tilespmem:s6+$0x31E0];
	v24 =	vmul.f32 v42, v37;
	v8 =	vsel vm4, v8, v42;
	v42 =	vperm.xlane v12, v56  }
0x104: {  	v45 =	vpop (erf);
	v46 =	vperm.xlane v6, v56;
	v14 =	vadd.f32 v34, v14;
	v9 =	vadd.f32 v36, v9  }
0x105: {  	v43 =	vld [tilespmem:s6+$0x31F0];
	v28 =	vmul.f32 v45, v39;
	v20 =	vperm.xlane v0, v3;
	v18 =	vadd.f32 v44, v19  }
0x106: {  	v63 =	vld [tilespmem:s7+$0x1D0];
	v8 =	vsel vm5, v8, v45;
	v12 =	vadd.f32 v42, v12;
	v37 =	vperm.xlane v14, v3  }
0x107: {  	s13 =	sor.u32 $0x2, s5;
	v22 =	vld [tilespmem:s7+$0x19D0];
	v47 =	vpop (erf);
	v6 =	vadd.f32 v46, v6;
	v39 =	vperm.xlane v9, v2;
	v15 =	vmul.f32 v35, v33  }
0x108: {  	s8 =	sshll.u32 s13, $0x7;
	v60 =	vmul.f32 v47, v17;
	v0 =	vadd.f32 v20, v0;
	v51 =	vperm.xlane v18, v3  }
0x109: {  	v34 =	vld [tilespmem:s8+$0x190];
	v8 =	vsel vm6, v8, v47;
	v49 =	vperm.xlane v12, v2;
	v52 =	vperm.xlane v6, v2  }
0x10a: {  	v36 =	vld [tilespmem:s8+$0x1990];
	v50 =	vpop (erf);
	v11 =	vadd.f32 v37, v14;
	v9 =	vadd.f32 v39, v9;
	v44 =	vperm.xlane v15, v56  }
0x10b: {  	v40 =	vld [tilespmem:s8+$0x180];
	v23 =	vmul.f32 v50, v43;
	v53 =	vperm.xlane v0, v4;
	v54 =	vadd.f32 v51, v18  }
0x10c: {  	v18 =	vmul.f32 v22, v63;
	v43 =	vld [tilespmem:s8+$0x1980];
	v51 =	vadd.f32 v49, v12;
	v6 =	vadd.f32 v52, v6  }
0x10d: {  	v45 =	vperm.xlane v11, v4;
	v46 =	vperm.xlane v9, v3;
	v47 =	vadd.f32 v44, v15  }
0x10e: {  	v0 =	vadd.f32 v53, v0;
	v62 =	vperm.xlane v54, v4;
	v21 =	vperm.xlane v6, v3  }
0x10f: {  	v16 =	vperm.xlane v51, v3;
	v11 =	vadd.f32 v45, v11;
	v45 =	vmul.f32 v36, v34  }
0x110: {  	v0 =	vmul.f32 $2.500000000e-01, v0;
	v13 =	vadd.f32 v62, v54;
	v29 =	vadd.f32 v21, v6  }
0x111: {  	v6 =	vsel vm7, v8, v50;
	v50 =	vperm.xlane v47, v2;
	v17 =	vmul.f32 v43, v40  }
0x112: {  	vm8 =	veq.s32 v5, $0x0;
	v11 =	vmul.f32 $2.500000000e-01, v11;
	v49 =	vperm.xlane v45, v56  }
0x113: {  	vm9 =	veq.s32 v5, $0x5;
	v0 =	vmul.f32 $1.442695020e+00, v0;
	v13 =	vmul.f32 $2.500000000e-01, v13  }
0x114: {  	v63 =	vnsel vm8, $0x0, v6;
	vm8 =	veq.s32 v5, $0x1;
	v32 =	vperm.xlane v29, v4  }
0x115: {  	v53 =	vadd.f32 v50, v47;
	v54 =	vperm.xlane v17, v56;
	v13 =	vmul.f32 $1.442695020e+00, v13  }
0x116: {  	v26 =	vnsel vm9, $0x0, v6;
	(erf) = vpow2.f32 v0;
	v0 =	vperm.xlane v18, v56  }
0x117: {  	v11 =	vmul.f32 $1.442695020e+00, v11;
	v8 =	vadd.f32 v32, v29;
	v61 =	vperm.xlane v53, v3  }
0x118: {  	v14 =	vadd.f32 v54, v17;
	(erf) = vpow2.f32 v13;
	v38 =	vadd.f32 v0, v18  }
0x119: {  	v0 =	vnsel vm8, $0x0, v6;
	vm8 =	veq.s32 v5, $0x2;
	v8 =	vmul.f32 $2.500000000e-01, v8  }
0x11a: {  	[tilespmem:$0x1FEE0] =	vst v0;
	v32 =	vadd.f32 v61, v53;
	v0 =	vnsel vm8, $0x0, v6;
	vm8 =	veq.s32 v5, $0x3  }
0x11b: {  	v33 =	vperm.xlane v14, v2;
	v41 =	vperm.xlane v38, v2;
	[tilespmem:$0x1FEF0] =	vst v0;
	v0 =	vnsel vm8, $0x0, v6  }
0x11c: {  	vm8 =	veq.s32 v5, $0x4;
	v8 =	vmul.f32 $1.442695020e+00, v8;
	v35 =	vperm.xlane v32, v4  }
0x11d: {  	v22 =	vnsel vm8, $0x0, v6;
	vm8 =	veq.s32 v5, $0x6;
	v13 =	vadd.f32 v41, v38  }
0x11e: {  	v62 =	vld.idx.msk [tilespmem:v27+s15+$0x0], $0xffff;
	v27 =	vnsel vm8, $0x0, v6;
	(erf) = vpow2.f32 v8;
	v8 =	vadd.f32 v46, v9  }
0x11f: {  	v44 =	vld [tilespmem:s8+$0x1A0];
	vm8 =	veq.s32 v5, $0x7;
	v9 =	vadd.f32 v16, v51;
	v12 =	vadd.f32 v35, v32  }
0x120: {  	v46 =	vld [tilespmem:s8+$0x19A0];
	v18 =	vnsel vm8, $0x0, v6;
	v48 =	vperm.xlane v13, v3;
	(erf) = vpow2.f32 v11  }
0x121: {  	v53 =	vld [tilespmem:s8+$0x19B0];
	v11 =	vmov s13;
	v55 =	vperm.xlane v8, v4;
	v16 =	vperm.xlane v9, v4  }
0x122: {  	v51 =	vld [tilespmem:s8+$0x1B0];
	v52 =	vadd.f32 v48, v13;
	v13 =	vadd.f32 v33, v14;
	v14 =	vand.u32 $0xFFFFFFFA, v11  }
0x123: {  	v37 =	vld [tilespmem:s7+$0x3180];
	v42 =	vmul.f32 $2.500000000e-01, v12;
	v8 =	vadd.f32 v55, v8;
	v6 =	vbroadcast v14, $0x0  }
0x124: {  	v9 =	vadd.f32 v16, v9;
	v57 =	vperm.xlane v52, v4;
	v39 =	vperm.xlane v13, v3  }
0x125: {  	v12 =	vmul.f32 v46, v44;
	v8 =	vmul.f32 $2.500000000e-01, v8  }
0x126: {  	v38 =	vld [tilespmem:s7+$0x3190];
	v41 =	vmul.f32 $2.500000000e-01, v9;
	v9 =	vmul.f32 $1.442695020e+00, v42  }
0x127: {  	v31 =	vadd.f32 v57, v52;
	v43 =	vadd.f32 v39, v13;
	v52 =	vpop (erf);
	v13 =	vmul.f32 v53, v51  }
0x128: {  	v40 =	vld [tilespmem:s7+$0x31A0];
	[tilespmem:$0x1FF00] =	vst v0;
	v8 =	vmul.f32 $1.442695020e+00, v8;
	v0 =	vmul.f32 v52, v37  }
0x129: {  	v36 =	vld [tilespmem:s8+$0x1C0];
	v10 =	vmul.f32 $2.500000000e-01, v31;
	v48 =	vperm.xlane v43, v4  }
0x12a: {  	v47 =	vld [tilespmem:s7+$0x31B0];
	v54 =	vpop (erf);
	v61 =	vperm.xlane v13, v56;
	(erf) = vpow2.f32 v8  }
0x12b: {  	v42 =	vld [tilespmem:s8+$0x19D0];
	[tilespmem:$0x1FF10] =	vst v0;
	v0 =	vmul.f32 v54, v38;
	v10 =	vmul.f32 $1.442695020e+00, v10  }
0x12c: {  	v55 =	vperm.xlane v12, v56;
	v57 =	vld [tilespmem:s8+$0x19C0];
	v32 =	vpop (erf);
	v8 =	vmul.f32 $1.442695020e+00, v41;
	v13 =	vadd.f32 v61, v13  }
0x12d: {  	v50 =	vadd.f32 v48, v43;
	[tilespmem:$0x1FF20] =	vst v0;
	v0 =	vmul.f32 v32, v40;
	v40 =	vld [tilespmem:s8+$0x1D0];
	(erf) = vpow2.f32 v10  }
0x12e: {  	v20 =	vperm.xlane v13, v2;
	(erf) = vpow2.f32 v8;
	v8 =	vadd.f32 v49, v45  }
0x12f: {  	v17 =	vnsel vm0, $0x0, v52;
	v37 =	vpop (erf);
	(erf) = vpow2.f32 v9;
	v9 =	vmul.f32 $2.500000000e-01, v50  }
0x130: {  	v21 =	vld [tilespmem:s7+$0x31C0];
	[tilespmem:$0x1FF30] =	vst v0;
	v0 =	vmul.f32 v37, v47;
	v13 =	vadd.f32 v20, v13;
	v31 =	vperm.xlane v8, v2  }
0x131: {  	v52 =	vld [tilespmem:s8+$0x19F0];
	v5 =	vmul.f32 $1.442695020e+00, v9;
	v9 =	vadd.f32 v55, v12;
	v12 =	vmul.f32 v57, v36  }
0x132: {  	v49 =	vld [tilespmem:s8+$0x1F0];
	v40 =	vmul.f32 v42, v40;
	v48 =	vperm.xlane v13, v3  }
0x133: {  	v29 =	vld [tilespmem:s7+$0x31D0];
	v31 =	vadd.f32 v31, v8;
	v16 =	vpop (erf);
	(erf) = vpow2.f32 v5;
	v41 =	vperm.xlane v9, v2  }
0x134: {  	v30 =	vld [tilespmem:s7+$0x31E0];
	v44 =	vperm.xlane v12, v56;
	v45 =	vperm.xlane v40, v56;
	v13 =	vadd.f32 v48, v13  }
0x135: {  	v35 =	vand.u32 $0x7, v62;
	v43 =	vld [tilespmem:s8+$0x1E0];
	[tilespmem:$0x1FF40] =	vst v0;
	v39 =	vperm.xlane v31, v3;
	v0 =	vmul.f32 v16, v21  }
0x136: {  	v21 =	vld [tilespmem:s8+$0x19E0];
	v9 =	vadd.f32 v41, v9;
	v12 =	vadd.f32 v44, v12;
	v57 =	vperm.xlane v13, v4  }
0x137: {  	v33 =	vld [tilespmem:s7+$0x31F0];
	v38 =	vpop (erf);
	v31 =	vadd.f32 v39, v31;
	v39 =	vadd.f32 v45, v40;
	v40 =	vmul.f32 v52, v49  }
0x138: {  	v17 =	vsel vm1, v17, v54;
	[tilespmem:$0x1FF50] =	vst v0;
	v0 =	vmul.f32 v38, v29;
	v41 =	vperm.xlane v9, v3  }
0x139: {  	v15 =	vpop (erf);
	v50 =	vperm.xlane v12, v2;
	v13 =	vadd.f32 v57, v13;
	v10 =	vperm.xlane v31, v4  }
0x13a: {  	v53 =	vperm.xlane v39, v2;
	[tilespmem:$0x1FF60] =	vst v0;
	v0 =	vmul.f32 v15, v30;
	v9 =	vadd.f32 v41, v9  }
0x13b: {  	s12 =	sor.u32 $0x3, s5;
	v62 =	vld [tilespmem:s8+$0x3180];
	v29 =	vpop (erf);
	v51 =	vmul.f32 v21, v43;
	v12 =	vadd.f32 v50, v12;
	v43 =	vperm.xlane v40, v56  }
0x13c: {  	s9 =	sshll.u32 s12, $0x7;
	v44 =	vmul.f32 $2.500000000e-01, v13;
	v31 =	vadd.f32 v10, v31;
	[tilespmem:$0x1FF70] =	vst v0;
	v0 =	vmul.f32 v29, v33  }
0x13d: {  	v57 =	vld [tilespmem:s9+$0x1990];
	v55 =	vadd.f32 v53, v39;
	v47 =	vperm.xlane v9, v4;
	v54 =	vperm.xlane v51, v56  }
0x13e: {  	v17 =	vsel vm2, v17, v32;
	v21 =	vld [tilespmem:s9+$0x1980];
	v61 =	vperm.xlane v12, v3;
	v46 =	vmul.f32 $2.500000000e-01, v31  }
0x13f: {  	v53 =	vld [tilespmem:s9+$0x190];
	v32 =	vadd.f32 v43, v40;
	v36 =	vpop (erf);
	v20 =	vperm.xlane v55, v3;
	v9 =	vadd.f32 v47, v9  }
0x140: {  	[tilespmem:$0x1FF80] =	vst v0;
	v0 =	vmul.f32 v36, v62;
	v19 =	vadd.f32 v54, v51;
	v62 =	vld [tilespmem:s9+$0x180];
	v30 =	vmul.f32 $1.442695020e+00, v46  }
0x141: {  	v12 =	vadd.f32 v61, v12;
	v51 =	vperm.xlane v32, v2;
	v9 =	vmul.f32 $2.500000000e-01, v9  }
0x142: {  	v42 =	vperm.xlane v19, v2;
	(erf) = vpow2.f32 v30;
	v30 =	vadd.f32 v20, v55  }
0x143: {  	v46 =	vperm.xlane v12, v4;
	v55 =	vadd.f32 v51, v32;
	v9 =	vmul.f32 $1.442695020e+00, v9  }
0x144: {  	v45 =	vadd.f32 v42, v19;
	v19 =	vmul.f32 v57, v53;
	v53 =	vld [tilespmem:s9+$0x1B0];
	v47 =	vperm.xlane v30, v4  }
0x145: {  	v12 =	vadd.f32 v46, v12;
	v57 =	vld [tilespmem:s9+$0x19B0];
	v49 =	vmul.f32 v21, v62;
	v20 =	vperm.xlane v55, v3  }
0x146: {  	v17 =	vsel vm3, v17, v37;
	v62 =	vld [tilespmem:s9+$0x1A0];
	(erf) = vpow2.f32 v9;
	v48 =	vperm.xlane v45, v3  }
0x147: {  	v16 =	vsel vm4, v17, v16;
	v21 =	vld [tilespmem:s9+$0x19A0];
	v9 =	vmul.f32 $1.442695020e+00, v44;
	v54 =	vmul.f32 $2.500000000e-01, v12  }
0x148: {  	v30 =	vadd.f32 v47, v30;
	v52 =	vperm.xlane v49, v56;
	v12 =	vadd.f32 v20, v55  }
0x149: {  	v13 =	vadd.f32 v48, v45;
	(erf) = vpow2.f32 v9;
	v17 =	vmul.f32 $1.442695020e+00, v54  }
0x14a: {  	v30 =	vmul.f32 $2.500000000e-01, v30;
	v31 =	vadd.f32 v52, v49;
	v52 =	vperm.xlane v12, v4  }
0x14b: {  	v50 =	vld [tilespmem:s8+$0x3190];
	v32 =	vmul.f32 v57, v53;
	v61 =	vperm.xlane v13, v4  }
0x14c: {  	v16 =	vsel vm5, v16, v38;
	(erf) = vpow2.f32 v17;
	v55 =	vmul.f32 v21, v62  }
0x14d: {  	v15 =	vsel vm6, v16, v15;
	v62 =	vperm.xlane v19, v56;
	v30 =	vmul.f32 $1.442695020e+00, v30  }
0x14e: {  	v51 =	vld [tilespmem:s9+$0x1D0];
	v45 =	vperm.xlane v31, v2;
	v12 =	vadd.f32 v52, v12;
	v49 =	vperm.xlane v32, v56  }
0x14f: {  	v52 =	vld [tilespmem:s9+$0x19D0];
	v9 =	vpop (erf);
	v13 =	vadd.f32 v61, v13;
	v8 =	vperm.xlane v55, v56;
	v11 =	vadd.f32 v62, v19  }
0x150: {  	[tilespmem:$0x1FF90] =	vst v0;
	v20 =	vld [tilespmem:s9+$0x1C0];
	v0 =	vmul.f32 v9, v50;
	(erf) = vpow2.f32 v30;
	v47 =	vadd.f32 v45, v31  }
0x151: {  	v50 =	vsel vm7, v15, v29;
	v45 =	vld [tilespmem:s9+$0x19C0];
	v13 =	vmul.f32 $2.500000000e-01, v13;
	v21 =	vperm.xlane v11, v2  }
0x152: {  	v46 =	vld [tilespmem:s8+$0x31A0];
	v12 =	vmul.f32 $2.500000000e-01, v12;
	v31 =	vadd.f32 v8, v55;
	v54 =	vperm.xlane v47, v3  }
0x153: {  	v32 =	vadd.f32 v49, v32;
	v61 =	vmul.f32 $1.442695020e+00, v13;
	v15 =	vadd.f32 v21, v11  }
0x154: {  	v38 =	vmul.f32 v52, v51;
	v30 =	vadd.f32 v54, v47;
	v47 =	vperm.xlane v31, v2  }
0x155: {  	v10 =	vld [tilespmem:s8+$0x31B0];
	(erf) = vpow2.f32 v61;
	v40 =	vperm.xlane v15, v3  }
0x156: {  	v13 =	vpop (erf);
	v33 =	vmul.f32 v45, v20;
	v45 =	vperm.xlane v32, v2  }
0x157: {  	vm8 =	veq.s32 v35, $0x0;
	[tilespmem:$0x1FFA0] =	vst v0;
	v11 =	vperm.xlane v38, v56;
	v0 =	vmul.f32 v13, v46  }
0x158: {  	vm14 =	veq.s32 v35, $0x1;
	v16 =	vld [tilespmem:s9+$0x1F0];
	v14 =	vperm.xlane v30, v4;
	v46 =	vmul.f32 $1.442695020e+00, v12  }
0x159: {  	v20 =	vld [tilespmem:s9+$0x19F0];
	v29 =	vpop (erf);
	v31 =	vadd.f32 v47, v31;
	v40 =	vadd.f32 v40, v15;
	v57 =	vperm.xlane v33, v56  }
0x15a: {  	v54 =	vld [tilespmem:s9+$0x1E0];
	v32 =	vadd.f32 v45, v32;
	v38 =	vadd.f32 v11, v38;
	[tilespmem:$0x1FFB0] =	vst v0;
	v0 =	vmul.f32 v29, v10  }
0x15b: {  	v30 =	vadd.f32 v14, v30;
	(erf) = vpow2.f32 v46;
	v53 =	vperm.xlane v31, v3;
	v46 =	vld [tilespmem:s9+$0x19E0]  }
0x15c: {  	v61 =	vperm.xlane v40, v4;
	v33 =	vadd.f32 v57, v33;
	v8 =	vperm.xlane v32, v3  }
0x15d: {  	v48 =	vld [tilespmem:s8+$0x31C0];
	v19 =	vperm.xlane v38, v2;
	v30 =	vmul.f32 $2.500000000e-01, v30;
	v31 =	vadd.f32 v53, v31  }
0x15e: {  	v39 =	vmul.f32 v20, v16;
	v10 =	vperm.xlane v33, v2;
	v40 =	vadd.f32 v61, v40  }
0x15f: {  	v32 =	vadd.f32 v8, v32;
	v55 =	vmul.f32 $1.442695020e+00, v30;
	v62 =	vperm.xlane v31, v4  }
0x160: {  	v52 =	vld [tilespmem:s8+$0x31D0];
	v37 =	vmul.f32 v46, v54;
	v33 =	vadd.f32 v10, v33;
	v40 =	vmul.f32 $2.500000000e-01, v40  }
0x161: {  	s13 =	sor.u32 $0x4, s5;
	v14 =	vperm.xlane v32, v4;
	v54 =	vadd.f32 v19, v38;
	v30 =	vpop (erf);
	(erf) = vpow2.f32 v55  }
0x162: {  	s10 =	sshll.u32 s13, $0x7;
	v31 =	vadd.f32 v62, v31;
	v21 =	vmul.f32 v30, v48;
	v12 =	vperm.xlane v37, v56  }
0x163: {  	vm9 =	veq.s32 v35, $0x2;
	v61 =	vld [tilespmem:s10+$0x1980];
	v15 =	vperm.xlane v33, v3;
	v40 =	vmul.f32 $1.442695020e+00, v40  }
0x164: {  	v55 =	vld [tilespmem:s10+$0x180];
	v32 =	vadd.f32 v14, v32;
	v62 =	vperm.xlane v54, v3;
	v48 =	vpop (erf);
	v31 =	vmul.f32 $2.500000000e-01, v31  }
0x165: {  	v14 =	vld [tilespmem:s8+$0x31E0];
	v20 =	vmul.f32 v48, v52;
	v37 =	vadd.f32 v12, v37;
	(erf) = vpow2.f32 v40  }
0x166: {  	v47 =	vld [tilespmem:s10+$0x190];
	v33 =	vadd.f32 v15, v33;
	v32 =	vmul.f32 $2.500000000e-01, v32;
	v12 =	vperm.xlane v39, v56  }
0x167: {  	v10 =	vld [tilespmem:s10+$0x1990];
	v11 =	vadd.f32 v62, v54;
	v31 =	vmul.f32 $1.442695020e+00, v31;
	v53 =	vperm.xlane v37, v2  }
0x168: {  	vm10 =	veq.s32 v35, $0x3;
	v57 =	vperm.xlane v33, v4;
	v32 =	vmul.f32 $1.442695020e+00, v32  }
0x169: {  	vm11 =	veq.s32 v35, $0x5;
	v19 =	vld [tilespmem:s8+$0x31F0];
	v49 =	vpop (erf);
	v15 =	vperm.xlane v11, v4;
	v41 =	vmul.f32 v61, v55  }
0x16a: {  	vm12 =	veq.s32 v35, $0x6;
	(erf) = vpow2.f32 v31;
	v43 =	vmul.f32 v49, v14  }
0x16b: {  	v37 =	vadd.f32 v53, v37;
	v31 =	vadd.f32 v57, v33;
	(erf) = vpow2.f32 v32  }
0x16c: {  	v32 =	vadd.f32 v15, v11;
	v55 =	vperm.xlane v41, v56;
	v57 =	vmul.f32 v10, v47;
	v47 =	vld [tilespmem:s9+$0x3180]  }
0x16d: {  	vm13 =	veq.s32 v35, $0x7;
	v8 =	vperm.xlane v37, v3;
	v31 =	vmul.f32 $2.500000000e-01, v31;
	v53 =	vpop (erf)  }
0x16e: {  	v42 =	vld [tilespmem:s9+$0x3190];
	v32 =	vmul.f32 $2.500000000e-01, v32;
	v41 =	vadd.f32 v55, v41;
	v45 =	vmul.f32 v53, v19  }
0x16f: {  	v33 =	vadd.f32 v8, v37;
	v31 =	vmul.f32 $1.442695020e+00, v31;
	v8 =	vperm.xlane v57, v56  }
0x170: {  	v54 =	vpop (erf);
	v37 =	vadd.f32 v12, v39;
	v32 =	vmul.f32 $1.442695020e+00, v32;
	v10 =	vperm.xlane v41, v2  }
0x171: {  	v34 =	vld [tilespmem:s10+$0x19B0];
	v17 =	vnsel vm8, $0x0, v50;
	v40 =	vmul.f32 v54, v47;
	v16 =	vperm.xlane v33, v4  }
0x172: {  	v51 =	vld [tilespmem:s9+$0x31A0];
	v5 =	vpop (erf);
	(erf) = vpow2.f32 v31;
	v62 =	vperm.xlane v37, v2;
	v11 =	vadd.f32 v8, v57  }
0x173: {  	v52 =	vld [tilespmem:s9+$0x31B0];
	v14 =	vadd.f32 v10, v41;
	v39 =	vmul.f32 v5, v42;
	v61 =	vadd.f32 v16, v33  }
0x174: {  	v41 =	vld [tilespmem:s10+$0x1A0];
	(erf) = vpow2.f32 v32;
	v33 =	vadd.f32 v62, v37;
	v15 =	vperm.xlane v11, v2  }
0x175: {  	vm8 =	veq.s32 v35, $0x4;
	v57 =	vld [tilespmem:s10+$0x19A0];
	v19 =	vperm.xlane v14, v3;
	v31 =	vmul.f32 $2.500000000e-01, v61  }
0x176: {  	v16 =	vnsel vm0, $0x0, v36;
	v12 =	vperm.xlane v33, v3;
	v55 =	vadd.f32 v15, v11;
	v61 =	vld [tilespmem:s10+$0x1B0]  }
0x177: {  	v35 =	vld [tilespmem:s9+$0x31C0];
	v47 =	vpop (erf);
	v62 =	vsel vm1, v16, v9;
	v32 =	vadd.f32 v19, v14;
	v31 =	vmul.f32 $1.442695020e+00, v31  }
0x178: {  	v37 =	vld [tilespmem:s9+$0x31D0];
	v1 =	vmul.f32 v47, v51;
	v33 =	vadd.f32 v12, v33;
	v36 =	vperm.xlane v55, v3  }
0x179: {  	[tilespmem:$0x1FFC0] =	vst v0;
	v9 =	vpop (erf);
	v16 =	vld [tilespmem:s10+$0x19C0];
	v13 =	vsel vm2, v62, v13;
	v8 =	vperm.xlane v32, v4;
	(erf) = vpow2.f32 v31  }
0x17a: {  	v11 =	vld [tilespmem:s10+$0x1C0];
	[tilespmem:$0x1FFD0] =	vst v1;
	v1 =	vmul.f32 v9, v52;
	v0 =	vperm.xlane v33, v4;
	v42 =	vadd.f32 v36, v55  }
0x17b: {  	v46 =	vmul.f32 v57, v41;
	v32 =	vadd.f32 v8, v32;
	v34 =	vmul.f32 v34, v61;
	v31 =	vpop (erf)  }
0x17c: {  	[tilespmem:$0x1FFE0] =	vst v1;
	v0 =	vadd.f32 v0, v33;
	v10 =	vperm.xlane v42, v4;
	v1 =	vmul.f32 v31, v35  }
0x17d: {  	v13 =	vsel vm3, v13, v29;
	v15 =	vperm.xlane v46, v56;
	v44 =	vperm.xlane v34, v56  }
0x17e: {  	v38 =	vld [tilespmem:s9+$0x31E0];
	v32 =	vmul.f32 $2.500000000e-01, v32;
	v29 =	vpop (erf);
	v0 =	vmul.f32 $2.500000000e-01, v0;
	[tilespmem:$0x1FFF0] =	vst v1;
	v1 =	vadd.f32 v10, v42  }
0x17f: {  	v57 =	vld [tilespmem:s10+$0x1D0];
	v42 =	vmul.f32 v29, v37;
	v37 =	vadd.f32 v44, v34;
	v10 =	vmul.f32 v16, v11  }
0x180: {  	v13 =	vsel vm4, v13, v30;
	v36 =	vld [tilespmem:s10+$0x19D0];
	v0 =	vmul.f32 $1.442695020e+00, v0;
	v1 =	vmul.f32 $2.500000000e-01, v1  }
0x181: {  	v19 =	vadd.f32 v15, v46;
	v34 =	vld [tilespmem:s10+$0x1E0];
	v8 =	vperm.xlane v37, v2;
	v16 =	vperm.xlane v10, v56  }
0x182: {  	v13 =	vsel vm5, v13, v48;
	v44 =	vld [tilespmem:s10+$0x19E0];
	(erf) = vpow2.f32 v0;
	v0 =	vmul.f32 $1.442695020e+00, v32;
	v62 =	vpop (erf)  }
0x183: {  	v11 =	vld [tilespmem:s10+$0x1F0];
	v33 =	vadd.f32 v16, v10;
	v41 =	vmul.f32 v62, v38;
	v38 =	vperm.xlane v19, v2  }
0x184: {  	v13 =	vsel vm6, v13, v49;
	(erf) = vpow2.f32 v0;
	v0 =	vmul.f32 $1.442695020e+00, v1;
	v1 =	vld [tilespmem:s10+$0x19F0]  }
0x185: {  	v55 =	vsel vm7, v13, v53;
	v32 =	vadd.f32 v8, v37;
	v53 =	vperm.xlane v33, v2  }
0x186: {  	v30 =	vadd.f32 v38, v19;
	(erf) = vpow2.f32 v0;
	v0 =	vmul.f32 v36, v57  }
0x187: {  	v37 =	vnsel vm0, $0x0, v54;
	v34 =	vmul.f32 v44, v34;
	v36 =	vperm.xlane v32, v3  }
0x188: {  	v33 =	vadd.f32 v53, v33;
	v19 =	vperm.xlane v30, v3;
	v38 =	vperm.xlane v0, v56  }
0x189: {  	v54 =	vperm.xlane v34, v56;
	v32 =	vadd.f32 v36, v32;
	v1 =	vmul.f32 v1, v11  }
0x18a: {  	v10 =	vperm.xlane v33, v3;
	v13 =	vadd.f32 v19, v30;
	v0 =	vadd.f32 v38, v0  }
0x18b: {  	v30 =	vadd.f32 v54, v34;
	v8 =	vperm.xlane v32, v4;
	v57 =	vperm.xlane v1, v56  }
0x18c: {  	v33 =	vadd.f32 v10, v33;
	v61 =	vperm.xlane v13, v4;
	v49 =	vperm.xlane v0, v2  }
0x18d: {  	s2 =	sor.u32 $0x5, s5;
	v11 =	vperm.xlane v30, v2;
	v32 =	vadd.f32 v8, v32;
	v1 =	vadd.f32 v57, v1  }
0x18e: {  	s11 =	sshll.u32 s2, $0x7;
	v36 =	vperm.xlane v33, v4;
	v13 =	vadd.f32 v61, v13;
	v0 =	vadd.f32 v49, v0  }
0x18f: {  	v46 =	vld [tilespmem:s11+$0x180];
	v44 =	vsel vm1, v37, v5;
	v32 =	vmul.f32 $2.500000000e-01, v32;
	v16 =	vperm.xlane v1, v2  }
0x190: {  	v37 =	vld [tilespmem:s11+$0x1980];
	v30 =	vadd.f32 v11, v30;
	v13 =	vmul.f32 $2.500000000e-01, v13;
	v19 =	vperm.xlane v0, v3  }
0x191: {  	v33 =	vadd.f32 v36, v33;
	v32 =	vmul.f32 $1.442695020e+00, v32;
	v1 =	vadd.f32 v16, v1  }
0x192: {  	v51 =	vld [tilespmem:s9+$0x31F0];
	v16 =	vperm.xlane v30, v3;
	v13 =	vmul.f32 $1.442695020e+00, v13;
	v0 =	vadd.f32 v19, v0  }
0x193: {  	v44 =	vsel vm2, v44, v47;
	v36 =	vld [tilespmem:s11+$0x1990];
	v61 =	vmul.f32 $2.500000000e-01, v33;
	v38 =	vperm.xlane v1, v3  }
0x194: {  	v30 =	vadd.f32 v16, v30;
	v16 =	vld [tilespmem:s11+$0x190];
	(erf) = vpow2.f32 v13;
	v57 =	vperm.xlane v0, v4  }
0x195: {  	v11 =	vmul.f32 v37, v46;
	v19 =	vld [tilespmem:s10+$0x3180];
	(erf) = vpow2.f32 v32;
	v1 =	vadd.f32 v38, v1  }
0x196: {  	v52 =	vld [tilespmem:s11+$0x1A0];
	v10 =	vperm.xlane v30, v4;
	v32 =	vmul.f32 $1.442695020e+00, v61;
	v0 =	vadd.f32 v57, v0  }
0x197: {  	v9 =	vsel vm3, v44, v9;
	v37 =	vperm.xlane v11, v56;
	v38 =	vld [tilespmem:s11+$0x19A0];
	v35 =	vperm.xlane v1, v4  }
0x198: {  	v5 =	vld [tilespmem:s10+$0x31B0];
	v13 =	vadd.f32 v10, v30;
	(erf) = vpow2.f32 v32;
	v57 =	vpop (erf);
	v0 =	vmul.f32 $2.500000000e-01, v0  }
0x199: {  	v8 =	vld [tilespmem:s10+$0x3190];
	v30 =	vadd.f32 v37, v11;
	v34 =	vmul.f32 v36, v16;
	v61 =	vpop (erf);
	v51 =	vmul.f32 v57, v51  }
0x19a: {  	v33 =	vld [tilespmem:s11+$0x1B0];
	v1 =	vadd.f32 v35, v1;
	v13 =	vmul.f32 $2.500000000e-01, v13;
	v46 =	vmul.f32 v61, v19  }
0x19b: {  	v9 =	vsel vm4, v9, v31;
	v35 =	vld [tilespmem:s11+$0x19B0];
	v0 =	vmul.f32 $1.442695020e+00, v0;
	v19 =	vperm.xlane v30, v2  }
0x19c: {  	v9 =	vsel vm5, v9, v29;
	v54 =	vld [tilespmem:s10+$0x31A0];
	v38 =	vmul.f32 v38, v52;
	v1 =	vmul.f32 $2.500000000e-01, v1  }
0x19d: {  	v9 =	vsel vm6, v9, v62;
	v37 =	vld [tilespmem:s11+$0x19C0];
	v29 =	vpop (erf);
	(erf) = vpow2.f32 v0;
	v0 =	vmul.f32 $1.442695020e+00, v13  }
0x19e: {  	v9 =	vsel vm7, v9, v57;
	v36 =	vperm.xlane v34, v56;
	v48 =	vmul.f32 v29, v8;
	v13 =	vld [tilespmem:s11+$0x1C0]  }
0x19f: {  	v30 =	vadd.f32 v19, v30;
	v10 =	vperm.xlane v38, v56;
	v1 =	vmul.f32 $1.442695020e+00, v1  }
0x1a0: {  	v31 =	vadd.f32 v36, v34;
	v62 =	vpop (erf);
	(erf) = vpow2.f32 v0;
	v57 =	vmul.f32 v35, v33  }
0x1a1: {  	v16 =	vnsel vm0, $0x0, v61;
	v0 =	vpop (erf);
	(erf) = vpow2.f32 v1;
	v1 =	vperm.xlane v30, v3  }
0x1a2: {  	v29 =	vsel vm1, v16, v29;
	v47 =	vmul.f32 v0, v5;
	v5 =	vperm.xlane v31, v2  }
0x1a3: {  	v11 =	vld [tilespmem:s10+$0x31C0];
	v49 =	vmul.f32 v62, v54;
	v13 =	vmul.f32 v37, v13;
	v1 =	vadd.f32 v1, v30  }
0x1a4: {  	v29 =	vsel vm2, v29, v62;
	v36 =	vperm.xlane v57, v56;
	v5 =	vadd.f32 v5, v31  }
0x1a5: {  	v61 =	vld [tilespmem:s11+$0x19D0];
	v30 =	vadd.f32 v10, v38;
	v53 =	vperm.xlane v13, v56;
	v8 =	vperm.xlane v1, v4  }
0x1a6: {  	v0 =	vsel vm3, v29, v0;
	v38 =	vld [tilespmem:s11+$0x1D0];
	v32 =	vadd.f32 v36, v57;
	v37 =	vperm.xlane v5, v3  }
0x1a7: {  	v10 =	vpop (erf);
	v13 =	vadd.f32 v53, v13;
	v1 =	vadd.f32 v8, v1;
	v8 =	vperm.xlane v30, v2  }
0x1a8: {  	v52 =	vmul.f32 v10, v11;
	v14 =	vperm.xlane v32, v2;
	v5 =	vadd.f32 v37, v5  }
0x1a9: {  	v0 =	vsel vm4, v0, v10;
	v15 =	vperm.xlane v13, v2;
	v30 =	vadd.f32 v8, v30  }
0x1aa: {  	v32 =	vadd.f32 v14, v32;
	v1 =	vmul.f32 $2.500000000e-01, v1;
	v16 =	vperm.xlane v5, v4  }
0x1ab: {  	v31 =	vmul.f32 v61, v38;
	v13 =	vadd.f32 v15, v13;
	v36 =	vperm.xlane v30, v3  }
0x1ac: {  	v37 =	vperm.xlane v32, v3;
	v1 =	vmul.f32 $1.442695020e+00, v1;
	v5 =	vadd.f32 v16, v5  }
0x1ad: {  	v6 =	vld.idx.msk [tilespmem:v6+s15+$0x0], $0xffff;
	v11 =	vperm.xlane v31, v56;
	v38 =	vperm.xlane v13, v3;
	v30 =	vadd.f32 v36, v30  }
0x1ae: {  	v10 =	vld [tilespmem:s11+$0x19E0];
	(erf) = vpow2.f32 v1;
	v1 =	vadd.f32 v37, v32;
	v5 =	vmul.f32 $2.500000000e-01, v5  }
0x1af: {  	v31 =	vadd.f32 v11, v31;
	v36 =	vadd.f32 v38, v13;
	v38 =	vld [tilespmem:s11+$0x1E0];
	v37 =	vperm.xlane v30, v4  }
0x1b0: {  	v54 =	vld [tilespmem:s10+$0x31D0];
	v8 =	vperm.xlane v1, v4;
	v5 =	vmul.f32 $1.442695020e+00, v5  }
0x1b1: {  	v11 =	vperm.xlane v31, v2;
	v30 =	vadd.f32 v37, v30  }
0x1b2: {  	v6 =	vand.u32 $0x7, v6;
	v34 =	vperm.xlane v36, v4;
	v1 =	vadd.f32 v8, v1  }
0x1b3: {  	v16 =	vld [tilespmem:s10+$0x31E0];
	v31 =	vadd.f32 v11, v31;
	(erf) = vpow2.f32 v5;
	v30 =	vmul.f32 $2.500000000e-01, v30  }
0x1b4: {  	v12 =	vadd.f32 v34, v36;
	v1 =	vmul.f32 $2.500000000e-01, v1;
	v32 =	vmul.f32 v10, v38;
	v5 =	vpop (erf)  }
0x1b5: {  	v54 =	vmul.f32 v5, v54;
	v0 =	vsel vm5, v0, v5;
	v5 =	vperm.xlane v31, v3  }
0x1b6: {  	vm15 =	veq.s32 v6, $0x7;
	v33 =	vmul.f32 $2.500000000e-01, v12;
	v30 =	vmul.f32 $1.442695020e+00, v30  }
0x1b7: {  	v14 =	vpop (erf);
	v1 =	vmul.f32 $1.442695020e+00, v1;
	v36 =	vperm.xlane v32, v56;
	v5 =	vadd.f32 v5, v31  }
0x1b8: {  	v19 =	vnsel vm14, $0x0, v50;
	v15 =	vld [tilespmem:s11+$0x1F0];
	v53 =	vmul.f32 v14, v16;
	(erf) = vpow2.f32 v30  }
0x1b9: {  	v16 =	vld [tilespmem:s11+$0x19F0];
	v57 =	vadd.f32 v36, v32;
	(erf) = vpow2.f32 v1;
	v1 =	vperm.xlane v5, v4  }
0x1ba: {  	vm14 =	veq.s32 v6, $0x3;
	v29 =	vnsel vm10, $0x0, v50;
	vm10 =	veq.s32 v6, $0x0  }
0x1bb: {  	v33 =	vmul.f32 $1.442695020e+00, v33;
	v1 =	vadd.f32 v1, v5;
	v5 =	vperm.xlane v57, v2  }
0x1bc: {  	v61 =	vnsel vm10, $0x0, v55;
	vm10 =	veq.s32 v6, $0x6;
	v37 =	vmov s12  }
0x1bd: {  	(erf) = vpow2.f32 v33;
	v33 =	vand.u32 $0xFFFFFFFB, v37;
	v5 =	vadd.f32 v5, v57  }
0x1be: {  	v13 =	vnsel vm9, $0x0, v50;
	v38 =	vbroadcast v33, $0x0;
	v34 =	vmul.f32 v16, v15  }
0x1bf: {  	vm9 =	veq.s32 v6, $0x4;
	v0 =	vsel vm6, v0, v14;
	v11 =	vperm.xlane v5, v3  }
0x1c0: {  	v31 =	vnsel vm8, $0x0, v50;
	v15 =	vmov s13;
	s13 =	sor.u32 $0x6, s5;
	v8 =	vperm.xlane v34, v56  }
0x1c1: {  	v32 =	vnsel vm12, $0x0, v50;
	vm12 =	veq.s32 v6, $0x1;
	s12 =	sshll.u32 s13, $0x7;
	v5 =	vadd.f32 v11, v5  }
0x1c2: {  	[tilespmem:s6+$0x4980] =	vst v59;
	vm8 =	veq.s32 v6, $0x5;
	v16 =	vpop (erf);
	v1 =	vmul.f32 $2.500000000e-01, v1;
	v37 =	vld [tilespmem:s12+$0x180];
	v34 =	vadd.f32 v8, v34  }
0x1c3: {  	[tilespmem:s6+$0x49D0] =	vst v28;
	v33 =	vnsel vm13, $0x0, v50;
	v59 =	vsel vm7, v0, v16;
	v28 =	vld [tilespmem:s12+$0x1980];
	v0 =	vperm.xlane v5, v4  }
0x1c4: {  	vm13 =	veq.s32 v6, $0x2;
	v1 =	vmul.f32 $1.442695020e+00, v1;
	v6 =	vld.idx.msk [tilespmem:v38+s15+$0x0], $0xffff;
	v36 =	vperm.xlane v34, v2  }
0x1c5: {  	v5 =	vadd.f32 v0, v5;
	v0 =	vld [tilespmem:$0x1FEE0]  }
0x1c6: {  	v10 =	vld [tilespmem:s10+$0x31F0];
	(erf) = vpow2.f32 v1;
	v1 =	vadd.f32 v36, v34  }
0x1c7: {  	[tilespmem:s6+$0x49A0] =	vst v25;
	v25 =	vnsel vm14, $0x0, v55;
	v35 =	vand.u32 $0xFFFFFFFC, v15  }
0x1c8: {  	v30 =	vnsel vm11, $0x0, v50;
	v57 =	vbroadcast v35, $0x0;
	v50 =	vperm.xlane v1, v3  }
0x1c9: {  	[tilespmem:s6+$0x4990] =	vst v58;
	v62 =	vnsel vm12, $0x0, v55;
	v12 =	vnsel vm13, $0x0, v55;
	v58 =	vmul.f32 v28, v37;
	v37 =	vld [tilespmem:s12+$0x1990]  }
0x1ca: {  	v8 =	vnsel vm8, $0x0, v55;
	v6 =	vand.u32 $0x7, v6;
	[tilespmem:s6+$0x6190] =	vst v0;
	v0 =	vadd.f32 v50, v1;
	v1 =	vld [tilespmem:s12+$0x190]  }
0x1cb: {  	v38 =	vmul.f32 v16, v10;
	v10 =	vnsel vm15, $0x0, v55;
	vm8 =	veq.s32 v6, $0x0  }
0x1cc: {  	vm14 =	veq.s32 v6, $0x3;
	v15 =	vnsel vm8, $0x0, v9;
	vm8 =	veq.s32 v6, $0x1  }
0x1cd: {  	vm15 =	veq.s32 v6, $0x4;
	v50 =	vnsel vm8, $0x0, v9;
	vm8 =	veq.s32 v6, $0x2  }
0x1ce: {  	[tilespmem:s6+$0x49C0] =	vst v24;
	v24 =	vld.idx.msk [tilespmem:v57+s15+$0x0], $0xffff;
	vm12 =	veq.s32 v6, $0x6;
	vm13 =	veq.s32 v6, $0x7;
	v57 =	vnsel vm8, $0x0, v9  }
0x1cf: {  	vm8 =	veq.s32 v6, $0x5;
	v6 =	vperm.xlane v0, v4;
	v1 =	vmul.f32 v37, v1  }
0x1d0: {  	[tilespmem:s6+$0x49B0] =	vst v7  }
0x1d1: {  	[tilespmem:s6+$0x49E0] =	vst v60;
	v0 =	vadd.f32 v6, v0;
	v6 =	vperm.xlane v1, v56  }
0x1d2: {  	[tilespmem:s6+$0x49F0] =	vst v23;
	v23 =	vld [tilespmem:$0x1FF00]  }
0x1d3: {  	[tilespmem:s6+$0x61C0] =	vst v22;
	v22 =	vadd.f32 v6, v1;
	v1 =	vld [tilespmem:$0x1FF50]  }
0x1d4: {  	[tilespmem:s6+$0x61E0] =	vst v27;
	v27 =	vld [tilespmem:$0x1FF10]  }
0x1d5: {  	[tilespmem:s6+$0x61F0] =	vst v18;
	v18 =	vld [tilespmem:s12+$0x1A0]  }
0x1d6: {  	[tilespmem:s6+$0x6180] =	vst v63;
	v28 =	vld [tilespmem:s12+$0x19A0];
	v5 =	vmul.f32 $2.500000000e-01, v5  }
0x1d7: {  	[tilespmem:s6+$0x61D0] =	vst v26;
	v36 =	vld [tilespmem:$0x1FEF0]  }
0x1d8: {  	v5 =	vmul.f32 $1.442695020e+00, v5;
	[tilespmem:s7+$0x49C0] =	vst v1;
	v1 =	vld [tilespmem:$0x1FF60]  }
0x1d9: {  	[tilespmem:s6+$0x61B0] =	vst v23;
	v7 =	vnsel vm9, $0x0, v55;
	v35 =	vld [tilespmem:$0x1FF20];
	v11 =	vnsel vm10, $0x0, v55  }
0x1da: {  	[tilespmem:s7+$0x4980] =	vst v27;
	v26 =	vld [tilespmem:s12+$0x19B0];
	v55 =	vmov s2;
	(erf) = vpow2.f32 v5;
	v5 =	vperm.xlane v58, v56  }
0x1db: {  	[tilespmem:s7+$0x6190] =	vst v19;
	v55 =	vand.u32 $0xFFFFFFFD, v55;
	v18 =	vmul.f32 v28, v18;
	v60 =	vand.u32 $0x7, v24;
	v24 =	vld [tilespmem:s12+$0x1B0]  }
0x1dc: {  	v19 =	vbroadcast v55, $0x0;
	v34 =	vnsel vm14, $0x0, v9;
	[tilespmem:s6+$0x61A0] =	vst v36;
	v36 =	vld [tilespmem:$0x1FF30];
	v5 =	vadd.f32 v5, v58  }
0x1dd: {  	v44 =	vnsel vm15, $0x0, v9;
	vm14 =	veq.s32 v60, $0x4;
	v28 =	vperm.xlane v18, v56;
	[tilespmem:s7+$0x49D0] =	vst v1;
	v1 =	vld [tilespmem:$0x1FF70]  }
0x1de: {  	[tilespmem:s7+$0x6180] =	vst v17;
	v14 =	vnsel vm8, $0x0, v9;
	vm8 =	veq.s32 v60, $0x0;
	v27 =	vperm.xlane v5, v2;
	v6 =	vld [tilespmem:$0x1FF90]  }
0x1df: {  	[tilespmem:s7+$0x61B0] =	vst v29;
	vm15 =	veq.s32 v60, $0x6;
	v58 =	vnsel vm8, $0x0, v59;
	vm8 =	veq.s32 v60, $0x1  }
0x1e0: {  	v17 =	vld [tilespmem:s11+$0x3190];
	[tilespmem:s7+$0x4990] =	vst v35;
	v0 =	vmul.f32 $2.500000000e-01, v0;
	v5 =	vadd.f32 v27, v5;
	v27 =	vperm.xlane v22, v2  }
0x1e1: {  	[tilespmem:s7+$0x49A0] =	vst v36;
	v24 =	vmul.f32 v26, v24;
	v26 =	vld [tilespmem:s11+$0x3180];
	v23 =	vnsel vm8, $0x0, v59;
	vm8 =	veq.s32 v60, $0x2  }
0x1e2: {  	v35 =	vnsel vm8, $0x0, v59;
	vm8 =	veq.s32 v60, $0x3;
	v0 =	vmul.f32 $1.442695020e+00, v0;
	[tilespmem:s7+$0x49E0] =	vst v1;
	v1 =	vld [tilespmem:$0x1FF80]  }
0x1e3: {  	v55 =	vperm.xlane v24, v56;
	v36 =	vnsel vm8, $0x0, v59;
	vm8 =	veq.s32 v60, $0x5;
	[tilespmem:s8+$0x4980] =	vst v6;
	v6 =	vld [tilespmem:$0x1FFA0]  }
0x1e4: {  	[tilespmem:s7+$0x61A0] =	vst v13;
	v22 =	vadd.f32 v27, v22;
	v27 =	vpop (erf);
	(erf) = vpow2.f32 v0;
	v0 =	vperm.xlane v5, v3  }
0x1e5: {  	[tilespmem:s7+$0x61C0] =	vst v31;
	v63 =	vnsel vm8, $0x0, v59;
	vm8 =	veq.s32 v60, $0x7;
	v60 =	vadd.f32 v55, v24;
	v55 =	vld [tilespmem:s12+$0x1C0]  }
0x1e6: {  	[tilespmem:s7+$0x61E0] =	vst v32;
	v31 =	vperm.xlane v22, v3;
	v0 =	vadd.f32 v0, v5;
	v5 =	vld [tilespmem:s12+$0x19C0]  }
0x1e7: {  	v18 =	vadd.f32 v28, v18;
	v32 =	vperm.xlane v60, v2;
	v29 =	vpop (erf);
	[tilespmem:s7+$0x49F0] =	vst v1;
	v1 =	vld [tilespmem:s11+$0x31A0]  }
0x1e8: {  	v13 =	vmul.f32 v27, v26;
	v26 =	vmul.f32 v29, v17;
	v17 =	vadd.f32 v31, v22;
	[tilespmem:s8+$0x4990] =	vst v6;
	v6 =	vld [tilespmem:$0x1FFB0]  }
0x1e9: {  	v24 =	vperm.xlane v18, v2  }
0x1ea: {  	[tilespmem:s7+$0x61F0] =	vst v33;
	v32 =	vadd.f32 v32, v60;
	v27 =	vnsel vm0, $0x0, v27;
	v33 =	vperm.xlane v17, v4  }
0x1eb: {  	[tilespmem:s7+$0x61D0] =	vst v30;
	v30 =	vpop (erf);
	v31 =	vadd.f32 v24, v18;
	v27 =	vsel vm1, v27, v29;
	v5 =	vmul.f32 v5, v55  }
0x1ec: {  	v33 =	vadd.f32 v33, v17;
	v24 =	vmul.f32 v30, v1;
	v1 =	vperm.xlane v0, v4  }
0x1ed: {  	v55 =	vperm.xlane v32, v3;
	[tilespmem:s8+$0x49A0] =	vst v6;
	v6 =	vld.idx.msk [tilespmem:v19+s15+$0x0], $0xffff;
	v19 =	vperm.xlane v5, v56  }
0x1ee: {  	[tilespmem:s8+$0x49C0] =	vst v21;
	v28 =	vld [tilespmem:s11+$0x31B0];
	v21 =	vsel vm2, v27, v30;
	v0 =	vadd.f32 v1, v0;
	v1 =	vperm.xlane v31, v3  }
0x1ef: {  	[tilespmem:s8+$0x49D0] =	vst v20;
	v27 =	vmul.f32 $2.500000000e-01, v33;
	v33 =	vld [tilespmem:s12+$0x1D0];
	v32 =	vadd.f32 v55, v32;
	v5 =	vadd.f32 v19, v5  }
0x1f0: {  	[tilespmem:s8+$0x49E0] =	vst v43;
	v19 =	vld [tilespmem:s12+$0x19D0];
	v1 =	vadd.f32 v1, v31;
	v0 =	vmul.f32 $2.500000000e-01, v0  }
0x1f1: {  	[tilespmem:s8+$0x49F0] =	vst v45;
	v43 =	vld [tilespmem:s12+$0x1E0];
	v20 =	vperm.xlane v32, v4;
	v45 =	vperm.xlane v5, v2  }
0x1f2: {  	[tilespmem:s8+$0x6190] =	vst v62;
	v62 =	vld [tilespmem:s12+$0x19F0];
	v29 =	vpop (erf);
	v30 =	vperm.xlane v1, v4;
	v0 =	vmul.f32 $1.442695020e+00, v0  }
0x1f3: {  	v37 =	vld [tilespmem:$0x1FF40];
	v28 =	vmul.f32 v29, v28;
	v27 =	vmul.f32 $1.442695020e+00, v27;
	v5 =	vadd.f32 v45, v5  }
0x1f4: {  	[tilespmem:s8+$0x61B0] =	vst v25;
	v17 =	vld [tilespmem:s11+$0x31D0];
	v1 =	vadd.f32 v30, v1;
	(erf) = vpow2.f32 v0;
	v0 =	vadd.f32 v20, v32  }
0x1f5: {  	[tilespmem:s8+$0x6180] =	vst v61;
	v16 =	vnsel vm12, $0x0, v9;
	v45 =	vld [tilespmem:s12+$0x1F0];
	v19 =	vmul.f32 v19, v33;
	v33 =	vperm.xlane v5, v3  }
0x1f6: {  	[tilespmem:s8+$0x61C0] =	vst v7;
	v9 =	vnsel vm13, $0x0, v9;
	v31 =	vld [tilespmem:$0x1FFC0];
	v1 =	vmul.f32 $2.500000000e-01, v1;
	v0 =	vmul.f32 $2.500000000e-01, v0  }
0x1f7: {  	[tilespmem:s8+$0x61A0] =	vst v12;
	v60 =	vpop (erf);
	v21 =	vsel vm3, v21, v29;
	v5 =	vadd.f32 v33, v5;
	(erf) = vpow2.f32 v27;
	v27 =	vld [tilespmem:s12+$0x19E0]  }
0x1f8: {  	[tilespmem:s8+$0x61D0] =	vst v8;
	v61 =	vsel vm4, v21, v60;
	v55 =	vpop (erf);
	v30 =	vld [tilespmem:s11+$0x31F0];
	v1 =	vmul.f32 $1.442695020e+00, v1;
	v0 =	vmul.f32 $1.442695020e+00, v0  }
0x1f9: {  	[tilespmem:s8+$0x61F0] =	vst v10;
	v17 =	vmul.f32 v55, v17;
	v12 =	vsel vm5, v61, v55;
	v55 =	vperm.xlane v5, v4  }
0x1fa: {  	[tilespmem:s7+$0x49B0] =	vst v37;
	v37 =	vnsel vm14, $0x0, v59;
	v22 =	vld [tilespmem:s11+$0x31C0];
	v29 =	vpop (erf);
	(erf) = vpow2.f32 v1;
	v1 =	vperm.xlane v19, v56  }
0x1fb: {  	[tilespmem:s8+$0x61E0] =	vst v11;
	v7 =	vsel vm6, v12, v29;
	v45 =	vmul.f32 v62, v45;
	v5 =	vadd.f32 v55, v5  }
0x1fc: {  	[tilespmem:s8+$0x49B0] =	vst v31;
	v31 =	vld [tilespmem:s11+$0x31E0];
	s8 =	sor.u32 $0x7, s5;
	v43 =	vmul.f32 v27, v43;
	(erf) = vpow2.f32 v0;
	v0 =	vpop (erf);
	v1 =	vadd.f32 v1, v19  }
0x1fd: {  	v61 =	vld [tilespmem:$0x1FFD0];
	v8 =	vmul.f32 v0, v30;
	v21 =	vsel vm7, v7, v0;
	v0 =	vmov s13;
	s13 =	sshll.u32 s8, $0x7  }
0x1fe: {  	v18 =	vnsel vm15, $0x0, v59;
	v5 =	vmul.f32 $2.500000000e-01, v5;
	v7 =	vperm.xlane v43, v56;
	v62 =	vld [tilespmem:s13+$0x180]  }
0x1ff: {  	[tilespmem:s9+$0x4980] =	vst v40;
	v22 =	vmul.f32 v60, v22;
	v6 =	vand.u32 $0x7, v6;
	v60 =	vperm.xlane v1, v2;
	v40 =	vld [tilespmem:s13+$0x1980]  }
0x200: {  	v5 =	vmul.f32 $1.442695020e+00, v5;
	v12 =	vadd.f32 v7, v43;
	v7 =	vperm.xlane v45, v56  }
0x201: {  	v11 =	vmov s8;
	v20 =	vmul.f32 v29, v31;
	v1 =	vadd.f32 v60, v1  }
0x202: {  	[tilespmem:s9+$0x4990] =	vst v39;
	v31 =	vnsel vm8, $0x0, v59;
	v39 =	vperm.xlane v12, v2;
	v10 =	vadd.f32 v7, v45;
	v7 =	vld [tilespmem:$0x1FFF0]  }
0x203: {  	[tilespmem:s9+$0x49D0] =	vst v42;
	vm8 =	veq.s32 v6, $0x0;
	v0 =	vand.u32 $0xFFFFFFFE, v0;
	v43 =	vperm.xlane v1, v3  }
0x204: {  	[tilespmem:s9+$0x49A0] =	vst v61;
	v60 =	vld [tilespmem:s13+$0x190];
	v12 =	vadd.f32 v39, v12;
	v45 =	vperm.xlane v10, v2;
	v61 =	vmul.f32 v40, v62  }
0x205: {  	[tilespmem:s9+$0x49E0] =	vst v41;
	(erf) = vpow2.f32 v5;
	v0 =	vbroadcast v0, $0x0;
	v62 =	vld [tilespmem:s13+$0x1990];
	v1 =	vadd.f32 v43, v1  }
0x206: {  	[tilespmem:s9+$0x49F0] =	vst v51;
	v55 =	vperm.xlane v12, v3;
	v59 =	vadd.f32 v45, v10;
	v43 =	vperm.xlane v61, v56  }
0x207: {  	[tilespmem:s9+$0x49C0] =	vst v7;
	v7 =	vnsel vm8, $0x0, v21;
	vm8 =	veq.s32 v6, $0x1;
	v5 =	vperm.xlane v1, v4  }
0x208: {  	[tilespmem:s10+$0x49B0] =	vst v47;
	v25 =	vnsel vm8, $0x0, v21;
	vm8 =	veq.s32 v6, $0x2;
	v12 =	vadd.f32 v55, v12  }
0x209: {  	v47 =	vld [tilespmem:s12+$0x31C0];
	[tilespmem:s9+$0x6180] =	vst v15;
	v42 =	vperm.xlane v59, v3;
	v15 =	vadd.f32 v43, v61;
	v10 =	vnsel vm8, $0x0, v21  }
0x20a: {  	[tilespmem:s9+$0x61D0] =	vst v14;
	v14 =	vld [tilespmem:s12+$0x3180];
	vm8 =	veq.s32 v6, $0x3;
	v1 =	vadd.f32 v5, v1;
	v19 =	vmul.f32 v62, v60  }
0x20b: {  	[tilespmem:s10+$0x4990] =	vst v48;
	v33 =	vld [tilespmem:$0x1FFE0];
	v29 =	vnsel vm8, $0x0, v21;
	vm8 =	veq.s32 v6, $0x4;
	v5 =	vperm.xlane v12, v4  }
0x20c: {  	[tilespmem:s9+$0x61C0] =	vst v44;
	v61 =	vld [tilespmem:s13+$0x19B0];
	v27 =	vadd.f32 v42, v59;
	v44 =	vperm.xlane v15, v2;
	v30 =	vnsel vm8, $0x0, v21  }
0x20d: {  	[tilespmem:s9+$0x6190] =	vst v50;
	v60 =	vld [tilespmem:s13+$0x1B0];
	v1 =	vmul.f32 $2.500000000e-01, v1;
	vm8 =	veq.s32 v6, $0x5;
	v50 =	vperm.xlane v19, v56  }
0x20e: {  	[tilespmem:s9+$0x61E0] =	vst v16;
	v16 =	vld [tilespmem:s12+$0x3190];
	v12 =	vadd.f32 v5, v12;
	v32 =	vperm.xlane v27, v4;
	v5 =	vnsel vm8, $0x0, v21  }
0x20f: {  	v48 =	vld [tilespmem:s12+$0x31D0];
	[tilespmem:s9+$0x61B0] =	vst v34;
	vm8 =	veq.s32 v6, $0x6;
	v15 =	vadd.f32 v44, v15;
	v1 =	vmul.f32 $1.442695020e+00, v1  }
0x210: {  	v34 =	vld [tilespmem:s12+$0x31A0];
	[tilespmem:s9+$0x61F0] =	vst v9;
	v9 =	vnsel vm8, $0x0, v21;
	vm8 =	veq.s32 v6, $0x7;
	v6 =	vpop (erf);
	v45 =	vmul.f32 $2.500000000e-01, v12  }
0x211: {  	[tilespmem:s9+$0x49B0] =	vst v33;
	v33 =	vld [tilespmem:s12+$0x31E0];
	v19 =	vadd.f32 v50, v19;
	v59 =	vperm.xlane v15, v3;
	v14 =	vmul.f32 v6, v14  }
0x212: {  	[tilespmem:s10+$0x4980] =	vst v46;
	v55 =	vld [tilespmem:s13+$0x19A0];
	v27 =	vadd.f32 v32, v27;
	v62 =	vpop (erf);
	v40 =	vmul.f32 v61, v60;
	(erf) = vpow2.f32 v1  }
0x213: {  	[tilespmem:s10+$0x49D0] =	vst v54;
	v32 =	vld [tilespmem:s13+$0x1A0];
	v6 =	vnsel vm0, $0x0, v6;
	v1 =	vperm.xlane v19, v2;
	v12 =	vmul.f32 v62, v16  }
0x214: {  	[tilespmem:s9+$0x61A0] =	vst v57;
	v41 =	vld [tilespmem:s13+$0x1C0];
	v50 =	vpop (erf);
	v51 =	vmul.f32 $1.442695020e+00, v45;
	v57 =	vmul.f32 $2.500000000e-01, v27;
	v15 =	vadd.f32 v59, v15  }
0x215: {  	[tilespmem:s10+$0x61D0] =	vst v63;
	v63 =	vld [tilespmem:s13+$0x1E0];
	v6 =	vsel vm1, v6, v62;
	v34 =	vmul.f32 v50, v34;
	v54 =	vperm.xlane v40, v56  }
0x216: {  	[tilespmem:s10+$0x49A0] =	vst v49;
	v45 =	vld [tilespmem:s12+$0x31B0];
	v6 =	vsel vm2, v6, v50;
	v1 =	vadd.f32 v1, v19;
	v49 =	vperm.xlane v15, v4  }
0x217: {  	[tilespmem:s10+$0x6190] =	vst v23;
	v0 =	vld.idx.msk [tilespmem:v0+s15+$0x0], $0xffff;
	(erf) = vpow2.f32 v51;
	v46 =	vmul.f32 $1.442695020e+00, v57;
	v23 =	vadd.f32 v54, v40  }
0x218: {  	[tilespmem:s10+$0x49C0] =	vst v52;
	v52 =	vpop (erf);
	v32 =	vmul.f32 v55, v32;
	v51 =	vperm.xlane v1, v3;
	v55 =	vld [tilespmem:s13+$0x19C0];
	v15 =	vadd.f32 v49, v15  }
0x219: {  	[tilespmem:s10+$0x49E0] =	vst v53;
	v60 =	vld [tilespmem:s13+$0x19D0];
	v6 =	vsel vm3, v6, v52;
	(erf) = vpow2.f32 v46;
	v46 =	vperm.xlane v23, v2  }
0x21a: {  	[tilespmem:s10+$0x49F0] =	vst v38;
	v59 =	vld [tilespmem:s13+$0x1D0];
	v57 =	vpop (erf);
	v1 =	vadd.f32 v51, v1;
	v53 =	vperm.xlane v32, v56;
	v15 =	vmul.f32 $2.500000000e-01, v15  }
0x21b: {  	[tilespmem:s10+$0x6180] =	vst v58;
	v27 =	vmul.f32 v52, v45;
	v16 =	vmul.f32 v57, v47;
	v47 =	vld [tilespmem:s13+$0x19E0];
	v23 =	vadd.f32 v46, v23  }
0x21c: {  	[tilespmem:s10+$0x61A0] =	vst v35;
	v50 =	vld [tilespmem:s13+$0x1F0];
	v58 =	vperm.xlane v1, v4;
	v32 =	vadd.f32 v53, v32;
	v15 =	vmul.f32 $1.442695020e+00, v15  }
0x21d: {  	[tilespmem:s10+$0x61B0] =	vst v36;
	v6 =	vsel vm4, v6, v57;
	v53 =	vld [tilespmem:s13+$0x19F0];
	v61 =	vpop (erf);
	v55 =	vmul.f32 v55, v41;
	v57 =	vperm.xlane v23, v3  }
0x21e: {  	[tilespmem:s10+$0x61E0] =	vst v18;
	v0 =	vand.u32 $0x7, v0;
	v62 =	vperm.xlane v32, v2;
	v18 =	vmul.f32 v61, v48  }
0x21f: {  	[tilespmem:s10+$0x61C0] =	vst v37;
	v1 =	vadd.f32 v58, v1;
	v58 =	vmul.f32 v60, v59;
	(erf) = vpow2.f32 v15  }
0x220: {  	[tilespmem:s11+$0x4980] =	vst v13;
	v6 =	vsel vm5, v6, v61;
	v60 =	vmul.f32 v47, v63;
	v61 =	vperm.xlane v55, v56  }
0x221: {  	[tilespmem:s11+$0x4990] =	vst v26;
	v45 =	vpop (erf);
	v1 =	vmul.f32 $2.500000000e-01, v1;
	v49 =	vadd.f32 v62, v32;
	v63 =	vperm.xlane v58, v56  }
0x222: {  	v38 =	vld [tilespmem:s12+$0x31F0];
	[tilespmem:s11+$0x49B0] =	vst v28;
	v59 =	vadd.f32 v57, v23;
	v51 =	vmul.f32 v45, v33;
	v62 =	vmul.f32 v53, v50  }
0x223: {  	[tilespmem:s11+$0x49C0] =	vst v22;
	v15 =	vadd.f32 v61, v55;
	v1 =	vmul.f32 $1.442695020e+00, v1;
	v54 =	vperm.xlane v49, v3  }
0x224: {  	[tilespmem:s11+$0x6180] =	vst v7;
	v21 =	vnsel vm8, $0x0, v21;
	v28 =	vperm.xlane v60, v56;
	v7 =	vperm.xlane v59, v4  }
0x225: {  	[tilespmem:s11+$0x49D0] =	vst v17;
	v35 =	vperm.xlane v15, v2;
	(erf) = vpow2.f32 v1;
	v1 =	vadd.f32 v54, v49  }
0x226: {  	[tilespmem:s11+$0x49E0] =	vst v20;
	v48 =	vpop (erf);
	v19 =	vadd.f32 v63, v58;
	v32 =	vperm.xlane v62, v56;
	v20 =	vadd.f32 v28, v60  }
0x227: {  	[tilespmem:s10+$0x61F0] =	vst v31;
	v52 =	vmul.f32 v48, v38;
	v38 =	vadd.f32 v35, v15;
	v31 =	vperm.xlane v1, v4  }
0x228: {  	[tilespmem:s11+$0x49A0] =	vst v24;
	v37 =	vperm.xlane v19, v2;
	v36 =	vadd.f32 v32, v62;
	v39 =	vperm.xlane v20, v2  }
0x229: {  	[tilespmem:s11+$0x49F0] =	vst v8;
	v7 =	vadd.f32 v7, v59;
	v41 =	vperm.xlane v38, v3;
	v1 =	vadd.f32 v31, v1  }
0x22a: {  	[tilespmem:s11+$0x6190] =	vst v25;
	v17 =	vadd.f32 v37, v19;
	v40 =	vperm.xlane v36, v2;
	v15 =	vadd.f32 v39, v20  }
0x22b: {  	[tilespmem:s11+$0x61D0] =	vst v5;
	v5 =	vmul.f32 $2.500000000e-01, v7;
	v43 =	vadd.f32 v41, v38;
	v1 =	vmul.f32 $2.500000000e-01, v1  }
0x22c: {  	[tilespmem:s11+$0x61A0] =	vst v10;
	v42 =	vperm.xlane v17, v3;
	v7 =	vadd.f32 v40, v36;
	v44 =	vperm.xlane v15, v3  }
0x22d: {  	[tilespmem:s11+$0x61B0] =	vst v29;
	v6 =	vsel vm6, v6, v45;
	v46 =	vperm.xlane v43, v4;
	v1 =	vmul.f32 $1.442695020e+00, v1  }
0x22e: {  	[tilespmem:s11+$0x61C0] =	vst v30;
	v5 =	vmul.f32 $1.442695020e+00, v5;
	v8 =	vadd.f32 v42, v17;
	v45 =	vperm.xlane v7, v3  }
0x22f: {  	[tilespmem:s11+$0x61E0] =	vst v9;
	v9 =	vadd.f32 v46, v43;
	(erf) = vpow2.f32 v1;
	v1 =	vadd.f32 v44, v15  }
0x230: {  	[tilespmem:s11+$0x61F0] =	vst v21;
	(erf) = vpow2.f32 v5;
	v5 =	vadd.f32 v45, v7;
	v7 =	vperm.xlane v8, v4  }
0x231: {  	vm8 =	veq.s32 v0, $0x0;
	[tilespmem:s12+$0x4980] =	vst v14;
	v6 =	vsel vm7, v6, v48;
	v47 =	vperm.xlane v1, v4  }
0x232: {  	[tilespmem:s12+$0x4990] =	vst v12;
	v49 =	vnsel vm8, $0x0, v6;
	v9 =	vmul.f32 $2.500000000e-01, v9;
	v7 =	vadd.f32 v7, v8  }
0x233: {  	[tilespmem:s12+$0x49A0] =	vst v34;
	vm8 =	veq.s32 v0, $0x1;
	v48 =	vperm.xlane v5, v4;
	v1 =	vadd.f32 v47, v1  }
0x234: {  	[tilespmem:s12+$0x49B0] =	vst v27;
	v50 =	vnsel vm8, $0x0, v6;
	v9 =	vmul.f32 $1.442695020e+00, v9;
	v7 =	vmul.f32 $2.500000000e-01, v7  }
0x235: {  	[tilespmem:s12+$0x49C0] =	vst v16;
	vm8 =	veq.s32 v0, $0x2;
	v5 =	vadd.f32 v48, v5;
	v1 =	vmul.f32 $2.500000000e-01, v1  }
0x236: {  	[tilespmem:s12+$0x49E0] =	vst v51;
	v51 =	vnsel vm8, $0x0, v6;
	(erf) = vpow2.f32 v9;
	v7 =	vmul.f32 $1.442695020e+00, v7  }
0x237: {  	[tilespmem:s12+$0x49D0] =	vst v18;
	vm8 =	veq.s32 v0, $0x3;
	v5 =	vmul.f32 $2.500000000e-01, v5;
	v1 =	vmul.f32 $1.442695020e+00, v1  }
0x238: {  	[tilespmem:s12+$0x49F0] =	vst v52;
	(erf) = vpow2.f32 v7;
	v7 =	vnsel vm8, $0x0, v6;
	vm8 =	veq.s32 v0, $0x4  }
0x239: {  	v52 =	vld [tilespmem:s13+$0x3180];
	(erf) = vpow2.f32 v1;
	[tilespmem:s12+$0x61B0] =	vst v7;
	v1 =	vnsel vm8, $0x0, v6;
	vm8 =	veq.s32 v0, $0x5  }
0x23a: {  	v53 =	vld [tilespmem:s13+$0x3190];
	v5 =	vmul.f32 $1.442695020e+00, v5;
	[tilespmem:s12+$0x61C0] =	vst v1;
	v1 =	vnsel vm8, $0x0, v6;
	vm8 =	veq.s32 v0, $0x6  }
0x23b: {  	v7 =	vld [tilespmem:s13+$0x31A0];
	[tilespmem:s12+$0x61D0] =	vst v1;
	v1 =	vnsel vm8, $0x0, v6;
	vm8 =	veq.s32 v0, $0x7  }
0x23c: {  	v11 =	vld.idx.msk [tilespmem:v11+s15+$0x0], $0xffff;
	(erf) = vpow2.f32 v5;
	[tilespmem:s12+$0x61E0] =	vst v1;
	v1 =	vnsel vm8, $0x0, v6  }
0x23d: {  	[tilespmem:s12+$0x6180] =	vst v49;
	v54 =	vpop (erf);
	v5 =	vld [tilespmem:s13+$0x31B0]  }
0x23e: {  	[tilespmem:s12+$0x6190] =	vst v50;
	v55 =	vpop (erf);
	v0 =	vld [tilespmem:s13+$0x31C0];
	v6 =	vmul.f32 v54, v52  }
0x23f: {  	v57 =	vld [tilespmem:s13+$0x31D0];
	[tilespmem:s12+$0x61F0] =	vst v1;
	v1 =	vpop (erf)  }
0x240: {  	v58 =	vld [tilespmem:s13+$0x31E0];
	v10 =	vnsel vm0, $0x0, v54;
	v9 =	vmul.f32 v55, v53;
	[tilespmem:s13+$0x4980] =	vst v6;
	v6 =	vmul.f32 v1, v7  }
0x241: {  	[tilespmem:s12+$0x61A0] =	vst v51;
	v10 =	vsel vm1, v10, v55;
	v59 =	vpop (erf);
	v7 =	vld [tilespmem:s13+$0x31F0]  }
0x242: {  	[tilespmem:s13+$0x4990] =	vst v9;
	v1 =	vsel vm2, v10, v1;
	v60 =	vpop (erf);
	v5 =	vmul.f32 v59, v5  }
0x243: {  	v1 =	vsel vm3, v1, v59;
	v61 =	vpop (erf);
	[tilespmem:s13+$0x49A0] =	vst v6;
	v0 =	vmul.f32 v60, v0  }
0x244: {  	v1 =	vsel vm4, v1, v60;
	[tilespmem:s13+$0x49B0] =	vst v5;
	v5 =	vmul.f32 v61, v57;
	v6 =	vpop (erf)  }
0x245: {  	v1 =	vsel vm5, v1, v61;
	[tilespmem:s13+$0x49C0] =	vst v0;
	v0 =	vmul.f32 v6, v58;
	v62 =	vpop (erf)  }
0x246: {  	v63 =	vand.u32 $0x7, v11;
	[tilespmem:s13+$0x49D0] =	vst v5;
	v1 =	vsel vm6, v1, v6;
	v5 =	vmul.f32 v62, v7  }
0x247: {  	vm8 =	veq.s32 v63, $0x0;
	[tilespmem:s13+$0x49E0] =	vst v0;
	v0 =	vsel vm7, v1, v62  }
0x248: {  	[tilespmem:s13+$0x49F0] =	vst v5;
	v1 =	vnsel vm8, $0x0, v0;
	vm8 =	veq.s32 v63, $0x1  }
0x249: {  	[tilespmem:s13+$0x6180] =	vst v1;
	v1 =	vnsel vm8, $0x0, v0;
	vm8 =	veq.s32 v63, $0x2  }
0x24a: {  	[tilespmem:s13+$0x6190] =	vst v1;
	v1 =	vnsel vm8, $0x0, v0;
	vm8 =	veq.s32 v63, $0x3  }
0x24b: {  	p0 =	slt.u32 s5, $0x28;
	[tilespmem:s13+$0x61A0] =	vst v1;
	v1 =	vnsel vm8, $0x0, v0;
	vm8 =	veq.s32 v63, $0x4  }
.Ltmp1:
0x24c: {  	[tilespmem:s13+$0x61B0] =	vst v1;
	v1 =	vnsel vm8, $0x0, v0;
	vm8 =	veq.s32 v63, $0x5;
	(pc) =	sbr.rel @p0 .LBB2_5-.Ltmp1, $4  }
0x24d: {  	[tilespmem:s13+$0x61C0] =	vst v1;
	v1 =	vnsel vm8, $0x0, v0;
	vm8 =	veq.s32 v63, $0x6  }
0x24e: {  	[tilespmem:s13+$0x61D0] =	vst v1;
	v1 =	vnsel vm8, $0x0, v0;
	vm8 =	veq.s32 v63, $0x7  }
0x24f: {  	[tilespmem:s13+$0x61E0] =	vst v1;
	v0 =	vnsel vm8, $0x0, v0  }
0x250: {  	s5 =	sadd.s32 $0x8, s5;
	[tilespmem:s13+$0x61F0] =	vst v0  }
0x251: {  	[spmem:s19] =	stream.indirect.scatter.add.f32 [tilespmem:s17], [sflag:$0x2], $0x80, s15, s29, $0xb8;
	[tilespmem:$0x1E180] =	vst v63  }
0x252: {  	s4 =	sadd.s32 $0x1, s4;
	_ =	swait.ge [sflag:s21], $0x1800  }
0x253: {  	p0 =	sne.s32 s4, $0xD1;
	[sflag:s21] =	ssyncset.done $0x0  }
.Ltmp2:
0x254: {  	[sflag:s21] =	ssyncadd.s32 $0xFFFFE800;
	(pc) =	sbr.rel @p0 .LBB2_4-.Ltmp2, $4  }
0x255: {  	[spmem:s22] =	stream.indirect.scatter.add.f32 [tilespmem:s23], [sflag:$0x2], $0x80, s1, s29, $0xb8;
	[tilespmem:$0x1E180] =	vst v63  }
0x256: {  	_ =	swait.ge [sflag:s21], $0x1800  }
0x257: {  	[sflag:s21] =	ssyncset.done $0x0  }
0x258: {  	[sflag:s21] =	ssyncadd.s32 $0xFFFFE800  }
0x259: {  	[bflag:$0x0] =	sbarrier.arrive $0xFFFF  }
0x25a: {  	s12 =	rddreg [dreg:$0x17]  }
0x25b: {  	[tilespmem:s17], [sflag:$0x2] =	stream.linear.gather [spmem:s12], $0x1400, $0x38;
	[tilespmem:$0x1E180] =	vst v63  }
0x25c: {  	_ =	swait.ge [sflag:s21], $0x1400  }
0x25d: {  	[sflag:s21] =	ssyncset.done $0x0  }
0x25e: {  	s2 =	rddreg [dreg:$0x5];
	[sflag:s21] =	ssyncadd.s32 $0xFFFFEC00  }
0x25f: {  	[hbm4b:s2+s16] =	stream.linear.scatter [tilespmem:s17], [sflag:$0x2], $0x1400, $0x38;
	[tilespmem:$0x1E180] =	vst v63  }
0x260: {  	_ =	swait.ge [sflag:s21], $0x1400  }
0x261: {  	[sflag:s21] =	ssyncset.done $0x0  }
0x262: {  	s4 =	rddreg [dreg:$0x18];
	[sflag:s21] =	ssyncadd.s32 $0xFFFFEC00  }
0x263: {  	[tilespmem:s17], [sflag:$0x2] =	stream.linear.gather [spmem:s4], $0x1400, $0x38;
	[tilespmem:$0x1E180] =	vst v63  }
0x264: {  	_ =	swait.ge [sflag:s21], $0x1400  }
0x265: {  	[sflag:s21] =	ssyncset.done $0x0  }
0x266: {  	s5 =	rddreg [dreg:$0x6];
	[sflag:s21] =	ssyncadd.s32 $0xFFFFEC00  }
0x267: {  	[hbm4b:s5+s16] =	stream.linear.scatter [tilespmem:s17], [sflag:$0x2], $0x1400, $0x38;
	[tilespmem:$0x1E180] =	vst v63  }
0x268: {  	_ =	swait.ge [sflag:s21], $0x1400  }
0x269: {  	[sflag:s21] =	ssyncset.done $0x0  }
0x26a: {  	s6 =	rddreg [dreg:$0x19];
	[sflag:s21] =	ssyncadd.s32 $0xFFFFEC00  }
0x26b: {  	[tilespmem:s17], [sflag:$0x2] =	stream.linear.gather [spmem:s6], $0x1400, $0x38;
	[tilespmem:$0x1E180] =	vst v63  }
0x26c: {  	_ =	swait.ge [sflag:s21], $0x1400  }
0x26d: {  	[sflag:s21] =	ssyncset.done $0x0  }
0x26e: {  	s7 =	rddreg [dreg:$0x7];
	[sflag:s21] =	ssyncadd.s32 $0xFFFFEC00  }
0x26f: {  	[hbm4b:s7+s16] =	stream.linear.scatter [tilespmem:s17], [sflag:$0x2], $0x1400, $0x38;
	[tilespmem:$0x1E180] =	vst v63  }
0x270: {  	_ =	swait.ge [sflag:s21], $0x1400  }
0x271: {  	[sflag:s21] =	ssyncset.done $0x0  }
0x272: {  	s13 =	rddreg [dreg:$0x1a];
	[sflag:s21] =	ssyncadd.s32 $0xFFFFEC00  }
0x273: {  	[tilespmem:s17], [sflag:$0x2] =	stream.linear.gather [spmem:s13], $0x1400, $0x38;
	[tilespmem:$0x1E180] =	vst v63  }
0x274: {  	_ =	swait.ge [sflag:s21], $0x1400  }
0x275: {  	[sflag:s21] =	ssyncset.done $0x0  }
0x276: {  	s8 =	rddreg [dreg:$0x8];
	[sflag:s21] =	ssyncadd.s32 $0xFFFFEC00  }
0x277: {  	[hbm4b:s8+s16] =	stream.linear.scatter [tilespmem:s17], [sflag:$0x2], $0x1400, $0x38;
	[tilespmem:$0x1E180] =	vst v63  }
0x278: {  	_ =	swait.ge [sflag:s21], $0x1400  }
0x279: {  	[sflag:s21] =	ssyncset.done $0x0  }
0x27a: {  	s9 =	rddreg [dreg:$0x1b];
	[sflag:s21] =	ssyncadd.s32 $0xFFFFEC00  }
0x27b: {  	[tilespmem:s17], [sflag:$0x2] =	stream.linear.gather [spmem:s9], $0x1400, $0x38;
	[tilespmem:$0x1E180] =	vst v63  }
0x27c: {  	_ =	swait.ge [sflag:s21], $0x1400  }
0x27d: {  	[sflag:s21] =	ssyncset.done $0x0  }
0x27e: {  	s10 =	rddreg [dreg:$0x9];
	[sflag:s21] =	ssyncadd.s32 $0xFFFFEC00  }
0x27f: {  	[hbm4b:s10+s16] =	stream.linear.scatter [tilespmem:s17], [sflag:$0x2], $0x1400, $0x38;
	[tilespmem:$0x1E180] =	vst v63  }
0x280: {  	_ =	swait.ge [sflag:s21], $0x1400  }
0x281: {  	[sflag:s21] =	ssyncset.done $0x0  }
0x282: {  	s11 =	rddreg [dreg:$0x1c];
	[sflag:s21] =	ssyncadd.s32 $0xFFFFEC00  }
0x283: {  	[tilespmem:s17], [sflag:$0x2] =	stream.linear.gather [spmem:s11], $0x1400, $0x38;
	[tilespmem:$0x1E180] =	vst v63  }
0x284: {  	_ =	swait.ge [sflag:s21], $0x1400  }
0x285: {  	[sflag:s21] =	ssyncset.done $0x0  }
0x286: {  	s3 =	rddreg [dreg:$0xa];
	[sflag:s21] =	ssyncadd.s32 $0xFFFFEC00  }
0x287: {  	[hbm4b:s3+s16] =	stream.linear.scatter [tilespmem:s17], [sflag:$0x2], $0x1400, $0x38;
	[tilespmem:$0x1E180] =	vst v63  }
0x288: {  	_ =	swait.ge [sflag:s21], $0x1400  }
0x289: {  	[sflag:s21] =	ssyncset.done $0x0  }
0x28a: {  	s9 =	rddreg [dreg:$0x1d];
	[sflag:s21] =	ssyncadd.s32 $0xFFFFEC00  }
0x28b: {  	[tilespmem:s17], [sflag:$0x2] =	stream.linear.gather [spmem:s9], $0x1400, $0x38;
	[tilespmem:$0x1E180] =	vst v63  }
0x28c: {  	_ =	swait.ge [sflag:s21], $0x1400  }
0x28d: {  	[sflag:s21] =	ssyncset.done $0x0  }
0x28e: {  	s4 =	rddreg [dreg:$0xb];
	[sflag:s21] =	ssyncadd.s32 $0xFFFFEC00  }
0x28f: {  	[hbm4b:s4+s16] =	stream.linear.scatter [tilespmem:s17], [sflag:$0x2], $0x1400, $0x38;
	[tilespmem:$0x1E180] =	vst v63  }
0x290: {  	_ =	swait.ge [sflag:s21], $0x1400  }
0x291: {  	[sflag:s21] =	ssyncset.done $0x0  }
0x292: {  	s10 =	rddreg [dreg:$0x1e];
	[sflag:s21] =	ssyncadd.s32 $0xFFFFEC00  }
0x293: {  	[tilespmem:s17], [sflag:$0x2] =	stream.linear.gather [spmem:s10], $0x1400, $0x38;
	[tilespmem:$0x1E180] =	vst v63  }
0x294: {  	_ =	swait.ge [sflag:s21], $0x1400  }
0x295: {  	[sflag:s21] =	ssyncset.done $0x0  }
0x296: {  	s5 =	rddreg [dreg:$0xc];
	[sflag:s21] =	ssyncadd.s32 $0xFFFFEC00  }
0x297: {  	[hbm4b:s5+s16] =	stream.linear.scatter [tilespmem:s17], [sflag:$0x2], $0x1400, $0x38;
	[tilespmem:$0x1E180] =	vst v63  }
0x298: {  	_ =	swait.ge [sflag:s21], $0x1400  }
0x299: {  	[sflag:s21] =	ssyncset.done $0x0  }
0x29a: {  	s11 =	rddreg [dreg:$0x1f];
	[sflag:s21] =	ssyncadd.s32 $0xFFFFEC00  }
0x29b: {  	[tilespmem:s17], [sflag:$0x2] =	stream.linear.gather [spmem:s11], $0x1400, $0x38;
	[tilespmem:$0x1E180] =	vst v63  }
0x29c: {  	_ =	swait.ge [sflag:s21], $0x1400  }
0x29d: {  	[sflag:s21] =	ssyncset.done $0x0  }
0x29e: {  	s6 =	rddreg [dreg:$0xd];
	[sflag:s21] =	ssyncadd.s32 $0xFFFFEC00  }
0x29f: {  	[hbm4b:s6+s16] =	stream.linear.scatter [tilespmem:s17], [sflag:$0x2], $0x1400, $0x38;
	[tilespmem:$0x1E180] =	vst v63  }
0x2a0: {  	_ =	swait.ge [sflag:s21], $0x1400  }
0x2a1: {  	s7 =	sld [smem:$0x7F4]  }
0x2a2: {  	[sflag:s21] =	ssyncset.done $0x0  }
0x2a3: {  	[sflag:s21] =	ssyncadd.s32 $0xFFFFEC00  }
0x2a4: {  	[tilespmem:s17], [sflag:$0x2] =	stream.linear.gather [spmem:s7], $0x1400, $0x38;
	[tilespmem:$0x1E180] =	vst v63  }
0x2a5: {  	_ =	swait.ge [sflag:s21], $0x1400  }
0x2a6: {  	[sflag:s21] =	ssyncset.done $0x0  }
0x2a7: {  	s8 =	rddreg [dreg:$0xe];
	[sflag:s21] =	ssyncadd.s32 $0xFFFFEC00  }
0x2a8: {  	[hbm4b:s8+s16] =	stream.linear.scatter [tilespmem:s17], [sflag:$0x2], $0x1400, $0x38;
	[tilespmem:$0x1E180] =	vst v63  }
0x2a9: {  	_ =	swait.ge [sflag:s21], $0x1400  }
0x2aa: {  	s8 =	sld [smem:$0x7F9]  }
0x2ab: {  	[sflag:s21] =	ssyncset.done $0x0  }
0x2ac: {  	[sflag:s21] =	ssyncadd.s32 $0xFFFFEC00  }
0x2ad: {  	[tilespmem:s17], [sflag:$0x2] =	stream.linear.gather [spmem:s8], $0x1400, $0x38;
	[tilespmem:$0x1E180] =	vst v63  }
0x2ae: {  	_ =	swait.ge [sflag:s21], $0x1400  }
0x2af: {  	[sflag:s21] =	ssyncset.done $0x0  }
0x2b0: {  	s3 =	rddreg [dreg:$0xf];
	[sflag:s21] =	ssyncadd.s32 $0xFFFFEC00  }
0x2b1: {  	[hbm4b:s3+s16] =	stream.linear.scatter [tilespmem:s17], [sflag:$0x2], $0x1400, $0x38;
	[tilespmem:$0x1E180] =	vst v63  }
0x2b2: {  	_ =	swait.ge [sflag:s21], $0x1400  }
0x2b3: {  	s4 =	sld [smem:$0x7F5]  }
0x2b4: {  	[sflag:s21] =	ssyncset.done $0x0  }
0x2b5: {  	[sflag:s21] =	ssyncadd.s32 $0xFFFFEC00  }
0x2b6: {  	[tilespmem:s17], [sflag:$0x2] =	stream.linear.gather [spmem:s4], $0x1400, $0x38;
	[tilespmem:$0x1E180] =	vst v63  }
0x2b7: {  	_ =	swait.ge [sflag:s21], $0x1400  }
0x2b8: {  	[sflag:s21] =	ssyncset.done $0x0  }
0x2b9: {  	s5 =	rddreg [dreg:$0x10];
	[sflag:s21] =	ssyncadd.s32 $0xFFFFEC00  }
0x2ba: {  	[hbm4b:s5+s16] =	stream.linear.scatter [tilespmem:s17], [sflag:$0x2], $0x1400, $0x38;
	[tilespmem:$0x1E180] =	vst v63  }
0x2bb: {  	_ =	swait.ge [sflag:s21], $0x1400  }
0x2bc: {  	s4 =	sld [smem:$0x7FA]  }
0x2bd: {  	[sflag:s21] =	ssyncset.done $0x0  }
0x2be: {  	[sflag:s21] =	ssyncadd.s32 $0xFFFFEC00  }
0x2bf: {  	[tilespmem:s17], [sflag:$0x2] =	stream.linear.gather [spmem:s4], $0x1400, $0x38;
	[tilespmem:$0x1E180] =	vst v63  }
0x2c0: {  	_ =	swait.ge [sflag:s21], $0x1400  }
0x2c1: {  	[sflag:s21] =	ssyncset.done $0x0  }
0x2c2: {  	s6 =	rddreg [dreg:$0x11];
	[sflag:s21] =	ssyncadd.s32 $0xFFFFEC00  }
0x2c3: {  	[hbm4b:s6+s16] =	stream.linear.scatter [tilespmem:s17], [sflag:$0x2], $0x1400, $0x38;
	[tilespmem:$0x1E180] =	vst v63  }
0x2c4: {  	_ =	swait.ge [sflag:s21], $0x1400  }
0x2c5: {  	s5 =	sld [smem:$0x7FB]  }
0x2c6: {  	[sflag:s21] =	ssyncset.done $0x0  }
0x2c7: {  	[sflag:s21] =	ssyncadd.s32 $0xFFFFEC00  }
0x2c8: {  	[tilespmem:s17], [sflag:$0x2] =	stream.linear.gather [spmem:s5], $0x1400, $0x38;
	[tilespmem:$0x1E180] =	vst v63  }
0x2c9: {  	_ =	swait.ge [sflag:s21], $0x1400  }
0x2ca: {  	[sflag:s21] =	ssyncset.done $0x0  }
0x2cb: {  	s7 =	rddreg [dreg:$0x12];
	[sflag:s21] =	ssyncadd.s32 $0xFFFFEC00  }
0x2cc: {  	[hbm4b:s7+s16] =	stream.linear.scatter [tilespmem:s17], [sflag:$0x2], $0x1400, $0x38;
	[tilespmem:$0x1E180] =	vst v63  }
0x2cd: {  	_ =	swait.ge [sflag:s21], $0x1400  }
0x2ce: {  	s3 =	sld [smem:$0x7F6]  }
0x2cf: {  	[sflag:s21] =	ssyncset.done $0x0  }
0x2d0: {  	[sflag:s21] =	ssyncadd.s32 $0xFFFFEC00  }
0x2d1: {  	[tilespmem:s17], [sflag:$0x2] =	stream.linear.gather [spmem:s3], $0x1400, $0x38;
	[tilespmem:$0x1E180] =	vst v63  }
0x2d2: {  	_ =	swait.ge [sflag:s21], $0x1400  }
0x2d3: {  	[sflag:s21] =	ssyncset.done $0x0  }
0x2d4: {  	s6 =	rddreg [dreg:$0x13];
	[sflag:s21] =	ssyncadd.s32 $0xFFFFEC00  }
0x2d5: {  	[hbm4b:s6+s16] =	stream.linear.scatter [tilespmem:s17], [sflag:$0x2], $0x1400, $0x38;
	[tilespmem:$0x1E180] =	vst v63  }
0x2d6: {  	_ =	swait.ge [sflag:s21], $0x1400  }
0x2d7: {  	s6 =	sld [smem:$0x7FC]  }
0x2d8: {  	[sflag:s21] =	ssyncset.done $0x0  }
0x2d9: {  	[sflag:s21] =	ssyncadd.s32 $0xFFFFEC00  }
0x2da: {  	[tilespmem:s17], [sflag:$0x2] =	stream.linear.gather [spmem:s6], $0x1400, $0x38;
	[tilespmem:$0x1E180] =	vst v63  }
0x2db: {  	_ =	swait.ge [sflag:s21], $0x1400  }
0x2dc: {  	[sflag:s21] =	ssyncset.done $0x0  }
0x2dd: {  	s7 =	rddreg [dreg:$0x14];
	[sflag:s21] =	ssyncadd.s32 $0xFFFFEC00  }
0x2de: {  	[hbm4b:s7+s16] =	stream.linear.scatter [tilespmem:s17], [sflag:$0x2], $0x1400, $0x38;
	[tilespmem:$0x1E180] =	vst v63  }
0x2df: {  	_ =	swait.ge [sflag:s21], $0x1400  }
0x2e0: {  	s7 =	sld [smem:$0x7FD]  }
0x2e1: {  	[sflag:s21] =	ssyncset.done $0x0  }
0x2e2: {  	[sflag:s21] =	ssyncadd.s32 $0xFFFFEC00  }
0x2e3: {  	[tilespmem:s23], [sflag:$0x2] =	stream.linear.gather [spmem:s7], $0x1400, $0x38;
	[tilespmem:$0x1E180] =	vst v63  }
0x2e4: {  	_ =	swait.ge [sflag:s21], $0x1400  }
0x2e5: {  	[sflag:s21] =	ssyncset.done $0x0  }
0x2e6: {  	s3 =	rddreg [dreg:$0x15];
	[sflag:s21] =	ssyncadd.s32 $0xFFFFEC00  }
0x2e7: {  	[hbm4b:s3+s16] =	stream.linear.scatter [tilespmem:s23], [sflag:$0x2], $0x1400, $0x38;
	[tilespmem:$0x1E180] =	vst v63  }
0x2e8: {  	_ =	swait.ge [sflag:s21], $0x1400  }
0x2e9: {  	s3 =	sld [smem:$0x7F7]  }
0x2ea: {  	[sflag:s21] =	ssyncset.done $0x0  }
0x2eb: {  	[sflag:s21] =	ssyncadd.s32 $0xFFFFEC00  }
0x2ec: {  	[tilespmem:s23], [sflag:$0x2] =	stream.linear.gather [spmem:s3], $0x1400, $0x38;
	[tilespmem:$0x1E180] =	vst v63  }
0x2ed: {  	_ =	swait.ge [sflag:s21], $0x1400  }
0x2ee: {  	[sflag:s21] =	ssyncset.done $0x0  }
0x2ef: {  	s3 =	rddreg [dreg:$0x16];
	[sflag:s21] =	ssyncadd.s32 $0xFFFFEC00  }
0x2f0: {  	[hbm4b:s3+s16] =	stream.linear.scatter [tilespmem:s23], [sflag:$0x2], $0x1400, $0x38;
	[tilespmem:$0x1E180] =	vst v63  }
0x2f1: {  	_ =	swait.ge [sflag:s21], $0x1400  }
0x2f2: {  	s3 =	sld [smem:$0x7F3]  }
0x2f3: {  	s2 =	sld [smem:$0x7F8];
	_ =	sdelay $0x1  }
0x2f4: {  	s3 =	sadd.s32 $0x1, s3  }
0x2f5: {  	p0 =	sne.s32 s3, s2  }
.Ltmp3:
0x2f6: {  	_ = 	snop;
	(pc) =	sbr.rel @p0 .LBB2_1-.Ltmp3, $3  }
0x2f7: {  	_ =	sdelay $0x1  }
0x2f8: {  	[sflag:s21] =	ssyncset.done $0x0  }
0x2f9: {  	v1 =	vimm.f32 $0.0e+00;
	[sflag:s21] =	ssyncadd.s32 $0xFFFFEC00  }
0x2fa: {  	_ =	sfence.sel $0x180000  }
0x2fb: {  	[bflag:$0x0] =	sbarrier.arrive $0xFFFF  }
0x2fc: {  	_ =	strace $0x90000047  }
0x2fd: {  	s0 =	stileid.u32;
	[bflag:$0x2] =	sbarrier.arrive $0xFFFF  }
0x2fe: {  	p0 =	sne.s32 s0, $0x0;
	s0 =	rddreg [dreg:$0x4]  }
0x2ff: {  	s0 =	sadd.s32 @!p0 $0x100000, s0  }
0x300: {  	[sflag:s0] =	ssyncadd.tile.s32 @!p0 $0x1;
	_ =	shalt  }
.Lfunc_end2:
_tile_overlayer_lowered:
.L_overlay_start_2:
0x301: {  	(tag) =	ssettag $0x2  }
0x302: {  	s0 =	rddreg [dreg:$0x0];
	s2 =	stileid.u32  }
0x303: {  	s1 =	rddreg [dreg:$0x1];
	p0 =	sne.s32 s2, $0x0  }
0x304: {  	s3 =	rddreg [dreg:$0x2];
	[bflag:$0x3] =	sbarrier.arrive $0xFFFF;
	s2 =	simm.s32 @!p0 $0x1C02  }
0x305: {  	[timem:s3], [sflag:s2] =	dma.local @!p0 [hbm:s0], s1  }
0x306: {  	s0 =	simm.s32 @!p0 $0x2  }
0x307: {  	_ =	swait.ge @!p0 [sflag:s0], s1  }
0x308: {  	s1 =	ssub.s32 @!p0 $0x0, s1;
	[sflag:s0] =	ssyncset.done @!p0 $0x0  }
0x309: {  	[sflag:s0] =	ssyncadd.s32 @!p0 s1  }
0x30a: {  	[bflag:$0x3] =	sbarrier.arrive $0xFFFF  }
0x30b: {  	_ =	shalt  }

</sc_bundles>
